<compile_context>
chip_gen: v7x
topology: tpu7x:2x2x1
jax: 0.10.2.dev20260603
libtpu: 0.0.44.dev20260713+nightly
codegen_flags: <defaults>
</compile_context>

<pallas_src>
import functools

import jax
import jax.numpy as jnp
import numpy as np
from jax import lax
from jax.experimental import pallas as pl
from jax.experimental.pallas import tpu as pltpu
from jax.experimental.pallas import tpu_sc as plsc

NUM_EMBEDDINGS = 1000000
EMBEDDING_DIM = 32
_SCALE = float(np.sqrt(1.0 / NUM_EMBEDDINGS))

_NC = 2
_NS = 16
_NW = _NC * _NS
_LANES = 16
_CROWS = 16


@functools.partial(jax.jit, static_argnums=(2,))
def _sc_embed(inputs, weight, nchunks):
    b, s = inputs.shape
    rows_per_w = b // _NW
    mesh = plsc.VectorSubcoreMesh(core_axis_name="c", subcore_axis_name="s")

    @functools.partial(
        pl.kernel,
        out_type=jax.ShapeDtypeStruct((b, s, EMBEDDING_DIM), jnp.float32),
        mesh=mesh,
        compiler_params=pltpu.CompilerParams(use_tc_tiling_on_sc=False),
        scratch_types=[
            pltpu.VMEM((_CROWS, s), jnp.int32),
            pltpu.VMEM((_CROWS, s), jnp.int32),
            pltpu.VMEM((_CROWS, s, EMBEDDING_DIM), jnp.float32),
            pltpu.VMEM((_CROWS, s, EMBEDDING_DIM), jnp.float32),
            pltpu.SemaphoreType.DMA,
            pltpu.SemaphoreType.DMA,
        ],
    )
    def body(in_hbm, tab_hbm, out_hbm, idx0, idx1, rows0, rows1, sem0, sem1):
        idxs = (idx0, idx1)
        rows = (rows0, rows1)
        sems = (sem0, sem1)
        wid = lax.axis_index("s") * _NC + lax.axis_index("c")
        base = wid * rows_per_w

        def gathers(buf):
            return [
                pltpu.make_async_copy(
                    tab_hbm.at[idxs[buf].at[r]],
                    rows[buf].at[r],
                    sems[buf],
                )
                for r in range(_CROWS)
            ]

        def load_and_fire(ci, buf):
            row0 = pl.multiple_of(base + ci * _CROWS, _CROWS)
            pltpu.sync_copy(in_hbm.at[pl.ds(row0, _CROWS)], idxs[buf])
            for cp in gathers(buf):
                cp.start()

        def scale(buf):
            def mul_body(r, c2):
                for q in range(s):
                    for h in range(EMBEDDING_DIM // _LANES):
                        sl = (r, q, pl.ds(h * _LANES, _LANES))
                        rows[buf][sl] = rows[buf][sl] * _SCALE
                return c2

            lax.fori_loop(0, _CROWS, mul_body, 0)

        def process(ci, buf):
            @pl.when(ci + 1 < nchunks)
            def _():
                load_and_fire(ci + 1, 1 - buf)

            for cp in gathers(buf):
                cp.wait()
            scale(buf)
            row0 = pl.multiple_of(base + ci * _CROWS, _CROWS)
            pltpu.sync_copy(rows[buf], out_hbm.at[pl.ds(row0, _CROWS)])

        load_and_fire(0, 0)

        def group(g, carry):
            process(g * 2, 0)
            process(g * 2 + 1, 1)
            return carry

        lax.fori_loop(0, nchunks // 2, group, 0)

    return body(inputs, weight)


def kernel(inputs, weight):
    b, s = inputs.shape
    nchunks = b // _NW // _CROWS
    return _sc_embed(inputs, weight, nchunks)

# --- scband reference (transcript-rebuilt; emitter-appended) ---
"""Pipeline reference for scband-embedding-25778393710647 (READ-ONLY COPY).

The authoritative reference and input builder live on the scoring server;
editing this copy changes nothing except your own understanding.
"""

import jax, jax.numpy as jnp
import numpy as np

NUM_EMBEDDINGS = 1000000
EMBEDDING_DIM = 32
VARIANCE_SCALE = 1.0
# weight_scale=True -> std=1.0, scale=sqrt(variance_scale/num_embeddings)
STD = 1.0
SCALE = float(np.sqrt(VARIANCE_SCALE / NUM_EMBEDDINGS))

def setup_inputs(seed: int = 0) -> dict:
    key = jax.random.key(seed)
    k_idx, k_w = jax.random.split(key)
    inputs = jax.random.randint(k_idx, (16384, 50), 0, NUM_EMBEDDINGS, dtype=jnp.int64 if jax.config.jax_enable_x64 else jnp.int32)
    weight = jax.random.normal(k_w, (NUM_EMBEDDINGS, EMBEDDING_DIM), dtype=jnp.float32) * STD
    return {"inputs": inputs, "weight": weight}

def reference(inputs, weight):
    # Faithful to torch: F.embedding(input=inputs, weight=self.weight * self.scale)
    scaled = weight * SCALE
    return jnp.take(scaled, inputs, axis=0)

if __name__ == "__main__":
    import jax
    _d = setup_inputs()
    print(jax.jit(kernel)(*tuple(_d.values())))

</pallas_src>

<mosaic_0001>
#map = affine_map<(d0, d1) -> (0, 0)>
#map1 = affine_map<(d0, d1) -> (0, 0, 0)>
module attributes {stable_mosaic.version = 14 : i64} {
  func.func @body(%arg0: i32, %arg1: i32, %arg2: memref<16384x50xi32, #tpu.memory_space<hbm>>, %arg3: memref<1000000x32xf32, #tpu.memory_space<hbm>>, %arg4: memref<16384x50x32xf32, #tpu.memory_space<hbm>>, %arg5: memref<16x50xi32, #tpu.memory_space<vmem>>, %arg6: memref<16x50xi32, #tpu.memory_space<vmem>>, %arg7: memref<16x50x32xf32, #tpu.memory_space<vmem>>, %arg8: memref<16x50x32xf32, #tpu.memory_space<vmem>>, %arg9: memref<!tpu.dma_semaphore, #tpu.memory_space<semaphore_mem>>, %arg10: memref<!tpu.dma_semaphore, #tpu.memory_space<semaphore_mem>>) attributes {dimension_semantics = [#tpu.dimension_semantics<core_parallel>, #tpu.dimension_semantics<subcore_parallel>], iteration_bounds = array<i64: 2, 16>, scalar_prefetch = 0 : i64, scratch_operands = 6 : i64, tpu.core_type = #tpu.core_type<sc_vector_subcore>, window_params = [{transform_indices = #map}, {transform_indices = #map}, {transform_indices = #map1}]} {
    %mul3A = arith.constant 2 : i32
    %mul3A_0 = arith.muli %arg1, %mul3A : i32
    %add3A = arith.addi %mul3A_0, %arg0 : i32
    %mul3A_1 = arith.constant 512 : i32
    %mul3A_2 = arith.muli %add3A, %mul3A_1 : i32
    %add3A_3 = arith.constant 0 : i32
    %add3A_4 = arith.addi %mul3A_2, %add3A_3 : i32
    %multiple_of3A = tpu.assume_multiple %add3A_4, 16 : i32
    "tpu.region"() ({
      %run_scoped3A = tpu.sem_alloc : memref<!tpu.dma_semaphore, #tpu.memory_space<semaphore_mem>>
      %dma_start3A_201 = arith.constant 0 : i32
      %dma_start3A_202 = tpu.memref_slice %arg2[%multiple_of3A, %dma_start3A_201] : memref<16384x50xi32, #tpu.memory_space<hbm>> -> memref<16x50xi32, #tpu.memory_space<hbm>>
      %dma_start3A_203 = arith.constant 0 : i32
      %dma_start3A_204 = tpu.memref_slice %arg2[%multiple_of3A, %dma_start3A_203] : memref<16384x50xi32, #tpu.memory_space<hbm>> -> memref<16x50xi32, #tpu.memory_space<hbm>>
      tpu.enqueue_dma source(%dma_start3A_204 : memref<16x50xi32, #tpu.memory_space<hbm>>) target(%arg5 : memref<16x50xi32, #tpu.memory_space<vmem>>) target_semaphore(%run_scoped3A : memref<!tpu.dma_semaphore, #tpu.memory_space<semaphore_mem>>)
      %dma_wait3A = arith.constant 0 : i32
      %dma_wait3A_205 = tpu.memref_slice %arg2[%multiple_of3A, %dma_wait3A] : memref<16384x50xi32, #tpu.memory_space<hbm>> -> memref<16x50xi32, #tpu.memory_space<hbm>>
      %dma_wait3A_206 = arith.constant 0 : i32
      %dma_wait3A_207 = tpu.memref_slice %arg2[%multiple_of3A, %dma_wait3A_206] : memref<16384x50xi32, #tpu.memory_space<hbm>> -> memref<16x50xi32, #tpu.memory_space<hbm>>
      tpu.wait_dma2 semaphore(%run_scoped3A : memref<!tpu.dma_semaphore, #tpu.memory_space<semaphore_mem>>) src(%dma_wait3A_207 : memref<16x50xi32, #tpu.memory_space<hbm>>) dst(%arg5 : memref<16x50xi32, #tpu.memory_space<vmem>>)
      tpu.yield
    }) : () -> ()
    %dma_start3A = arith.constant 0 : i32
    %dma_start3A_5 = arith.constant 0 : i32
    %dma_start3A_6 = arith.constant 0 : i32
    %dma_start3A_7 = arith.constant 0 : i32
    %dma_start3A_8 = tpu.memref_slice %arg7[%dma_start3A_5, %dma_start3A_6, %dma_start3A_7] : memref<16x50x32xf32, #tpu.memory_space<vmem>> -> memref<1x50x32xf32, #tpu.memory_space<vmem>>
    %dma_start3A_9 = tpu.memref_squeeze %dma_start3A_8 : memref<1x50x32xf32, #tpu.memory_space<vmem>> -> memref<50x32xf32, #tpu.memory_space<vmem>>
    %dma_start3A_10 = arith.constant 0 : i32
    %dma_start3A_11 = tpu.memref_slice %arg5[%dma_start3A, %dma_start3A_10] : memref<16x50xi32, #tpu.memory_space<vmem>> -> memref<1x50xi32, #tpu.memory_space<vmem>>
    %dma_start3A_12 = tpu.memref_squeeze %dma_start3A_11 : memref<1x50xi32, #tpu.memory_space<vmem>> -> memref<50xi32, #tpu.memory_space<vmem>>
    %dma_start3A_13 = arith.constant 0 : i32
    %dma_start3A_14 = arith.constant 0 : i32
    %dma_start3A_15 = tpu.memref_slice %arg3[%dma_start3A_13, %dma_start3A_14] : memref<1000000x32xf32, #tpu.memory_space<hbm>> -> memref<1000000x32xf32, #tpu.memory_space<hbm>>
    tpu.enqueue_indirect_dma source(%dma_start3A_15 : memref<1000000x32xf32, #tpu.memory_space<hbm>>) target(%dma_start3A_9 : memref<50x32xf32, #tpu.memory_space<vmem>>) offsets(%dma_start3A_12 : memref<50xi32, #tpu.memory_space<vmem>>) semaphore(%arg9 : memref<!tpu.dma_semaphore, #tpu.memory_space<semaphore_mem>>)
    %dma_start3A_16 = arith.constant 1 : i32
    %dma_start3A_17 = arith.constant 1 : i32
    %dma_start3A_18 = arith.constant 0 : i32
    %dma_start3A_19 = arith.constant 0 : i32
    %dma_start3A_20 = tpu.memref_slice %arg7[%dma_start3A_17, %dma_start3A_18, %dma_start3A_19] : memref<16x50x32xf32, #tpu.memory_space<vmem>> -> memref<1x50x32xf32, #tpu.memory_space<vmem>>
    %dma_start3A_21 = tpu.memref_squeeze %dma_start3A_20 : memref<1x50x32xf32, #tpu.memory_space<vmem>> -> memref<50x32xf32, #tpu.memory_space<vmem>>
    %dma_start3A_22 = arith.constant 0 : i32
    %dma_start3A_23 = tpu.memref_slice %arg5[%dma_start3A_16, %dma_start3A_22] : memref<16x50xi32, #tpu.memory_space<vmem>> -> memref<1x50xi32, #tpu.memory_space<vmem>>
    %dma_start3A_24 = tpu.memref_squeeze %dma_start3A_23 : memref<1x50xi32, #tpu.memory_space<vmem>> -> memref<50xi32, #tpu.memory_space<vmem>>
    %dma_start3A_25 = arith.constant 0 : i32
    %dma_start3A_26 = arith.constant 0 : i32
    %dma_start3A_27 = tpu.memref_slice %arg3[%dma_start3A_25, %dma_start3A_26] : memref<1000000x32xf32, #tpu.memory_space<hbm>> -> memref<1000000x32xf32, #tpu.memory_space<hbm>>
    tpu.enqueue_indirect_dma source(%dma_start3A_27 : memref<1000000x32xf32, #tpu.memory_space<hbm>>) target(%dma_start3A_21 : memref<50x32xf32, #tpu.memory_space<vmem>>) offsets(%dma_start3A_24 : memref<50xi32, #tpu.memory_space<vmem>>) semaphore(%arg9 : memref<!tpu.dma_semaphore, #tpu.memory_space<semaphore_mem>>)
    %dma_start3A_28 = arith.constant 2 : i32
    %dma_start3A_29 = arith.constant 2 : i32
    %dma_start3A_30 = arith.constant 0 : i32
    %dma_start3A_31 = arith.constant 0 : i32
    %dma_start3A_32 = tpu.memref_slice %arg7[%dma_start3A_29, %dma_start3A_30, %dma_start3A_31] : memref<16x50x32xf32, #tpu.memory_space<vmem>> -> memref<1x50x32xf32, #tpu.memory_space<vmem>>
    %dma_start3A_33 = tpu.memref_squeeze %dma_start3A_32 : memref<1x50x32xf32, #tpu.memory_space<vmem>> -> memref<50x32xf32, #tpu.memory_space<vmem>>
    %dma_start3A_34 = arith.constant 0 : i32
    %dma_start3A_35 = tpu.memref_slice %arg5[%dma_start3A_28, %dma_start3A_34] : memref<16x50xi32, #tpu.memory_space<vmem>> -> memref<1x50xi32, #tpu.memory_space<vmem>>
    %dma_start3A_36 = tpu.memref_squeeze %dma_start3A_35 : memref<1x50xi32, #tpu.memory_space<vmem>> -> memref<50xi32, #tpu.memory_space<vmem>>
    %dma_start3A_37 = arith.constant 0 : i32
    %dma_start3A_38 = arith.constant 0 : i32
    %dma_start3A_39 = tpu.memref_slice %arg3[%dma_start3A_37, %dma_start3A_38] : memref<1000000x32xf32, #tpu.memory_space<hbm>> -> memref<1000000x32xf32, #tpu.memory_space<hbm>>
    tpu.enqueue_indirect_dma source(%dma_start3A_39 : memref<1000000x32xf32, #tpu.memory_space<hbm>>) target(%dma_start3A_33 : memref<50x32xf32, #tpu.memory_space<vmem>>) offsets(%dma_start3A_36 : memref<50xi32, #tpu.memory_space<vmem>>) semaphore(%arg9 : memref<!tpu.dma_semaphore, #tpu.memory_space<semaphore_mem>>)
    %dma_start3A_40 = arith.constant 3 : i32
    %dma_start3A_41 = arith.constant 3 : i32
    %dma_start3A_42 = arith.constant 0 : i32
    %dma_start3A_43 = arith.constant 0 : i32
    %dma_start3A_44 = tpu.memref_slice %arg7[%dma_start3A_41, %dma_start3A_42, %dma_start3A_43] : memref<16x50x32xf32, #tpu.memory_space<vmem>> -> memref<1x50x32xf32, #tpu.memory_space<vmem>>
    %dma_start3A_45 = tpu.memref_squeeze %dma_start3A_44 : memref<1x50x32xf32, #tpu.memory_space<vmem>> -> memref<50x32xf32, #tpu.memory_space<vmem>>
    %dma_start3A_46 = arith.constant 0 : i32
    %dma_start3A_47 = tpu.memref_slice %arg5[%dma_start3A_40, %dma_start3A_46] : memref<16x50xi32, #tpu.memory_space<vmem>> -> memref<1x50xi32, #tpu.memory_space<vmem>>
    %dma_start3A_48 = tpu.memref_squeeze %dma_start3A_47 : memref<1x50xi32, #tpu.memory_space<vmem>> -> memref<50xi32, #tpu.memory_space<vmem>>
    %dma_start3A_49 = arith.constant 0 : i32
    %dma_start3A_50 = arith.constant 0 : i32
    %dma_start3A_51 = tpu.memref_slice %arg3[%dma_start3A_49, %dma_start3A_50] : memref<1000000x32xf32, #tpu.memory_space<hbm>> -> memref<1000000x32xf32, #tpu.memory_space<hbm>>
    tpu.enqueue_indirect_dma source(%dma_start3A_51 : memref<1000000x32xf32, #tpu.memory_space<hbm>>) target(%dma_start3A_45 : memref<50x32xf32, #tpu.memory_space<vmem>>) offsets(%dma_start3A_48 : memref<50xi32, #tpu.memory_space<vmem>>) semaphore(%arg9 : memref<!tpu.dma_semaphore, #tpu.memory_space<semaphore_mem>>)
    %dma_start3A_52 = arith.constant 4 : i32
    %dma_start3A_53 = arith.constant 4 : i32
    %dma_start3A_54 = arith.constant 0 : i32
    %dma_start3A_55 = arith.constant 0 : i32
    %dma_start3A_56 = tpu.memref_slice %arg7[%dma_start3A_53, %dma_start3A_54, %dma_start3A_55] : memref<16x50x32xf32, #tpu.memory_space<vmem>> -> memref<1x50x32xf32, #tpu.memory_space<vmem>>
    %dma_start3A_57 = tpu.memref_squeeze %dma_start3A_56 : memref<1x50x32xf32, #tpu.memory_space<vmem>> -> memref<50x32xf32, #tpu.memory_space<vmem>>
    %dma_start3A_58 = arith.constant 0 : i32
    %dma_start3A_59 = tpu.memref_slice %arg5[%dma_start3A_52, %dma_start3A_58] : memref<16x50xi32, #tpu.memory_space<vmem>> -> memref<1x50xi32, #tpu.memory_space<vmem>>
    %dma_start3A_60 = tpu.memref_squeeze %dma_start3A_59 : memref<1x50xi32, #tpu.memory_space<vmem>> -> memref<50xi32, #tpu.memory_space<vmem>>
    %dma_start3A_61 = arith.constant 0 : i32
    %dma_start3A_62 = arith.constant 0 : i32
    %dma_start3A_63 = tpu.memref_slice %arg3[%dma_start3A_61, %dma_start3A_62] : memref<1000000x32xf32, #tpu.memory_space<hbm>> -> memref<1000000x32xf32, #tpu.memory_space<hbm>>
    tpu.enqueue_indirect_dma source(%dma_start3A_63 : memref<1000000x32xf32, #tpu.memory_space<hbm>>) target(%dma_start3A_57 : memref<50x32xf32, #tpu.memory_space<vmem>>) offsets(%dma_start3A_60 : memref<50xi32, #tpu.memory_space<vmem>>) semaphore(%arg9 : memref<!tpu.dma_semaphore, #tpu.memory_space<semaphore_mem>>)
    %dma_start3A_64 = arith.constant 5 : i32
    %dma_start3A_65 = arith.constant 5 : i32
    %dma_start3A_66 = arith.constant 0 : i32
    %dma_start3A_67 = arith.constant 0 : i32
    %dma_start3A_68 = tpu.memref_slice %arg7[%dma_start3A_65, %dma_start3A_66, %dma_start3A_67] : memref<16x50x32xf32, #tpu.memory_space<vmem>> -> memref<1x50x32xf32, #tpu.memory_space<vmem>>
    %dma_start3A_69 = tpu.memref_squeeze %dma_start3A_68 : memref<1x50x32xf32, #tpu.memory_space<vmem>> -> memref<50x32xf32, #tpu.memory_space<vmem>>
    %dma_start3A_70 = arith.constant 0 : i32
    %dma_start3A_71 = tpu.memref_slice %arg5[%dma_start3A_64, %dma_start3A_70] : memref<16x50xi32, #tpu.memory_space<vmem>> -> memref<1x50xi32, #tpu.memory_space<vmem>>
    %dma_start3A_72 = tpu.memref_squeeze %dma_start3A_71 : memref<1x50xi32, #tpu.memory_space<vmem>> -> memref<50xi32, #tpu.memory_space<vmem>>
    %dma_start3A_73 = arith.constant 0 : i32
    %dma_start3A_74 = arith.constant 0 : i32
    %dma_start3A_75 = tpu.memref_slice %arg3[%dma_start3A_73, %dma_start3A_74] : memref<1000000x32xf32, #tpu.memory_space<hbm>> -> memref<1000000x32xf32, #tpu.memory_space<hbm>>
    tpu.enqueue_indirect_dma source(%dma_start3A_75 : memref<1000000x32xf32, #tpu.memory_space<hbm>>) target(%dma_start3A_69 : memref<50x32xf32, #tpu.memory_space<vmem>>) offsets(%dma_start3A_72 : memref<50xi32, #tpu.memory_space<vmem>>) semaphore(%arg9 : memref<!tpu.dma_semaphore, #tpu.memory_space<semaphore_mem>>)
    %dma_start3A_76 = arith.constant 6 : i32
    %dma_start3A_77 = arith.constant 6 : i32
    %dma_start3A_78 = arith.constant 0 : i32
    %dma_start3A_79 = arith.constant 0 : i32
    %dma_start3A_80 = tpu.memref_slice %arg7[%dma_start3A_77, %dma_start3A_78, %dma_start3A_79] : memref<16x50x32xf32, #tpu.memory_space<vmem>> -> memref<1x50x32xf32, #tpu.memory_space<vmem>>
    %dma_start3A_81 = tpu.memref_squeeze %dma_start3A_80 : memref<1x50x32xf32, #tpu.memory_space<vmem>> -> memref<50x32xf32, #tpu.memory_space<vmem>>
    %dma_start3A_82 = arith.constant 0 : i32
    %dma_start3A_83 = tpu.memref_slice %arg5[%dma_start3A_76, %dma_start3A_82] : memref<16x50xi32, #tpu.memory_space<vmem>> -> memref<1x50xi32, #tpu.memory_space<vmem>>
    %dma_start3A_84 = tpu.memref_squeeze %dma_start3A_83 : memref<1x50xi32, #tpu.memory_space<vmem>> -> memref<50xi32, #tpu.memory_space<vmem>>
    %dma_start3A_85 = arith.constant 0 : i32
    %dma_start3A_86 = arith.constant 0 : i32
    %dma_start3A_87 = tpu.memref_slice %arg3[%dma_start3A_85, %dma_start3A_86] : memref<1000000x32xf32, #tpu.memory_space<hbm>> -> memref<1000000x32xf32, #tpu.memory_space<hbm>>
    tpu.enqueue_indirect_dma source(%dma_start3A_87 : memref<1000000x32xf32, #tpu.memory_space<hbm>>) target(%dma_start3A_81 : memref<50x32xf32, #tpu.memory_space<vmem>>) offsets(%dma_start3A_84 : memref<50xi32, #tpu.memory_space<vmem>>) semaphore(%arg9 : memref<!tpu.dma_semaphore, #tpu.memory_space<semaphore_mem>>)
    %dma_start3A_88 = arith.constant 7 : i32
    %dma_start3A_89 = arith.constant 7 : i32
    %dma_start3A_90 = arith.constant 0 : i32
    %dma_start3A_91 = arith.constant 0 : i32
    %dma_start3A_92 = tpu.memref_slice %arg7[%dma_start3A_89, %dma_start3A_90, %dma_start3A_91] : memref<16x50x32xf32, #tpu.memory_space<vmem>> -> memref<1x50x32xf32, #tpu.memory_space<vmem>>
    %dma_start3A_93 = tpu.memref_squeeze %dma_start3A_92 : memref<1x50x32xf32, #tpu.memory_space<vmem>> -> memref<50x32xf32, #tpu.memory_space<vmem>>
    %dma_start3A_94 = arith.constant 0 : i32
    %dma_start3A_95 = tpu.memref_slice %arg5[%dma_start3A_88, %dma_start3A_94] : memref<16x50xi32, #tpu.memory_space<vmem>> -> memref<1x50xi32, #tpu.memory_space<vmem>>
    %dma_start3A_96 = tpu.memref_squeeze %dma_start3A_95 : memref<1x50xi32, #tpu.memory_space<vmem>> -> memref<50xi32, #tpu.memory_space<vmem>>
    %dma_start3A_97 = arith.constant 0 : i32
    %dma_start3A_98 = arith.constant 0 : i32
    %dma_start3A_99 = tpu.memref_slice %arg3[%dma_start3A_97, %dma_start3A_98] : memref<1000000x32xf32, #tpu.memory_space<hbm>> -> memref<1000000x32xf32, #tpu.memory_space<hbm>>
    tpu.enqueue_indirect_dma source(%dma_start3A_99 : memref<1000000x32xf32, #tpu.memory_space<hbm>>) target(%dma_start3A_93 : memref<50x32xf32, #tpu.memory_space<vmem>>) offsets(%dma_start3A_96 : memref<50xi32, #tpu.memory_space<vmem>>) semaphore(%arg9 : memref<!tpu.dma_semaphore, #tpu.memory_space<semaphore_mem>>)
    %dma_start3A_100 = arith.constant 8 : i32
    %dma_start3A_101 = arith.constant 8 : i32
    %dma_start3A_102 = arith.constant 0 : i32
    %dma_start3A_103 = arith.constant 0 : i32
    %dma_start3A_104 = tpu.memref_slice %arg7[%dma_start3A_101, %dma_start3A_102, %dma_start3A_103] : memref<16x50x32xf32, #tpu.memory_space<vmem>> -> memref<1x50x32xf32, #tpu.memory_space<vmem>>
    %dma_start3A_105 = tpu.memref_squeeze %dma_start3A_104 : memref<1x50x32xf32, #tpu.memory_space<vmem>> -> memref<50x32xf32, #tpu.memory_space<vmem>>
    %dma_start3A_106 = arith.constant 0 : i32
    %dma_start3A_107 = tpu.memref_slice %arg5[%dma_start3A_100, %dma_start3A_106] : memref<16x50xi32, #tpu.memory_space<vmem>> -> memref<1x50xi32, #tpu.memory_space<vmem>>
    %dma_start3A_108 = tpu.memref_squeeze %dma_start3A_107 : memref<1x50xi32, #tpu.memory_space<vmem>> -> memref<50xi32, #tpu.memory_space<vmem>>
    %dma_start3A_109 = arith.constant 0 : i32
    %dma_start3A_110 = arith.constant 0 : i32
    %dma_start3A_111 = tpu.memref_slice %arg3[%dma_start3A_109, %dma_start3A_110] : memref<1000000x32xf32, #tpu.memory_space<hbm>> -> memref<1000000x32xf32, #tpu.memory_space<hbm>>
    tpu.enqueue_indirect_dma source(%dma_start3A_111 : memref<1000000x32xf32, #tpu.memory_space<hbm>>) target(%dma_start3A_105 : memref<50x32xf32, #tpu.memory_space<vmem>>) offsets(%dma_start3A_108 : memref<50xi32, #tpu.memory_space<vmem>>) semaphore(%arg9 : memref<!tpu.dma_semaphore, #tpu.memory_space<semaphore_mem>>)
    %dma_start3A_112 = arith.constant 9 : i32
    %dma_start3A_113 = arith.constant 9 : i32
    %dma_start3A_114 = arith.constant 0 : i32
    %dma_start3A_115 = arith.constant 0 : i32
    %dma_start3A_116 = tpu.memref_slice %arg7[%dma_start3A_113, %dma_start3A_114, %dma_start3A_115] : memref<16x50x32xf32, #tpu.memory_space<vmem>> -> memref<1x50x32xf32, #tpu.memory_space<vmem>>
    %dma_start3A_117 = tpu.memref_squeeze %dma_start3A_116 : memref<1x50x32xf32, #tpu.memory_space<vmem>> -> memref<50x32xf32, #tpu.memory_space<vmem>>
    %dma_start3A_118 = arith.constant 0 : i32
    %dma_start3A_119 = tpu.memref_slice %arg5[%dma_start3A_112, %dma_start3A_118] : memref<16x50xi32, #tpu.memory_space<vmem>> -> memref<1x50xi32, #tpu.memory_space<vmem>>
    %dma_start3A_120 = tpu.memref_squeeze %dma_start3A_119 : memref<1x50xi32, #tpu.memory_space<vmem>> -> memref<50xi32, #tpu.memory_space<vmem>>
    %dma_start3A_121 = arith.constant 0 : i32
    %dma_start3A_122 = arith.constant 0 : i32
    %dma_start3A_123 = tpu.memref_slice %arg3[%dma_start3A_121, %dma_start3A_122] : memref<1000000x32xf32, #tpu.memory_space<hbm>> -> memref<1000000x32xf32, #tpu.memory_space<hbm>>
    tpu.enqueue_indirect_dma source(%dma_start3A_123 : memref<1000000x32xf32, #tpu.memory_space<hbm>>) target(%dma_start3A_117 : memref<50x32xf32, #tpu.memory_space<vmem>>) offsets(%dma_start3A_120 : memref<50xi32, #tpu.memory_space<vmem>>) semaphore(%arg9 : memref<!tpu.dma_semaphore, #tpu.memory_space<semaphore_mem>>)
    %dma_start3A_124 = arith.constant 10 : i32
    %dma_start3A_125 = arith.constant 10 : i32
    %dma_start3A_126 = arith.constant 0 : i32
    %dma_start3A_127 = arith.constant 0 : i32
    %dma_start3A_128 = tpu.memref_slice %arg7[%dma_start3A_125, %dma_start3A_126, %dma_start3A_127] : memref<16x50x32xf32, #tpu.memory_space<vmem>> -> memref<1x50x32xf32, #tpu.memory_space<vmem>>
    %dma_start3A_129 = tpu.memref_squeeze %dma_start3A_128 : memref<1x50x32xf32, #tpu.memory_space<vmem>> -> memref<50x32xf32, #tpu.memory_space<vmem>>
    %dma_start3A_130 = arith.constant 0 : i32
    %dma_start3A_131 = tpu.memref_slice %arg5[%dma_start3A_124, %dma_start3A_130] : memref<16x50xi32, #tpu.memory_space<vmem>> -> memref<1x50xi32, #tpu.memory_space<vmem>>
    %dma_start3A_132 = tpu.memref_squeeze %dma_start3A_131 : memref<1x50xi32, #tpu.memory_space<vmem>> -> memref<50xi32, #tpu.memory_space<vmem>>
    %dma_start3A_133 = arith.constant 0 : i32
    %dma_start3A_134 = arith.constant 0 : i32
    %dma_start3A_135 = tpu.memref_slice %arg3[%dma_start3A_133, %dma_start3A_134] : memref<1000000x32xf32, #tpu.memory_space<hbm>> -> memref<1000000x32xf32, #tpu.memory_space<hbm>>
    tpu.enqueue_indirect_dma source(%dma_start3A_135 : memref<1000000x32xf32, #tpu.memory_space<hbm>>) target(%dma_start3A_129 : memref<50x32xf32, #tpu.memory_space<vmem>>) offsets(%dma_start3A_132 : memref<50xi32, #tpu.memory_space<vmem>>) semaphore(%arg9 : memref<!tpu.dma_semaphore, #tpu.memory_space<semaphore_mem>>)
    %dma_start3A_136 = arith.constant 11 : i32
    %dma_start3A_137 = arith.constant 11 : i32
    %dma_start3A_138 = arith.constant 0 : i32
    %dma_start3A_139 = arith.constant 0 : i32
    %dma_start3A_140 = tpu.memref_slice %arg7[%dma_start3A_137, %dma_start3A_138, %dma_start3A_139] : memref<16x50x32xf32, #tpu.memory_space<vmem>> -> memref<1x50x32xf32, #tpu.memory_space<vmem>>
    %dma_start3A_141 = tpu.memref_squeeze %dma_start3A_140 : memref<1x50x32xf32, #tpu.memory_space<vmem>> -> memref<50x32xf32, #tpu.memory_space<vmem>>
    %dma_start3A_142 = arith.constant 0 : i32
    %dma_start3A_143 = tpu.memref_slice %arg5[%dma_start3A_136, %dma_start3A_142] : memref<16x50xi32, #tpu.memory_space<vmem>> -> memref<1x50xi32, #tpu.memory_space<vmem>>
    %dma_start3A_144 = tpu.memref_squeeze %dma_start3A_143 : memref<1x50xi32, #tpu.memory_space<vmem>> -> memref<50xi32, #tpu.memory_space<vmem>>
    %dma_start3A_145 = arith.constant 0 : i32
    %dma_start3A_146 = arith.constant 0 : i32
    %dma_start3A_147 = tpu.memref_slice %arg3[%dma_start3A_145, %dma_start3A_146] : memref<1000000x32xf32, #tpu.memory_space<hbm>> -> memref<1000000x32xf32, #tpu.memory_space<hbm>>
    tpu.enqueue_indirect_dma source(%dma_start3A_147 : memref<1000000x32xf32, #tpu.memory_space<hbm>>) target(%dma_start3A_141 : memref<50x32xf32, #tpu.memory_space<vmem>>) offsets(%dma_start3A_144 : memref<50xi32, #tpu.memory_space<vmem>>) semaphore(%arg9 : memref<!tpu.dma_semaphore, #tpu.memory_space<semaphore_mem>>)
    %dma_start3A_148 = arith.constant 12 : i32
    %dma_start3A_149 = arith.constant 12 : i32
    %dma_start3A_150 = arith.constant 0 : i32
    %dma_start3A_151 = arith.constant 0 : i32
    %dma_start3A_152 = tpu.memref_slice %arg7[%dma_start3A_149, %dma_start3A_150, %dma_start3A_151] : memref<16x50x32xf32, #tpu.memory_space<vmem>> -> memref<1x50x32xf32, #tpu.memory_space<vmem>>
    %dma_start3A_153 = tpu.memref_squeeze %dma_start3A_152 : memref<1x50x32xf32, #tpu.memory_space<vmem>> -> memref<50x32xf32, #tpu.memory_space<vmem>>
    %dma_start3A_154 = arith.constant 0 : i32
    %dma_start3A_155 = tpu.memref_slice %arg5[%dma_start3A_148, %dma_start3A_154] : memref<16x50xi32, #tpu.memory_space<vmem>> -> memref<1x50xi32, #tpu.memory_space<vmem>>
    %dma_start3A_156 = tpu.memref_squeeze %dma_start3A_155 : memref<1x50xi32, #tpu.memory_space<vmem>> -> memref<50xi32, #tpu.memory_space<vmem>>
    %dma_start3A_157 = arith.constant 0 : i32
    %dma_start3A_158 = arith.constant 0 : i32
    %dma_start3A_159 = tpu.memref_slice %arg3[%dma_start3A_157, %dma_start3A_158] : memref<1000000x32xf32, #tpu.memory_space<hbm>> -> memref<1000000x32xf32, #tpu.memory_space<hbm>>
    tpu.enqueue_indirect_dma source(%dma_start3A_159 : memref<1000000x32xf32, #tpu.memory_space<hbm>>) target(%dma_start3A_153 : memref<50x32xf32, #tpu.memory_space<vmem>>) offsets(%dma_start3A_156 : memref<50xi32, #tpu.memory_space<vmem>>) semaphore(%arg9 : memref<!tpu.dma_semaphore, #tpu.memory_space<semaphore_mem>>)
    %dma_start3A_160 = arith.constant 13 : i32
    %dma_start3A_161 = arith.constant 13 : i32
    %dma_start3A_162 = arith.constant 0 : i32
    %dma_start3A_163 = arith.constant 0 : i32
    %dma_start3A_164 = tpu.memref_slice %arg7[%dma_start3A_161, %dma_start3A_162, %dma_start3A_163] : memref<16x50x32xf32, #tpu.memory_space<vmem>> -> memref<1x50x32xf32, #tpu.memory_space<vmem>>
    %dma_start3A_165 = tpu.memref_squeeze %dma_start3A_164 : memref<1x50x32xf32, #tpu.memory_space<vmem>> -> memref<50x32xf32, #tpu.memory_space<vmem>>
    %dma_start3A_166 = arith.constant 0 : i32
    %dma_start3A_167 = tpu.memref_slice %arg5[%dma_start3A_160, %dma_start3A_166] : memref<16x50xi32, #tpu.memory_space<vmem>> -> memref<1x50xi32, #tpu.memory_space<vmem>>
    %dma_start3A_168 = tpu.memref_squeeze %dma_start3A_167 : memref<1x50xi32, #tpu.memory_space<vmem>> -> memref<50xi32, #tpu.memory_space<vmem>>
    %dma_start3A_169 = arith.constant 0 : i32
    %dma_start3A_170 = arith.constant 0 : i32
    %dma_start3A_171 = tpu.memref_slice %arg3[%dma_start3A_169, %dma_start3A_170] : memref<1000000x32xf32, #tpu.memory_space<hbm>> -> memref<1000000x32xf32, #tpu.memory_space<hbm>>
    tpu.enqueue_indirect_dma source(%dma_start3A_171 : memref<1000000x32xf32, #tpu.memory_space<hbm>>) target(%dma_start3A_165 : memref<50x32xf32, #tpu.memory_space<vmem>>) offsets(%dma_start3A_168 : memref<50xi32, #tpu.memory_space<vmem>>) semaphore(%arg9 : memref<!tpu.dma_semaphore, #tpu.memory_space<semaphore_mem>>)
    %dma_start3A_172 = arith.constant 14 : i32
    %dma_start3A_173 = arith.constant 14 : i32
    %dma_start3A_174 = arith.constant 0 : i32
    %dma_start3A_175 = arith.constant 0 : i32
    %dma_start3A_176 = tpu.memref_slice %arg7[%dma_start3A_173, %dma_start3A_174, %dma_start3A_175] : memref<16x50x32xf32, #tpu.memory_space<vmem>> -> memref<1x50x32xf32, #tpu.memory_space<vmem>>
    %dma_start3A_177 = tpu.memref_squeeze %dma_start3A_176 : memref<1x50x32xf32, #tpu.memory_space<vmem>> -> memref<50x32xf32, #tpu.memory_space<vmem>>
    %dma_start3A_178 = arith.constant 0 : i32
    %dma_start3A_179 = tpu.memref_slice %arg5[%dma_start3A_172, %dma_start3A_178] : memref<16x50xi32, #tpu.memory_space<vmem>> -> memref<1x50xi32, #tpu.memory_space<vmem>>
    %dma_start3A_180 = tpu.memref_squeeze %dma_start3A_179 : memref<1x50xi32, #tpu.memory_space<vmem>> -> memref<50xi32, #tpu.memory_space<vmem>>
    %dma_start3A_181 = arith.constant 0 : i32
    %dma_start3A_182 = arith.constant 0 : i32
    %dma_start3A_183 = tpu.memref_slice %arg3[%dma_start3A_181, %dma_start3A_182] : memref<1000000x32xf32, #tpu.memory_space<hbm>> -> memref<1000000x32xf32, #tpu.memory_space<hbm>>
    tpu.enqueue_indirect_dma source(%dma_start3A_183 : memref<1000000x32xf32, #tpu.memory_space<hbm>>) target(%dma_start3A_177 : memref<50x32xf32, #tpu.memory_space<vmem>>) offsets(%dma_start3A_180 : memref<50xi32, #tpu.memory_space<vmem>>) semaphore(%arg9 : memref<!tpu.dma_semaphore, #tpu.memory_space<semaphore_mem>>)
    %dma_start3A_184 = arith.constant 15 : i32
    %dma_start3A_185 = arith.constant 15 : i32
    %dma_start3A_186 = arith.constant 0 : i32
    %dma_start3A_187 = arith.constant 0 : i32
    %dma_start3A_188 = tpu.memref_slice %arg7[%dma_start3A_185, %dma_start3A_186, %dma_start3A_187] : memref<16x50x32xf32, #tpu.memory_space<vmem>> -> memref<1x50x32xf32, #tpu.memory_space<vmem>>
    %dma_start3A_189 = tpu.memref_squeeze %dma_start3A_188 : memref<1x50x32xf32, #tpu.memory_space<vmem>> -> memref<50x32xf32, #tpu.memory_space<vmem>>
    %dma_start3A_190 = arith.constant 0 : i32
    %dma_start3A_191 = tpu.memref_slice %arg5[%dma_start3A_184, %dma_start3A_190] : memref<16x50xi32, #tpu.memory_space<vmem>> -> memref<1x50xi32, #tpu.memory_space<vmem>>
    %dma_start3A_192 = tpu.memref_squeeze %dma_start3A_191 : memref<1x50xi32, #tpu.memory_space<vmem>> -> memref<50xi32, #tpu.memory_space<vmem>>
    %dma_start3A_193 = arith.constant 0 : i32
    %dma_start3A_194 = arith.constant 0 : i32
    %dma_start3A_195 = tpu.memref_slice %arg3[%dma_start3A_193, %dma_start3A_194] : memref<1000000x32xf32, #tpu.memory_space<hbm>> -> memref<1000000x32xf32, #tpu.memory_space<hbm>>
    tpu.enqueue_indirect_dma source(%dma_start3A_195 : memref<1000000x32xf32, #tpu.memory_space<hbm>>) target(%dma_start3A_189 : memref<50x32xf32, #tpu.memory_space<vmem>>) offsets(%dma_start3A_192 : memref<50xi32, #tpu.memory_space<vmem>>) semaphore(%arg9 : memref<!tpu.dma_semaphore, #tpu.memory_space<semaphore_mem>>)
    %scan3A = arith.constant 0 : i32
    %scan3A_196 = arith.constant 0 : i32
    %scan3A_197 = arith.constant 16 : i32
    %scan3A_198 = arith.addi %scan3A_196, %scan3A_197 : i32
    %scan3A_199 = arith.constant 1 : i32
    scf.for %scan3A_201 = %scan3A_196 to %scan3A_198 step %scan3A_199  : i32 {
      %mul3A_202 = arith.constant 2 : i32
      %mul3A_203 = arith.muli %scan3A_201, %mul3A_202 : i32
      %add3A_204 = arith.constant 1 : i32
      %add3A_205 = arith.addi %mul3A_203, %add3A_204 : i32
      %lt3A = arith.constant 32 : i32
      %lt3A_206 = arith.cmpi slt, %add3A_205, %lt3A : i32
      %convert_element_type3A = arith.extui %lt3A_206 : i1 to i32
      %cond3A = arith.constant 0 : i32
      %cond3A_207 = arith.cmpi ne, %convert_element_type3A, %cond3A : i32
      scf.if %cond3A_207 {
        %add3A_622 = arith.constant 1 : i32
        %add3A_623 = arith.addi %mul3A_203, %add3A_622 : i32
        %mul3A_624 = arith.constant 16 : i32
        %mul3A_625 = arith.muli %add3A_623, %mul3A_624 : i32
        %add3A_626 = arith.addi %mul3A_2, %mul3A_625 : i32
        %multiple_of3A_627 = tpu.assume_multiple %add3A_626, 16 : i32
        "tpu.region"() ({
          %run_scoped3A = tpu.sem_alloc : memref<!tpu.dma_semaphore, #tpu.memory_space<semaphore_mem>>
          %dma_start3A_820 = arith.constant 0 : i32
          %dma_start3A_821 = tpu.memref_slice %arg2[%multiple_of3A_627, %dma_start3A_820] : memref<16384x50xi32, #tpu.memory_space<hbm>> -> memref<16x50xi32, #tpu.memory_space<hbm>>
          %dma_start3A_822 = arith.constant 0 : i32
          %dma_start3A_823 = tpu.memref_slice %arg2[%multiple_of3A_627, %dma_start3A_822] : memref<16384x50xi32, #tpu.memory_space<hbm>> -> memref<16x50xi32, #tpu.memory_space<hbm>>
          tpu.enqueue_dma source(%dma_start3A_823 : memref<16x50xi32, #tpu.memory_space<hbm>>) target(%arg6 : memref<16x50xi32, #tpu.memory_space<vmem>>) target_semaphore(%run_scoped3A : memref<!tpu.dma_semaphore, #tpu.memory_space<semaphore_mem>>)
          %dma_wait3A_824 = arith.constant 0 : i32
          %dma_wait3A_825 = tpu.memref_slice %arg2[%multiple_of3A_627, %dma_wait3A_824] : memref<16384x50xi32, #tpu.memory_space<hbm>> -> memref<16x50xi32, #tpu.memory_space<hbm>>
          %dma_wait3A_826 = arith.constant 0 : i32
          %dma_wait3A_827 = tpu.memref_slice %arg2[%multiple_of3A_627, %dma_wait3A_826] : memref<16384x50xi32, #tpu.memory_space<hbm>> -> memref<16x50xi32, #tpu.memory_space<hbm>>
          tpu.wait_dma2 semaphore(%run_scoped3A : memref<!tpu.dma_semaphore, #tpu.memory_space<semaphore_mem>>) src(%dma_wait3A_827 : memref<16x50xi32, #tpu.memory_space<hbm>>) dst(%arg6 : memref<16x50xi32, #tpu.memory_space<vmem>>)
          tpu.yield
        }) : () -> ()
        %dma_start3A_628 = arith.constant 0 : i32
        %dma_start3A_629 = arith.constant 0 : i32
        %dma_start3A_630 = arith.constant 0 : i32
        %dma_start3A_631 = arith.constant 0 : i32
        %dma_start3A_632 = tpu.memref_slice %arg8[%dma_start3A_629, %dma_start3A_630, %dma_start3A_631] : memref<16x50x32xf32, #tpu.memory_space<vmem>> -> memref<1x50x32xf32, #tpu.memory_space<vmem>>
        %dma_start3A_633 = tpu.memref_squeeze %dma_start3A_632 : memref<1x50x32xf32, #tpu.memory_space<vmem>> -> memref<50x32xf32, #tpu.memory_space<vmem>>
        %dma_start3A_634 = arith.constant 0 : i32
        %dma_start3A_635 = tpu.memref_slice %arg6[%dma_start3A_628, %dma_start3A_634] : memref<16x50xi32, #tpu.memory_space<vmem>> -> memref<1x50xi32, #tpu.memory_space<vmem>>
        %dma_start3A_636 = tpu.memref_squeeze %dma_start3A_635 : memref<1x50xi32, #tpu.memory_space<vmem>> -> memref<50xi32, #tpu.memory_space<vmem>>
        %dma_start3A_637 = arith.constant 0 : i32
        %dma_start3A_638 = arith.constant 0 : i32
        %dma_start3A_639 = tpu.memref_slice %arg3[%dma_start3A_637, %dma_start3A_638] : memref<1000000x32xf32, #tpu.memory_space<hbm>> -> memref<1000000x32xf32, #tpu.memory_space<hbm>>
        tpu.enqueue_indirect_dma source(%dma_start3A_639 : memref<1000000x32xf32, #tpu.memory_space<hbm>>) target(%dma_start3A_633 : memref<50x32xf32, #tpu.memory_space<vmem>>) offsets(%dma_start3A_636 : memref<50xi32, #tpu.memory_space<vmem>>) semaphore(%arg10 : memref<!tpu.dma_semaphore, #tpu.memory_space<semaphore_mem>>)
        %dma_start3A_640 = arith.constant 1 : i32
        %dma_start3A_641 = arith.constant 1 : i32
        %dma_start3A_642 = arith.constant 0 : i32
        %dma_start3A_643 = arith.constant 0 : i32
        %dma_start3A_644 = tpu.memref_slice %arg8[%dma_start3A_641, %dma_start3A_642, %dma_start3A_643] : memref<16x50x32xf32, #tpu.memory_space<vmem>> -> memref<1x50x32xf32, #tpu.memory_space<vmem>>
        %dma_start3A_645 = tpu.memref_squeeze %dma_start3A_644 : memref<1x50x32xf32, #tpu.memory_space<vmem>> -> memref<50x32xf32, #tpu.memory_space<vmem>>
        %dma_start3A_646 = arith.constant 0 : i32
        %dma_start3A_647 = tpu.memref_slice %arg6[%dma_start3A_640, %dma_start3A_646] : memref<16x50xi32, #tpu.memory_space<vmem>> -> memref<1x50xi32, #tpu.memory_space<vmem>>
        %dma_start3A_648 = tpu.memref_squeeze %dma_start3A_647 : memref<1x50xi32, #tpu.memory_space<vmem>> -> memref<50xi32, #tpu.memory_space<vmem>>
        %dma_start3A_649 = arith.constant 0 : i32
        %dma_start3A_650 = arith.constant 0 : i32
        %dma_start3A_651 = tpu.memref_slice %arg3[%dma_start3A_649, %dma_start3A_650] : memref<1000000x32xf32, #tpu.memory_space<hbm>> -> memref<1000000x32xf32, #tpu.memory_space<hbm>>
        tpu.enqueue_indirect_dma source(%dma_start3A_651 : memref<1000000x32xf32, #tpu.memory_space<hbm>>) target(%dma_start3A_645 : memref<50x32xf32, #tpu.memory_space<vmem>>) offsets(%dma_start3A_648 : memref<50xi32, #tpu.memory_space<vmem>>) semaphore(%arg10 : memref<!tpu.dma_semaphore, #tpu.memory_space<semaphore_mem>>)
        %dma_start3A_652 = arith.constant 2 : i32
        %dma_start3A_653 = arith.constant 2 : i32
        %dma_start3A_654 = arith.constant 0 : i32
        %dma_start3A_655 = arith.constant 0 : i32
        %dma_start3A_656 = tpu.memref_slice %arg8[%dma_start3A_653, %dma_start3A_654, %dma_start3A_655] : memref<16x50x32xf32, #tpu.memory_space<vmem>> -> memref<1x50x32xf32, #tpu.memory_space<vmem>>
        %dma_start3A_657 = tpu.memref_squeeze %dma_start3A_656 : memref<1x50x32xf32, #tpu.memory_space<vmem>> -> memref<50x32xf32, #tpu.memory_space<vmem>>
        %dma_start3A_658 = arith.constant 0 : i32
        %dma_start3A_659 = tpu.memref_slice %arg6[%dma_start3A_652, %dma_start3A_658] : memref<16x50xi32, #tpu.memory_space<vmem>> -> memref<1x50xi32, #tpu.memory_space<vmem>>
        %dma_start3A_660 = tpu.memref_squeeze %dma_start3A_659 : memref<1x50xi32, #tpu.memory_space<vmem>> -> memref<50xi32, #tpu.memory_space<vmem>>
        %dma_start3A_661 = arith.constant 0 : i32
        %dma_start3A_662 = arith.constant 0 : i32
        %dma_start3A_663 = tpu.memref_slice %arg3[%dma_start3A_661, %dma_start3A_662] : memref<1000000x32xf32, #tpu.memory_space<hbm>> -> memref<1000000x32xf32, #tpu.memory_space<hbm>>
        tpu.enqueue_indirect_dma source(%dma_start3A_663 : memref<1000000x32xf32, #tpu.memory_space<hbm>>) target(%dma_start3A_657 : memref<50x32xf32, #tpu.memory_space<vmem>>) offsets(%dma_start3A_660 : memref<50xi32, #tpu.memory_space<vmem>>) semaphore(%arg10 : memref<!tpu.dma_semaphore, #tpu.memory_space<semaphore_mem>>)
        %dma_start3A_664 = arith.constant 3 : i32
        %dma_start3A_665 = arith.constant 3 : i32
        %dma_start3A_666 = arith.constant 0 : i32
        %dma_start3A_667 = arith.constant 0 : i32
        %dma_start3A_668 = tpu.memref_slice %arg8[%dma_start3A_665, %dma_start3A_666, %dma_start3A_667] : memref<16x50x32xf32, #tpu.memory_space<vmem>> -> memref<1x50x32xf32, #tpu.memory_space<vmem>>
        %dma_start3A_669 = tpu.memref_squeeze %dma_start3A_668 : memref<1x50x32xf32, #tpu.memory_space<vmem>> -> memref<50x32xf32, #tpu.memory_space<vmem>>
        %dma_start3A_670 = arith.constant 0 : i32
        %dma_start3A_671 = tpu.memref_slice %arg6[%dma_start3A_664, %dma_start3A_670] : memref<16x50xi32, #tpu.memory_space<vmem>> -> memref<1x50xi32, #tpu.memory_space<vmem>>
        %dma_start3A_672 = tpu.memref_squeeze %dma_start3A_671 : memref<1x50xi32, #tpu.memory_space<vmem>> -> memref<50xi32, #tpu.memory_space<vmem>>
        %dma_start3A_673 = arith.constant 0 : i32
        %dma_start3A_674 = arith.constant 0 : i32
        %dma_start3A_675 = tpu.memref_slice %arg3[%dma_start3A_673, %dma_start3A_674] : memref<1000000x32xf32, #tpu.memory_space<hbm>> -> memref<1000000x32xf32, #tpu.memory_space<hbm>>
        tpu.enqueue_indirect_dma source(%dma_start3A_675 : memref<1000000x32xf32, #tpu.memory_space<hbm>>) target(%dma_start3A_669 : memref<50x32xf32, #tpu.memory_space<vmem>>) offsets(%dma_start3A_672 : memref<50xi32, #tpu.memory_space<vmem>>) semaphore(%arg10 : memref<!tpu.dma_semaphore, #tpu.memory_space<semaphore_mem>>)
        %dma_start3A_676 = arith.constant 4 : i32
        %dma_start3A_677 = arith.constant 4 : i32
        %dma_start3A_678 = arith.constant 0 : i32
        %dma_start3A_679 = arith.constant 0 : i32
        %dma_start3A_680 = tpu.memref_slice %arg8[%dma_start3A_677, %dma_start3A_678, %dma_start3A_679] : memref<16x50x32xf32, #tpu.memory_space<vmem>> -> memref<1x50x32xf32, #tpu.memory_space<vmem>>
        %dma_start3A_681 = tpu.memref_squeeze %dma_start3A_680 : memref<1x50x32xf32, #tpu.memory_space<vmem>> -> memref<50x32xf32, #tpu.memory_space<vmem>>
        %dma_start3A_682 = arith.constant 0 : i32
        %dma_start3A_683 = tpu.memref_slice %arg6[%dma_start3A_676, %dma_start3A_682] : memref<16x50xi32, #tpu.memory_space<vmem>> -> memref<1x50xi32, #tpu.memory_space<vmem>>
        %dma_start3A_684 = tpu.memref_squeeze %dma_start3A_683 : memref<1x50xi32, #tpu.memory_space<vmem>> -> memref<50xi32, #tpu.memory_space<vmem>>
        %dma_start3A_685 = arith.constant 0 : i32
        %dma_start3A_686 = arith.constant 0 : i32
        %dma_start3A_687 = tpu.memref_slice %arg3[%dma_start3A_685, %dma_start3A_686] : memref<1000000x32xf32, #tpu.memory_space<hbm>> -> memref<1000000x32xf32, #tpu.memory_space<hbm>>
        tpu.enqueue_indirect_dma source(%dma_start3A_687 : memref<1000000x32xf32, #tpu.memory_space<hbm>>) target(%dma_start3A_681 : memref<50x32xf32, #tpu.memory_space<vmem>>) offsets(%dma_start3A_684 : memref<50xi32, #tpu.memory_space<vmem>>) semaphore(%arg10 : memref<!tpu.dma_semaphore, #tpu.memory_space<semaphore_mem>>)
        %dma_start3A_688 = arith.constant 5 : i32
        %dma_start3A_689 = arith.constant 5 : i32
        %dma_start3A_690 = arith.constant 0 : i32
        %dma_start3A_691 = arith.constant 0 : i32
        %dma_start3A_692 = tpu.memref_slice %arg8[%dma_start3A_689, %dma_start3A_690, %dma_start3A_691] : memref<16x50x32xf32, #tpu.memory_space<vmem>> -> memref<1x50x32xf32, #tpu.memory_space<vmem>>
        %dma_start3A_693 = tpu.memref_squeeze %dma_start3A_692 : memref<1x50x32xf32, #tpu.memory_space<vmem>> -> memref<50x32xf32, #tpu.memory_space<vmem>>
        %dma_start3A_694 = arith.constant 0 : i32
        %dma_start3A_695 = tpu.memref_slice %arg6[%dma_start3A_688, %dma_start3A_694] : memref<16x50xi32, #tpu.memory_space<vmem>> -> memref<1x50xi32, #tpu.memory_space<vmem>>
        %dma_start3A_696 = tpu.memref_squeeze %dma_start3A_695 : memref<1x50xi32, #tpu.memory_space<vmem>> -> memref<50xi32, #tpu.memory_space<vmem>>
        %dma_start3A_697 = arith.constant 0 : i32
        %dma_start3A_698 = arith.constant 0 : i32
        %dma_start3A_699 = tpu.memref_slice %arg3[%dma_start3A_697, %dma_start3A_698] : memref<1000000x32xf32, #tpu.memory_space<hbm>> -> memref<1000000x32xf32, #tpu.memory_space<hbm>>
        tpu.enqueue_indirect_dma source(%dma_start3A_699 : memref<1000000x32xf32, #tpu.memory_space<hbm>>) target(%dma_start3A_693 : memref<50x32xf32, #tpu.memory_space<vmem>>) offsets(%dma_start3A_696 : memref<50xi32, #tpu.memory_space<vmem>>) semaphore(%arg10 : memref<!tpu.dma_semaphore, #tpu.memory_space<semaphore_mem>>)
        %dma_start3A_700 = arith.constant 6 : i32
        %dma_start3A_701 = arith.constant 6 : i32
        %dma_start3A_702 = arith.constant 0 : i32
        %dma_start3A_703 = arith.constant 0 : i32
        %dma_start3A_704 = tpu.memref_slice %arg8[%dma_start3A_701, %dma_start3A_702, %dma_start3A_703] : memref<16x50x32xf32, #tpu.memory_space<vmem>> -> memref<1x50x32xf32, #tpu.memory_space<vmem>>
        %dma_start3A_705 = tpu.memref_squeeze %dma_start3A_704 : memref<1x50x32xf32, #tpu.memory_space<vmem>> -> memref<50x32xf32, #tpu.memory_space<vmem>>
        %dma_start3A_706 = arith.constant 0 : i32
        %dma_start3A_707 = tpu.memref_slice %arg6[%dma_start3A_700, %dma_start3A_706] : memref<16x50xi32, #tpu.memory_space<vmem>> -> memref<1x50xi32, #tpu.memory_space<vmem>>
        %dma_start3A_708 = tpu.memref_squeeze %dma_start3A_707 : memref<1x50xi32, #tpu.memory_space<vmem>> -> memref<50xi32, #tpu.memory_space<vmem>>
        %dma_start3A_709 = arith.constant 0 : i32
        %dma_start3A_710 = arith.constant 0 : i32
        %dma_start3A_711 = tpu.memref_slice %arg3[%dma_start3A_709, %dma_start3A_710] : memref<1000000x32xf32, #tpu.memory_space<hbm>> -> memref<1000000x32xf32, #tpu.memory_space<hbm>>
        tpu.enqueue_indirect_dma source(%dma_start3A_711 : memref<1000000x32xf32, #tpu.memory_space<hbm>>) target(%dma_start3A_705 : memref<50x32xf32, #tpu.memory_space<vmem>>) offsets(%dma_start3A_708 : memref<50xi32, #tpu.memory_space<vmem>>) semaphore(%arg10 : memref<!tpu.dma_semaphore, #tpu.memory_space<semaphore_mem>>)
        %dma_start3A_712 = arith.constant 7 : i32
        %dma_start3A_713 = arith.constant 7 : i32
        %dma_start3A_714 = arith.constant 0 : i32
        %dma_start3A_715 = arith.constant 0 : i32
        %dma_start3A_716 = tpu.memref_slice %arg8[%dma_start3A_713, %dma_start3A_714, %dma_start3A_715] : memref<16x50x32xf32, #tpu.memory_space<vmem>> -> memref<1x50x32xf32, #tpu.memory_space<vmem>>
        %dma_start3A_717 = tpu.memref_squeeze %dma_start3A_716 : memref<1x50x32xf32, #tpu.memory_space<vmem>> -> memref<50x32xf32, #tpu.memory_space<vmem>>
        %dma_start3A_718 = arith.constant 0 : i32
        %dma_start3A_719 = tpu.memref_slice %arg6[%dma_start3A_712, %dma_start3A_718] : memref<16x50xi32, #tpu.memory_space<vmem>> -> memref<1x50xi32, #tpu.memory_space<vmem>>
        %dma_start3A_720 = tpu.memref_squeeze %dma_start3A_719 : memref<1x50xi32, #tpu.memory_space<vmem>> -> memref<50xi32, #tpu.memory_space<vmem>>
        %dma_start3A_721 = arith.constant 0 : i32
        %dma_start3A_722 = arith.constant 0 : i32
        %dma_start3A_723 = tpu.memref_slice %arg3[%dma_start3A_721, %dma_start3A_722] : memref<1000000x32xf32, #tpu.memory_space<hbm>> -> memref<1000000x32xf32, #tpu.memory_space<hbm>>
        tpu.enqueue_indirect_dma source(%dma_start3A_723 : memref<1000000x32xf32, #tpu.memory_space<hbm>>) target(%dma_start3A_717 : memref<50x32xf32, #tpu.memory_space<vmem>>) offsets(%dma_start3A_720 : memref<50xi32, #tpu.memory_space<vmem>>) semaphore(%arg10 : memref<!tpu.dma_semaphore, #tpu.memory_space<semaphore_mem>>)
        %dma_start3A_724 = arith.constant 8 : i32
        %dma_start3A_725 = arith.constant 8 : i32
        %dma_start3A_726 = arith.constant 0 : i32
        %dma_start3A_727 = arith.constant 0 : i32
        %dma_start3A_728 = tpu.memref_slice %arg8[%dma_start3A_725, %dma_start3A_726, %dma_start3A_727] : memref<16x50x32xf32, #tpu.memory_space<vmem>> -> memref<1x50x32xf32, #tpu.memory_space<vmem>>
        %dma_start3A_729 = tpu.memref_squeeze %dma_start3A_728 : memref<1x50x32xf32, #tpu.memory_space<vmem>> -> memref<50x32xf32, #tpu.memory_space<vmem>>
        %dma_start3A_730 = arith.constant 0 : i32
        %dma_start3A_731 = tpu.memref_slice %arg6[%dma_start3A_724, %dma_start3A_730] : memref<16x50xi32, #tpu.memory_space<vmem>> -> memref<1x50xi32, #tpu.memory_space<vmem>>
        %dma_start3A_732 = tpu.memref_squeeze %dma_start3A_731 : memref<1x50xi32, #tpu.memory_space<vmem>> -> memref<50xi32, #tpu.memory_space<vmem>>
        %dma_start3A_733 = arith.constant 0 : i32
        %dma_start3A_734 = arith.constant 0 : i32
        %dma_start3A_735 = tpu.memref_slice %arg3[%dma_start3A_733, %dma_start3A_734] : memref<1000000x32xf32, #tpu.memory_space<hbm>> -> memref<1000000x32xf32, #tpu.memory_space<hbm>>
        tpu.enqueue_indirect_dma source(%dma_start3A_735 : memref<1000000x32xf32, #tpu.memory_space<hbm>>) target(%dma_start3A_729 : memref<50x32xf32, #tpu.memory_space<vmem>>) offsets(%dma_start3A_732 : memref<50xi32, #tpu.memory_space<vmem>>) semaphore(%arg10 : memref<!tpu.dma_semaphore, #tpu.memory_space<semaphore_mem>>)
        %dma_start3A_736 = arith.constant 9 : i32
        %dma_start3A_737 = arith.constant 9 : i32
        %dma_start3A_738 = arith.constant 0 : i32
        %dma_start3A_739 = arith.constant 0 : i32
        %dma_start3A_740 = tpu.memref_slice %arg8[%dma_start3A_737, %dma_start3A_738, %dma_start3A_739] : memref<16x50x32xf32, #tpu.memory_space<vmem>> -> memref<1x50x32xf32, #tpu.memory_space<vmem>>
        %dma_start3A_741 = tpu.memref_squeeze %dma_start3A_740 : memref<1x50x32xf32, #tpu.memory_space<vmem>> -> memref<50x32xf32, #tpu.memory_space<vmem>>
        %dma_start3A_742 = arith.constant 0 : i32
        %dma_start3A_743 = tpu.memref_slice %arg6[%dma_start3A_736, %dma_start3A_742] : memref<16x50xi32, #tpu.memory_space<vmem>> -> memref<1x50xi32, #tpu.memory_space<vmem>>
        %dma_start3A_744 = tpu.memref_squeeze %dma_start3A_743 : memref<1x50xi32, #tpu.memory_space<vmem>> -> memref<50xi32, #tpu.memory_space<vmem>>
        %dma_start3A_745 = arith.constant 0 : i32
        %dma_start3A_746 = arith.constant 0 : i32
        %dma_start3A_747 = tpu.memref_slice %arg3[%dma_start3A_745, %dma_start3A_746] : memref<1000000x32xf32, #tpu.memory_space<hbm>> -> memref<1000000x32xf32, #tpu.memory_space<hbm>>
        tpu.enqueue_indirect_dma source(%dma_start3A_747 : memref<1000000x32xf32, #tpu.memory_space<hbm>>) target(%dma_start3A_741 : memref<50x32xf32, #tpu.memory_space<vmem>>) offsets(%dma_start3A_744 : memref<50xi32, #tpu.memory_space<vmem>>) semaphore(%arg10 : memref<!tpu.dma_semaphore, #tpu.memory_space<semaphore_mem>>)
        %dma_start3A_748 = arith.constant 10 : i32
        %dma_start3A_749 = arith.constant 10 : i32
        %dma_start3A_750 = arith.constant 0 : i32
        %dma_start3A_751 = arith.constant 0 : i32
        %dma_start3A_752 = tpu.memref_slice %arg8[%dma_start3A_749, %dma_start3A_750, %dma_start3A_751] : memref<16x50x32xf32, #tpu.memory_space<vmem>> -> memref<1x50x32xf32, #tpu.memory_space<vmem>>
        %dma_start3A_753 = tpu.memref_squeeze %dma_start3A_752 : memref<1x50x32xf32, #tpu.memory_space<vmem>> -> memref<50x32xf32, #tpu.memory_space<vmem>>
        %dma_start3A_754 = arith.constant 0 : i32
        %dma_start3A_755 = tpu.memref_slice %arg6[%dma_start3A_748, %dma_start3A_754] : memref<16x50xi32, #tpu.memory_space<vmem>> -> memref<1x50xi32, #tpu.memory_space<vmem>>
        %dma_start3A_756 = tpu.memref_squeeze %dma_start3A_755 : memref<1x50xi32, #tpu.memory_space<vmem>> -> memref<50xi32, #tpu.memory_space<vmem>>
        %dma_start3A_757 = arith.constant 0 : i32
        %dma_start3A_758 = arith.constant 0 : i32
        %dma_start3A_759 = tpu.memref_slice %arg3[%dma_start3A_757, %dma_start3A_758] : memref<1000000x32xf32, #tpu.memory_space<hbm>> -> memref<1000000x32xf32, #tpu.memory_space<hbm>>
        tpu.enqueue_indirect_dma source(%dma_start3A_759 : memref<1000000x32xf32, #tpu.memory_space<hbm>>) target(%dma_start3A_753 : memref<50x32xf32, #tpu.memory_space<vmem>>) offsets(%dma_start3A_756 : memref<50xi32, #tpu.memory_space<vmem>>) semaphore(%arg10 : memref<!tpu.dma_semaphore, #tpu.memory_space<semaphore_mem>>)
        %dma_start3A_760 = arith.constant 11 : i32
        %dma_start3A_761 = arith.constant 11 : i32
        %dma_start3A_762 = arith.constant 0 : i32
        %dma_start3A_763 = arith.constant 0 : i32
        %dma_start3A_764 = tpu.memref_slice %arg8[%dma_start3A_761, %dma_start3A_762, %dma_start3A_763] : memref<16x50x32xf32, #tpu.memory_space<vmem>> -> memref<1x50x32xf32, #tpu.memory_space<vmem>>
        %dma_start3A_765 = tpu.memref_squeeze %dma_start3A_764 : memref<1x50x32xf32, #tpu.memory_space<vmem>> -> memref<50x32xf32, #tpu.memory_space<vmem>>
        %dma_start3A_766 = arith.constant 0 : i32
        %dma_start3A_767 = tpu.memref_slice %arg6[%dma_start3A_760, %dma_start3A_766] : memref<16x50xi32, #tpu.memory_space<vmem>> -> memref<1x50xi32, #tpu.memory_space<vmem>>
        %dma_start3A_768 = tpu.memref_squeeze %dma_start3A_767 : memref<1x50xi32, #tpu.memory_space<vmem>> -> memref<50xi32, #tpu.memory_space<vmem>>
        %dma_start3A_769 = arith.constant 0 : i32
        %dma_start3A_770 = arith.constant 0 : i32
        %dma_start3A_771 = tpu.memref_slice %arg3[%dma_start3A_769, %dma_start3A_770] : memref<1000000x32xf32, #tpu.memory_space<hbm>> -> memref<1000000x32xf32, #tpu.memory_space<hbm>>
        tpu.enqueue_indirect_dma source(%dma_start3A_771 : memref<1000000x32xf32, #tpu.memory_space<hbm>>) target(%dma_start3A_765 : memref<50x32xf32, #tpu.memory_space<vmem>>) offsets(%dma_start3A_768 : memref<50xi32, #tpu.memory_space<vmem>>) semaphore(%arg10 : memref<!tpu.dma_semaphore, #tpu.memory_space<semaphore_mem>>)
        %dma_start3A_772 = arith.constant 12 : i32
        %dma_start3A_773 = arith.constant 12 : i32
        %dma_start3A_774 = arith.constant 0 : i32
        %dma_start3A_775 = arith.constant 0 : i32
        %dma_start3A_776 = tpu.memref_slice %arg8[%dma_start3A_773, %dma_start3A_774, %dma_start3A_775] : memref<16x50x32xf32, #tpu.memory_space<vmem>> -> memref<1x50x32xf32, #tpu.memory_space<vmem>>
        %dma_start3A_777 = tpu.memref_squeeze %dma_start3A_776 : memref<1x50x32xf32, #tpu.memory_space<vmem>> -> memref<50x32xf32, #tpu.memory_space<vmem>>
        %dma_start3A_778 = arith.constant 0 : i32
        %dma_start3A_779 = tpu.memref_slice %arg6[%dma_start3A_772, %dma_start3A_778] : memref<16x50xi32, #tpu.memory_space<vmem>> -> memref<1x50xi32, #tpu.memory_space<vmem>>
        %dma_start3A_780 = tpu.memref_squeeze %dma_start3A_779 : memref<1x50xi32, #tpu.memory_space<vmem>> -> memref<50xi32, #tpu.memory_space<vmem>>
        %dma_start3A_781 = arith.constant 0 : i32
        %dma_start3A_782 = arith.constant 0 : i32
        %dma_start3A_783 = tpu.memref_slice %arg3[%dma_start3A_781, %dma_start3A_782] : memref<1000000x32xf32, #tpu.memory_space<hbm>> -> memref<1000000x32xf32, #tpu.memory_space<hbm>>
        tpu.enqueue_indirect_dma source(%dma_start3A_783 : memref<1000000x32xf32, #tpu.memory_space<hbm>>) target(%dma_start3A_777 : memref<50x32xf32, #tpu.memory_space<vmem>>) offsets(%dma_start3A_780 : memref<50xi32, #tpu.memory_space<vmem>>) semaphore(%arg10 : memref<!tpu.dma_semaphore, #tpu.memory_space<semaphore_mem>>)
        %dma_start3A_784 = arith.constant 13 : i32
        %dma_start3A_785 = arith.constant 13 : i32
        %dma_start3A_786 = arith.constant 0 : i32
        %dma_start3A_787 = arith.constant 0 : i32
        %dma_start3A_788 = tpu.memref_slice %arg8[%dma_start3A_785, %dma_start3A_786, %dma_start3A_787] : memref<16x50x32xf32, #tpu.memory_space<vmem>> -> memref<1x50x32xf32, #tpu.memory_space<vmem>>
        %dma_start3A_789 = tpu.memref_squeeze %dma_start3A_788 : memref<1x50x32xf32, #tpu.memory_space<vmem>> -> memref<50x32xf32, #tpu.memory_space<vmem>>
        %dma_start3A_790 = arith.constant 0 : i32
        %dma_start3A_791 = tpu.memref_slice %arg6[%dma_start3A_784, %dma_start3A_790] : memref<16x50xi32, #tpu.memory_space<vmem>> -> memref<1x50xi32, #tpu.memory_space<vmem>>
        %dma_start3A_792 = tpu.memref_squeeze %dma_start3A_791 : memref<1x50xi32, #tpu.memory_space<vmem>> -> memref<50xi32, #tpu.memory_space<vmem>>
        %dma_start3A_793 = arith.constant 0 : i32
        %dma_start3A_794 = arith.constant 0 : i32
        %dma_start3A_795 = tpu.memref_slice %arg3[%dma_start3A_793, %dma_start3A_794] : memref<1000000x32xf32, #tpu.memory_space<hbm>> -> memref<1000000x32xf32, #tpu.memory_space<hbm>>
        tpu.enqueue_indirect_dma source(%dma_start3A_795 : memref<1000000x32xf32, #tpu.memory_space<hbm>>) target(%dma_start3A_789 : memref<50x32xf32, #tpu.memory_space<vmem>>) offsets(%dma_start3A_792 : memref<50xi32, #tpu.memory_space<vmem>>) semaphore(%arg10 : memref<!tpu.dma_semaphore, #tpu.memory_space<semaphore_mem>>)
        %dma_start3A_796 = arith.constant 14 : i32
        %dma_start3A_797 = arith.constant 14 : i32
        %dma_start3A_798 = arith.constant 0 : i32
        %dma_start3A_799 = arith.constant 0 : i32
        %dma_start3A_800 = tpu.memref_slice %arg8[%dma_start3A_797, %dma_start3A_798, %dma_start3A_799] : memref<16x50x32xf32, #tpu.memory_space<vmem>> -> memref<1x50x32xf32, #tpu.memory_space<vmem>>
        %dma_start3A_801 = tpu.memref_squeeze %dma_start3A_800 : memref<1x50x32xf32, #tpu.memory_space<vmem>> -> memref<50x32xf32, #tpu.memory_space<vmem>>
        %dma_start3A_802 = arith.constant 0 : i32
        %dma_start3A_803 = tpu.memref_slice %arg6[%dma_start3A_796, %dma_start3A_802] : memref<16x50xi32, #tpu.memory_space<vmem>> -> memref<1x50xi32, #tpu.memory_space<vmem>>
        %dma_start3A_804 = tpu.memref_squeeze %dma_start3A_803 : memref<1x50xi32, #tpu.memory_space<vmem>> -> memref<50xi32, #tpu.memory_space<vmem>>
        %dma_start3A_805 = arith.constant 0 : i32
        %dma_start3A_806 = arith.constant 0 : i32
        %dma_start3A_807 = tpu.memref_slice %arg3[%dma_start3A_805, %dma_start3A_806] : memref<1000000x32xf32, #tpu.memory_space<hbm>> -> memref<1000000x32xf32, #tpu.memory_space<hbm>>
        tpu.enqueue_indirect_dma source(%dma_start3A_807 : memref<1000000x32xf32, #tpu.memory_space<hbm>>) target(%dma_start3A_801 : memref<50x32xf32, #tpu.memory_space<vmem>>) offsets(%dma_start3A_804 : memref<50xi32, #tpu.memory_space<vmem>>) semaphore(%arg10 : memref<!tpu.dma_semaphore, #tpu.memory_space<semaphore_mem>>)
        %dma_start3A_808 = arith.constant 15 : i32
        %dma_start3A_809 = arith.constant 15 : i32
        %dma_start3A_810 = arith.constant 0 : i32
        %dma_start3A_811 = arith.constant 0 : i32
        %dma_start3A_812 = tpu.memref_slice %arg8[%dma_start3A_809, %dma_start3A_810, %dma_start3A_811] : memref<16x50x32xf32, #tpu.memory_space<vmem>> -> memref<1x50x32xf32, #tpu.memory_space<vmem>>
        %dma_start3A_813 = tpu.memref_squeeze %dma_start3A_812 : memref<1x50x32xf32, #tpu.memory_space<vmem>> -> memref<50x32xf32, #tpu.memory_space<vmem>>
        %dma_start3A_814 = arith.constant 0 : i32
        %dma_start3A_815 = tpu.memref_slice %arg6[%dma_start3A_808, %dma_start3A_814] : memref<16x50xi32, #tpu.memory_space<vmem>> -> memref<1x50xi32, #tpu.memory_space<vmem>>
        %dma_start3A_816 = tpu.memref_squeeze %dma_start3A_815 : memref<1x50xi32, #tpu.memory_space<vmem>> -> memref<50xi32, #tpu.memory_space<vmem>>
        %dma_start3A_817 = arith.constant 0 : i32
        %dma_start3A_818 = arith.constant 0 : i32
        %dma_start3A_819 = tpu.memref_slice %arg3[%dma_start3A_817, %dma_start3A_818] : memref<1000000x32xf32, #tpu.memory_space<hbm>> -> memref<1000000x32xf32, #tpu.memory_space<hbm>>
        tpu.enqueue_indirect_dma source(%dma_start3A_819 : memref<1000000x32xf32, #tpu.memory_space<hbm>>) target(%dma_start3A_813 : memref<50x32xf32, #tpu.memory_space<vmem>>) offsets(%dma_start3A_816 : memref<50xi32, #tpu.memory_space<vmem>>) semaphore(%arg10 : memref<!tpu.dma_semaphore, #tpu.memory_space<semaphore_mem>>)
      } else {
      }
      %dma_wait3A = arith.constant 0 : i32
      %dma_wait3A_208 = arith.constant 0 : i32
      %dma_wait3A_209 = arith.constant 0 : i32
      %dma_wait3A_210 = arith.constant 0 : i32
      %dma_wait3A_211 = tpu.memref_slice %arg7[%dma_wait3A_208, %dma_wait3A_209, %dma_wait3A_210] : memref<16x50x32xf32, #tpu.memory_space<vmem>> -> memref<1x50x32xf32, #tpu.memory_space<vmem>>
      %dma_wait3A_212 = tpu.memref_squeeze %dma_wait3A_211 : memref<1x50x32xf32, #tpu.memory_space<vmem>> -> memref<50x32xf32, #tpu.memory_space<vmem>>
      %dma_wait3A_213 = arith.constant 0 : i32
      %dma_wait3A_214 = tpu.memref_slice %arg5[%dma_wait3A, %dma_wait3A_213] : memref<16x50xi32, #tpu.memory_space<vmem>> -> memref<1x50xi32, #tpu.memory_space<vmem>>
      %dma_wait3A_215 = tpu.memref_squeeze %dma_wait3A_214 : memref<1x50xi32, #tpu.memory_space<vmem>> -> memref<50xi32, #tpu.memory_space<vmem>>
      %dma_wait3A_216 = arith.constant 0 : i32
      %dma_wait3A_217 = arith.constant 0 : i32
      %dma_wait3A_218 = tpu.memref_slice %arg3[%dma_wait3A_216, %dma_wait3A_217] : memref<1000000x32xf32, #tpu.memory_space<hbm>> -> memref<1000000x32xf32, #tpu.memory_space<hbm>>
      tpu.wait_indirect_dma semaphore(%arg9 : memref<!tpu.dma_semaphore, #tpu.memory_space<semaphore_mem>>) src(%dma_wait3A_218 : memref<1000000x32xf32, #tpu.memory_space<hbm>>) dst(%dma_wait3A_212 : memref<50x32xf32, #tpu.memory_space<vmem>>)
      %dma_wait3A_219 = arith.constant 1 : i32
      %dma_wait3A_220 = arith.constant 1 : i32
      %dma_wait3A_221 = arith.constant 0 : i32
      %dma_wait3A_222 = arith.constant 0 : i32
      %dma_wait3A_223 = tpu.memref_slice %arg7[%dma_wait3A_220, %dma_wait3A_221, %dma_wait3A_222] : memref<16x50x32xf32, #tpu.memory_space<vmem>> -> memref<1x50x32xf32, #tpu.memory_space<vmem>>
      %dma_wait3A_224 = tpu.memref_squeeze %dma_wait3A_223 : memref<1x50x32xf32, #tpu.memory_space<vmem>> -> memref<50x32xf32, #tpu.memory_space<vmem>>
      %dma_wait3A_225 = arith.constant 0 : i32
      %dma_wait3A_226 = tpu.memref_slice %arg5[%dma_wait3A_219, %dma_wait3A_225] : memref<16x50xi32, #tpu.memory_space<vmem>> -> memref<1x50xi32, #tpu.memory_space<vmem>>
      %dma_wait3A_227 = tpu.memref_squeeze %dma_wait3A_226 : memref<1x50xi32, #tpu.memory_space<vmem>> -> memref<50xi32, #tpu.memory_space<vmem>>
      %dma_wait3A_228 = arith.constant 0 : i32
      %dma_wait3A_229 = arith.constant 0 : i32
      %dma_wait3A_230 = tpu.memref_slice %arg3[%dma_wait3A_228, %dma_wait3A_229] : memref<1000000x32xf32, #tpu.memory_space<hbm>> -> memref<1000000x32xf32, #tpu.memory_space<hbm>>
      tpu.wait_indirect_dma semaphore(%arg9 : memref<!tpu.dma_semaphore, #tpu.memory_space<semaphore_mem>>) src(%dma_wait3A_230 : memref<1000000x32xf32, #tpu.memory_space<hbm>>) dst(%dma_wait3A_224 : memref<50x32xf32, #tpu.memory_space<vmem>>)
      %dma_wait3A_231 = arith.constant 2 : i32
      %dma_wait3A_232 = arith.constant 2 : i32
      %dma_wait3A_233 = arith.constant 0 : i32
      %dma_wait3A_234 = arith.constant 0 : i32
      %dma_wait3A_235 = tpu.memref_slice %arg7[%dma_wait3A_232, %dma_wait3A_233, %dma_wait3A_234] : memref<16x50x32xf32, #tpu.memory_space<vmem>> -> memref<1x50x32xf32, #tpu.memory_space<vmem>>
      %dma_wait3A_236 = tpu.memref_squeeze %dma_wait3A_235 : memref<1x50x32xf32, #tpu.memory_space<vmem>> -> memref<50x32xf32, #tpu.memory_space<vmem>>
      %dma_wait3A_237 = arith.constant 0 : i32
      %dma_wait3A_238 = tpu.memref_slice %arg5[%dma_wait3A_231, %dma_wait3A_237] : memref<16x50xi32, #tpu.memory_space<vmem>> -> memref<1x50xi32, #tpu.memory_space<vmem>>
      %dma_wait3A_239 = tpu.memref_squeeze %dma_wait3A_238 : memref<1x50xi32, #tpu.memory_space<vmem>> -> memref<50xi32, #tpu.memory_space<vmem>>
      %dma_wait3A_240 = arith.constant 0 : i32
      %dma_wait3A_241 = arith.constant 0 : i32
      %dma_wait3A_242 = tpu.memref_slice %arg3[%dma_wait3A_240, %dma_wait3A_241] : memref<1000000x32xf32, #tpu.memory_space<hbm>> -> memref<1000000x32xf32, #tpu.memory_space<hbm>>
      tpu.wait_indirect_dma semaphore(%arg9 : memref<!tpu.dma_semaphore, #tpu.memory_space<semaphore_mem>>) src(%dma_wait3A_242 : memref<1000000x32xf32, #tpu.memory_space<hbm>>) dst(%dma_wait3A_236 : memref<50x32xf32, #tpu.memory_space<vmem>>)
      %dma_wait3A_243 = arith.constant 3 : i32
      %dma_wait3A_244 = arith.constant 3 : i32
      %dma_wait3A_245 = arith.constant 0 : i32
      %dma_wait3A_246 = arith.constant 0 : i32
      %dma_wait3A_247 = tpu.memref_slice %arg7[%dma_wait3A_244, %dma_wait3A_245, %dma_wait3A_246] : memref<16x50x32xf32, #tpu.memory_space<vmem>> -> memref<1x50x32xf32, #tpu.memory_space<vmem>>
      %dma_wait3A_248 = tpu.memref_squeeze %dma_wait3A_247 : memref<1x50x32xf32, #tpu.memory_space<vmem>> -> memref<50x32xf32, #tpu.memory_space<vmem>>
      %dma_wait3A_249 = arith.constant 0 : i32
      %dma_wait3A_250 = tpu.memref_slice %arg5[%dma_wait3A_243, %dma_wait3A_249] : memref<16x50xi32, #tpu.memory_space<vmem>> -> memref<1x50xi32, #tpu.memory_space<vmem>>
      %dma_wait3A_251 = tpu.memref_squeeze %dma_wait3A_250 : memref<1x50xi32, #tpu.memory_space<vmem>> -> memref<50xi32, #tpu.memory_space<vmem>>
      %dma_wait3A_252 = arith.constant 0 : i32
      %dma_wait3A_253 = arith.constant 0 : i32
      %dma_wait3A_254 = tpu.memref_slice %arg3[%dma_wait3A_252, %dma_wait3A_253] : memref<1000000x32xf32, #tpu.memory_space<hbm>> -> memref<1000000x32xf32, #tpu.memory_space<hbm>>
      tpu.wait_indirect_dma semaphore(%arg9 : memref<!tpu.dma_semaphore, #tpu.memory_space<semaphore_mem>>) src(%dma_wait3A_254 : memref<1000000x32xf32, #tpu.memory_space<hbm>>) dst(%dma_wait3A_248 : memref<50x32xf32, #tpu.memory_space<vmem>>)
      %dma_wait3A_255 = arith.constant 4 : i32
      %dma_wait3A_256 = arith.constant 4 : i32
      %dma_wait3A_257 = arith.constant 0 : i32
      %dma_wait3A_258 = arith.constant 0 : i32
      %dma_wait3A_259 = tpu.memref_slice %arg7[%dma_wait3A_256, %dma_wait3A_257, %dma_wait3A_258] : memref<16x50x32xf32, #tpu.memory_space<vmem>> -> memref<1x50x32xf32, #tpu.memory_space<vmem>>
      %dma_wait3A_260 = tpu.memref_squeeze %dma_wait3A_259 : memref<1x50x32xf32, #tpu.memory_space<vmem>> -> memref<50x32xf32, #tpu.memory_space<vmem>>
      %dma_wait3A_261 = arith.constant 0 : i32
      %dma_wait3A_262 = tpu.memref_slice %arg5[%dma_wait3A_255, %dma_wait3A_261] : memref<16x50xi32, #tpu.memory_space<vmem>> -> memref<1x50xi32, #tpu.memory_space<vmem>>
      %dma_wait3A_263 = tpu.memref_squeeze %dma_wait3A_262 : memref<1x50xi32, #tpu.memory_space<vmem>> -> memref<50xi32, #tpu.memory_space<vmem>>
      %dma_wait3A_264 = arith.constant 0 : i32
      %dma_wait3A_265 = arith.constant 0 : i32
      %dma_wait3A_266 = tpu.memref_slice %arg3[%dma_wait3A_264, %dma_wait3A_265] : memref<1000000x32xf32, #tpu.memory_space<hbm>> -> memref<1000000x32xf32, #tpu.memory_space<hbm>>
      tpu.wait_indirect_dma semaphore(%arg9 : memref<!tpu.dma_semaphore, #tpu.memory_space<semaphore_mem>>) src(%dma_wait3A_266 : memref<1000000x32xf32, #tpu.memory_space<hbm>>) dst(%dma_wait3A_260 : memref<50x32xf32, #tpu.memory_space<vmem>>)
      %dma_wait3A_267 = arith.constant 5 : i32
      %dma_wait3A_268 = arith.constant 5 : i32
      %dma_wait3A_269 = arith.constant 0 : i32
      %dma_wait3A_270 = arith.constant 0 : i32
      %dma_wait3A_271 = tpu.memref_slice %arg7[%dma_wait3A_268, %dma_wait3A_269, %dma_wait3A_270] : memref<16x50x32xf32, #tpu.memory_space<vmem>> -> memref<1x50x32xf32, #tpu.memory_space<vmem>>
      %dma_wait3A_272 = tpu.memref_squeeze %dma_wait3A_271 : memref<1x50x32xf32, #tpu.memory_space<vmem>> -> memref<50x32xf32, #tpu.memory_space<vmem>>
      %dma_wait3A_273 = arith.constant 0 : i32
      %dma_wait3A_274 = tpu.memref_slice %arg5[%dma_wait3A_267, %dma_wait3A_273] : memref<16x50xi32, #tpu.memory_space<vmem>> -> memref<1x50xi32, #tpu.memory_space<vmem>>
      %dma_wait3A_275 = tpu.memref_squeeze %dma_wait3A_274 : memref<1x50xi32, #tpu.memory_space<vmem>> -> memref<50xi32, #tpu.memory_space<vmem>>
      %dma_wait3A_276 = arith.constant 0 : i32
      %dma_wait3A_277 = arith.constant 0 : i32
      %dma_wait3A_278 = tpu.memref_slice %arg3[%dma_wait3A_276, %dma_wait3A_277] : memref<1000000x32xf32, #tpu.memory_space<hbm>> -> memref<1000000x32xf32, #tpu.memory_space<hbm>>
      tpu.wait_indirect_dma semaphore(%arg9 : memref<!tpu.dma_semaphore, #tpu.memory_space<semaphore_mem>>) src(%dma_wait3A_278 : memref<1000000x32xf32, #tpu.memory_space<hbm>>) dst(%dma_wait3A_272 : memref<50x32xf32, #tpu.memory_space<vmem>>)
      %dma_wait3A_279 = arith.constant 6 : i32
      %dma_wait3A_280 = arith.constant 6 : i32
      %dma_wait3A_281 = arith.constant 0 : i32
      %dma_wait3A_282 = arith.constant 0 : i32
      %dma_wait3A_283 = tpu.memref_slice %arg7[%dma_wait3A_280, %dma_wait3A_281, %dma_wait3A_282] : memref<16x50x32xf32, #tpu.memory_space<vmem>> -> memref<1x50x32xf32, #tpu.memory_space<vmem>>
      %dma_wait3A_284 = tpu.memref_squeeze %dma_wait3A_283 : memref<1x50x32xf32, #tpu.memory_space<vmem>> -> memref<50x32xf32, #tpu.memory_space<vmem>>
      %dma_wait3A_285 = arith.constant 0 : i32
      %dma_wait3A_286 = tpu.memref_slice %arg5[%dma_wait3A_279, %dma_wait3A_285] : memref<16x50xi32, #tpu.memory_space<vmem>> -> memref<1x50xi32, #tpu.memory_space<vmem>>
      %dma_wait3A_287 = tpu.memref_squeeze %dma_wait3A_286 : memref<1x50xi32, #tpu.memory_space<vmem>> -> memref<50xi32, #tpu.memory_space<vmem>>
      %dma_wait3A_288 = arith.constant 0 : i32
      %dma_wait3A_289 = arith.constant 0 : i32
      %dma_wait3A_290 = tpu.memref_slice %arg3[%dma_wait3A_288, %dma_wait3A_289] : memref<1000000x32xf32, #tpu.memory_space<hbm>> -> memref<1000000x32xf32, #tpu.memory_space<hbm>>
      tpu.wait_indirect_dma semaphore(%arg9 : memref<!tpu.dma_semaphore, #tpu.memory_space<semaphore_mem>>) src(%dma_wait3A_290 : memref<1000000x32xf32, #tpu.memory_space<hbm>>) dst(%dma_wait3A_284 : memref<50x32xf32, #tpu.memory_space<vmem>>)
      %dma_wait3A_291 = arith.constant 7 : i32
      %dma_wait3A_292 = arith.constant 7 : i32
      %dma_wait3A_293 = arith.constant 0 : i32
      %dma_wait3A_294 = arith.constant 0 : i32
      %dma_wait3A_295 = tpu.memref_slice %arg7[%dma_wait3A_292, %dma_wait3A_293, %dma_wait3A_294] : memref<16x50x32xf32, #tpu.memory_space<vmem>> -> memref<1x50x32xf32, #tpu.memory_space<vmem>>
      %dma_wait3A_296 = tpu.memref_squeeze %dma_wait3A_295 : memref<1x50x32xf32, #tpu.memory_space<vmem>> -> memref<50x32xf32, #tpu.memory_space<vmem>>
      %dma_wait3A_297 = arith.constant 0 : i32
      %dma_wait3A_298 = tpu.memref_slice %arg5[%dma_wait3A_291, %dma_wait3A_297] : memref<16x50xi32, #tpu.memory_space<vmem>> -> memref<1x50xi32, #tpu.memory_space<vmem>>
      %dma_wait3A_299 = tpu.memref_squeeze %dma_wait3A_298 : memref<1x50xi32, #tpu.memory_space<vmem>> -> memref<50xi32, #tpu.memory_space<vmem>>
      %dma_wait3A_300 = arith.constant 0 : i32
      %dma_wait3A_301 = arith.constant 0 : i32
      %dma_wait3A_302 = tpu.memref_slice %arg3[%dma_wait3A_300, %dma_wait3A_301] : memref<1000000x32xf32, #tpu.memory_space<hbm>> -> memref<1000000x32xf32, #tpu.memory_space<hbm>>
      tpu.wait_indirect_dma semaphore(%arg9 : memref<!tpu.dma_semaphore, #tpu.memory_space<semaphore_mem>>) src(%dma_wait3A_302 : memref<1000000x32xf32, #tpu.memory_space<hbm>>) dst(%dma_wait3A_296 : memref<50x32xf32, #tpu.memory_space<vmem>>)
      %dma_wait3A_303 = arith.constant 8 : i32
      %dma_wait3A_304 = arith.constant 8 : i32
      %dma_wait3A_305 = arith.constant 0 : i32
      %dma_wait3A_306 = arith.constant 0 : i32
      %dma_wait3A_307 = tpu.memref_slice %arg7[%dma_wait3A_304, %dma_wait3A_305, %dma_wait3A_306] : memref<16x50x32xf32, #tpu.memory_space<vmem>> -> memref<1x50x32xf32, #tpu.memory_space<vmem>>
      %dma_wait3A_308 = tpu.memref_squeeze %dma_wait3A_307 : memref<1x50x32xf32, #tpu.memory_space<vmem>> -> memref<50x32xf32, #tpu.memory_space<vmem>>
      %dma_wait3A_309 = arith.constant 0 : i32
      %dma_wait3A_310 = tpu.memref_slice %arg5[%dma_wait3A_303, %dma_wait3A_309] : memref<16x50xi32, #tpu.memory_space<vmem>> -> memref<1x50xi32, #tpu.memory_space<vmem>>
      %dma_wait3A_311 = tpu.memref_squeeze %dma_wait3A_310 : memref<1x50xi32, #tpu.memory_space<vmem>> -> memref<50xi32, #tpu.memory_space<vmem>>
      %dma_wait3A_312 = arith.constant 0 : i32
      %dma_wait3A_313 = arith.constant 0 : i32
      %dma_wait3A_314 = tpu.memref_slice %arg3[%dma_wait3A_312, %dma_wait3A_313] : memref<1000000x32xf32, #tpu.memory_space<hbm>> -> memref<1000000x32xf32, #tpu.memory_space<hbm>>
      tpu.wait_indirect_dma semaphore(%arg9 : memref<!tpu.dma_semaphore, #tpu.memory_space<semaphore_mem>>) src(%dma_wait3A_314 : memref<1000000x32xf32, #tpu.memory_space<hbm>>) dst(%dma_wait3A_308 : memref<50x32xf32, #tpu.memory_space<vmem>>)
      %dma_wait3A_315 = arith.constant 9 : i32
      %dma_wait3A_316 = arith.constant 9 : i32
      %dma_wait3A_317 = arith.constant 0 : i32
      %dma_wait3A_318 = arith.constant 0 : i32
      %dma_wait3A_319 = tpu.memref_slice %arg7[%dma_wait3A_316, %dma_wait3A_317, %dma_wait3A_318] : memref<16x50x32xf32, #tpu.memory_space<vmem>> -> memref<1x50x32xf32, #tpu.memory_space<vmem>>
      %dma_wait3A_320 = tpu.memref_squeeze %dma_wait3A_319 : memref<1x50x32xf32, #tpu.memory_space<vmem>> -> memref<50x32xf32, #tpu.memory_space<vmem>>
      %dma_wait3A_321 = arith.constant 0 : i32
      %dma_wait3A_322 = tpu.memref_slice %arg5[%dma_wait3A_315, %dma_wait3A_321] : memref<16x50xi32, #tpu.memory_space<vmem>> -> memref<1x50xi32, #tpu.memory_space<vmem>>
      %dma_wait3A_323 = tpu.memref_squeeze %dma_wait3A_322 : memref<1x50xi32, #tpu.memory_space<vmem>> -> memref<50xi32, #tpu.memory_space<vmem>>
      %dma_wait3A_324 = arith.constant 0 : i32
      %dma_wait3A_325 = arith.constant 0 : i32
      %dma_wait3A_326 = tpu.memref_slice %arg3[%dma_wait3A_324, %dma_wait3A_325] : memref<1000000x32xf32, #tpu.memory_space<hbm>> -> memref<1000000x32xf32, #tpu.memory_space<hbm>>
      tpu.wait_indirect_dma semaphore(%arg9 : memref<!tpu.dma_semaphore, #tpu.memory_space<semaphore_mem>>) src(%dma_wait3A_326 : memref<1000000x32xf32, #tpu.memory_space<hbm>>) dst(%dma_wait3A_320 : memref<50x32xf32, #tpu.memory_space<vmem>>)
      %dma_wait3A_327 = arith.constant 10 : i32
      %dma_wait3A_328 = arith.constant 10 : i32
      %dma_wait3A_329 = arith.constant 0 : i32
      %dma_wait3A_330 = arith.constant 0 : i32
      %dma_wait3A_331 = tpu.memref_slice %arg7[%dma_wait3A_328, %dma_wait3A_329, %dma_wait3A_330] : memref<16x50x32xf32, #tpu.memory_space<vmem>> -> memref<1x50x32xf32, #tpu.memory_space<vmem>>
      %dma_wait3A_332 = tpu.memref_squeeze %dma_wait3A_331 : memref<1x50x32xf32, #tpu.memory_space<vmem>> -> memref<50x32xf32, #tpu.memory_space<vmem>>
      %dma_wait3A_333 = arith.constant 0 : i32
      %dma_wait3A_334 = tpu.memref_slice %arg5[%dma_wait3A_327, %dma_wait3A_333] : memref<16x50xi32, #tpu.memory_space<vmem>> -> memref<1x50xi32, #tpu.memory_space<vmem>>
      %dma_wait3A_335 = tpu.memref_squeeze %dma_wait3A_334 : memref<1x50xi32, #tpu.memory_space<vmem>> -> memref<50xi32, #tpu.memory_space<vmem>>
      %dma_wait3A_336 = arith.constant 0 : i32
      %dma_wait3A_337 = arith.constant 0 : i32
      %dma_wait3A_338 = tpu.memref_slice %arg3[%dma_wait3A_336, %dma_wait3A_337] : memref<1000000x32xf32, #tpu.memory_space<hbm>> -> memref<1000000x32xf32, #tpu.memory_space<hbm>>
      tpu.wait_indirect_dma semaphore(%arg9 : memref<!tpu.dma_semaphore, #tpu.memory_space<semaphore_mem>>) src(%dma_wait3A_338 : memref<1000000x32xf32, #tpu.memory_space<hbm>>) dst(%dma_wait3A_332 : memref<50x32xf32, #tpu.memory_space<vmem>>)
      %dma_wait3A_339 = arith.constant 11 : i32
      %dma_wait3A_340 = arith.constant 11 : i32
      %dma_wait3A_341 = arith.constant 0 : i32
      %dma_wait3A_342 = arith.constant 0 : i32
      %dma_wait3A_343 = tpu.memref_slice %arg7[%dma_wait3A_340, %dma_wait3A_341, %dma_wait3A_342] : memref<16x50x32xf32, #tpu.memory_space<vmem>> -> memref<1x50x32xf32, #tpu.memory_space<vmem>>
      %dma_wait3A_344 = tpu.memref_squeeze %dma_wait3A_343 : memref<1x50x32xf32, #tpu.memory_space<vmem>> -> memref<50x32xf32, #tpu.memory_space<vmem>>
      %dma_wait3A_345 = arith.constant 0 : i32
      %dma_wait3A_346 = tpu.memref_slice %arg5[%dma_wait3A_339, %dma_wait3A_345] : memref<16x50xi32, #tpu.memory_space<vmem>> -> memref<1x50xi32, #tpu.memory_space<vmem>>
      %dma_wait3A_347 = tpu.memref_squeeze %dma_wait3A_346 : memref<1x50xi32, #tpu.memory_space<vmem>> -> memref<50xi32, #tpu.memory_space<vmem>>
      %dma_wait3A_348 = arith.constant 0 : i32
      %dma_wait3A_349 = arith.constant 0 : i32
      %dma_wait3A_350 = tpu.memref_slice %arg3[%dma_wait3A_348, %dma_wait3A_349] : memref<1000000x32xf32, #tpu.memory_space<hbm>> -> memref<1000000x32xf32, #tpu.memory_space<hbm>>
      tpu.wait_indirect_dma semaphore(%arg9 : memref<!tpu.dma_semaphore, #tpu.memory_space<semaphore_mem>>) src(%dma_wait3A_350 : memref<1000000x32xf32, #tpu.memory_space<hbm>>) dst(%dma_wait3A_344 : memref<50x32xf32, #tpu.memory_space<vmem>>)
      %dma_wait3A_351 = arith.constant 12 : i32
      %dma_wait3A_352 = arith.constant 12 : i32
      %dma_wait3A_353 = arith.constant 0 : i32
      %dma_wait3A_354 = arith.constant 0 : i32
      %dma_wait3A_355 = tpu.memref_slice %arg7[%dma_wait3A_352, %dma_wait3A_353, %dma_wait3A_354] : memref<16x50x32xf32, #tpu.memory_space<vmem>> -> memref<1x50x32xf32, #tpu.memory_space<vmem>>
      %dma_wait3A_356 = tpu.memref_squeeze %dma_wait3A_355 : memref<1x50x32xf32, #tpu.memory_space<vmem>> -> memref<50x32xf32, #tpu.memory_space<vmem>>
      %dma_wait3A_357 = arith.constant 0 : i32
      %dma_wait3A_358 = tpu.memref_slice %arg5[%dma_wait3A_351, %dma_wait3A_357] : memref<16x50xi32, #tpu.memory_space<vmem>> -> memref<1x50xi32, #tpu.memory_space<vmem>>
      %dma_wait3A_359 = tpu.memref_squeeze %dma_wait3A_358 : memref<1x50xi32, #tpu.memory_space<vmem>> -> memref<50xi32, #tpu.memory_space<vmem>>
      %dma_wait3A_360 = arith.constant 0 : i32
      %dma_wait3A_361 = arith.constant 0 : i32
      %dma_wait3A_362 = tpu.memref_slice %arg3[%dma_wait3A_360, %dma_wait3A_361] : memref<1000000x32xf32, #tpu.memory_space<hbm>> -> memref<1000000x32xf32, #tpu.memory_space<hbm>>
      tpu.wait_indirect_dma semaphore(%arg9 : memref<!tpu.dma_semaphore, #tpu.memory_space<semaphore_mem>>) src(%dma_wait3A_362 : memref<1000000x32xf32, #tpu.memory_space<hbm>>) dst(%dma_wait3A_356 : memref<50x32xf32, #tpu.memory_space<vmem>>)
      %dma_wait3A_363 = arith.constant 13 : i32
      %dma_wait3A_364 = arith.constant 13 : i32
      %dma_wait3A_365 = arith.constant 0 : i32
      %dma_wait3A_366 = arith.constant 0 : i32
      %dma_wait3A_367 = tpu.memref_slice %arg7[%dma_wait3A_364, %dma_wait3A_365, %dma_wait3A_366] : memref<16x50x32xf32, #tpu.memory_space<vmem>> -> memref<1x50x32xf32, #tpu.memory_space<vmem>>
      %dma_wait3A_368 = tpu.memref_squeeze %dma_wait3A_367 : memref<1x50x32xf32, #tpu.memory_space<vmem>> -> memref<50x32xf32, #tpu.memory_space<vmem>>
      %dma_wait3A_369 = arith.constant 0 : i32
      %dma_wait3A_370 = tpu.memref_slice %arg5[%dma_wait3A_363, %dma_wait3A_369] : memref<16x50xi32, #tpu.memory_space<vmem>> -> memref<1x50xi32, #tpu.memory_space<vmem>>
      %dma_wait3A_371 = tpu.memref_squeeze %dma_wait3A_370 : memref<1x50xi32, #tpu.memory_space<vmem>> -> memref<50xi32, #tpu.memory_space<vmem>>
      %dma_wait3A_372 = arith.constant 0 : i32
      %dma_wait3A_373 = arith.constant 0 : i32
      %dma_wait3A_374 = tpu.memref_slice %arg3[%dma_wait3A_372, %dma_wait3A_373] : memref<1000000x32xf32, #tpu.memory_space<hbm>> -> memref<1000000x32xf32, #tpu.memory_space<hbm>>
      tpu.wait_indirect_dma semaphore(%arg9 : memref<!tpu.dma_semaphore, #tpu.memory_space<semaphore_mem>>) src(%dma_wait3A_374 : memref<1000000x32xf32, #tpu.memory_space<hbm>>) dst(%dma_wait3A_368 : memref<50x32xf32, #tpu.memory_space<vmem>>)
      %dma_wait3A_375 = arith.constant 14 : i32
      %dma_wait3A_376 = arith.constant 14 : i32
      %dma_wait3A_377 = arith.constant 0 : i32
      %dma_wait3A_378 = arith.constant 0 : i32
      %dma_wait3A_379 = tpu.memref_slice %arg7[%dma_wait3A_376, %dma_wait3A_377, %dma_wait3A_378] : memref<16x50x32xf32, #tpu.memory_space<vmem>> -> memref<1x50x32xf32, #tpu.memory_space<vmem>>
      %dma_wait3A_380 = tpu.memref_squeeze %dma_wait3A_379 : memref<1x50x32xf32, #tpu.memory_space<vmem>> -> memref<50x32xf32, #tpu.memory_space<vmem>>
      %dma_wait3A_381 = arith.constant 0 : i32
      %dma_wait3A_382 = tpu.memref_slice %arg5[%dma_wait3A_375, %dma_wait3A_381] : memref<16x50xi32, #tpu.memory_space<vmem>> -> memref<1x50xi32, #tpu.memory_space<vmem>>
      %dma_wait3A_383 = tpu.memref_squeeze %dma_wait3A_382 : memref<1x50xi32, #tpu.memory_space<vmem>> -> memref<50xi32, #tpu.memory_space<vmem>>
      %dma_wait3A_384 = arith.constant 0 : i32
      %dma_wait3A_385 = arith.constant 0 : i32
      %dma_wait3A_386 = tpu.memref_slice %arg3[%dma_wait3A_384, %dma_wait3A_385] : memref<1000000x32xf32, #tpu.memory_space<hbm>> -> memref<1000000x32xf32, #tpu.memory_space<hbm>>
      tpu.wait_indirect_dma semaphore(%arg9 : memref<!tpu.dma_semaphore, #tpu.memory_space<semaphore_mem>>) src(%dma_wait3A_386 : memref<1000000x32xf32, #tpu.memory_space<hbm>>) dst(%dma_wait3A_380 : memref<50x32xf32, #tpu.memory_space<vmem>>)
      %dma_wait3A_387 = arith.constant 15 : i32
      %dma_wait3A_388 = arith.constant 15 : i32
      %dma_wait3A_389 = arith.constant 0 : i32
      %dma_wait3A_390 = arith.constant 0 : i32
      %dma_wait3A_391 = tpu.memref_slice %arg7[%dma_wait3A_388, %dma_wait3A_389, %dma_wait3A_390] : memref<16x50x32xf32, #tpu.memory_space<vmem>> -> memref<1x50x32xf32, #tpu.memory_space<vmem>>
      %dma_wait3A_392 = tpu.memref_squeeze %dma_wait3A_391 : memref<1x50x32xf32, #tpu.memory_space<vmem>> -> memref<50x32xf32, #tpu.memory_space<vmem>>
      %dma_wait3A_393 = arith.constant 0 : i32
      %dma_wait3A_394 = tpu.memref_slice %arg5[%dma_wait3A_387, %dma_wait3A_393] : memref<16x50xi32, #tpu.memory_space<vmem>> -> memref<1x50xi32, #tpu.memory_space<vmem>>
      %dma_wait3A_395 = tpu.memref_squeeze %dma_wait3A_394 : memref<1x50xi32, #tpu.memory_space<vmem>> -> memref<50xi32, #tpu.memory_space<vmem>>
      %dma_wait3A_396 = arith.constant 0 : i32
      %dma_wait3A_397 = arith.constant 0 : i32
      %dma_wait3A_398 = tpu.memref_slice %arg3[%dma_wait3A_396, %dma_wait3A_397] : memref<1000000x32xf32, #tpu.memory_space<hbm>> -> memref<1000000x32xf32, #tpu.memory_space<hbm>>
      tpu.wait_indirect_dma semaphore(%arg9 : memref<!tpu.dma_semaphore, #tpu.memory_space<semaphore_mem>>) src(%dma_wait3A_398 : memref<1000000x32xf32, #tpu.memory_space<hbm>>) dst(%dma_wait3A_392 : memref<50x32xf32, #tpu.memory_space<vmem>>)
      %scan3A_399 = arith.constant 0 : i32
      %scan3A_400 = arith.constant 0 : i32
      %scan3A_401 = arith.constant 16 : i32
      %scan3A_402 = arith.addi %scan3A_400, %scan3A_401 : i32
      %scan3A_403 = arith.constant 1 : i32
      scf.for %scan3A_622 = %scan3A_400 to %scan3A_402 step %scan3A_403  : i32 {
        %get3A = arith.constant 0 : i32
        %get3A_623 = arith.index_cast %scan3A_622 : i32 to index
        %get3A_624 = arith.index_cast %get3A : i32 to index
        %get3A_625 = arith.constant 0 : index
        %get3A_626 = tpu.vector_load %arg7[%get3A_623, %get3A_624, %get3A_625] {strides = array<i32>} : memref<16x50x32xf32, #tpu.memory_space<vmem>>, vector<1x1x16xf32>,
        %get3A_627 = vector.shape_cast %get3A_626 : vector<1x1x16xf32> to vector<16xf32>
        %mul3A_628 = arith.constant 1.000000e-03 : f32
        %mul3A_629 = vector.broadcast %mul3A_628 : f32 to vector<16xf32>
        %mul3A_630 = arith.mulf %get3A_627, %mul3A_629 : vector<16xf32>
        %swap3A = arith.constant 0 : i32
        %swap3A_631 = arith.index_cast %scan3A_622 : i32 to index
        %swap3A_632 = arith.index_cast %swap3A : i32 to index
        %swap3A_633 = arith.constant 0 : index
        %swap3A_634 = tpu.vector_load %arg7[%swap3A_631, %swap3A_632, %swap3A_633] {strides = array<i32>} : memref<16x50x32xf32, #tpu.memory_space<vmem>>, vector<1x1x16xf32>,
        %swap3A_635 = vector.shape_cast %swap3A_634 : vector<1x1x16xf32> to vector<16xf32>
        %swap3A_636 = vector.shape_cast %mul3A_630 : vector<16xf32> to vector<1x1x16xf32>
        tpu.vector_store %arg7[%swap3A_631, %swap3A_632, %swap3A_633], %swap3A_636 {strides = array<i32>} : memref<16x50x32xf32, #tpu.memory_space<vmem>>, vector<1x1x16xf32>,
        %get3A_637 = arith.constant 0 : i32
        %get3A_638 = arith.index_cast %scan3A_622 : i32 to index
        %get3A_639 = arith.index_cast %get3A_637 : i32 to index
        %get3A_640 = arith.constant 16 : index
        %get3A_641 = tpu.vector_load %arg7[%get3A_638, %get3A_639, %get3A_640] {strides = array<i32>} : memref<16x50x32xf32, #tpu.memory_space<vmem>>, vector<1x1x16xf32>,
        %get3A_642 = vector.shape_cast %get3A_641 : vector<1x1x16xf32> to vector<16xf32>
        %mul3A_643 = arith.constant 1.000000e-03 : f32
        %mul3A_644 = vector.broadcast %mul3A_643 : f32 to vector<16xf32>
        %mul3A_645 = arith.mulf %get3A_642, %mul3A_644 : vector<16xf32>
        %swap3A_646 = arith.constant 0 : i32
        %swap3A_647 = arith.index_cast %scan3A_622 : i32 to index
        %swap3A_648 = arith.index_cast %swap3A_646 : i32 to index
        %swap3A_649 = arith.constant 16 : index
        %swap3A_650 = tpu.vector_load %arg7[%swap3A_647, %swap3A_648, %swap3A_649] {strides = array<i32>} : memref<16x50x32xf32, #tpu.memory_space<vmem>>, vector<1x1x16xf32>,
        %swap3A_651 = vector.shape_cast %swap3A_650 : vector<1x1x16xf32> to vector<16xf32>
        %swap3A_652 = vector.shape_cast %mul3A_645 : vector<16xf32> to vector<1x1x16xf32>
        tpu.vector_store %arg7[%swap3A_647, %swap3A_648, %swap3A_649], %swap3A_652 {strides = array<i32>} : memref<16x50x32xf32, #tpu.memory_space<vmem>>, vector<1x1x16xf32>,
        %get3A_653 = arith.constant 1 : i32
        %get3A_654 = arith.index_cast %scan3A_622 : i32 to index
        %get3A_655 = arith.index_cast %get3A_653 : i32 to index
        %get3A_656 = arith.constant 0 : index
        %get3A_657 = tpu.vector_load %arg7[%get3A_654, %get3A_655, %get3A_656] {strides = array<i32>} : memref<16x50x32xf32, #tpu.memory_space<vmem>>, vector<1x1x16xf32>,
        %get3A_658 = vector.shape_cast %get3A_657 : vector<1x1x16xf32> to vector<16xf32>
        %mul3A_659 = arith.constant 1.000000e-03 : f32
        %mul3A_660 = vector.broadcast %mul3A_659 : f32 to vector<16xf32>
        %mul3A_661 = arith.mulf %get3A_658, %mul3A_660 : vector<16xf32>
        %swap3A_662 = arith.constant 1 : i32
        %swap3A_663 = arith.index_cast %scan3A_622 : i32 to index
        %swap3A_664 = arith.index_cast %swap3A_662 : i32 to index
        %swap3A_665 = arith.constant 0 : index
        %swap3A_666 = tpu.vector_load %arg7[%swap3A_663, %swap3A_664, %swap3A_665] {strides = array<i32>} : memref<16x50x32xf32, #tpu.memory_space<vmem>>, vector<1x1x16xf32>,
        %swap3A_667 = vector.shape_cast %swap3A_666 : vector<1x1x16xf32> to vector<16xf32>
        %swap3A_668 = vector.shape_cast %mul3A_661 : vector<16xf32> to vector<1x1x16xf32>
        tpu.vector_store %arg7[%swap3A_663, %swap3A_664, %swap3A_665], %swap3A_668 {strides = array<i32>} : memref<16x50x32xf32, #tpu.memory_space<vmem>>, vector<1x1x16xf32>,
        %get3A_669 = arith.constant 1 : i32
        %get3A_670 = arith.index_cast %scan3A_622 : i32 to index
        %get3A_671 = arith.index_cast %get3A_669 : i32 to index
        %get3A_672 = arith.constant 16 : index
        %get3A_673 = tpu.vector_load %arg7[%get3A_670, %get3A_671, %get3A_672] {strides = array<i32>} : memref<16x50x32xf32, #tpu.memory_space<vmem>>, vector<1x1x16xf32>,
        %get3A_674 = vector.shape_cast %get3A_673 : vector<1x1x16xf32> to vector<16xf32>
        %mul3A_675 = arith.constant 1.000000e-03 : f32
        %mul3A_676 = vector.broadcast %mul3A_675 : f32 to vector<16xf32>
        %mul3A_677 = arith.mulf %get3A_674, %mul3A_676 : vector<16xf32>
        %swap3A_678 = arith.constant 1 : i32
        %swap3A_679 = arith.index_cast %scan3A_622 : i32 to index
        %swap3A_680 = arith.index_cast %swap3A_678 : i32 to index
        %swap3A_681 = arith.constant 16 : index
        %swap3A_682 = tpu.vector_load %arg7[%swap3A_679, %swap3A_680, %swap3A_681] {strides = array<i32>} : memref<16x50x32xf32, #tpu.memory_space<vmem>>, vector<1x1x16xf32>,
        %swap3A_683 = vector.shape_cast %swap3A_682 : vector<1x1x16xf32> to vector<16xf32>
        %swap3A_684 = vector.shape_cast %mul3A_677 : vector<16xf32> to vector<1x1x16xf32>
        tpu.vector_store %arg7[%swap3A_679, %swap3A_680, %swap3A_681], %swap3A_684 {strides = array<i32>} : memref<16x50x32xf32, #tpu.memory_space<vmem>>, vector<1x1x16xf32>,
        %get3A_685 = arith.constant 2 : i32
        %get3A_686 = arith.index_cast %scan3A_622 : i32 to index
        %get3A_687 = arith.index_cast %get3A_685 : i32 to index
        %get3A_688 = arith.constant 0 : index
        %get3A_689 = tpu.vector_load %arg7[%get3A_686, %get3A_687, %get3A_688] {strides = array<i32>} : memref<16x50x32xf32, #tpu.memory_space<vmem>>, vector<1x1x16xf32>,
        %get3A_690 = vector.shape_cast %get3A_689 : vector<1x1x16xf32> to vector<16xf32>
        %mul3A_691 = arith.constant 1.000000e-03 : f32
        %mul3A_692 = vector.broadcast %mul3A_691 : f32 to vector<16xf32>
        %mul3A_693 = arith.mulf %get3A_690, %mul3A_692 : vector<16xf32>
        %swap3A_694 = arith.constant 2 : i32
        %swap3A_695 = arith.index_cast %scan3A_622 : i32 to index
        %swap3A_696 = arith.index_cast %swap3A_694 : i32 to index
        %swap3A_697 = arith.constant 0 : index
        %swap3A_698 = tpu.vector_load %arg7[%swap3A_695, %swap3A_696, %swap3A_697] {strides = array<i32>} : memref<16x50x32xf32, #tpu.memory_space<vmem>>, vector<1x1x16xf32>,
        %swap3A_699 = vector.shape_cast %swap3A_698 : vector<1x1x16xf32> to vector<16xf32>
        %swap3A_700 = vector.shape_cast %mul3A_693 : vector<16xf32> to vector<1x1x16xf32>
        tpu.vector_store %arg7[%swap3A_695, %swap3A_696, %swap3A_697], %swap3A_700 {strides = array<i32>} : memref<16x50x32xf32, #tpu.memory_space<vmem>>, vector<1x1x16xf32>,
        %get3A_701 = arith.constant 2 : i32
        %get3A_702 = arith.index_cast %scan3A_622 : i32 to index
        %get3A_703 = arith.index_cast %get3A_701 : i32 to index
        %get3A_704 = arith.constant 16 : index
        %get3A_705 = tpu.vector_load %arg7[%get3A_702, %get3A_703, %get3A_704] {strides = array<i32>} : memref<16x50x32xf32, #tpu.memory_space<vmem>>, vector<1x1x16xf32>,
        %get3A_706 = vector.shape_cast %get3A_705 : vector<1x1x16xf32> to vector<16xf32>
        %mul3A_707 = arith.constant 1.000000e-03 : f32
        %mul3A_708 = vector.broadcast %mul3A_707 : f32 to vector<16xf32>
        %mul3A_709 = arith.mulf %get3A_706, %mul3A_708 : vector<16xf32>
        %swap3A_710 = arith.constant 2 : i32
        %swap3A_711 = arith.index_cast %scan3A_622 : i32 to index
        %swap3A_712 = arith.index_cast %swap3A_710 : i32 to index
        %swap3A_713 = arith.constant 16 : index
        %swap3A_714 = tpu.vector_load %arg7[%swap3A_711, %swap3A_712, %swap3A_713] {strides = array<i32>} : memref<16x50x32xf32, #tpu.memory_space<vmem>>, vector<1x1x16xf32>,
        %swap3A_715 = vector.shape_cast %swap3A_714 : vector<1x1x16xf32> to vector<16xf32>
        %swap3A_716 = vector.shape_cast %mul3A_709 : vector<16xf32> to vector<1x1x16xf32>
        tpu.vector_store %arg7[%swap3A_711, %swap3A_712, %swap3A_713], %swap3A_716 {strides = array<i32>} : memref<16x50x32xf32, #tpu.memory_space<vmem>>, vector<1x1x16xf32>,
        %get3A_717 = arith.constant 3 : i32
        %get3A_718 = arith.index_cast %scan3A_622 : i32 to index
        %get3A_719 = arith.index_cast %get3A_717 : i32 to index
        %get3A_720 = arith.constant 0 : index
        %get3A_721 = tpu.vector_load %arg7[%get3A_718, %get3A_719, %get3A_720] {strides = array<i32>} : memref<16x50x32xf32, #tpu.memory_space<vmem>>, vector<1x1x16xf32>,
        %get3A_722 = vector.shape_cast %get3A_721 : vector<1x1x16xf32> to vector<16xf32>
        %mul3A_723 = arith.constant 1.000000e-03 : f32
        %mul3A_724 = vector.broadcast %mul3A_723 : f32 to vector<16xf32>
        %mul3A_725 = arith.mulf %get3A_722, %mul3A_724 : vector<16xf32>
        %swap3A_726 = arith.constant 3 : i32
        %swap3A_727 = arith.index_cast %scan3A_622 : i32 to index
        %swap3A_728 = arith.index_cast %swap3A_726 : i32 to index
        %swap3A_729 = arith.constant 0 : index
        %swap3A_730 = tpu.vector_load %arg7[%swap3A_727, %swap3A_728, %swap3A_729] {strides = array<i32>} : memref<16x50x32xf32, #tpu.memory_space<vmem>>, vector<1x1x16xf32>,
        %swap3A_731 = vector.shape_cast %swap3A_730 : vector<1x1x16xf32> to vector<16xf32>
        %swap3A_732 = vector.shape_cast %mul3A_725 : vector<16xf32> to vector<1x1x16xf32>
        tpu.vector_store %arg7[%swap3A_727, %swap3A_728, %swap3A_729], %swap3A_732 {strides = array<i32>} : memref<16x50x32xf32, #tpu.memory_space<vmem>>, vector<1x1x16xf32>,
        %get3A_733 = arith.constant 3 : i32
        %get3A_734 = arith.index_cast %scan3A_622 : i32 to index
        %get3A_735 = arith.index_cast %get3A_733 : i32 to index
        %get3A_736 = arith.constant 16 : index
        %get3A_737 = tpu.vector_load %arg7[%get3A_734, %get3A_735, %get3A_736] {strides = array<i32>} : memref<16x50x32xf32, #tpu.memory_space<vmem>>, vector<1x1x16xf32>,
        %get3A_738 = vector.shape_cast %get3A_737 : vector<1x1x16xf32> to vector<16xf32>
        %mul3A_739 = arith.constant 1.000000e-03 : f32
        %mul3A_740 = vector.broadcast %mul3A_739 : f32 to vector<16xf32>
        %mul3A_741 = arith.mulf %get3A_738, %mul3A_740 : vector<16xf32>
        %swap3A_742 = arith.constant 3 : i32
        %swap3A_743 = arith.index_cast %scan3A_622 : i32 to index
        %swap3A_744 = arith.index_cast %swap3A_742 : i32 to index
        %swap3A_745 = arith.constant 16 : index
        %swap3A_746 = tpu.vector_load %arg7[%swap3A_743, %swap3A_744, %swap3A_745] {strides = array<i32>} : memref<16x50x32xf32, #tpu.memory_space<vmem>>, vector<1x1x16xf32>,
        %swap3A_747 = vector.shape_cast %swap3A_746 : vector<1x1x16xf32> to vector<16xf32>
        %swap3A_748 = vector.shape_cast %mul3A_741 : vector<16xf32> to vector<1x1x16xf32>
        tpu.vector_store %arg7[%swap3A_743, %swap3A_744, %swap3A_745], %swap3A_748 {strides = array<i32>} : memref<16x50x32xf32, #tpu.memory_space<vmem>>, vector<1x1x16xf32>,
        %get3A_749 = arith.constant 4 : i32
        %get3A_750 = arith.index_cast %scan3A_622 : i32 to index
        %get3A_751 = arith.index_cast %get3A_749 : i32 to index
        %get3A_752 = arith.constant 0 : index
        %get3A_753 = tpu.vector_load %arg7[%get3A_750, %get3A_751, %get3A_752] {strides = array<i32>} : memref<16x50x32xf32, #tpu.memory_space<vmem>>, vector<1x1x16xf32>,
        %get3A_754 = vector.shape_cast %get3A_753 : vector<1x1x16xf32> to vector<16xf32>
        %mul3A_755 = arith.constant 1.000000e-03 : f32
        %mul3A_756 = vector.broadcast %mul3A_755 : f32 to vector<16xf32>
        %mul3A_757 = arith.mulf %get3A_754, %mul3A_756 : vector<16xf32>
        %swap3A_758 = arith.constant 4 : i32
        %swap3A_759 = arith.index_cast %scan3A_622 : i32 to index
        %swap3A_760 = arith.index_cast %swap3A_758 : i32 to index
        %swap3A_761 = arith.constant 0 : index
        %swap3A_762 = tpu.vector_load %arg7[%swap3A_759, %swap3A_760, %swap3A_761] {strides = array<i32>} : memref<16x50x32xf32, #tpu.memory_space<vmem>>, vector<1x1x16xf32>,
        %swap3A_763 = vector.shape_cast %swap3A_762 : vector<1x1x16xf32> to vector<16xf32>
        %swap3A_764 = vector.shape_cast %mul3A_757 : vector<16xf32> to vector<1x1x16xf32>
        tpu.vector_store %arg7[%swap3A_759, %swap3A_760, %swap3A_761], %swap3A_764 {strides = array<i32>} : memref<16x50x32xf32, #tpu.memory_space<vmem>>, vector<1x1x16xf32>,
        %get3A_765 = arith.constant 4 : i32
        %get3A_766 = arith.index_cast %scan3A_622 : i32 to index
        %get3A_767 = arith.index_cast %get3A_765 : i32 to index
        %get3A_768 = arith.constant 16 : index
        %get3A_769 = tpu.vector_load %arg7[%get3A_766, %get3A_767, %get3A_768] {strides = array<i32>} : memref<16x50x32xf32, #tpu.memory_space<vmem>>, vector<1x1x16xf32>,
        %get3A_770 = vector.shape_cast %get3A_769 : vector<1x1x16xf32> to vector<16xf32>
        %mul3A_771 = arith.constant 1.000000e-03 : f32
        %mul3A_772 = vector.broadcast %mul3A_771 : f32 to vector<16xf32>
        %mul3A_773 = arith.mulf %get3A_770, %mul3A_772 : vector<16xf32>
        %swap3A_774 = arith.constant 4 : i32
        %swap3A_775 = arith.index_cast %scan3A_622 : i32 to index
        %swap3A_776 = arith.index_cast %swap3A_774 : i32 to index
        %swap3A_777 = arith.constant 16 : index
        %swap3A_778 = tpu.vector_load %arg7[%swap3A_775, %swap3A_776, %swap3A_777] {strides = array<i32>} : memref<16x50x32xf32, #tpu.memory_space<vmem>>, vector<1x1x16xf32>,
        %swap3A_779 = vector.shape_cast %swap3A_778 : vector<1x1x16xf32> to vector<16xf32>
        %swap3A_780 = vector.shape_cast %mul3A_773 : vector<16xf32> to vector<1x1x16xf32>
        tpu.vector_store %arg7[%swap3A_775, %swap3A_776, %swap3A_777], %swap3A_780 {strides = array<i32>} : memref<16x50x32xf32, #tpu.memory_space<vmem>>, vector<1x1x16xf32>,
        %get3A_781 = arith.constant 5 : i32
        %get3A_782 = arith.index_cast %scan3A_622 : i32 to index
        %get3A_783 = arith.index_cast %get3A_781 : i32 to index
        %get3A_784 = arith.constant 0 : index
        %get3A_785 = tpu.vector_load %arg7[%get3A_782, %get3A_783, %get3A_784] {strides = array<i32>} : memref<16x50x32xf32, #tpu.memory_space<vmem>>, vector<1x1x16xf32>,
        %get3A_786 = vector.shape_cast %get3A_785 : vector<1x1x16xf32> to vector<16xf32>
        %mul3A_787 = arith.constant 1.000000e-03 : f32
        %mul3A_788 = vector.broadcast %mul3A_787 : f32 to vector<16xf32>
        %mul3A_789 = arith.mulf %get3A_786, %mul3A_788 : vector<16xf32>
        %swap3A_790 = arith.constant 5 : i32
        %swap3A_791 = arith.index_cast %scan3A_622 : i32 to index
        %swap3A_792 = arith.index_cast %swap3A_790 : i32 to index
        %swap3A_793 = arith.constant 0 : index
        %swap3A_794 = tpu.vector_load %arg7[%swap3A_791, %swap3A_792, %swap3A_793] {strides = array<i32>} : memref<16x50x32xf32, #tpu.memory_space<vmem>>, vector<1x1x16xf32>,
        %swap3A_795 = vector.shape_cast %swap3A_794 : vector<1x1x16xf32> to vector<16xf32>
        %swap3A_796 = vector.shape_cast %mul3A_789 : vector<16xf32> to vector<1x1x16xf32>
        tpu.vector_store %arg7[%swap3A_791, %swap3A_792, %swap3A_793], %swap3A_796 {strides = array<i32>} : memref<16x50x32xf32, #tpu.memory_space<vmem>>, vector<1x1x16xf32>,
        %get3A_797 = arith.constant 5 : i32
        %get3A_798 = arith.index_cast %scan3A_622 : i32 to index
        %get3A_799 = arith.index_cast %get3A_797 : i32 to index
        %get3A_800 = arith.constant 16 : index
        %get3A_801 = tpu.vector_load %arg7[%get3A_798, %get3A_799, %get3A_800] {strides = array<i32>} : memref<16x50x32xf32, #tpu.memory_space<vmem>>, vector<1x1x16xf32>,
        %get3A_802 = vector.shape_cast %get3A_801 : vector<1x1x16xf32> to vector<16xf32>
        %mul3A_803 = arith.constant 1.000000e-03 : f32
        %mul3A_804 = vector.broadcast %mul3A_803 : f32 to vector<16xf32>
        %mul3A_805 = arith.mulf %get3A_802, %mul3A_804 : vector<16xf32>
        %swap3A_806 = arith.constant 5 : i32
        %swap3A_807 = arith.index_cast %scan3A_622 : i32 to index
        %swap3A_808 = arith.index_cast %swap3A_806 : i32 to index
        %swap3A_809 = arith.constant 16 : index
        %swap3A_810 = tpu.vector_load %arg7[%swap3A_807, %swap3A_808, %swap3A_809] {strides = array<i32>} : memref<16x50x32xf32, #tpu.memory_space<vmem>>, vector<1x1x16xf32>,
        %swap3A_811 = vector.shape_cast %swap3A_810 : vector<1x1x16xf32> to vector<16xf32>
        %swap3A_812 = vector.shape_cast %mul3A_805 : vector<16xf32> to vector<1x1x16xf32>
        tpu.vector_store %arg7[%swap3A_807, %swap3A_808, %swap3A_809], %swap3A_812 {strides = array<i32>} : memref<16x50x32xf32, #tpu.memory_space<vmem>>, vector<1x1x16xf32>,
        %get3A_813 = arith.constant 6 : i32
        %get3A_814 = arith.index_cast %scan3A_622 : i32 to index
        %get3A_815 = arith.index_cast %get3A_813 : i32 to index
        %get3A_816 = arith.constant 0 : index
        %get3A_817 = tpu.vector_load %arg7[%get3A_814, %get3A_815, %get3A_816] {strides = array<i32>} : memref<16x50x32xf32, #tpu.memory_space<vmem>>, vector<1x1x16xf32>,
        %get3A_818 = vector.shape_cast %get3A_817 : vector<1x1x16xf32> to vector<16xf32>
        %mul3A_819 = arith.constant 1.000000e-03 : f32
        %mul3A_820 = vector.broadcast %mul3A_819 : f32 to vector<16xf32>
        %mul3A_821 = arith.mulf %get3A_818, %mul3A_820 : vector<16xf32>
        %swap3A_822 = arith.constant 6 : i32
        %swap3A_823 = arith.index_cast %scan3A_622 : i32 to index
        %swap3A_824 = arith.index_cast %swap3A_822 : i32 to index
        %swap3A_825 = arith.constant 0 : index
        %swap3A_826 = tpu.vector_load %arg7[%swap3A_823, %swap3A_824, %swap3A_825] {strides = array<i32>} : memref<16x50x32xf32, #tpu.memory_space<vmem>>, vector<1x1x16xf32>,
        %swap3A_827 = vector.shape_cast %swap3A_826 : vector<1x1x16xf32> to vector<16xf32>
        %swap3A_828 = vector.shape_cast %mul3A_821 : vector<16xf32> to vector<1x1x16xf32>
        tpu.vector_store %arg7[%swap3A_823, %swap3A_824, %swap3A_825], %swap3A_828 {strides = array<i32>} : memref<16x50x32xf32, #tpu.memory_space<vmem>>, vector<1x1x16xf32>,
        %get3A_829 = arith.constant 6 : i32
        %get3A_830 = arith.index_cast %scan3A_622 : i32 to index
        %get3A_831 = arith.index_cast %get3A_829 : i32 to index
        %get3A_832 = arith.constant 16 : index
        %get3A_833 = tpu.vector_load %arg7[%get3A_830, %get3A_831, %get3A_832] {strides = array<i32>} : memref<16x50x32xf32, #tpu.memory_space<vmem>>, vector<1x1x16xf32>,
        %get3A_834 = vector.shape_cast %get3A_833 : vector<1x1x16xf32> to vector<16xf32>
        %mul3A_835 = arith.constant 1.000000e-03 : f32
        %mul3A_836 = vector.broadcast %mul3A_835 : f32 to vector<16xf32>
        %mul3A_837 = arith.mulf %get3A_834, %mul3A_836 : vector<16xf32>
        %swap3A_838 = arith.constant 6 : i32
        %swap3A_839 = arith.index_cast %scan3A_622 : i32 to index
        %swap3A_840 = arith.index_cast %swap3A_838 : i32 to index
        %swap3A_841 = arith.constant 16 : index
        %swap3A_842 = tpu.vector_load %arg7[%swap3A_839, %swap3A_840, %swap3A_841] {strides = array<i32>} : memref<16x50x32xf32, #tpu.memory_space<vmem>>, vector<1x1x16xf32>,
        %swap3A_843 = vector.shape_cast %swap3A_842 : vector<1x1x16xf32> to vector<16xf32>
        %swap3A_844 = vector.shape_cast %mul3A_837 : vector<16xf32> to vector<1x1x16xf32>
        tpu.vector_store %arg7[%swap3A_839, %swap3A_840, %swap3A_841], %swap3A_844 {strides = array<i32>} : memref<16x50x32xf32, #tpu.memory_space<vmem>>, vector<1x1x16xf32>,
        %get3A_845 = arith.constant 7 : i32
        %get3A_846 = arith.index_cast %scan3A_622 : i32 to index
        %get3A_847 = arith.index_cast %get3A_845 : i32 to index
        %get3A_848 = arith.constant 0 : index
        %get3A_849 = tpu.vector_load %arg7[%get3A_846, %get3A_847, %get3A_848] {strides = array<i32>} : memref<16x50x32xf32, #tpu.memory_space<vmem>>, vector<1x1x16xf32>,
        %get3A_850 = vector.shape_cast %get3A_849 : vector<1x1x16xf32> to vector<16xf32>
        %mul3A_851 = arith.constant 1.000000e-03 : f32
        %mul3A_852 = vector.broadcast %mul3A_851 : f32 to vector<16xf32>
        %mul3A_853 = arith.mulf %get3A_850, %mul3A_852 : vector<16xf32>
        %swap3A_854 = arith.constant 7 : i32
        %swap3A_855 = arith.index_cast %scan3A_622 : i32 to index
        %swap3A_856 = arith.index_cast %swap3A_854 : i32 to index
        %swap3A_857 = arith.constant 0 : index
        %swap3A_858 = tpu.vector_load %arg7[%swap3A_855, %swap3A_856, %swap3A_857] {strides = array<i32>} : memref<16x50x32xf32, #tpu.memory_space<vmem>>, vector<1x1x16xf32>,
        %swap3A_859 = vector.shape_cast %swap3A_858 : vector<1x1x16xf32> to vector<16xf32>
        %swap3A_860 = vector.shape_cast %mul3A_853 : vector<16xf32> to vector<1x1x16xf32>
        tpu.vector_store %arg7[%swap3A_855, %swap3A_856, %swap3A_857], %swap3A_860 {strides = array<i32>} : memref<16x50x32xf32, #tpu.memory_space<vmem>>, vector<1x1x16xf32>,
        %get3A_861 = arith.constant 7 : i32
        %get3A_862 = arith.index_cast %scan3A_622 : i32 to index
        %get3A_863 = arith.index_cast %get3A_861 : i32 to index
        %get3A_864 = arith.constant 16 : index
        %get3A_865 = tpu.vector_load %arg7[%get3A_862, %get3A_863, %get3A_864] {strides = array<i32>} : memref<16x50x32xf32, #tpu.memory_space<vmem>>, vector<1x1x16xf32>,
        %get3A_866 = vector.shape_cast %get3A_865 : vector<1x1x16xf32> to vector<16xf32>
        %mul3A_867 = arith.constant 1.000000e-03 : f32
        %mul3A_868 = vector.broadcast %mul3A_867 : f32 to vector<16xf32>
        %mul3A_869 = arith.mulf %get3A_866, %mul3A_868 : vector<16xf32>
        %swap3A_870 = arith.constant 7 : i32
        %swap3A_871 = arith.index_cast %scan3A_622 : i32 to index
        %swap3A_872 = arith.index_cast %swap3A_870 : i32 to index
        %swap3A_873 = arith.constant 16 : index
        %swap3A_874 = tpu.vector_load %arg7[%swap3A_871, %swap3A_872, %swap3A_873] {strides = array<i32>} : memref<16x50x32xf32, #tpu.memory_space<vmem>>, vector<1x1x16xf32>,
        %swap3A_875 = vector.shape_cast %swap3A_874 : vector<1x1x16xf32> to vector<16xf32>
        %swap3A_876 = vector.shape_cast %mul3A_869 : vector<16xf32> to vector<1x1x16xf32>
        tpu.vector_store %arg7[%swap3A_871, %swap3A_872, %swap3A_873], %swap3A_876 {strides = array<i32>} : memref<16x50x32xf32, #tpu.memory_space<vmem>>, vector<1x1x16xf32>,
        %get3A_877 = arith.constant 8 : i32
        %get3A_878 = arith.index_cast %scan3A_622 : i32 to index
        %get3A_879 = arith.index_cast %get3A_877 : i32 to index
        %get3A_880 = arith.constant 0 : index
        %get3A_881 = tpu.vector_load %arg7[%get3A_878, %get3A_879, %get3A_880] {strides = array<i32>} : memref<16x50x32xf32, #tpu.memory_space<vmem>>, vector<1x1x16xf32>,
        %get3A_882 = vector.shape_cast %get3A_881 : vector<1x1x16xf32> to vector<16xf32>
        %mul3A_883 = arith.constant 1.000000e-03 : f32
        %mul3A_884 = vector.broadcast %mul3A_883 : f32 to vector<16xf32>
        %mul3A_885 = arith.mulf %get3A_882, %mul3A_884 : vector<16xf32>
        %swap3A_886 = arith.constant 8 : i32
        %swap3A_887 = arith.index_cast %scan3A_622 : i32 to index
        %swap3A_888 = arith.index_cast %swap3A_886 : i32 to index
        %swap3A_889 = arith.constant 0 : index
        %swap3A_890 = tpu.vector_load %arg7[%swap3A_887, %swap3A_888, %swap3A_889] {strides = array<i32>} : memref<16x50x32xf32, #tpu.memory_space<vmem>>, vector<1x1x16xf32>,
        %swap3A_891 = vector.shape_cast %swap3A_890 : vector<1x1x16xf32> to vector<16xf32>
        %swap3A_892 = vector.shape_cast %mul3A_885 : vector<16xf32> to vector<1x1x16xf32>
        tpu.vector_store %arg7[%swap3A_887, %swap3A_888, %swap3A_889], %swap3A_892 {strides = array<i32>} : memref<16x50x32xf32, #tpu.memory_space<vmem>>, vector<1x1x16xf32>,
        %get3A_893 = arith.constant 8 : i32
        %get3A_894 = arith.index_cast %scan3A_622 : i32 to index
        %get3A_895 = arith.index_cast %get3A_893 : i32 to index
        %get3A_896 = arith.constant 16 : index
        %get3A_897 = tpu.vector_load %arg7[%get3A_894, %get3A_895, %get3A_896] {strides = array<i32>} : memref<16x50x32xf32, #tpu.memory_space<vmem>>, vector<1x1x16xf32>,
        %get3A_898 = vector.shape_cast %get3A_897 : vector<1x1x16xf32> to vector<16xf32>
        %mul3A_899 = arith.constant 1.000000e-03 : f32
        %mul3A_900 = vector.broadcast %mul3A_899 : f32 to vector<16xf32>
        %mul3A_901 = arith.mulf %get3A_898, %mul3A_900 : vector<16xf32>
        %swap3A_902 = arith.constant 8 : i32
        %swap3A_903 = arith.index_cast %scan3A_622 : i32 to index
        %swap3A_904 = arith.index_cast %swap3A_902 : i32 to index
        %swap3A_905 = arith.constant 16 : index
        %swap3A_906 = tpu.vector_load %arg7[%swap3A_903, %swap3A_904, %swap3A_905] {strides = array<i32>} : memref<16x50x32xf32, #tpu.memory_space<vmem>>, vector<1x1x16xf32>,
        %swap3A_907 = vector.shape_cast %swap3A_906 : vector<1x1x16xf32> to vector<16xf32>
        %swap3A_908 = vector.shape_cast %mul3A_901 : vector<16xf32> to vector<1x1x16xf32>
        tpu.vector_store %arg7[%swap3A_903, %swap3A_904, %swap3A_905], %swap3A_908 {strides = array<i32>} : memref<16x50x32xf32, #tpu.memory_space<vmem>>, vector<1x1x16xf32>,
        %get3A_909 = arith.constant 9 : i32
        %get3A_910 = arith.index_cast %scan3A_622 : i32 to index
        %get3A_911 = arith.index_cast %get3A_909 : i32 to index
        %get3A_912 = arith.constant 0 : index
        %get3A_913 = tpu.vector_load %arg7[%get3A_910, %get3A_911, %get3A_912] {strides = array<i32>} : memref<16x50x32xf32, #tpu.memory_space<vmem>>, vector<1x1x16xf32>,
        %get3A_914 = vector.shape_cast %get3A_913 : vector<1x1x16xf32> to vector<16xf32>
        %mul3A_915 = arith.constant 1.000000e-03 : f32
        %mul3A_916 = vector.broadcast %mul3A_915 : f32 to vector<16xf32>
        %mul3A_917 = arith.mulf %get3A_914, %mul3A_916 : vector<16xf32>
        %swap3A_918 = arith.constant 9 : i32
        %swap3A_919 = arith.index_cast %scan3A_622 : i32 to index
        %swap3A_920 = arith.index_cast %swap3A_918 : i32 to index
        %swap3A_921 = arith.constant 0 : index
        %swap3A_922 = tpu.vector_load %arg7[%swap3A_919, %swap3A_920, %swap3A_921] {strides = array<i32>} : memref<16x50x32xf32, #tpu.memory_space<vmem>>, vector<1x1x16xf32>,
        %swap3A_923 = vector.shape_cast %swap3A_922 : vector<1x1x16xf32> to vector<16xf32>
        %swap3A_924 = vector.shape_cast %mul3A_917 : vector<16xf32> to vector<1x1x16xf32>
        tpu.vector_store %arg7[%swap3A_919, %swap3A_920, %swap3A_921], %swap3A_924 {strides = array<i32>} : memref<16x50x32xf32, #tpu.memory_space<vmem>>, vector<1x1x16xf32>,
        %get3A_925 = arith.constant 9 : i32
        %get3A_926 = arith.index_cast %scan3A_622 : i32 to index
        %get3A_927 = arith.index_cast %get3A_925 : i32 to index
        %get3A_928 = arith.constant 16 : index
        %get3A_929 = tpu.vector_load %arg7[%get3A_926, %get3A_927, %get3A_928] {strides = array<i32>} : memref<16x50x32xf32, #tpu.memory_space<vmem>>, vector<1x1x16xf32>,
        %get3A_930 = vector.shape_cast %get3A_929 : vector<1x1x16xf32> to vector<16xf32>
        %mul3A_931 = arith.constant 1.000000e-03 : f32
        %mul3A_932 = vector.broadcast %mul3A_931 : f32 to vector<16xf32>
        %mul3A_933 = arith.mulf %get3A_930, %mul3A_932 : vector<16xf32>
        %swap3A_934 = arith.constant 9 : i32
        %swap3A_935 = arith.index_cast %scan3A_622 : i32 to index
        %swap3A_936 = arith.index_cast %swap3A_934 : i32 to index
        %swap3A_937 = arith.constant 16 : index
        %swap3A_938 = tpu.vector_load %arg7[%swap3A_935, %swap3A_936, %swap3A_937] {strides = array<i32>} : memref<16x50x32xf32, #tpu.memory_space<vmem>>, vector<1x1x16xf32>,
        %swap3A_939 = vector.shape_cast %swap3A_938 : vector<1x1x16xf32> to vector<16xf32>
        %swap3A_940 = vector.shape_cast %mul3A_933 : vector<16xf32> to vector<1x1x16xf32>
        tpu.vector_store %arg7[%swap3A_935, %swap3A_936, %swap3A_937], %swap3A_940 {strides = array<i32>} : memref<16x50x32xf32, #tpu.memory_space<vmem>>, vector<1x1x16xf32>,
        %get3A_941 = arith.constant 10 : i32
        %get3A_942 = arith.index_cast %scan3A_622 : i32 to index
        %get3A_943 = arith.index_cast %get3A_941 : i32 to index
        %get3A_944 = arith.constant 0 : index
        %get3A_945 = tpu.vector_load %arg7[%get3A_942, %get3A_943, %get3A_944] {strides = array<i32>} : memref<16x50x32xf32, #tpu.memory_space<vmem>>, vector<1x1x16xf32>,
        %get3A_946 = vector.shape_cast %get3A_945 : vector<1x1x16xf32> to vector<16xf32>
        %mul3A_947 = arith.constant 1.000000e-03 : f32
        %mul3A_948 = vector.broadcast %mul3A_947 : f32 to vector<16xf32>
        %mul3A_949 = arith.mulf %get3A_946, %mul3A_948 : vector<16xf32>
        %swap3A_950 = arith.constant 10 : i32
        %swap3A_951 = arith.index_cast %scan3A_622 : i32 to index
        %swap3A_952 = arith.index_cast %swap3A_950 : i32 to index
        %swap3A_953 = arith.constant 0 : index
        %swap3A_954 = tpu.vector_load %arg7[%swap3A_951, %swap3A_952, %swap3A_953] {strides = array<i32>} : memref<16x50x32xf32, #tpu.memory_space<vmem>>, vector<1x1x16xf32>,
        %swap3A_955 = vector.shape_cast %swap3A_954 : vector<1x1x16xf32> to vector<16xf32>
        %swap3A_956 = vector.shape_cast %mul3A_949 : vector<16xf32> to vector<1x1x16xf32>
        tpu.vector_store %arg7[%swap3A_951, %swap3A_952, %swap3A_953], %swap3A_956 {strides = array<i32>} : memref<16x50x32xf32, #tpu.memory_space<vmem>>, vector<1x1x16xf32>,
        %get3A_957 = arith.constant 10 : i32
        %get3A_958 = arith.index_cast %scan3A_622 : i32 to index
        %get3A_959 = arith.index_cast %get3A_957 : i32 to index
        %get3A_960 = arith.constant 16 : index
        %get3A_961 = tpu.vector_load %arg7[%get3A_958, %get3A_959, %get3A_960] {strides = array<i32>} : memref<16x50x32xf32, #tpu.memory_space<vmem>>, vector<1x1x16xf32>,
        %get3A_962 = vector.shape_cast %get3A_961 : vector<1x1x16xf32> to vector<16xf32>
        %mul3A_963 = arith.constant 1.000000e-03 : f32
        %mul3A_964 = vector.broadcast %mul3A_963 : f32 to vector<16xf32>
        %mul3A_965 = arith.mulf %get3A_962, %mul3A_964 : vector<16xf32>
        %swap3A_966 = arith.constant 10 : i32
        %swap3A_967 = arith.index_cast %scan3A_622 : i32 to index
        %swap3A_968 = arith.index_cast %swap3A_966 : i32 to index
        %swap3A_969 = arith.constant 16 : index
        %swap3A_970 = tpu.vector_load %arg7[%swap3A_967, %swap3A_968, %swap3A_969] {strides = array<i32>} : memref<16x50x32xf32, #tpu.memory_space<vmem>>, vector<1x1x16xf32>,
        %swap3A_971 = vector.shape_cast %swap3A_970 : vector<1x1x16xf32> to vector<16xf32>
        %swap3A_972 = vector.shape_cast %mul3A_965 : vector<16xf32> to vector<1x1x16xf32>
        tpu.vector_store %arg7[%swap3A_967, %swap3A_968, %swap3A_969], %swap3A_972 {strides = array<i32>} : memref<16x50x32xf32, #tpu.memory_space<vmem>>, vector<1x1x16xf32>,
        %get3A_973 = arith.constant 11 : i32
        %get3A_974 = arith.index_cast %scan3A_622 : i32 to index
        %get3A_975 = arith.index_cast %get3A_973 : i32 to index
        %get3A_976 = arith.constant 0 : index
        %get3A_977 = tpu.vector_load %arg7[%get3A_974, %get3A_975, %get3A_976] {strides = array<i32>} : memref<16x50x32xf32, #tpu.memory_space<vmem>>, vector<1x1x16xf32>,
        %get3A_978 = vector.shape_cast %get3A_977 : vector<1x1x16xf32> to vector<16xf32>
        %mul3A_979 = arith.constant 1.000000e-03 : f32
        %mul3A_980 = vector.broadcast %mul3A_979 : f32 to vector<16xf32>
        %mul3A_981 = arith.mulf %get3A_978, %mul3A_980 : vector<16xf32>
        %swap3A_982 = arith.constant 11 : i32
        %swap3A_983 = arith.index_cast %scan3A_622 : i32 to index
        %swap3A_984 = arith.index_cast %swap3A_982 : i32 to index
        %swap3A_985 = arith.constant 0 : index
        %swap3A_986 = tpu.vector_load %arg7[%swap3A_983, %swap3A_984, %swap3A_985] {strides = array<i32>} : memref<16x50x32xf32, #tpu.memory_space<vmem>>, vector<1x1x16xf32>,
        %swap3A_987 = vector.shape_cast %swap3A_986 : vector<1x1x16xf32> to vector<16xf32>
        %swap3A_988 = vector.shape_cast %mul3A_981 : vector<16xf32> to vector<1x1x16xf32>
        tpu.vector_store %arg7[%swap3A_983, %swap3A_984, %swap3A_985], %swap3A_988 {strides = array<i32>} : memref<16x50x32xf32, #tpu.memory_space<vmem>>, vector<1x1x16xf32>,
        %get3A_989 = arith.constant 11 : i32
        %get3A_990 = arith.index_cast %scan3A_622 : i32 to index
        %get3A_991 = arith.index_cast %get3A_989 : i32 to index
        %get3A_992 = arith.constant 16 : index
        %get3A_993 = tpu.vector_load %arg7[%get3A_990, %get3A_991, %get3A_992] {strides = array<i32>} : memref<16x50x32xf32, #tpu.memory_space<vmem>>, vector<1x1x16xf32>,
        %get3A_994 = vector.shape_cast %get3A_993 : vector<1x1x16xf32> to vector<16xf32>
        %mul3A_995 = arith.constant 1.000000e-03 : f32
        %mul3A_996 = vector.broadcast %mul3A_995 : f32 to vector<16xf32>
        %mul3A_997 = arith.mulf %get3A_994, %mul3A_996 : vector<16xf32>
        %swap3A_998 = arith.constant 11 : i32
        %swap3A_999 = arith.index_cast %scan3A_622 : i32 to index
        %swap3A_1000 = arith.index_cast %swap3A_998 : i32 to index
        %swap3A_1001 = arith.constant 16 : index
        %swap3A_1002 = tpu.vector_load %arg7[%swap3A_999, %swap3A_1000, %swap3A_1001] {strides = array<i32>} : memref<16x50x32xf32, #tpu.memory_space<vmem>>, vector<1x1x16xf32>,
        %swap3A_1003 = vector.shape_cast %swap3A_1002 : vector<1x1x16xf32> to vector<16xf32>
        %swap3A_1004 = vector.shape_cast %mul3A_997 : vector<16xf32> to vector<1x1x16xf32>
        tpu.vector_store %arg7[%swap3A_999, %swap3A_1000, %swap3A_1001], %swap3A_1004 {strides = array<i32>} : memref<16x50x32xf32, #tpu.memory_space<vmem>>, vector<1x1x16xf32>,
        %get3A_1005 = arith.constant 12 : i32
        %get3A_1006 = arith.index_cast %scan3A_622 : i32 to index
        %get3A_1007 = arith.index_cast %get3A_1005 : i32 to index
        %get3A_1008 = arith.constant 0 : index
        %get3A_1009 = tpu.vector_load %arg7[%get3A_1006, %get3A_1007, %get3A_1008] {strides = array<i32>} : memref<16x50x32xf32, #tpu.memory_space<vmem>>, vector<1x1x16xf32>,
        %get3A_1010 = vector.shape_cast %get3A_1009 : vector<1x1x16xf32> to vector<16xf32>
        %mul3A_1011 = arith.constant 1.000000e-03 : f32
        %mul3A_1012 = vector.broadcast %mul3A_1011 : f32 to vector<16xf32>
        %mul3A_1013 = arith.mulf %get3A_1010, %mul3A_1012 : vector<16xf32>
        %swap3A_1014 = arith.constant 12 : i32
        %swap3A_1015 = arith.index_cast %scan3A_622 : i32 to index
        %swap3A_1016 = arith.index_cast %swap3A_1014 : i32 to index
        %swap3A_1017 = arith.constant 0 : index
        %swap3A_1018 = tpu.vector_load %arg7[%swap3A_1015, %swap3A_1016, %swap3A_1017] {strides = array<i32>} : memref<16x50x32xf32, #tpu.memory_space<vmem>>, vector<1x1x16xf32>,
        %swap3A_1019 = vector.shape_cast %swap3A_1018 : vector<1x1x16xf32> to vector<16xf32>
        %swap3A_1020 = vector.shape_cast %mul3A_1013 : vector<16xf32> to vector<1x1x16xf32>
        tpu.vector_store %arg7[%swap3A_1015, %swap3A_1016, %swap3A_1017], %swap3A_1020 {strides = array<i32>} : memref<16x50x32xf32, #tpu.memory_space<vmem>>, vector<1x1x16xf32>,
        %get3A_1021 = arith.constant 12 : i32
        %get3A_1022 = arith.index_cast %scan3A_622 : i32 to index
        %get3A_1023 = arith.index_cast %get3A_1021 : i32 to index
        %get3A_1024 = arith.constant 16 : index
        %get3A_1025 = tpu.vector_load %arg7[%get3A_1022, %get3A_1023, %get3A_1024] {strides = array<i32>} : memref<16x50x32xf32, #tpu.memory_space<vmem>>, vector<1x1x16xf32>,
        %get3A_1026 = vector.shape_cast %get3A_1025 : vector<1x1x16xf32> to vector<16xf32>
        %mul3A_1027 = arith.constant 1.000000e-03 : f32
        %mul3A_1028 = vector.broadcast %mul3A_1027 : f32 to vector<16xf32>
        %mul3A_1029 = arith.mulf %get3A_1026, %mul3A_1028 : vector<16xf32>
        %swap3A_1030 = arith.constant 12 : i32
        %swap3A_1031 = arith.index_cast %scan3A_622 : i32 to index
        %swap3A_1032 = arith.index_cast %swap3A_1030 : i32 to index
        %swap3A_1033 = arith.constant 16 : index
        %swap3A_1034 = tpu.vector_load %arg7[%swap3A_1031, %swap3A_1032, %swap3A_1033] {strides = array<i32>} : memref<16x50x32xf32, #tpu.memory_space<vmem>>, vector<1x1x16xf32>,
        %swap3A_1035 = vector.shape_cast %swap3A_1034 : vector<1x1x16xf32> to vector<16xf32>
        %swap3A_1036 = vector.shape_cast %mul3A_1029 : vector<16xf32> to vector<1x1x16xf32>
        tpu.vector_store %arg7[%swap3A_1031, %swap3A_1032, %swap3A_1033], %swap3A_1036 {strides = array<i32>} : memref<16x50x32xf32, #tpu.memory_space<vmem>>, vector<1x1x16xf32>,
        %get3A_1037 = arith.constant 13 : i32
        %get3A_1038 = arith.index_cast %scan3A_622 : i32 to index
        %get3A_1039 = arith.index_cast %get3A_1037 : i32 to index
        %get3A_1040 = arith.constant 0 : index
        %get3A_1041 = tpu.vector_load %arg7[%get3A_1038, %get3A_1039, %get3A_1040] {strides = array<i32>} : memref<16x50x32xf32, #tpu.memory_space<vmem>>, vector<1x1x16xf32>,
        %get3A_1042 = vector.shape_cast %get3A_1041 : vector<1x1x16xf32> to vector<16xf32>
        %mul3A_1043 = arith.constant 1.000000e-03 : f32
        %mul3A_1044 = vector.broadcast %mul3A_1043 : f32 to vector<16xf32>
        %mul3A_1045 = arith.mulf %get3A_1042, %mul3A_1044 : vector<16xf32>
        %swap3A_1046 = arith.constant 13 : i32
        %swap3A_1047 = arith.index_cast %scan3A_622 : i32 to index
        %swap3A_1048 = arith.index_cast %swap3A_1046 : i32 to index
        %swap3A_1049 = arith.constant 0 : index
        %swap3A_1050 = tpu.vector_load %arg7[%swap3A_1047, %swap3A_1048, %swap3A_1049] {strides = array<i32>} : memref<16x50x32xf32, #tpu.memory_space<vmem>>, vector<1x1x16xf32>,
        %swap3A_1051 = vector.shape_cast %swap3A_1050 : vector<1x1x16xf32> to vector<16xf32>
        %swap3A_1052 = vector.shape_cast %mul3A_1045 : vector<16xf32> to vector<1x1x16xf32>
        tpu.vector_store %arg7[%swap3A_1047, %swap3A_1048, %swap3A_1049], %swap3A_1052 {strides = array<i32>} : memref<16x50x32xf32, #tpu.memory_space<vmem>>, vector<1x1x16xf32>,
        %get3A_1053 = arith.constant 13 : i32
        %get3A_1054 = arith.index_cast %scan3A_622 : i32 to index
        %get3A_1055 = arith.index_cast %get3A_1053 : i32 to index
        %get3A_1056 = arith.constant 16 : index
        %get3A_1057 = tpu.vector_load %arg7[%get3A_1054, %get3A_1055, %get3A_1056] {strides = array<i32>} : memref<16x50x32xf32, #tpu.memory_space<vmem>>, vector<1x1x16xf32>,
        %get3A_1058 = vector.shape_cast %get3A_1057 : vector<1x1x16xf32> to vector<16xf32>
        %mul3A_1059 = arith.constant 1.000000e-03 : f32
        %mul3A_1060 = vector.broadcast %mul3A_1059 : f32 to vector<16xf32>
        %mul3A_1061 = arith.mulf %get3A_1058, %mul3A_1060 : vector<16xf32>
        %swap3A_1062 = arith.constant 13 : i32
        %swap3A_1063 = arith.index_cast %scan3A_622 : i32 to index
        %swap3A_1064 = arith.index_cast %swap3A_1062 : i32 to index
        %swap3A_1065 = arith.constant 16 : index
        %swap3A_1066 = tpu.vector_load %arg7[%swap3A_1063, %swap3A_1064, %swap3A_1065] {strides = array<i32>} : memref<16x50x32xf32, #tpu.memory_space<vmem>>, vector<1x1x16xf32>,
        %swap3A_1067 = vector.shape_cast %swap3A_1066 : vector<1x1x16xf32> to vector<16xf32>
        %swap3A_1068 = vector.shape_cast %mul3A_1061 : vector<16xf32> to vector<1x1x16xf32>
        tpu.vector_store %arg7[%swap3A_1063, %swap3A_1064, %swap3A_1065], %swap3A_1068 {strides = array<i32>} : memref<16x50x32xf32, #tpu.memory_space<vmem>>, vector<1x1x16xf32>,
        %get3A_1069 = arith.constant 14 : i32
        %get3A_1070 = arith.index_cast %scan3A_622 : i32 to index
        %get3A_1071 = arith.index_cast %get3A_1069 : i32 to index
        %get3A_1072 = arith.constant 0 : index
        %get3A_1073 = tpu.vector_load %arg7[%get3A_1070, %get3A_1071, %get3A_1072] {strides = array<i32>} : memref<16x50x32xf32, #tpu.memory_space<vmem>>, vector<1x1x16xf32>,
        %get3A_1074 = vector.shape_cast %get3A_1073 : vector<1x1x16xf32> to vector<16xf32>
        %mul3A_1075 = arith.constant 1.000000e-03 : f32
        %mul3A_1076 = vector.broadcast %mul3A_1075 : f32 to vector<16xf32>
        %mul3A_1077 = arith.mulf %get3A_1074, %mul3A_1076 : vector<16xf32>
        %swap3A_1078 = arith.constant 14 : i32
        %swap3A_1079 = arith.index_cast %scan3A_622 : i32 to index
        %swap3A_1080 = arith.index_cast %swap3A_1078 : i32 to index
        %swap3A_1081 = arith.constant 0 : index
        %swap3A_1082 = tpu.vector_load %arg7[%swap3A_1079, %swap3A_1080, %swap3A_1081] {strides = array<i32>} : memref<16x50x32xf32, #tpu.memory_space<vmem>>, vector<1x1x16xf32>,
        %swap3A_1083 = vector.shape_cast %swap3A_1082 : vector<1x1x16xf32> to vector<16xf32>
        %swap3A_1084 = vector.shape_cast %mul3A_1077 : vector<16xf32> to vector<1x1x16xf32>
        tpu.vector_store %arg7[%swap3A_1079, %swap3A_1080, %swap3A_1081], %swap3A_1084 {strides = array<i32>} : memref<16x50x32xf32, #tpu.memory_space<vmem>>, vector<1x1x16xf32>,
        %get3A_1085 = arith.constant 14 : i32
        %get3A_1086 = arith.index_cast %scan3A_622 : i32 to index
        %get3A_1087 = arith.index_cast %get3A_1085 : i32 to index
        %get3A_1088 = arith.constant 16 : index
        %get3A_1089 = tpu.vector_load %arg7[%get3A_1086, %get3A_1087, %get3A_1088] {strides = array<i32>} : memref<16x50x32xf32, #tpu.memory_space<vmem>>, vector<1x1x16xf32>,
        %get3A_1090 = vector.shape_cast %get3A_1089 : vector<1x1x16xf32> to vector<16xf32>
        %mul3A_1091 = arith.constant 1.000000e-03 : f32
        %mul3A_1092 = vector.broadcast %mul3A_1091 : f32 to vector<16xf32>
        %mul3A_1093 = arith.mulf %get3A_1090, %mul3A_1092 : vector<16xf32>
        %swap3A_1094 = arith.constant 14 : i32
        %swap3A_1095 = arith.index_cast %scan3A_622 : i32 to index
        %swap3A_1096 = arith.index_cast %swap3A_1094 : i32 to index
        %swap3A_1097 = arith.constant 16 : index
        %swap3A_1098 = tpu.vector_load %arg7[%swap3A_1095, %swap3A_1096, %swap3A_1097] {strides = array<i32>} : memref<16x50x32xf32, #tpu.memory_space<vmem>>, vector<1x1x16xf32>,
        %swap3A_1099 = vector.shape_cast %swap3A_1098 : vector<1x1x16xf32> to vector<16xf32>
        %swap3A_1100 = vector.shape_cast %mul3A_1093 : vector<16xf32> to vector<1x1x16xf32>
        tpu.vector_store %arg7[%swap3A_1095, %swap3A_1096, %swap3A_1097], %swap3A_1100 {strides = array<i32>} : memref<16x50x32xf32, #tpu.memory_space<vmem>>, vector<1x1x16xf32>,
        %get3A_1101 = arith.constant 15 : i32
        %get3A_1102 = arith.index_cast %scan3A_622 : i32 to index
        %get3A_1103 = arith.index_cast %get3A_1101 : i32 to index
        %get3A_1104 = arith.constant 0 : index
        %get3A_1105 = tpu.vector_load %arg7[%get3A_1102, %get3A_1103, %get3A_1104] {strides = array<i32>} : memref<16x50x32xf32, #tpu.memory_space<vmem>>, vector<1x1x16xf32>,
        %get3A_1106 = vector.shape_cast %get3A_1105 : vector<1x1x16xf32> to vector<16xf32>
        %mul3A_1107 = arith.constant 1.000000e-03 : f32
        %mul3A_1108 = vector.broadcast %mul3A_1107 : f32 to vector<16xf32>
        %mul3A_1109 = arith.mulf %get3A_1106, %mul3A_1108 : vector<16xf32>
        %swap3A_1110 = arith.constant 15 : i32
        %swap3A_1111 = arith.index_cast %scan3A_622 : i32 to index
        %swap3A_1112 = arith.index_cast %swap3A_1110 : i32 to index
        %swap3A_1113 = arith.constant 0 : index
        %swap3A_1114 = tpu.vector_load %arg7[%swap3A_1111, %swap3A_1112, %swap3A_1113] {strides = array<i32>} : memref<16x50x32xf32, #tpu.memory_space<vmem>>, vector<1x1x16xf32>,
        %swap3A_1115 = vector.shape_cast %swap3A_1114 : vector<1x1x16xf32> to vector<16xf32>
        %swap3A_1116 = vector.shape_cast %mul3A_1109 : vector<16xf32> to vector<1x1x16xf32>
        tpu.vector_store %arg7[%swap3A_1111, %swap3A_1112, %swap3A_1113], %swap3A_1116 {strides = array<i32>} : memref<16x50x32xf32, #tpu.memory_space<vmem>>, vector<1x1x16xf32>,
        %get3A_1117 = arith.constant 15 : i32
        %get3A_1118 = arith.index_cast %scan3A_622 : i32 to index
        %get3A_1119 = arith.index_cast %get3A_1117 : i32 to index
        %get3A_1120 = arith.constant 16 : index
        %get3A_1121 = tpu.vector_load %arg7[%get3A_1118, %get3A_1119, %get3A_1120] {strides = array<i32>} : memref<16x50x32xf32, #tpu.memory_space<vmem>>, vector<1x1x16xf32>,
        %get3A_1122 = vector.shape_cast %get3A_1121 : vector<1x1x16xf32> to vector<16xf32>
        %mul3A_1123 = arith.constant 1.000000e-03 : f32
        %mul3A_1124 = vector.broadcast %mul3A_1123 : f32 to vector<16xf32>
        %mul3A_1125 = arith.mulf %get3A_1122, %mul3A_1124 : vector<16xf32>
        %swap3A_1126 = arith.constant 15 : i32
        %swap3A_1127 = arith.index_cast %scan3A_622 : i32 to index
        %swap3A_1128 = arith.index_cast %swap3A_1126 : i32 to index
        %swap3A_1129 = arith.constant 16 : index
        %swap3A_1130 = tpu.vector_load %arg7[%swap3A_1127, %swap3A_1128, %swap3A_1129] {strides = array<i32>} : memref<16x50x32xf32, #tpu.memory_space<vmem>>, vector<1x1x16xf32>,
        %swap3A_1131 = vector.shape_cast %swap3A_1130 : vector<1x1x16xf32> to vector<16xf32>
        %swap3A_1132 = vector.shape_cast %mul3A_1125 : vector<16xf32> to vector<1x1x16xf32>
        tpu.vector_store %arg7[%swap3A_1127, %swap3A_1128, %swap3A_1129], %swap3A_1132 {strides = array<i32>} : memref<16x50x32xf32, #tpu.memory_space<vmem>>, vector<1x1x16xf32>,
        %get3A_1133 = arith.constant 16 : i32
        %get3A_1134 = arith.index_cast %scan3A_622 : i32 to index
        %get3A_1135 = arith.index_cast %get3A_1133 : i32 to index
        %get3A_1136 = arith.constant 0 : index
        %get3A_1137 = tpu.vector_load %arg7[%get3A_1134, %get3A_1135, %get3A_1136] {strides = array<i32>} : memref<16x50x32xf32, #tpu.memory_space<vmem>>, vector<1x1x16xf32>,
        %get3A_1138 = vector.shape_cast %get3A_1137 : vector<1x1x16xf32> to vector<16xf32>
        %mul3A_1139 = arith.constant 1.000000e-03 : f32
        %mul3A_1140 = vector.broadcast %mul3A_1139 : f32 to vector<16xf32>
        %mul3A_1141 = arith.mulf %get3A_1138, %mul3A_1140 : vector<16xf32>
        %swap3A_1142 = arith.constant 16 : i32
        %swap3A_1143 = arith.index_cast %scan3A_622 : i32 to index
        %swap3A_1144 = arith.index_cast %swap3A_1142 : i32 to index
        %swap3A_1145 = arith.constant 0 : index
        %swap3A_1146 = tpu.vector_load %arg7[%swap3A_1143, %swap3A_1144, %swap3A_1145] {strides = array<i32>} : memref<16x50x32xf32, #tpu.memory_space<vmem>>, vector<1x1x16xf32>,
        %swap3A_1147 = vector.shape_cast %swap3A_1146 : vector<1x1x16xf32> to vector<16xf32>
        %swap3A_1148 = vector.shape_cast %mul3A_1141 : vector<16xf32> to vector<1x1x16xf32>
        tpu.vector_store %arg7[%swap3A_1143, %swap3A_1144, %swap3A_1145], %swap3A_1148 {strides = array<i32>} : memref<16x50x32xf32, #tpu.memory_space<vmem>>, vector<1x1x16xf32>,
        %get3A_1149 = arith.constant 16 : i32
        %get3A_1150 = arith.index_cast %scan3A_622 : i32 to index
        %get3A_1151 = arith.index_cast %get3A_1149 : i32 to index
        %get3A_1152 = arith.constant 16 : index
        %get3A_1153 = tpu.vector_load %arg7[%get3A_1150, %get3A_1151, %get3A_1152] {strides = array<i32>} : memref<16x50x32xf32, #tpu.memory_space<vmem>>, vector<1x1x16xf32>,
        %get3A_1154 = vector.shape_cast %get3A_1153 : vector<1x1x16xf32> to vector<16xf32>
        %mul3A_1155 = arith.constant 1.000000e-03 : f32
        %mul3A_1156 = vector.broadcast %mul3A_1155 : f32 to vector<16xf32>
        %mul3A_1157 = arith.mulf %get3A_1154, %mul3A_1156 : vector<16xf32>
        %swap3A_1158 = arith.constant 16 : i32
        %swap3A_1159 = arith.index_cast %scan3A_622 : i32 to index
        %swap3A_1160 = arith.index_cast %swap3A_1158 : i32 to index
        %swap3A_1161 = arith.constant 16 : index
        %swap3A_1162 = tpu.vector_load %arg7[%swap3A_1159, %swap3A_1160, %swap3A_1161] {strides = array<i32>} : memref<16x50x32xf32, #tpu.memory_space<vmem>>, vector<1x1x16xf32>,
        %swap3A_1163 = vector.shape_cast %swap3A_1162 : vector<1x1x16xf32> to vector<16xf32>
        %swap3A_1164 = vector.shape_cast %mul3A_1157 : vector<16xf32> to vector<1x1x16xf32>
        tpu.vector_store %arg7[%swap3A_1159, %swap3A_1160, %swap3A_1161], %swap3A_1164 {strides = array<i32>} : memref<16x50x32xf32, #tpu.memory_space<vmem>>, vector<1x1x16xf32>,
        %get3A_1165 = arith.constant 17 : i32
        %get3A_1166 = arith.index_cast %scan3A_622 : i32 to index
        %get3A_1167 = arith.index_cast %get3A_1165 : i32 to index
        %get3A_1168 = arith.constant 0 : index
        %get3A_1169 = tpu.vector_load %arg7[%get3A_1166, %get3A_1167, %get3A_1168] {strides = array<i32>} : memref<16x50x32xf32, #tpu.memory_space<vmem>>, vector<1x1x16xf32>,
        %get3A_1170 = vector.shape_cast %get3A_1169 : vector<1x1x16xf32> to vector<16xf32>
        %mul3A_1171 = arith.constant 1.000000e-03 : f32
        %mul3A_1172 = vector.broadcast %mul3A_1171 : f32 to vector<16xf32>
        %mul3A_1173 = arith.mulf %get3A_1170, %mul3A_1172 : vector<16xf32>
        %swap3A_1174 = arith.constant 17 : i32
        %swap3A_1175 = arith.index_cast %scan3A_622 : i32 to index
        %swap3A_1176 = arith.index_cast %swap3A_1174 : i32 to index
        %swap3A_1177 = arith.constant 0 : index
        %swap3A_1178 = tpu.vector_load %arg7[%swap3A_1175, %swap3A_1176, %swap3A_1177] {strides = array<i32>} : memref<16x50x32xf32, #tpu.memory_space<vmem>>, vector<1x1x16xf32>,
        %swap3A_1179 = vector.shape_cast %swap3A_1178 : vector<1x1x16xf32> to vector<16xf32>
        %swap3A_1180 = vector.shape_cast %mul3A_1173 : vector<16xf32> to vector<1x1x16xf32>
        tpu.vector_store %arg7[%swap3A_1175, %swap3A_1176, %swap3A_1177], %swap3A_1180 {strides = array<i32>} : memref<16x50x32xf32, #tpu.memory_space<vmem>>, vector<1x1x16xf32>,
        %get3A_1181 = arith.constant 17 : i32
        %get3A_1182 = arith.index_cast %scan3A_622 : i32 to index
        %get3A_1183 = arith.index_cast %get3A_1181 : i32 to index
        %get3A_1184 = arith.constant 16 : index
        %get3A_1185 = tpu.vector_load %arg7[%get3A_1182, %get3A_1183, %get3A_1184] {strides = array<i32>} : memref<16x50x32xf32, #tpu.memory_space<vmem>>, vector<1x1x16xf32>,
        %get3A_1186 = vector.shape_cast %get3A_1185 : vector<1x1x16xf32> to vector<16xf32>
        %mul3A_1187 = arith.constant 1.000000e-03 : f32
        %mul3A_1188 = vector.broadcast %mul3A_1187 : f32 to vector<16xf32>
        %mul3A_1189 = arith.mulf %get3A_1186, %mul3A_1188 : vector<16xf32>
        %swap3A_1190 = arith.constant 17 : i32
        %swap3A_1191 = arith.index_cast %scan3A_622 : i32 to index
        %swap3A_1192 = arith.index_cast %swap3A_1190 : i32 to index
        %swap3A_1193 = arith.constant 16 : index
        %swap3A_1194 = tpu.vector_load %arg7[%swap3A_1191, %swap3A_1192, %swap3A_1193] {strides = array<i32>} : memref<16x50x32xf32, #tpu.memory_space<vmem>>, vector<1x1x16xf32>,
        %swap3A_1195 = vector.shape_cast %swap3A_1194 : vector<1x1x16xf32> to vector<16xf32>
        %swap3A_1196 = vector.shape_cast %mul3A_1189 : vector<16xf32> to vector<1x1x16xf32>
        tpu.vector_store %arg7[%swap3A_1191, %swap3A_1192, %swap3A_1193], %swap3A_1196 {strides = array<i32>} : memref<16x50x32xf32, #tpu.memory_space<vmem>>, vector<1x1x16xf32>,
        %get3A_1197 = arith.constant 18 : i32
        %get3A_1198 = arith.index_cast %scan3A_622 : i32 to index
        %get3A_1199 = arith.index_cast %get3A_1197 : i32 to index
        %get3A_1200 = arith.constant 0 : index
        %get3A_1201 = tpu.vector_load %arg7[%get3A_1198, %get3A_1199, %get3A_1200] {strides = array<i32>} : memref<16x50x32xf32, #tpu.memory_space<vmem>>, vector<1x1x16xf32>,
        %get3A_1202 = vector.shape_cast %get3A_1201 : vector<1x1x16xf32> to vector<16xf32>
        %mul3A_1203 = arith.constant 1.000000e-03 : f32
        %mul3A_1204 = vector.broadcast %mul3A_1203 : f32 to vector<16xf32>
        %mul3A_1205 = arith.mulf %get3A_1202, %mul3A_1204 : vector<16xf32>
        %swap3A_1206 = arith.constant 18 : i32
        %swap3A_1207 = arith.index_cast %scan3A_622 : i32 to index
        %swap3A_1208 = arith.index_cast %swap3A_1206 : i32 to index
        %swap3A_1209 = arith.constant 0 : index
        %swap3A_1210 = tpu.vector_load %arg7[%swap3A_1207, %swap3A_1208, %swap3A_1209] {strides = array<i32>} : memref<16x50x32xf32, #tpu.memory_space<vmem>>, vector<1x1x16xf32>,
        %swap3A_1211 = vector.shape_cast %swap3A_1210 : vector<1x1x16xf32> to vector<16xf32>
        %swap3A_1212 = vector.shape_cast %mul3A_1205 : vector<16xf32> to vector<1x1x16xf32>
        tpu.vector_store %arg7[%swap3A_1207, %swap3A_1208, %swap3A_1209], %swap3A_1212 {strides = array<i32>} : memref<16x50x32xf32, #tpu.memory_space<vmem>>, vector<1x1x16xf32>,
        %get3A_1213 = arith.constant 18 : i32
        %get3A_1214 = arith.index_cast %scan3A_622 : i32 to index
        %get3A_1215 = arith.index_cast %get3A_1213 : i32 to index
        %get3A_1216 = arith.constant 16 : index
        %get3A_1217 = tpu.vector_load %arg7[%get3A_1214, %get3A_1215, %get3A_1216] {strides = array<i32>} : memref<16x50x32xf32, #tpu.memory_space<vmem>>, vector<1x1x16xf32>,
        %get3A_1218 = vector.shape_cast %get3A_1217 : vector<1x1x16xf32> to vector<16xf32>
        %mul3A_1219 = arith.constant 1.000000e-03 : f32
        %mul3A_1220 = vector.broadcast %mul3A_1219 : f32 to vector<16xf32>
        %mul3A_1221 = arith.mulf %get3A_1218, %mul3A_1220 : vector<16xf32>
        %swap3A_1222 = arith.constant 18 : i32
        %swap3A_1223 = arith.index_cast %scan3A_622 : i32 to index
        %swap3A_1224 = arith.index_cast %swap3A_1222 : i32 to index
        %swap3A_1225 = arith.constant 16 : index
        %swap3A_1226 = tpu.vector_load %arg7[%swap3A_1223, %swap3A_1224, %swap3A_1225] {strides = array<i32>} : memref<16x50x32xf32, #tpu.memory_space<vmem>>, vector<1x1x16xf32>,
        %swap3A_1227 = vector.shape_cast %swap3A_1226 : vector<1x1x16xf32> to vector<16xf32>
        %swap3A_1228 = vector.shape_cast %mul3A_1221 : vector<16xf32> to vector<1x1x16xf32>
        tpu.vector_store %arg7[%swap3A_1223, %swap3A_1224, %swap3A_1225], %swap3A_1228 {strides = array<i32>} : memref<16x50x32xf32, #tpu.memory_space<vmem>>, vector<1x1x16xf32>,
        %get3A_1229 = arith.constant 19 : i32
        %get3A_1230 = arith.index_cast %scan3A_622 : i32 to index
        %get3A_1231 = arith.index_cast %get3A_1229 : i32 to index
        %get3A_1232 = arith.constant 0 : index
        %get3A_1233 = tpu.vector_load %arg7[%get3A_1230, %get3A_1231, %get3A_1232] {strides = array<i32>} : memref<16x50x32xf32, #tpu.memory_space<vmem>>, vector<1x1x16xf32>,
        %get3A_1234 = vector.shape_cast %get3A_1233 : vector<1x1x16xf32> to vector<16xf32>
        %mul3A_1235 = arith.constant 1.000000e-03 : f32
        %mul3A_1236 = vector.broadcast %mul3A_1235 : f32 to vector<16xf32>
        %mul3A_1237 = arith.mulf %get3A_1234, %mul3A_1236 : vector<16xf32>
        %swap3A_1238 = arith.constant 19 : i32
        %swap3A_1239 = arith.index_cast %scan3A_622 : i32 to index
        %swap3A_1240 = arith.index_cast %swap3A_1238 : i32 to index
        %swap3A_1241 = arith.constant 0 : index
        %swap3A_1242 = tpu.vector_load %arg7[%swap3A_1239, %swap3A_1240, %swap3A_1241] {strides = array<i32>} : memref<16x50x32xf32, #tpu.memory_space<vmem>>, vector<1x1x16xf32>,
        %swap3A_1243 = vector.shape_cast %swap3A_1242 : vector<1x1x16xf32> to vector<16xf32>
        %swap3A_1244 = vector.shape_cast %mul3A_1237 : vector<16xf32> to vector<1x1x16xf32>
        tpu.vector_store %arg7[%swap3A_1239, %swap3A_1240, %swap3A_1241], %swap3A_1244 {strides = array<i32>} : memref<16x50x32xf32, #tpu.memory_space<vmem>>, vector<1x1x16xf32>,
        %get3A_1245 = arith.constant 19 : i32
        %get3A_1246 = arith.index_cast %scan3A_622 : i32 to index
        %get3A_1247 = arith.index_cast %get3A_1245 : i32 to index
        %get3A_1248 = arith.constant 16 : index
        %get3A_1249 = tpu.vector_load %arg7[%get3A_1246, %get3A_1247, %get3A_1248] {strides = array<i32>} : memref<16x50x32xf32, #tpu.memory_space<vmem>>, vector<1x1x16xf32>,
        %get3A_1250 = vector.shape_cast %get3A_1249 : vector<1x1x16xf32> to vector<16xf32>
        %mul3A_1251 = arith.constant 1.000000e-03 : f32
        %mul3A_1252 = vector.broadcast %mul3A_1251 : f32 to vector<16xf32>
        %mul3A_1253 = arith.mulf %get3A_1250, %mul3A_1252 : vector<16xf32>
        %swap3A_1254 = arith.constant 19 : i32
        %swap3A_1255 = arith.index_cast %scan3A_622 : i32 to index
        %swap3A_1256 = arith.index_cast %swap3A_1254 : i32 to index
        %swap3A_1257 = arith.constant 16 : index
        %swap3A_1258 = tpu.vector_load %arg7[%swap3A_1255, %swap3A_1256, %swap3A_1257] {strides = array<i32>} : memref<16x50x32xf32, #tpu.memory_space<vmem>>, vector<1x1x16xf32>,
        %swap3A_1259 = vector.shape_cast %swap3A_1258 : vector<1x1x16xf32> to vector<16xf32>
        %swap3A_1260 = vector.shape_cast %mul3A_1253 : vector<16xf32> to vector<1x1x16xf32>
        tpu.vector_store %arg7[%swap3A_1255, %swap3A_1256, %swap3A_1257], %swap3A_1260 {strides = array<i32>} : memref<16x50x32xf32, #tpu.memory_space<vmem>>, vector<1x1x16xf32>,
        %get3A_1261 = arith.constant 20 : i32
        %get3A_1262 = arith.index_cast %scan3A_622 : i32 to index
        %get3A_1263 = arith.index_cast %get3A_1261 : i32 to index
        %get3A_1264 = arith.constant 0 : index
        %get3A_1265 = tpu.vector_load %arg7[%get3A_1262, %get3A_1263, %get3A_1264] {strides = array<i32>} : memref<16x50x32xf32, #tpu.memory_space<vmem>>, vector<1x1x16xf32>,
        %get3A_1266 = vector.shape_cast %get3A_1265 : vector<1x1x16xf32> to vector<16xf32>
        %mul3A_1267 = arith.constant 1.000000e-03 : f32
        %mul3A_1268 = vector.broadcast %mul3A_1267 : f32 to vector<16xf32>
        %mul3A_1269 = arith.mulf %get3A_1266, %mul3A_1268 : vector<16xf32>
        %swap3A_1270 = arith.constant 20 : i32
        %swap3A_1271 = arith.index_cast %scan3A_622 : i32 to index
        %swap3A_1272 = arith.index_cast %swap3A_1270 : i32 to index
        %swap3A_1273 = arith.constant 0 : index
        %swap3A_1274 = tpu.vector_load %arg7[%swap3A_1271, %swap3A_1272, %swap3A_1273] {strides = array<i32>} : memref<16x50x32xf32, #tpu.memory_space<vmem>>, vector<1x1x16xf32>,
        %swap3A_1275 = vector.shape_cast %swap3A_1274 : vector<1x1x16xf32> to vector<16xf32>
        %swap3A_1276 = vector.shape_cast %mul3A_1269 : vector<16xf32> to vector<1x1x16xf32>
        tpu.vector_store %arg7[%swap3A_1271, %swap3A_1272, %swap3A_1273], %swap3A_1276 {strides = array<i32>} : memref<16x50x32xf32, #tpu.memory_space<vmem>>, vector<1x1x16xf32>,
        %get3A_1277 = arith.constant 20 : i32
        %get3A_1278 = arith.index_cast %scan3A_622 : i32 to index
        %get3A_1279 = arith.index_cast %get3A_1277 : i32 to index
        %get3A_1280 = arith.constant 16 : index
        %get3A_1281 = tpu.vector_load %arg7[%get3A_1278, %get3A_1279, %get3A_1280] {strides = array<i32>} : memref<16x50x32xf32, #tpu.memory_space<vmem>>, vector<1x1x16xf32>,
        %get3A_1282 = vector.shape_cast %get3A_1281 : vector<1x1x16xf32> to vector<16xf32>
        %mul3A_1283 = arith.constant 1.000000e-03 : f32
        %mul3A_1284 = vector.broadcast %mul3A_1283 : f32 to vector<16xf32>
        %mul3A_1285 = arith.mulf %get3A_1282, %mul3A_1284 : vector<16xf32>
        %swap3A_1286 = arith.constant 20 : i32
        %swap3A_1287 = arith.index_cast %scan3A_622 : i32 to index
        %swap3A_1288 = arith.index_cast %swap3A_1286 : i32 to index
        %swap3A_1289 = arith.constant 16 : index
        %swap3A_1290 = tpu.vector_load %arg7[%swap3A_1287, %swap3A_1288, %swap3A_1289] {strides = array<i32>} : memref<16x50x32xf32, #tpu.memory_space<vmem>>, vector<1x1x16xf32>,
        %swap3A_1291 = vector.shape_cast %swap3A_1290 : vector<1x1x16xf32> to vector<16xf32>
        %swap3A_1292 = vector.shape_cast %mul3A_1285 : vector<16xf32> to vector<1x1x16xf32>
        tpu.vector_store %arg7[%swap3A_1287, %swap3A_1288, %swap3A_1289], %swap3A_1292 {strides = array<i32>} : memref<16x50x32xf32, #tpu.memory_space<vmem>>, vector<1x1x16xf32>,
        %get3A_1293 = arith.constant 21 : i32
        %get3A_1294 = arith.index_cast %scan3A_622 : i32 to index
        %get3A_1295 = arith.index_cast %get3A_1293 : i32 to index
        %get3A_1296 = arith.constant 0 : index
        %get3A_1297 = tpu.vector_load %arg7[%get3A_1294, %get3A_1295, %get3A_1296] {strides = array<i32>} : memref<16x50x32xf32, #tpu.memory_space<vmem>>, vector<1x1x16xf32>,
        %get3A_1298 = vector.shape_cast %get3A_1297 : vector<1x1x16xf32> to vector<16xf32>
        %mul3A_1299 = arith.constant 1.000000e-03 : f32
        %mul3A_1300 = vector.broadcast %mul3A_1299 : f32 to vector<16xf32>
        %mul3A_1301 = arith.mulf %get3A_1298, %mul3A_1300 : vector<16xf32>
        %swap3A_1302 = arith.constant 21 : i32
        %swap3A_1303 = arith.index_cast %scan3A_622 : i32 to index
        %swap3A_1304 = arith.index_cast %swap3A_1302 : i32 to index
        %swap3A_1305 = arith.constant 0 : index
        %swap3A_1306 = tpu.vector_load %arg7[%swap3A_1303, %swap3A_1304, %swap3A_1305] {strides = array<i32>} : memref<16x50x32xf32, #tpu.memory_space<vmem>>, vector<1x1x16xf32>,
        %swap3A_1307 = vector.shape_cast %swap3A_1306 : vector<1x1x16xf32> to vector<16xf32>
        %swap3A_1308 = vector.shape_cast %mul3A_1301 : vector<16xf32> to vector<1x1x16xf32>
        tpu.vector_store %arg7[%swap3A_1303, %swap3A_1304, %swap3A_1305], %swap3A_1308 {strides = array<i32>} : memref<16x50x32xf32, #tpu.memory_space<vmem>>, vector<1x1x16xf32>,
        %get3A_1309 = arith.constant 21 : i32
        %get3A_1310 = arith.index_cast %scan3A_622 : i32 to index
        %get3A_1311 = arith.index_cast %get3A_1309 : i32 to index
        %get3A_1312 = arith.constant 16 : index
        %get3A_1313 = tpu.vector_load %arg7[%get3A_1310, %get3A_1311, %get3A_1312] {strides = array<i32>} : memref<16x50x32xf32, #tpu.memory_space<vmem>>, vector<1x1x16xf32>,
        %get3A_1314 = vector.shape_cast %get3A_1313 : vector<1x1x16xf32> to vector<16xf32>
        %mul3A_1315 = arith.constant 1.000000e-03 : f32
        %mul3A_1316 = vector.broadcast %mul3A_1315 : f32 to vector<16xf32>
        %mul3A_1317 = arith.mulf %get3A_1314, %mul3A_1316 : vector<16xf32>
        %swap3A_1318 = arith.constant 21 : i32
        %swap3A_1319 = arith.index_cast %scan3A_622 : i32 to index
        %swap3A_1320 = arith.index_cast %swap3A_1318 : i32 to index
        %swap3A_1321 = arith.constant 16 : index
        %swap3A_1322 = tpu.vector_load %arg7[%swap3A_1319, %swap3A_1320, %swap3A_1321] {strides = array<i32>} : memref<16x50x32xf32, #tpu.memory_space<vmem>>, vector<1x1x16xf32>,
        %swap3A_1323 = vector.shape_cast %swap3A_1322 : vector<1x1x16xf32> to vector<16xf32>
        %swap3A_1324 = vector.shape_cast %mul3A_1317 : vector<16xf32> to vector<1x1x16xf32>
        tpu.vector_store %arg7[%swap3A_1319, %swap3A_1320, %swap3A_1321], %swap3A_1324 {strides = array<i32>} : memref<16x50x32xf32, #tpu.memory_space<vmem>>, vector<1x1x16xf32>,
        %get3A_1325 = arith.constant 22 : i32
        %get3A_1326 = arith.index_cast %scan3A_622 : i32 to index
        %get3A_1327 = arith.index_cast %get3A_1325 : i32 to index
        %get3A_1328 = arith.constant 0 : index
        %get3A_1329 = tpu.vector_load %arg7[%get3A_1326, %get3A_1327, %get3A_1328] {strides = array<i32>} : memref<16x50x32xf32, #tpu.memory_space<vmem>>, vector<1x1x16xf32>,
        %get3A_1330 = vector.shape_cast %get3A_1329 : vector<1x1x16xf32> to vector<16xf32>
        %mul3A_1331 = arith.constant 1.000000e-03 : f32
        %mul3A_1332 = vector.broadcast %mul3A_1331 : f32 to vector<16xf32>
        %mul3A_1333 = arith.mulf %get3A_1330, %mul3A_1332 : vector<16xf32>
        %swap3A_1334 = arith.constant 22 : i32
        %swap3A_1335 = arith.index_cast %scan3A_622 : i32 to index
        %swap3A_1336 = arith.index_cast %swap3A_1334 : i32 to index
        %swap3A_1337 = arith.constant 0 : index
        %swap3A_1338 = tpu.vector_load %arg7[%swap3A_1335, %swap3A_1336, %swap3A_1337] {strides = array<i32>} : memref<16x50x32xf32, #tpu.memory_space<vmem>>, vector<1x1x16xf32>,
        %swap3A_1339 = vector.shape_cast %swap3A_1338 : vector<1x1x16xf32> to vector<16xf32>
        %swap3A_1340 = vector.shape_cast %mul3A_1333 : vector<16xf32> to vector<1x1x16xf32>
        tpu.vector_store %arg7[%swap3A_1335, %swap3A_1336, %swap3A_1337], %swap3A_1340 {strides = array<i32>} : memref<16x50x32xf32, #tpu.memory_space<vmem>>, vector<1x1x16xf32>,
        %get3A_1341 = arith.constant 22 : i32
        %get3A_1342 = arith.index_cast %scan3A_622 : i32 to index
        %get3A_1343 = arith.index_cast %get3A_1341 : i32 to index
        %get3A_1344 = arith.constant 16 : index
        %get3A_1345 = tpu.vector_load %arg7[%get3A_1342, %get3A_1343, %get3A_1344] {strides = array<i32>} : memref<16x50x32xf32, #tpu.memory_space<vmem>>, vector<1x1x16xf32>,
        %get3A_1346 = vector.shape_cast %get3A_1345 : vector<1x1x16xf32> to vector<16xf32>
        %mul3A_1347 = arith.constant 1.000000e-03 : f32
        %mul3A_1348 = vector.broadcast %mul3A_1347 : f32 to vector<16xf32>
        %mul3A_1349 = arith.mulf %get3A_1346, %mul3A_1348 : vector<16xf32>
        %swap3A_1350 = arith.constant 22 : i32
        %swap3A_1351 = arith.index_cast %scan3A_622 : i32 to index
        %swap3A_1352 = arith.index_cast %swap3A_1350 : i32 to index
        %swap3A_1353 = arith.constant 16 : index
        %swap3A_1354 = tpu.vector_load %arg7[%swap3A_1351, %swap3A_1352, %swap3A_1353] {strides = array<i32>} : memref<16x50x32xf32, #tpu.memory_space<vmem>>, vector<1x1x16xf32>,
        %swap3A_1355 = vector.shape_cast %swap3A_1354 : vector<1x1x16xf32> to vector<16xf32>
        %swap3A_1356 = vector.shape_cast %mul3A_1349 : vector<16xf32> to vector<1x1x16xf32>
        tpu.vector_store %arg7[%swap3A_1351, %swap3A_1352, %swap3A_1353], %swap3A_1356 {strides = array<i32>} : memref<16x50x32xf32, #tpu.memory_space<vmem>>, vector<1x1x16xf32>,
        %get3A_1357 = arith.constant 23 : i32
        %get3A_1358 = arith.index_cast %scan3A_622 : i32 to index
        %get3A_1359 = arith.index_cast %get3A_1357 : i32 to index
        %get3A_1360 = arith.constant 0 : index
        %get3A_1361 = tpu.vector_load %arg7[%get3A_1358, %get3A_1359, %get3A_1360] {strides = array<i32>} : memref<16x50x32xf32, #tpu.memory_space<vmem>>, vector<1x1x16xf32>,
        %get3A_1362 = vector.shape_cast %get3A_1361 : vector<1x1x16xf32> to vector<16xf32>
        %mul3A_1363 = arith.constant 1.000000e-03 : f32
        %mul3A_1364 = vector.broadcast %mul3A_1363 : f32 to vector<16xf32>
        %mul3A_1365 = arith.mulf %get3A_1362, %mul3A_1364 : vector<16xf32>
        %swap3A_1366 = arith.constant 23 : i32
        %swap3A_1367 = arith.index_cast %scan3A_622 : i32 to index
        %swap3A_1368 = arith.index_cast %swap3A_1366 : i32 to index
        %swap3A_1369 = arith.constant 0 : index
        %swap3A_1370 = tpu.vector_load %arg7[%swap3A_1367, %swap3A_1368, %swap3A_1369] {strides = array<i32>} : memref<16x50x32xf32, #tpu.memory_space<vmem>>, vector<1x1x16xf32>,
        %swap3A_1371 = vector.shape_cast %swap3A_1370 : vector<1x1x16xf32> to vector<16xf32>
        %swap3A_1372 = vector.shape_cast %mul3A_1365 : vector<16xf32> to vector<1x1x16xf32>
        tpu.vector_store %arg7[%swap3A_1367, %swap3A_1368, %swap3A_1369], %swap3A_1372 {strides = array<i32>} : memref<16x50x32xf32, #tpu.memory_space<vmem>>, vector<1x1x16xf32>,
        %get3A_1373 = arith.constant 23 : i32
        %get3A_1374 = arith.index_cast %scan3A_622 : i32 to index
        %get3A_1375 = arith.index_cast %get3A_1373 : i32 to index
        %get3A_1376 = arith.constant 16 : index
        %get3A_1377 = tpu.vector_load %arg7[%get3A_1374, %get3A_1375, %get3A_1376] {strides = array<i32>} : memref<16x50x32xf32, #tpu.memory_space<vmem>>, vector<1x1x16xf32>,
        %get3A_1378 = vector.shape_cast %get3A_1377 : vector<1x1x16xf32> to vector<16xf32>
        %mul3A_1379 = arith.constant 1.000000e-03 : f32
        %mul3A_1380 = vector.broadcast %mul3A_1379 : f32 to vector<16xf32>
        %mul3A_1381 = arith.mulf %get3A_1378, %mul3A_1380 : vector<16xf32>
        %swap3A_1382 = arith.constant 23 : i32
        %swap3A_1383 = arith.index_cast %scan3A_622 : i32 to index
        %swap3A_1384 = arith.index_cast %swap3A_1382 : i32 to index
        %swap3A_1385 = arith.constant 16 : index
        %swap3A_1386 = tpu.vector_load %arg7[%swap3A_1383, %swap3A_1384, %swap3A_1385] {strides = array<i32>} : memref<16x50x32xf32, #tpu.memory_space<vmem>>, vector<1x1x16xf32>,
        %swap3A_1387 = vector.shape_cast %swap3A_1386 : vector<1x1x16xf32> to vector<16xf32>
        %swap3A_1388 = vector.shape_cast %mul3A_1381 : vector<16xf32> to vector<1x1x16xf32>
        tpu.vector_store %arg7[%swap3A_1383, %swap3A_1384, %swap3A_1385], %swap3A_1388 {strides = array<i32>} : memref<16x50x32xf32, #tpu.memory_space<vmem>>, vector<1x1x16xf32>,
        %get3A_1389 = arith.constant 24 : i32
        %get3A_1390 = arith.index_cast %scan3A_622 : i32 to index
        %get3A_1391 = arith.index_cast %get3A_1389 : i32 to index
        %get3A_1392 = arith.constant 0 : index
        %get3A_1393 = tpu.vector_load %arg7[%get3A_1390, %get3A_1391, %get3A_1392] {strides = array<i32>} : memref<16x50x32xf32, #tpu.memory_space<vmem>>, vector<1x1x16xf32>,
        %get3A_1394 = vector.shape_cast %get3A_1393 : vector<1x1x16xf32> to vector<16xf32>
        %mul3A_1395 = arith.constant 1.000000e-03 : f32
        %mul3A_1396 = vector.broadcast %mul3A_1395 : f32 to vector<16xf32>
        %mul3A_1397 = arith.mulf %get3A_1394, %mul3A_1396 : vector<16xf32>
        %swap3A_1398 = arith.constant 24 : i32
        %swap3A_1399 = arith.index_cast %scan3A_622 : i32 to index
        %swap3A_1400 = arith.index_cast %swap3A_1398 : i32 to index
        %swap3A_1401 = arith.constant 0 : index
        %swap3A_1402 = tpu.vector_load %arg7[%swap3A_1399, %swap3A_1400, %swap3A_1401] {strides = array<i32>} : memref<16x50x32xf32, #tpu.memory_space<vmem>>, vector<1x1x16xf32>,
        %swap3A_1403 = vector.shape_cast %swap3A_1402 : vector<1x1x16xf32> to vector<16xf32>
        %swap3A_1404 = vector.shape_cast %mul3A_1397 : vector<16xf32> to vector<1x1x16xf32>
        tpu.vector_store %arg7[%swap3A_1399, %swap3A_1400, %swap3A_1401], %swap3A_1404 {strides = array<i32>} : memref<16x50x32xf32, #tpu.memory_space<vmem>>, vector<1x1x16xf32>,
        %get3A_1405 = arith.constant 24 : i32
        %get3A_1406 = arith.index_cast %scan3A_622 : i32 to index
        %get3A_1407 = arith.index_cast %get3A_1405 : i32 to index
        %get3A_1408 = arith.constant 16 : index
        %get3A_1409 = tpu.vector_load %arg7[%get3A_1406, %get3A_1407, %get3A_1408] {strides = array<i32>} : memref<16x50x32xf32, #tpu.memory_space<vmem>>, vector<1x1x16xf32>,
        %get3A_1410 = vector.shape_cast %get3A_1409 : vector<1x1x16xf32> to vector<16xf32>
        %mul3A_1411 = arith.constant 1.000000e-03 : f32
        %mul3A_1412 = vector.broadcast %mul3A_1411 : f32 to vector<16xf32>
        %mul3A_1413 = arith.mulf %get3A_1410, %mul3A_1412 : vector<16xf32>
        %swap3A_1414 = arith.constant 24 : i32
        %swap3A_1415 = arith.index_cast %scan3A_622 : i32 to index
        %swap3A_1416 = arith.index_cast %swap3A_1414 : i32 to index
        %swap3A_1417 = arith.constant 16 : index
        %swap3A_1418 = tpu.vector_load %arg7[%swap3A_1415, %swap3A_1416, %swap3A_1417] {strides = array<i32>} : memref<16x50x32xf32, #tpu.memory_space<vmem>>, vector<1x1x16xf32>,
        %swap3A_1419 = vector.shape_cast %swap3A_1418 : vector<1x1x16xf32> to vector<16xf32>
        %swap3A_1420 = vector.shape_cast %mul3A_1413 : vector<16xf32> to vector<1x1x16xf32>
        tpu.vector_store %arg7[%swap3A_1415, %swap3A_1416, %swap3A_1417], %swap3A_1420 {strides = array<i32>} : memref<16x50x32xf32, #tpu.memory_space<vmem>>, vector<1x1x16xf32>,
        %get3A_1421 = arith.constant 25 : i32
        %get3A_1422 = arith.index_cast %scan3A_622 : i32 to index
        %get3A_1423 = arith.index_cast %get3A_1421 : i32 to index
        %get3A_1424 = arith.constant 0 : index
        %get3A_1425 = tpu.vector_load %arg7[%get3A_1422, %get3A_1423, %get3A_1424] {strides = array<i32>} : memref<16x50x32xf32, #tpu.memory_space<vmem>>, vector<1x1x16xf32>,
        %get3A_1426 = vector.shape_cast %get3A_1425 : vector<1x1x16xf32> to vector<16xf32>
        %mul3A_1427 = arith.constant 1.000000e-03 : f32
        %mul3A_1428 = vector.broadcast %mul3A_1427 : f32 to vector<16xf32>
        %mul3A_1429 = arith.mulf %get3A_1426, %mul3A_1428 : vector<16xf32>
        %swap3A_1430 = arith.constant 25 : i32
        %swap3A_1431 = arith.index_cast %scan3A_622 : i32 to index
        %swap3A_1432 = arith.index_cast %swap3A_1430 : i32 to index
        %swap3A_1433 = arith.constant 0 : index
        %swap3A_1434 = tpu.vector_load %arg7[%swap3A_1431, %swap3A_1432, %swap3A_1433] {strides = array<i32>} : memref<16x50x32xf32, #tpu.memory_space<vmem>>, vector<1x1x16xf32>,
        %swap3A_1435 = vector.shape_cast %swap3A_1434 : vector<1x1x16xf32> to vector<16xf32>
        %swap3A_1436 = vector.shape_cast %mul3A_1429 : vector<16xf32> to vector<1x1x16xf32>
        tpu.vector_store %arg7[%swap3A_1431, %swap3A_1432, %swap3A_1433], %swap3A_1436 {strides = array<i32>} : memref<16x50x32xf32, #tpu.memory_space<vmem>>, vector<1x1x16xf32>,
        %get3A_1437 = arith.constant 25 : i32
        %get3A_1438 = arith.index_cast %scan3A_622 : i32 to index
        %get3A_1439 = arith.index_cast %get3A_1437 : i32 to index
        %get3A_1440 = arith.constant 16 : index
        %get3A_1441 = tpu.vector_load %arg7[%get3A_1438, %get3A_1439, %get3A_1440] {strides = array<i32>} : memref<16x50x32xf32, #tpu.memory_space<vmem>>, vector<1x1x16xf32>,
        %get3A_1442 = vector.shape_cast %get3A_1441 : vector<1x1x16xf32> to vector<16xf32>
        %mul3A_1443 = arith.constant 1.000000e-03 : f32
        %mul3A_1444 = vector.broadcast %mul3A_1443 : f32 to vector<16xf32>
        %mul3A_1445 = arith.mulf %get3A_1442, %mul3A_1444 : vector<16xf32>
        %swap3A_1446 = arith.constant 25 : i32
        %swap3A_1447 = arith.index_cast %scan3A_622 : i32 to index
        %swap3A_1448 = arith.index_cast %swap3A_1446 : i32 to index
        %swap3A_1449 = arith.constant 16 : index
        %swap3A_1450 = tpu.vector_load %arg7[%swap3A_1447, %swap3A_1448, %swap3A_1449] {strides = array<i32>} : memref<16x50x32xf32, #tpu.memory_space<vmem>>, vector<1x1x16xf32>,
        %swap3A_1451 = vector.shape_cast %swap3A_1450 : vector<1x1x16xf32> to vector<16xf32>
        %swap3A_1452 = vector.shape_cast %mul3A_1445 : vector<16xf32> to vector<1x1x16xf32>
        tpu.vector_store %arg7[%swap3A_1447, %swap3A_1448, %swap3A_1449], %swap3A_1452 {strides = array<i32>} : memref<16x50x32xf32, #tpu.memory_space<vmem>>, vector<1x1x16xf32>,
        %get3A_1453 = arith.constant 26 : i32
        %get3A_1454 = arith.index_cast %scan3A_622 : i32 to index
        %get3A_1455 = arith.index_cast %get3A_1453 : i32 to index
        %get3A_1456 = arith.constant 0 : index
        %get3A_1457 = tpu.vector_load %arg7[%get3A_1454, %get3A_1455, %get3A_1456] {strides = array<i32>} : memref<16x50x32xf32, #tpu.memory_space<vmem>>, vector<1x1x16xf32>,
        %get3A_1458 = vector.shape_cast %get3A_1457 : vector<1x1x16xf32> to vector<16xf32>
        %mul3A_1459 = arith.constant 1.000000e-03 : f32
        %mul3A_1460 = vector.broadcast %mul3A_1459 : f32 to vector<16xf32>
        %mul3A_1461 = arith.mulf %get3A_1458, %mul3A_1460 : vector<16xf32>
        %swap3A_1462 = arith.constant 26 : i32
        %swap3A_1463 = arith.index_cast %scan3A_622 : i32 to index
        %swap3A_1464 = arith.index_cast %swap3A_1462 : i32 to index
        %swap3A_1465 = arith.constant 0 : index
        %swap3A_1466 = tpu.vector_load %arg7[%swap3A_1463, %swap3A_1464, %swap3A_1465] {strides = array<i32>} : memref<16x50x32xf32, #tpu.memory_space<vmem>>, vector<1x1x16xf32>,
        %swap3A_1467 = vector.shape_cast %swap3A_1466 : vector<1x1x16xf32> to vector<16xf32>
        %swap3A_1468 = vector.shape_cast %mul3A_1461 : vector<16xf32> to vector<1x1x16xf32>
        tpu.vector_store %arg7[%swap3A_1463, %swap3A_1464, %swap3A_1465], %swap3A_1468 {strides = array<i32>} : memref<16x50x32xf32, #tpu.memory_space<vmem>>, vector<1x1x16xf32>,
        %get3A_1469 = arith.constant 26 : i32
        %get3A_1470 = arith.index_cast %scan3A_622 : i32 to index
        %get3A_1471 = arith.index_cast %get3A_1469 : i32 to index
        %get3A_1472 = arith.constant 16 : index
        %get3A_1473 = tpu.vector_load %arg7[%get3A_1470, %get3A_1471, %get3A_1472] {strides = array<i32>} : memref<16x50x32xf32, #tpu.memory_space<vmem>>, vector<1x1x16xf32>,
        %get3A_1474 = vector.shape_cast %get3A_1473 : vector<1x1x16xf32> to vector<16xf32>
        %mul3A_1475 = arith.constant 1.000000e-03 : f32
        %mul3A_1476 = vector.broadcast %mul3A_1475 : f32 to vector<16xf32>
        %mul3A_1477 = arith.mulf %get3A_1474, %mul3A_1476 : vector<16xf32>
        %swap3A_1478 = arith.constant 26 : i32
        %swap3A_1479 = arith.index_cast %scan3A_622 : i32 to index
        %swap3A_1480 = arith.index_cast %swap3A_1478 : i32 to index
        %swap3A_1481 = arith.constant 16 : index
        %swap3A_1482 = tpu.vector_load %arg7[%swap3A_1479, %swap3A_1480, %swap3A_1481] {strides = array<i32>} : memref<16x50x32xf32, #tpu.memory_space<vmem>>, vector<1x1x16xf32>,
        %swap3A_1483 = vector.shape_cast %swap3A_1482 : vector<1x1x16xf32> to vector<16xf32>
        %swap3A_1484 = vector.shape_cast %mul3A_1477 : vector<16xf32> to vector<1x1x16xf32>
        tpu.vector_store %arg7[%swap3A_1479, %swap3A_1480, %swap3A_1481], %swap3A_1484 {strides = array<i32>} : memref<16x50x32xf32, #tpu.memory_space<vmem>>, vector<1x1x16xf32>,
        %get3A_1485 = arith.constant 27 : i32
        %get3A_1486 = arith.index_cast %scan3A_622 : i32 to index
        %get3A_1487 = arith.index_cast %get3A_1485 : i32 to index
        %get3A_1488 = arith.constant 0 : index
        %get3A_1489 = tpu.vector_load %arg7[%get3A_1486, %get3A_1487, %get3A_1488] {strides = array<i32>} : memref<16x50x32xf32, #tpu.memory_space<vmem>>, vector<1x1x16xf32>,
        %get3A_1490 = vector.shape_cast %get3A_1489 : vector<1x1x16xf32> to vector<16xf32>
        %mul3A_1491 = arith.constant 1.000000e-03 : f32
        %mul3A_1492 = vector.broadcast %mul3A_1491 : f32 to vector<16xf32>
        %mul3A_1493 = arith.mulf %get3A_1490, %mul3A_1492 : vector<16xf32>
        %swap3A_1494 = arith.constant 27 : i32
        %swap3A_1495 = arith.index_cast %scan3A_622 : i32 to index
        %swap3A_1496 = arith.index_cast %swap3A_1494 : i32 to index
        %swap3A_1497 = arith.constant 0 : index
        %swap3A_1498 = tpu.vector_load %arg7[%swap3A_1495, %swap3A_1496, %swap3A_1497] {strides = array<i32>} : memref<16x50x32xf32, #tpu.memory_space<vmem>>, vector<1x1x16xf32>,
        %swap3A_1499 = vector.shape_cast %swap3A_1498 : vector<1x1x16xf32> to vector<16xf32>
        %swap3A_1500 = vector.shape_cast %mul3A_1493 : vector<16xf32> to vector<1x1x16xf32>
        tpu.vector_store %arg7[%swap3A_1495, %swap3A_1496, %swap3A_1497], %swap3A_1500 {strides = array<i32>} : memref<16x50x32xf32, #tpu.memory_space<vmem>>, vector<1x1x16xf32>,
        %get3A_1501 = arith.constant 27 : i32
        %get3A_1502 = arith.index_cast %scan3A_622 : i32 to index
        %get3A_1503 = arith.index_cast %get3A_1501 : i32 to index
        %get3A_1504 = arith.constant 16 : index
        %get3A_1505 = tpu.vector_load %arg7[%get3A_1502, %get3A_1503, %get3A_1504] {strides = array<i32>} : memref<16x50x32xf32, #tpu.memory_space<vmem>>, vector<1x1x16xf32>,
        %get3A_1506 = vector.shape_cast %get3A_1505 : vector<1x1x16xf32> to vector<16xf32>
        %mul3A_1507 = arith.constant 1.000000e-03 : f32
        %mul3A_1508 = vector.broadcast %mul3A_1507 : f32 to vector<16xf32>
        %mul3A_1509 = arith.mulf %get3A_1506, %mul3A_1508 : vector<16xf32>
        %swap3A_1510 = arith.constant 27 : i32
        %swap3A_1511 = arith.index_cast %scan3A_622 : i32 to index
        %swap3A_1512 = arith.index_cast %swap3A_1510 : i32 to index
        %swap3A_1513 = arith.constant 16 : index
        %swap3A_1514 = tpu.vector_load %arg7[%swap3A_1511, %swap3A_1512, %swap3A_1513] {strides = array<i32>} : memref<16x50x32xf32, #tpu.memory_space<vmem>>, vector<1x1x16xf32>,
        %swap3A_1515 = vector.shape_cast %swap3A_1514 : vector<1x1x16xf32> to vector<16xf32>
        %swap3A_1516 = vector.shape_cast %mul3A_1509 : vector<16xf32> to vector<1x1x16xf32>
        tpu.vector_store %arg7[%swap3A_1511, %swap3A_1512, %swap3A_1513], %swap3A_1516 {strides = array<i32>} : memref<16x50x32xf32, #tpu.memory_space<vmem>>, vector<1x1x16xf32>,
        %get3A_1517 = arith.constant 28 : i32
        %get3A_1518 = arith.index_cast %scan3A_622 : i32 to index
        %get3A_1519 = arith.index_cast %get3A_1517 : i32 to index
        %get3A_1520 = arith.constant 0 : index
        %get3A_1521 = tpu.vector_load %arg7[%get3A_1518, %get3A_1519, %get3A_1520] {strides = array<i32>} : memref<16x50x32xf32, #tpu.memory_space<vmem>>, vector<1x1x16xf32>,
        %get3A_1522 = vector.shape_cast %get3A_1521 : vector<1x1x16xf32> to vector<16xf32>
        %mul3A_1523 = arith.constant 1.000000e-03 : f32
        %mul3A_1524 = vector.broadcast %mul3A_1523 : f32 to vector<16xf32>
        %mul3A_1525 = arith.mulf %get3A_1522, %mul3A_1524 : vector<16xf32>
        %swap3A_1526 = arith.constant 28 : i32
        %swap3A_1527 = arith.index_cast %scan3A_622 : i32 to index
        %swap3A_1528 = arith.index_cast %swap3A_1526 : i32 to index
        %swap3A_1529 = arith.constant 0 : index
        %swap3A_1530 = tpu.vector_load %arg7[%swap3A_1527, %swap3A_1528, %swap3A_1529] {strides = array<i32>} : memref<16x50x32xf32, #tpu.memory_space<vmem>>, vector<1x1x16xf32>,
        %swap3A_1531 = vector.shape_cast %swap3A_1530 : vector<1x1x16xf32> to vector<16xf32>
        %swap3A_1532 = vector.shape_cast %mul3A_1525 : vector<16xf32> to vector<1x1x16xf32>
        tpu.vector_store %arg7[%swap3A_1527, %swap3A_1528, %swap3A_1529], %swap3A_1532 {strides = array<i32>} : memref<16x50x32xf32, #tpu.memory_space<vmem>>, vector<1x1x16xf32>,
        %get3A_1533 = arith.constant 28 : i32
        %get3A_1534 = arith.index_cast %scan3A_622 : i32 to index
        %get3A_1535 = arith.index_cast %get3A_1533 : i32 to index
        %get3A_1536 = arith.constant 16 : index
        %get3A_1537 = tpu.vector_load %arg7[%get3A_1534, %get3A_1535, %get3A_1536] {strides = array<i32>} : memref<16x50x32xf32, #tpu.memory_space<vmem>>, vector<1x1x16xf32>,
        %get3A_1538 = vector.shape_cast %get3A_1537 : vector<1x1x16xf32> to vector<16xf32>
        %mul3A_1539 = arith.constant 1.000000e-03 : f32
        %mul3A_1540 = vector.broadcast %mul3A_1539 : f32 to vector<16xf32>
        %mul3A_1541 = arith.mulf %get3A_1538, %mul3A_1540 : vector<16xf32>
        %swap3A_1542 = arith.constant 28 : i32
        %swap3A_1543 = arith.index_cast %scan3A_622 : i32 to index
        %swap3A_1544 = arith.index_cast %swap3A_1542 : i32 to index
        %swap3A_1545 = arith.constant 16 : index
        %swap3A_1546 = tpu.vector_load %arg7[%swap3A_1543, %swap3A_1544, %swap3A_1545] {strides = array<i32>} : memref<16x50x32xf32, #tpu.memory_space<vmem>>, vector<1x1x16xf32>,
        %swap3A_1547 = vector.shape_cast %swap3A_1546 : vector<1x1x16xf32> to vector<16xf32>
        %swap3A_1548 = vector.shape_cast %mul3A_1541 : vector<16xf32> to vector<1x1x16xf32>
        tpu.vector_store %arg7[%swap3A_1543, %swap3A_1544, %swap3A_1545], %swap3A_1548 {strides = array<i32>} : memref<16x50x32xf32, #tpu.memory_space<vmem>>, vector<1x1x16xf32>,
        %get3A_1549 = arith.constant 29 : i32
        %get3A_1550 = arith.index_cast %scan3A_622 : i32 to index
        %get3A_1551 = arith.index_cast %get3A_1549 : i32 to index
        %get3A_1552 = arith.constant 0 : index
        %get3A_1553 = tpu.vector_load %arg7[%get3A_1550, %get3A_1551, %get3A_1552] {strides = array<i32>} : memref<16x50x32xf32, #tpu.memory_space<vmem>>, vector<1x1x16xf32>,
        %get3A_1554 = vector.shape_cast %get3A_1553 : vector<1x1x16xf32> to vector<16xf32>
        %mul3A_1555 = arith.constant 1.000000e-03 : f32
        %mul3A_1556 = vector.broadcast %mul3A_1555 : f32 to vector<16xf32>
        %mul3A_1557 = arith.mulf %get3A_1554, %mul3A_1556 : vector<16xf32>
        %swap3A_1558 = arith.constant 29 : i32
        %swap3A_1559 = arith.index_cast %scan3A_622 : i32 to index
        %swap3A_1560 = arith.index_cast %swap3A_1558 : i32 to index
        %swap3A_1561 = arith.constant 0 : index
        %swap3A_1562 = tpu.vector_load %arg7[%swap3A_1559, %swap3A_1560, %swap3A_1561] {strides = array<i32>} : memref<16x50x32xf32, #tpu.memory_space<vmem>>, vector<1x1x16xf32>,
        %swap3A_1563 = vector.shape_cast %swap3A_1562 : vector<1x1x16xf32> to vector<16xf32>
        %swap3A_1564 = vector.shape_cast %mul3A_1557 : vector<16xf32> to vector<1x1x16xf32>
        tpu.vector_store %arg7[%swap3A_1559, %swap3A_1560, %swap3A_1561], %swap3A_1564 {strides = array<i32>} : memref<16x50x32xf32, #tpu.memory_space<vmem>>, vector<1x1x16xf32>,
        %get3A_1565 = arith.constant 29 : i32
        %get3A_1566 = arith.index_cast %scan3A_622 : i32 to index
        %get3A_1567 = arith.index_cast %get3A_1565 : i32 to index
        %get3A_1568 = arith.constant 16 : index
        %get3A_1569 = tpu.vector_load %arg7[%get3A_1566, %get3A_1567, %get3A_1568] {strides = array<i32>} : memref<16x50x32xf32, #tpu.memory_space<vmem>>, vector<1x1x16xf32>,
        %get3A_1570 = vector.shape_cast %get3A_1569 : vector<1x1x16xf32> to vector<16xf32>
        %mul3A_1571 = arith.constant 1.000000e-03 : f32
        %mul3A_1572 = vector.broadcast %mul3A_1571 : f32 to vector<16xf32>
        %mul3A_1573 = arith.mulf %get3A_1570, %mul3A_1572 : vector<16xf32>
        %swap3A_1574 = arith.constant 29 : i32
        %swap3A_1575 = arith.index_cast %scan3A_622 : i32 to index
        %swap3A_1576 = arith.index_cast %swap3A_1574 : i32 to index
        %swap3A_1577 = arith.constant 16 : index
        %swap3A_1578 = tpu.vector_load %arg7[%swap3A_1575, %swap3A_1576, %swap3A_1577] {strides = array<i32>} : memref<16x50x32xf32, #tpu.memory_space<vmem>>, vector<1x1x16xf32>,
        %swap3A_1579 = vector.shape_cast %swap3A_1578 : vector<1x1x16xf32> to vector<16xf32>
        %swap3A_1580 = vector.shape_cast %mul3A_1573 : vector<16xf32> to vector<1x1x16xf32>
        tpu.vector_store %arg7[%swap3A_1575, %swap3A_1576, %swap3A_1577], %swap3A_1580 {strides = array<i32>} : memref<16x50x32xf32, #tpu.memory_space<vmem>>, vector<1x1x16xf32>,
        %get3A_1581 = arith.constant 30 : i32
        %get3A_1582 = arith.index_cast %scan3A_622 : i32 to index
        %get3A_1583 = arith.index_cast %get3A_1581 : i32 to index
        %get3A_1584 = arith.constant 0 : index
        %get3A_1585 = tpu.vector_load %arg7[%get3A_1582, %get3A_1583, %get3A_1584] {strides = array<i32>} : memref<16x50x32xf32, #tpu.memory_space<vmem>>, vector<1x1x16xf32>,
        %get3A_1586 = vector.shape_cast %get3A_1585 : vector<1x1x16xf32> to vector<16xf32>
        %mul3A_1587 = arith.constant 1.000000e-03 : f32
        %mul3A_1588 = vector.broadcast %mul3A_1587 : f32 to vector<16xf32>
        %mul3A_1589 = arith.mulf %get3A_1586, %mul3A_1588 : vector<16xf32>
        %swap3A_1590 = arith.constant 30 : i32
        %swap3A_1591 = arith.index_cast %scan3A_622 : i32 to index
        %swap3A_1592 = arith.index_cast %swap3A_1590 : i32 to index
        %swap3A_1593 = arith.constant 0 : index
        %swap3A_1594 = tpu.vector_load %arg7[%swap3A_1591, %swap3A_1592, %swap3A_1593] {strides = array<i32>} : memref<16x50x32xf32, #tpu.memory_space<vmem>>, vector<1x1x16xf32>,
        %swap3A_1595 = vector.shape_cast %swap3A_1594 : vector<1x1x16xf32> to vector<16xf32>
        %swap3A_1596 = vector.shape_cast %mul3A_1589 : vector<16xf32> to vector<1x1x16xf32>
        tpu.vector_store %arg7[%swap3A_1591, %swap3A_1592, %swap3A_1593], %swap3A_1596 {strides = array<i32>} : memref<16x50x32xf32, #tpu.memory_space<vmem>>, vector<1x1x16xf32>,
        %get3A_1597 = arith.constant 30 : i32
        %get3A_1598 = arith.index_cast %scan3A_622 : i32 to index
        %get3A_1599 = arith.index_cast %get3A_1597 : i32 to index
        %get3A_1600 = arith.constant 16 : index
        %get3A_1601 = tpu.vector_load %arg7[%get3A_1598, %get3A_1599, %get3A_1600] {strides = array<i32>} : memref<16x50x32xf32, #tpu.memory_space<vmem>>, vector<1x1x16xf32>,
        %get3A_1602 = vector.shape_cast %get3A_1601 : vector<1x1x16xf32> to vector<16xf32>
        %mul3A_1603 = arith.constant 1.000000e-03 : f32
        %mul3A_1604 = vector.broadcast %mul3A_1603 : f32 to vector<16xf32>
        %mul3A_1605 = arith.mulf %get3A_1602, %mul3A_1604 : vector<16xf32>
        %swap3A_1606 = arith.constant 30 : i32
        %swap3A_1607 = arith.index_cast %scan3A_622 : i32 to index
        %swap3A_1608 = arith.index_cast %swap3A_1606 : i32 to index
        %swap3A_1609 = arith.constant 16 : index
        %swap3A_1610 = tpu.vector_load %arg7[%swap3A_1607, %swap3A_1608, %swap3A_1609] {strides = array<i32>} : memref<16x50x32xf32, #tpu.memory_space<vmem>>, vector<1x1x16xf32>,
        %swap3A_1611 = vector.shape_cast %swap3A_1610 : vector<1x1x16xf32> to vector<16xf32>
        %swap3A_1612 = vector.shape_cast %mul3A_1605 : vector<16xf32> to vector<1x1x16xf32>
        tpu.vector_store %arg7[%swap3A_1607, %swap3A_1608, %swap3A_1609], %swap3A_1612 {strides = array<i32>} : memref<16x50x32xf32, #tpu.memory_space<vmem>>, vector<1x1x16xf32>,
        %get3A_1613 = arith.constant 31 : i32
        %get3A_1614 = arith.index_cast %scan3A_622 : i32 to index
        %get3A_1615 = arith.index_cast %get3A_1613 : i32 to index
        %get3A_1616 = arith.constant 0 : index
        %get3A_1617 = tpu.vector_load %arg7[%get3A_1614, %get3A_1615, %get3A_1616] {strides = array<i32>} : memref<16x50x32xf32, #tpu.memory_space<vmem>>, vector<1x1x16xf32>,
        %get3A_1618 = vector.shape_cast %get3A_1617 : vector<1x1x16xf32> to vector<16xf32>
        %mul3A_1619 = arith.constant 1.000000e-03 : f32
        %mul3A_1620 = vector.broadcast %mul3A_1619 : f32 to vector<16xf32>
        %mul3A_1621 = arith.mulf %get3A_1618, %mul3A_1620 : vector<16xf32>
        %swap3A_1622 = arith.constant 31 : i32
        %swap3A_1623 = arith.index_cast %scan3A_622 : i32 to index
        %swap3A_1624 = arith.index_cast %swap3A_1622 : i32 to index
        %swap3A_1625 = arith.constant 0 : index
        %swap3A_1626 = tpu.vector_load %arg7[%swap3A_1623, %swap3A_1624, %swap3A_1625] {strides = array<i32>} : memref<16x50x32xf32, #tpu.memory_space<vmem>>, vector<1x1x16xf32>,
        %swap3A_1627 = vector.shape_cast %swap3A_1626 : vector<1x1x16xf32> to vector<16xf32>
        %swap3A_1628 = vector.shape_cast %mul3A_1621 : vector<16xf32> to vector<1x1x16xf32>
        tpu.vector_store %arg7[%swap3A_1623, %swap3A_1624, %swap3A_1625], %swap3A_1628 {strides = array<i32>} : memref<16x50x32xf32, #tpu.memory_space<vmem>>, vector<1x1x16xf32>,
        %get3A_1629 = arith.constant 31 : i32
        %get3A_1630 = arith.index_cast %scan3A_622 : i32 to index
        %get3A_1631 = arith.index_cast %get3A_1629 : i32 to index
        %get3A_1632 = arith.constant 16 : index
        %get3A_1633 = tpu.vector_load %arg7[%get3A_1630, %get3A_1631, %get3A_1632] {strides = array<i32>} : memref<16x50x32xf32, #tpu.memory_space<vmem>>, vector<1x1x16xf32>,
        %get3A_1634 = vector.shape_cast %get3A_1633 : vector<1x1x16xf32> to vector<16xf32>
        %mul3A_1635 = arith.constant 1.000000e-03 : f32
        %mul3A_1636 = vector.broadcast %mul3A_1635 : f32 to vector<16xf32>
        %mul3A_1637 = arith.mulf %get3A_1634, %mul3A_1636 : vector<16xf32>
        %swap3A_1638 = arith.constant 31 : i32
        %swap3A_1639 = arith.index_cast %scan3A_622 : i32 to index
        %swap3A_1640 = arith.index_cast %swap3A_1638 : i32 to index
        %swap3A_1641 = arith.constant 16 : index
        %swap3A_1642 = tpu.vector_load %arg7[%swap3A_1639, %swap3A_1640, %swap3A_1641] {strides = array<i32>} : memref<16x50x32xf32, #tpu.memory_space<vmem>>, vector<1x1x16xf32>,
        %swap3A_1643 = vector.shape_cast %swap3A_1642 : vector<1x1x16xf32> to vector<16xf32>
        %swap3A_1644 = vector.shape_cast %mul3A_1637 : vector<16xf32> to vector<1x1x16xf32>
        tpu.vector_store %arg7[%swap3A_1639, %swap3A_1640, %swap3A_1641], %swap3A_1644 {strides = array<i32>} : memref<16x50x32xf32, #tpu.memory_space<vmem>>, vector<1x1x16xf32>,
        %get3A_1645 = arith.constant 32 : i32
        %get3A_1646 = arith.index_cast %scan3A_622 : i32 to index
        %get3A_1647 = arith.index_cast %get3A_1645 : i32 to index
        %get3A_1648 = arith.constant 0 : index
        %get3A_1649 = tpu.vector_load %arg7[%get3A_1646, %get3A_1647, %get3A_1648] {strides = array<i32>} : memref<16x50x32xf32, #tpu.memory_space<vmem>>, vector<1x1x16xf32>,
        %get3A_1650 = vector.shape_cast %get3A_1649 : vector<1x1x16xf32> to vector<16xf32>
        %mul3A_1651 = arith.constant 1.000000e-03 : f32
        %mul3A_1652 = vector.broadcast %mul3A_1651 : f32 to vector<16xf32>
        %mul3A_1653 = arith.mulf %get3A_1650, %mul3A_1652 : vector<16xf32>
        %swap3A_1654 = arith.constant 32 : i32
        %swap3A_1655 = arith.index_cast %scan3A_622 : i32 to index
        %swap3A_1656 = arith.index_cast %swap3A_1654 : i32 to index
        %swap3A_1657 = arith.constant 0 : index
        %swap3A_1658 = tpu.vector_load %arg7[%swap3A_1655, %swap3A_1656, %swap3A_1657] {strides = array<i32>} : memref<16x50x32xf32, #tpu.memory_space<vmem>>, vector<1x1x16xf32>,
        %swap3A_1659 = vector.shape_cast %swap3A_1658 : vector<1x1x16xf32> to vector<16xf32>
        %swap3A_1660 = vector.shape_cast %mul3A_1653 : vector<16xf32> to vector<1x1x16xf32>
        tpu.vector_store %arg7[%swap3A_1655, %swap3A_1656, %swap3A_1657], %swap3A_1660 {strides = array<i32>} : memref<16x50x32xf32, #tpu.memory_space<vmem>>, vector<1x1x16xf32>,
        %get3A_1661 = arith.constant 32 : i32
        %get3A_1662 = arith.index_cast %scan3A_622 : i32 to index
        %get3A_1663 = arith.index_cast %get3A_1661 : i32 to index
        %get3A_1664 = arith.constant 16 : index
        %get3A_1665 = tpu.vector_load %arg7[%get3A_1662, %get3A_1663, %get3A_1664] {strides = array<i32>} : memref<16x50x32xf32, #tpu.memory_space<vmem>>, vector<1x1x16xf32>,
        %get3A_1666 = vector.shape_cast %get3A_1665 : vector<1x1x16xf32> to vector<16xf32>
        %mul3A_1667 = arith.constant 1.000000e-03 : f32
        %mul3A_1668 = vector.broadcast %mul3A_1667 : f32 to vector<16xf32>
        %mul3A_1669 = arith.mulf %get3A_1666, %mul3A_1668 : vector<16xf32>
        %swap3A_1670 = arith.constant 32 : i32
        %swap3A_1671 = arith.index_cast %scan3A_622 : i32 to index
        %swap3A_1672 = arith.index_cast %swap3A_1670 : i32 to index
        %swap3A_1673 = arith.constant 16 : index
        %swap3A_1674 = tpu.vector_load %arg7[%swap3A_1671, %swap3A_1672, %swap3A_1673] {strides = array<i32>} : memref<16x50x32xf32, #tpu.memory_space<vmem>>, vector<1x1x16xf32>,
        %swap3A_1675 = vector.shape_cast %swap3A_1674 : vector<1x1x16xf32> to vector<16xf32>
        %swap3A_1676 = vector.shape_cast %mul3A_1669 : vector<16xf32> to vector<1x1x16xf32>
        tpu.vector_store %arg7[%swap3A_1671, %swap3A_1672, %swap3A_1673], %swap3A_1676 {strides = array<i32>} : memref<16x50x32xf32, #tpu.memory_space<vmem>>, vector<1x1x16xf32>,
        %get3A_1677 = arith.constant 33 : i32
        %get3A_1678 = arith.index_cast %scan3A_622 : i32 to index
        %get3A_1679 = arith.index_cast %get3A_1677 : i32 to index
        %get3A_1680 = arith.constant 0 : index
        %get3A_1681 = tpu.vector_load %arg7[%get3A_1678, %get3A_1679, %get3A_1680] {strides = array<i32>} : memref<16x50x32xf32, #tpu.memory_space<vmem>>, vector<1x1x16xf32>,
        %get3A_1682 = vector.shape_cast %get3A_1681 : vector<1x1x16xf32> to vector<16xf32>
        %mul3A_1683 = arith.constant 1.000000e-03 : f32
        %mul3A_1684 = vector.broadcast %mul3A_1683 : f32 to vector<16xf32>
        %mul3A_1685 = arith.mulf %get3A_1682, %mul3A_1684 : vector<16xf32>
        %swap3A_1686 = arith.constant 33 : i32
        %swap3A_1687 = arith.index_cast %scan3A_622 : i32 to index
        %swap3A_1688 = arith.index_cast %swap3A_1686 : i32 to index
        %swap3A_1689 = arith.constant 0 : index
        %swap3A_1690 = tpu.vector_load %arg7[%swap3A_1687, %swap3A_1688, %swap3A_1689] {strides = array<i32>} : memref<16x50x32xf32, #tpu.memory_space<vmem>>, vector<1x1x16xf32>,
        %swap3A_1691 = vector.shape_cast %swap3A_1690 : vector<1x1x16xf32> to vector<16xf32>
        %swap3A_1692 = vector.shape_cast %mul3A_1685 : vector<16xf32> to vector<1x1x16xf32>
        tpu.vector_store %arg7[%swap3A_1687, %swap3A_1688, %swap3A_1689], %swap3A_1692 {strides = array<i32>} : memref<16x50x32xf32, #tpu.memory_space<vmem>>, vector<1x1x16xf32>,
        %get3A_1693 = arith.constant 33 : i32
        %get3A_1694 = arith.index_cast %scan3A_622 : i32 to index
        %get3A_1695 = arith.index_cast %get3A_1693 : i32 to index
        %get3A_1696 = arith.constant 16 : index
        %get3A_1697 = tpu.vector_load %arg7[%get3A_1694, %get3A_1695, %get3A_1696] {strides = array<i32>} : memref<16x50x32xf32, #tpu.memory_space<vmem>>, vector<1x1x16xf32>,
        %get3A_1698 = vector.shape_cast %get3A_1697 : vector<1x1x16xf32> to vector<16xf32>
        %mul3A_1699 = arith.constant 1.000000e-03 : f32
        %mul3A_1700 = vector.broadcast %mul3A_1699 : f32 to vector<16xf32>
        %mul3A_1701 = arith.mulf %get3A_1698, %mul3A_1700 : vector<16xf32>
        %swap3A_1702 = arith.constant 33 : i32
        %swap3A_1703 = arith.index_cast %scan3A_622 : i32 to index
        %swap3A_1704 = arith.index_cast %swap3A_1702 : i32 to index
        %swap3A_1705 = arith.constant 16 : index
        %swap3A_1706 = tpu.vector_load %arg7[%swap3A_1703, %swap3A_1704, %swap3A_1705] {strides = array<i32>} : memref<16x50x32xf32, #tpu.memory_space<vmem>>, vector<1x1x16xf32>,
        %swap3A_1707 = vector.shape_cast %swap3A_1706 : vector<1x1x16xf32> to vector<16xf32>
        %swap3A_1708 = vector.shape_cast %mul3A_1701 : vector<16xf32> to vector<1x1x16xf32>
        tpu.vector_store %arg7[%swap3A_1703, %swap3A_1704, %swap3A_1705], %swap3A_1708 {strides = array<i32>} : memref<16x50x32xf32, #tpu.memory_space<vmem>>, vector<1x1x16xf32>,
        %get3A_1709 = arith.constant 34 : i32
        %get3A_1710 = arith.index_cast %scan3A_622 : i32 to index
        %get3A_1711 = arith.index_cast %get3A_1709 : i32 to index
        %get3A_1712 = arith.constant 0 : index
        %get3A_1713 = tpu.vector_load %arg7[%get3A_1710, %get3A_1711, %get3A_1712] {strides = array<i32>} : memref<16x50x32xf32, #tpu.memory_space<vmem>>, vector<1x1x16xf32>,
        %get3A_1714 = vector.shape_cast %get3A_1713 : vector<1x1x16xf32> to vector<16xf32>
        %mul3A_1715 = arith.constant 1.000000e-03 : f32
        %mul3A_1716 = vector.broadcast %mul3A_1715 : f32 to vector<16xf32>
        %mul3A_1717 = arith.mulf %get3A_1714, %mul3A_1716 : vector<16xf32>
        %swap3A_1718 = arith.constant 34 : i32
        %swap3A_1719 = arith.index_cast %scan3A_622 : i32 to index
        %swap3A_1720 = arith.index_cast %swap3A_1718 : i32 to index
        %swap3A_1721 = arith.constant 0 : index
        %swap3A_1722 = tpu.vector_load %arg7[%swap3A_1719, %swap3A_1720, %swap3A_1721] {strides = array<i32>} : memref<16x50x32xf32, #tpu.memory_space<vmem>>, vector<1x1x16xf32>,
        %swap3A_1723 = vector.shape_cast %swap3A_1722 : vector<1x1x16xf32> to vector<16xf32>
        %swap3A_1724 = vector.shape_cast %mul3A_1717 : vector<16xf32> to vector<1x1x16xf32>
        tpu.vector_store %arg7[%swap3A_1719, %swap3A_1720, %swap3A_1721], %swap3A_1724 {strides = array<i32>} : memref<16x50x32xf32, #tpu.memory_space<vmem>>, vector<1x1x16xf32>,
        %get3A_1725 = arith.constant 34 : i32
        %get3A_1726 = arith.index_cast %scan3A_622 : i32 to index
        %get3A_1727 = arith.index_cast %get3A_1725 : i32 to index
        %get3A_1728 = arith.constant 16 : index
        %get3A_1729 = tpu.vector_load %arg7[%get3A_1726, %get3A_1727, %get3A_1728] {strides = array<i32>} : memref<16x50x32xf32, #tpu.memory_space<vmem>>, vector<1x1x16xf32>,
        %get3A_1730 = vector.shape_cast %get3A_1729 : vector<1x1x16xf32> to vector<16xf32>
        %mul3A_1731 = arith.constant 1.000000e-03 : f32
        %mul3A_1732 = vector.broadcast %mul3A_1731 : f32 to vector<16xf32>
        %mul3A_1733 = arith.mulf %get3A_1730, %mul3A_1732 : vector<16xf32>
        %swap3A_1734 = arith.constant 34 : i32
        %swap3A_1735 = arith.index_cast %scan3A_622 : i32 to index
        %swap3A_1736 = arith.index_cast %swap3A_1734 : i32 to index
        %swap3A_1737 = arith.constant 16 : index
        %swap3A_1738 = tpu.vector_load %arg7[%swap3A_1735, %swap3A_1736, %swap3A_1737] {strides = array<i32>} : memref<16x50x32xf32, #tpu.memory_space<vmem>>, vector<1x1x16xf32>,
        %swap3A_1739 = vector.shape_cast %swap3A_1738 : vector<1x1x16xf32> to vector<16xf32>
        %swap3A_1740 = vector.shape_cast %mul3A_1733 : vector<16xf32> to vector<1x1x16xf32>
        tpu.vector_store %arg7[%swap3A_1735, %swap3A_1736, %swap3A_1737], %swap3A_1740 {strides = array<i32>} : memref<16x50x32xf32, #tpu.memory_space<vmem>>, vector<1x1x16xf32>,
        %get3A_1741 = arith.constant 35 : i32
        %get3A_1742 = arith.index_cast %scan3A_622 : i32 to index
        %get3A_1743 = arith.index_cast %get3A_1741 : i32 to index
        %get3A_1744 = arith.constant 0 : index
        %get3A_1745 = tpu.vector_load %arg7[%get3A_1742, %get3A_1743, %get3A_1744] {strides = array<i32>} : memref<16x50x32xf32, #tpu.memory_space<vmem>>, vector<1x1x16xf32>,
        %get3A_1746 = vector.shape_cast %get3A_1745 : vector<1x1x16xf32> to vector<16xf32>
        %mul3A_1747 = arith.constant 1.000000e-03 : f32
        %mul3A_1748 = vector.broadcast %mul3A_1747 : f32 to vector<16xf32>
        %mul3A_1749 = arith.mulf %get3A_1746, %mul3A_1748 : vector<16xf32>
        %swap3A_1750 = arith.constant 35 : i32
        %swap3A_1751 = arith.index_cast %scan3A_622 : i32 to index
        %swap3A_1752 = arith.index_cast %swap3A_1750 : i32 to index
        %swap3A_1753 = arith.constant 0 : index
        %swap3A_1754 = tpu.vector_load %arg7[%swap3A_1751, %swap3A_1752, %swap3A_1753] {strides = array<i32>} : memref<16x50x32xf32, #tpu.memory_space<vmem>>, vector<1x1x16xf32>,
        %swap3A_1755 = vector.shape_cast %swap3A_1754 : vector<1x1x16xf32> to vector<16xf32>
        %swap3A_1756 = vector.shape_cast %mul3A_1749 : vector<16xf32> to vector<1x1x16xf32>
        tpu.vector_store %arg7[%swap3A_1751, %swap3A_1752, %swap3A_1753], %swap3A_1756 {strides = array<i32>} : memref<16x50x32xf32, #tpu.memory_space<vmem>>, vector<1x1x16xf32>,
        %get3A_1757 = arith.constant 35 : i32
        %get3A_1758 = arith.index_cast %scan3A_622 : i32 to index
        %get3A_1759 = arith.index_cast %get3A_1757 : i32 to index
        %get3A_1760 = arith.constant 16 : index
        %get3A_1761 = tpu.vector_load %arg7[%get3A_1758, %get3A_1759, %get3A_1760] {strides = array<i32>} : memref<16x50x32xf32, #tpu.memory_space<vmem>>, vector<1x1x16xf32>,
        %get3A_1762 = vector.shape_cast %get3A_1761 : vector<1x1x16xf32> to vector<16xf32>
        %mul3A_1763 = arith.constant 1.000000e-03 : f32
        %mul3A_1764 = vector.broadcast %mul3A_1763 : f32 to vector<16xf32>
        %mul3A_1765 = arith.mulf %get3A_1762, %mul3A_1764 : vector<16xf32>
        %swap3A_1766 = arith.constant 35 : i32
        %swap3A_1767 = arith.index_cast %scan3A_622 : i32 to index
        %swap3A_1768 = arith.index_cast %swap3A_1766 : i32 to index
        %swap3A_1769 = arith.constant 16 : index
        %swap3A_1770 = tpu.vector_load %arg7[%swap3A_1767, %swap3A_1768, %swap3A_1769] {strides = array<i32>} : memref<16x50x32xf32, #tpu.memory_space<vmem>>, vector<1x1x16xf32>,
        %swap3A_1771 = vector.shape_cast %swap3A_1770 : vector<1x1x16xf32> to vector<16xf32>
        %swap3A_1772 = vector.shape_cast %mul3A_1765 : vector<16xf32> to vector<1x1x16xf32>
        tpu.vector_store %arg7[%swap3A_1767, %swap3A_1768, %swap3A_1769], %swap3A_1772 {strides = array<i32>} : memref<16x50x32xf32, #tpu.memory_space<vmem>>, vector<1x1x16xf32>,
        %get3A_1773 = arith.constant 36 : i32
        %get3A_1774 = arith.index_cast %scan3A_622 : i32 to index
        %get3A_1775 = arith.index_cast %get3A_1773 : i32 to index
        %get3A_1776 = arith.constant 0 : index
        %get3A_1777 = tpu.vector_load %arg7[%get3A_1774, %get3A_1775, %get3A_1776] {strides = array<i32>} : memref<16x50x32xf32, #tpu.memory_space<vmem>>, vector<1x1x16xf32>,
        %get3A_1778 = vector.shape_cast %get3A_1777 : vector<1x1x16xf32> to vector<16xf32>
        %mul3A_1779 = arith.constant 1.000000e-03 : f32
        %mul3A_1780 = vector.broadcast %mul3A_1779 : f32 to vector<16xf32>
        %mul3A_1781 = arith.mulf %get3A_1778, %mul3A_1780 : vector<16xf32>
        %swap3A_1782 = arith.constant 36 : i32
        %swap3A_1783 = arith.index_cast %scan3A_622 : i32 to index
        %swap3A_1784 = arith.index_cast %swap3A_1782 : i32 to index
        %swap3A_1785 = arith.constant 0 : index
        %swap3A_1786 = tpu.vector_load %arg7[%swap3A_1783, %swap3A_1784, %swap3A_1785] {strides = array<i32>} : memref<16x50x32xf32, #tpu.memory_space<vmem>>, vector<1x1x16xf32>,
        %swap3A_1787 = vector.shape_cast %swap3A_1786 : vector<1x1x16xf32> to vector<16xf32>
        %swap3A_1788 = vector.shape_cast %mul3A_1781 : vector<16xf32> to vector<1x1x16xf32>
        tpu.vector_store %arg7[%swap3A_1783, %swap3A_1784, %swap3A_1785], %swap3A_1788 {strides = array<i32>} : memref<16x50x32xf32, #tpu.memory_space<vmem>>, vector<1x1x16xf32>,
        %get3A_1789 = arith.constant 36 : i32
        %get3A_1790 = arith.index_cast %scan3A_622 : i32 to index
        %get3A_1791 = arith.index_cast %get3A_1789 : i32 to index
        %get3A_1792 = arith.constant 16 : index
        %get3A_1793 = tpu.vector_load %arg7[%get3A_1790, %get3A_1791, %get3A_1792] {strides = array<i32>} : memref<16x50x32xf32, #tpu.memory_space<vmem>>, vector<1x1x16xf32>,
        %get3A_1794 = vector.shape_cast %get3A_1793 : vector<1x1x16xf32> to vector<16xf32>
        %mul3A_1795 = arith.constant 1.000000e-03 : f32
        %mul3A_1796 = vector.broadcast %mul3A_1795 : f32 to vector<16xf32>
        %mul3A_1797 = arith.mulf %get3A_1794, %mul3A_1796 : vector<16xf32>
        %swap3A_1798 = arith.constant 36 : i32
        %swap3A_1799 = arith.index_cast %scan3A_622 : i32 to index
        %swap3A_1800 = arith.index_cast %swap3A_1798 : i32 to index
        %swap3A_1801 = arith.constant 16 : index
        %swap3A_1802 = tpu.vector_load %arg7[%swap3A_1799, %swap3A_1800, %swap3A_1801] {strides = array<i32>} : memref<16x50x32xf32, #tpu.memory_space<vmem>>, vector<1x1x16xf32>,
        %swap3A_1803 = vector.shape_cast %swap3A_1802 : vector<1x1x16xf32> to vector<16xf32>
        %swap3A_1804 = vector.shape_cast %mul3A_1797 : vector<16xf32> to vector<1x1x16xf32>
        tpu.vector_store %arg7[%swap3A_1799, %swap3A_1800, %swap3A_1801], %swap3A_1804 {strides = array<i32>} : memref<16x50x32xf32, #tpu.memory_space<vmem>>, vector<1x1x16xf32>,
        %get3A_1805 = arith.constant 37 : i32
        %get3A_1806 = arith.index_cast %scan3A_622 : i32 to index
        %get3A_1807 = arith.index_cast %get3A_1805 : i32 to index
        %get3A_1808 = arith.constant 0 : index
        %get3A_1809 = tpu.vector_load %arg7[%get3A_1806, %get3A_1807, %get3A_1808] {strides = array<i32>} : memref<16x50x32xf32, #tpu.memory_space<vmem>>, vector<1x1x16xf32>,
        %get3A_1810 = vector.shape_cast %get3A_1809 : vector<1x1x16xf32> to vector<16xf32>
        %mul3A_1811 = arith.constant 1.000000e-03 : f32
        %mul3A_1812 = vector.broadcast %mul3A_1811 : f32 to vector<16xf32>
        %mul3A_1813 = arith.mulf %get3A_1810, %mul3A_1812 : vector<16xf32>
        %swap3A_1814 = arith.constant 37 : i32
        %swap3A_1815 = arith.index_cast %scan3A_622 : i32 to index
        %swap3A_1816 = arith.index_cast %swap3A_1814 : i32 to index
        %swap3A_1817 = arith.constant 0 : index
        %swap3A_1818 = tpu.vector_load %arg7[%swap3A_1815, %swap3A_1816, %swap3A_1817] {strides = array<i32>} : memref<16x50x32xf32, #tpu.memory_space<vmem>>, vector<1x1x16xf32>,
        %swap3A_1819 = vector.shape_cast %swap3A_1818 : vector<1x1x16xf32> to vector<16xf32>
        %swap3A_1820 = vector.shape_cast %mul3A_1813 : vector<16xf32> to vector<1x1x16xf32>
        tpu.vector_store %arg7[%swap3A_1815, %swap3A_1816, %swap3A_1817], %swap3A_1820 {strides = array<i32>} : memref<16x50x32xf32, #tpu.memory_space<vmem>>, vector<1x1x16xf32>,
        %get3A_1821 = arith.constant 37 : i32
        %get3A_1822 = arith.index_cast %scan3A_622 : i32 to index
        %get3A_1823 = arith.index_cast %get3A_1821 : i32 to index
        %get3A_1824 = arith.constant 16 : index
        %get3A_1825 = tpu.vector_load %arg7[%get3A_1822, %get3A_1823, %get3A_1824] {strides = array<i32>} : memref<16x50x32xf32, #tpu.memory_space<vmem>>, vector<1x1x16xf32>,
        %get3A_1826 = vector.shape_cast %get3A_1825 : vector<1x1x16xf32> to vector<16xf32>
        %mul3A_1827 = arith.constant 1.000000e-03 : f32
        %mul3A_1828 = vector.broadcast %mul3A_1827 : f32 to vector<16xf32>
        %mul3A_1829 = arith.mulf %get3A_1826, %mul3A_1828 : vector<16xf32>
        %swap3A_1830 = arith.constant 37 : i32
        %swap3A_1831 = arith.index_cast %scan3A_622 : i32 to index
        %swap3A_1832 = arith.index_cast %swap3A_1830 : i32 to index
        %swap3A_1833 = arith.constant 16 : index
        %swap3A_1834 = tpu.vector_load %arg7[%swap3A_1831, %swap3A_1832, %swap3A_1833] {strides = array<i32>} : memref<16x50x32xf32, #tpu.memory_space<vmem>>, vector<1x1x16xf32>,
        %swap3A_1835 = vector.shape_cast %swap3A_1834 : vector<1x1x16xf32> to vector<16xf32>
        %swap3A_1836 = vector.shape_cast %mul3A_1829 : vector<16xf32> to vector<1x1x16xf32>
        tpu.vector_store %arg7[%swap3A_1831, %swap3A_1832, %swap3A_1833], %swap3A_1836 {strides = array<i32>} : memref<16x50x32xf32, #tpu.memory_space<vmem>>, vector<1x1x16xf32>,
        %get3A_1837 = arith.constant 38 : i32
        %get3A_1838 = arith.index_cast %scan3A_622 : i32 to index
        %get3A_1839 = arith.index_cast %get3A_1837 : i32 to index
        %get3A_1840 = arith.constant 0 : index
        %get3A_1841 = tpu.vector_load %arg7[%get3A_1838, %get3A_1839, %get3A_1840] {strides = array<i32>} : memref<16x50x32xf32, #tpu.memory_space<vmem>>, vector<1x1x16xf32>,
        %get3A_1842 = vector.shape_cast %get3A_1841 : vector<1x1x16xf32> to vector<16xf32>
        %mul3A_1843 = arith.constant 1.000000e-03 : f32
        %mul3A_1844 = vector.broadcast %mul3A_1843 : f32 to vector<16xf32>
        %mul3A_1845 = arith.mulf %get3A_1842, %mul3A_1844 : vector<16xf32>
        %swap3A_1846 = arith.constant 38 : i32
        %swap3A_1847 = arith.index_cast %scan3A_622 : i32 to index
        %swap3A_1848 = arith.index_cast %swap3A_1846 : i32 to index
        %swap3A_1849 = arith.constant 0 : index
        %swap3A_1850 = tpu.vector_load %arg7[%swap3A_1847, %swap3A_1848, %swap3A_1849] {strides = array<i32>} : memref<16x50x32xf32, #tpu.memory_space<vmem>>, vector<1x1x16xf32>,
        %swap3A_1851 = vector.shape_cast %swap3A_1850 : vector<1x1x16xf32> to vector<16xf32>
        %swap3A_1852 = vector.shape_cast %mul3A_1845 : vector<16xf32> to vector<1x1x16xf32>
        tpu.vector_store %arg7[%swap3A_1847, %swap3A_1848, %swap3A_1849], %swap3A_1852 {strides = array<i32>} : memref<16x50x32xf32, #tpu.memory_space<vmem>>, vector<1x1x16xf32>,
        %get3A_1853 = arith.constant 38 : i32
        %get3A_1854 = arith.index_cast %scan3A_622 : i32 to index
        %get3A_1855 = arith.index_cast %get3A_1853 : i32 to index
        %get3A_1856 = arith.constant 16 : index
        %get3A_1857 = tpu.vector_load %arg7[%get3A_1854, %get3A_1855, %get3A_1856] {strides = array<i32>} : memref<16x50x32xf32, #tpu.memory_space<vmem>>, vector<1x1x16xf32>,
        %get3A_1858 = vector.shape_cast %get3A_1857 : vector<1x1x16xf32> to vector<16xf32>
        %mul3A_1859 = arith.constant 1.000000e-03 : f32
        %mul3A_1860 = vector.broadcast %mul3A_1859 : f32 to vector<16xf32>
        %mul3A_1861 = arith.mulf %get3A_1858, %mul3A_1860 : vector<16xf32>
        %swap3A_1862 = arith.constant 38 : i32
        %swap3A_1863 = arith.index_cast %scan3A_622 : i32 to index
        %swap3A_1864 = arith.index_cast %swap3A_1862 : i32 to index
        %swap3A_1865 = arith.constant 16 : index
        %swap3A_1866 = tpu.vector_load %arg7[%swap3A_1863, %swap3A_1864, %swap3A_1865] {strides = array<i32>} : memref<16x50x32xf32, #tpu.memory_space<vmem>>, vector<1x1x16xf32>,
        %swap3A_1867 = vector.shape_cast %swap3A_1866 : vector<1x1x16xf32> to vector<16xf32>
        %swap3A_1868 = vector.shape_cast %mul3A_1861 : vector<16xf32> to vector<1x1x16xf32>
        tpu.vector_store %arg7[%swap3A_1863, %swap3A_1864, %swap3A_1865], %swap3A_1868 {strides = array<i32>} : memref<16x50x32xf32, #tpu.memory_space<vmem>>, vector<1x1x16xf32>,
        %get3A_1869 = arith.constant 39 : i32
        %get3A_1870 = arith.index_cast %scan3A_622 : i32 to index
        %get3A_1871 = arith.index_cast %get3A_1869 : i32 to index
        %get3A_1872 = arith.constant 0 : index
        %get3A_1873 = tpu.vector_load %arg7[%get3A_1870, %get3A_1871, %get3A_1872] {strides = array<i32>} : memref<16x50x32xf32, #tpu.memory_space<vmem>>, vector<1x1x16xf32>,
        %get3A_1874 = vector.shape_cast %get3A_1873 : vector<1x1x16xf32> to vector<16xf32>
        %mul3A_1875 = arith.constant 1.000000e-03 : f32
        %mul3A_1876 = vector.broadcast %mul3A_1875 : f32 to vector<16xf32>
        %mul3A_1877 = arith.mulf %get3A_1874, %mul3A_1876 : vector<16xf32>
        %swap3A_1878 = arith.constant 39 : i32
        %swap3A_1879 = arith.index_cast %scan3A_622 : i32 to index
        %swap3A_1880 = arith.index_cast %swap3A_1878 : i32 to index
        %swap3A_1881 = arith.constant 0 : index
        %swap3A_1882 = tpu.vector_load %arg7[%swap3A_1879, %swap3A_1880, %swap3A_1881] {strides = array<i32>} : memref<16x50x32xf32, #tpu.memory_space<vmem>>, vector<1x1x16xf32>,
        %swap3A_1883 = vector.shape_cast %swap3A_1882 : vector<1x1x16xf32> to vector<16xf32>
        %swap3A_1884 = vector.shape_cast %mul3A_1877 : vector<16xf32> to vector<1x1x16xf32>
        tpu.vector_store %arg7[%swap3A_1879, %swap3A_1880, %swap3A_1881], %swap3A_1884 {strides = array<i32>} : memref<16x50x32xf32, #tpu.memory_space<vmem>>, vector<1x1x16xf32>,
        %get3A_1885 = arith.constant 39 : i32
        %get3A_1886 = arith.index_cast %scan3A_622 : i32 to index
        %get3A_1887 = arith.index_cast %get3A_1885 : i32 to index
        %get3A_1888 = arith.constant 16 : index
        %get3A_1889 = tpu.vector_load %arg7[%get3A_1886, %get3A_1887, %get3A_1888] {strides = array<i32>} : memref<16x50x32xf32, #tpu.memory_space<vmem>>, vector<1x1x16xf32>,
        %get3A_1890 = vector.shape_cast %get3A_1889 : vector<1x1x16xf32> to vector<16xf32>
        %mul3A_1891 = arith.constant 1.000000e-03 : f32
        %mul3A_1892 = vector.broadcast %mul3A_1891 : f32 to vector<16xf32>
        %mul3A_1893 = arith.mulf %get3A_1890, %mul3A_1892 : vector<16xf32>
        %swap3A_1894 = arith.constant 39 : i32
        %swap3A_1895 = arith.index_cast %scan3A_622 : i32 to index
        %swap3A_1896 = arith.index_cast %swap3A_1894 : i32 to index
        %swap3A_1897 = arith.constant 16 : index
        %swap3A_1898 = tpu.vector_load %arg7[%swap3A_1895, %swap3A_1896, %swap3A_1897] {strides = array<i32>} : memref<16x50x32xf32, #tpu.memory_space<vmem>>, vector<1x1x16xf32>,
        %swap3A_1899 = vector.shape_cast %swap3A_1898 : vector<1x1x16xf32> to vector<16xf32>
        %swap3A_1900 = vector.shape_cast %mul3A_1893 : vector<16xf32> to vector<1x1x16xf32>
        tpu.vector_store %arg7[%swap3A_1895, %swap3A_1896, %swap3A_1897], %swap3A_1900 {strides = array<i32>} : memref<16x50x32xf32, #tpu.memory_space<vmem>>, vector<1x1x16xf32>,
        %get3A_1901 = arith.constant 40 : i32
        %get3A_1902 = arith.index_cast %scan3A_622 : i32 to index
        %get3A_1903 = arith.index_cast %get3A_1901 : i32 to index
        %get3A_1904 = arith.constant 0 : index
        %get3A_1905 = tpu.vector_load %arg7[%get3A_1902, %get3A_1903, %get3A_1904] {strides = array<i32>} : memref<16x50x32xf32, #tpu.memory_space<vmem>>, vector<1x1x16xf32>,
        %get3A_1906 = vector.shape_cast %get3A_1905 : vector<1x1x16xf32> to vector<16xf32>
        %mul3A_1907 = arith.constant 1.000000e-03 : f32
        %mul3A_1908 = vector.broadcast %mul3A_1907 : f32 to vector<16xf32>
        %mul3A_1909 = arith.mulf %get3A_1906, %mul3A_1908 : vector<16xf32>
        %swap3A_1910 = arith.constant 40 : i32
        %swap3A_1911 = arith.index_cast %scan3A_622 : i32 to index
        %swap3A_1912 = arith.index_cast %swap3A_1910 : i32 to index
        %swap3A_1913 = arith.constant 0 : index
        %swap3A_1914 = tpu.vector_load %arg7[%swap3A_1911, %swap3A_1912, %swap3A_1913] {strides = array<i32>} : memref<16x50x32xf32, #tpu.memory_space<vmem>>, vector<1x1x16xf32>,
        %swap3A_1915 = vector.shape_cast %swap3A_1914 : vector<1x1x16xf32> to vector<16xf32>
        %swap3A_1916 = vector.shape_cast %mul3A_1909 : vector<16xf32> to vector<1x1x16xf32>
        tpu.vector_store %arg7[%swap3A_1911, %swap3A_1912, %swap3A_1913], %swap3A_1916 {strides = array<i32>} : memref<16x50x32xf32, #tpu.memory_space<vmem>>, vector<1x1x16xf32>,
        %get3A_1917 = arith.constant 40 : i32
        %get3A_1918 = arith.index_cast %scan3A_622 : i32 to index
        %get3A_1919 = arith.index_cast %get3A_1917 : i32 to index
        %get3A_1920 = arith.constant 16 : index
        %get3A_1921 = tpu.vector_load %arg7[%get3A_1918, %get3A_1919, %get3A_1920] {strides = array<i32>} : memref<16x50x32xf32, #tpu.memory_space<vmem>>, vector<1x1x16xf32>,
        %get3A_1922 = vector.shape_cast %get3A_1921 : vector<1x1x16xf32> to vector<16xf32>
        %mul3A_1923 = arith.constant 1.000000e-03 : f32
        %mul3A_1924 = vector.broadcast %mul3A_1923 : f32 to vector<16xf32>
        %mul3A_1925 = arith.mulf %get3A_1922, %mul3A_1924 : vector<16xf32>
        %swap3A_1926 = arith.constant 40 : i32
        %swap3A_1927 = arith.index_cast %scan3A_622 : i32 to index
        %swap3A_1928 = arith.index_cast %swap3A_1926 : i32 to index
        %swap3A_1929 = arith.constant 16 : index
        %swap3A_1930 = tpu.vector_load %arg7[%swap3A_1927, %swap3A_1928, %swap3A_1929] {strides = array<i32>} : memref<16x50x32xf32, #tpu.memory_space<vmem>>, vector<1x1x16xf32>,
        %swap3A_1931 = vector.shape_cast %swap3A_1930 : vector<1x1x16xf32> to vector<16xf32>
        %swap3A_1932 = vector.shape_cast %mul3A_1925 : vector<16xf32> to vector<1x1x16xf32>
        tpu.vector_store %arg7[%swap3A_1927, %swap3A_1928, %swap3A_1929], %swap3A_1932 {strides = array<i32>} : memref<16x50x32xf32, #tpu.memory_space<vmem>>, vector<1x1x16xf32>,
        %get3A_1933 = arith.constant 41 : i32
        %get3A_1934 = arith.index_cast %scan3A_622 : i32 to index
        %get3A_1935 = arith.index_cast %get3A_1933 : i32 to index
        %get3A_1936 = arith.constant 0 : index
        %get3A_1937 = tpu.vector_load %arg7[%get3A_1934, %get3A_1935, %get3A_1936] {strides = array<i32>} : memref<16x50x32xf32, #tpu.memory_space<vmem>>, vector<1x1x16xf32>,
        %get3A_1938 = vector.shape_cast %get3A_1937 : vector<1x1x16xf32> to vector<16xf32>
        %mul3A_1939 = arith.constant 1.000000e-03 : f32
        %mul3A_1940 = vector.broadcast %mul3A_1939 : f32 to vector<16xf32>
        %mul3A_1941 = arith.mulf %get3A_1938, %mul3A_1940 : vector<16xf32>
        %swap3A_1942 = arith.constant 41 : i32
        %swap3A_1943 = arith.index_cast %scan3A_622 : i32 to index
        %swap3A_1944 = arith.index_cast %swap3A_1942 : i32 to index
        %swap3A_1945 = arith.constant 0 : index
        %swap3A_1946 = tpu.vector_load %arg7[%swap3A_1943, %swap3A_1944, %swap3A_1945] {strides = array<i32>} : memref<16x50x32xf32, #tpu.memory_space<vmem>>, vector<1x1x16xf32>,
        %swap3A_1947 = vector.shape_cast %swap3A_1946 : vector<1x1x16xf32> to vector<16xf32>
        %swap3A_1948 = vector.shape_cast %mul3A_1941 : vector<16xf32> to vector<1x1x16xf32>
        tpu.vector_store %arg7[%swap3A_1943, %swap3A_1944, %swap3A_1945], %swap3A_1948 {strides = array<i32>} : memref<16x50x32xf32, #tpu.memory_space<vmem>>, vector<1x1x16xf32>,
        %get3A_1949 = arith.constant 41 : i32
        %get3A_1950 = arith.index_cast %scan3A_622 : i32 to index
        %get3A_1951 = arith.index_cast %get3A_1949 : i32 to index
        %get3A_1952 = arith.constant 16 : index
        %get3A_1953 = tpu.vector_load %arg7[%get3A_1950, %get3A_1951, %get3A_1952] {strides = array<i32>} : memref<16x50x32xf32, #tpu.memory_space<vmem>>, vector<1x1x16xf32>,
        %get3A_1954 = vector.shape_cast %get3A_1953 : vector<1x1x16xf32> to vector<16xf32>
        %mul3A_1955 = arith.constant 1.000000e-03 : f32
        %mul3A_1956 = vector.broadcast %mul3A_1955 : f32 to vector<16xf32>
        %mul3A_1957 = arith.mulf %get3A_1954, %mul3A_1956 : vector<16xf32>
        %swap3A_1958 = arith.constant 41 : i32
        %swap3A_1959 = arith.index_cast %scan3A_622 : i32 to index
        %swap3A_1960 = arith.index_cast %swap3A_1958 : i32 to index
        %swap3A_1961 = arith.constant 16 : index
        %swap3A_1962 = tpu.vector_load %arg7[%swap3A_1959, %swap3A_1960, %swap3A_1961] {strides = array<i32>} : memref<16x50x32xf32, #tpu.memory_space<vmem>>, vector<1x1x16xf32>,
        %swap3A_1963 = vector.shape_cast %swap3A_1962 : vector<1x1x16xf32> to vector<16xf32>
        %swap3A_1964 = vector.shape_cast %mul3A_1957 : vector<16xf32> to vector<1x1x16xf32>
        tpu.vector_store %arg7[%swap3A_1959, %swap3A_1960, %swap3A_1961], %swap3A_1964 {strides = array<i32>} : memref<16x50x32xf32, #tpu.memory_space<vmem>>, vector<1x1x16xf32>,
        %get3A_1965 = arith.constant 42 : i32
        %get3A_1966 = arith.index_cast %scan3A_622 : i32 to index
        %get3A_1967 = arith.index_cast %get3A_1965 : i32 to index
        %get3A_1968 = arith.constant 0 : index
        %get3A_1969 = tpu.vector_load %arg7[%get3A_1966, %get3A_1967, %get3A_1968] {strides = array<i32>} : memref<16x50x32xf32, #tpu.memory_space<vmem>>, vector<1x1x16xf32>,
        %get3A_1970 = vector.shape_cast %get3A_1969 : vector<1x1x16xf32> to vector<16xf32>
        %mul3A_1971 = arith.constant 1.000000e-03 : f32
        %mul3A_1972 = vector.broadcast %mul3A_1971 : f32 to vector<16xf32>
        %mul3A_1973 = arith.mulf %get3A_1970, %mul3A_1972 : vector<16xf32>
        %swap3A_1974 = arith.constant 42 : i32
        %swap3A_1975 = arith.index_cast %scan3A_622 : i32 to index
        %swap3A_1976 = arith.index_cast %swap3A_1974 : i32 to index
        %swap3A_1977 = arith.constant 0 : index
        %swap3A_1978 = tpu.vector_load %arg7[%swap3A_1975, %swap3A_1976, %swap3A_1977] {strides = array<i32>} : memref<16x50x32xf32, #tpu.memory_space<vmem>>, vector<1x1x16xf32>,
        %swap3A_1979 = vector.shape_cast %swap3A_1978 : vector<1x1x16xf32> to vector<16xf32>
        %swap3A_1980 = vector.shape_cast %mul3A_1973 : vector<16xf32> to vector<1x1x16xf32>
        tpu.vector_store %arg7[%swap3A_1975, %swap3A_1976, %swap3A_1977], %swap3A_1980 {strides = array<i32>} : memref<16x50x32xf32, #tpu.memory_space<vmem>>, vector<1x1x16xf32>,
        %get3A_1981 = arith.constant 42 : i32
        %get3A_1982 = arith.index_cast %scan3A_622 : i32 to index
        %get3A_1983 = arith.index_cast %get3A_1981 : i32 to index
        %get3A_1984 = arith.constant 16 : index
        %get3A_1985 = tpu.vector_load %arg7[%get3A_1982, %get3A_1983, %get3A_1984] {strides = array<i32>} : memref<16x50x32xf32, #tpu.memory_space<vmem>>, vector<1x1x16xf32>,
        %get3A_1986 = vector.shape_cast %get3A_1985 : vector<1x1x16xf32> to vector<16xf32>
        %mul3A_1987 = arith.constant 1.000000e-03 : f32
        %mul3A_1988 = vector.broadcast %mul3A_1987 : f32 to vector<16xf32>
        %mul3A_1989 = arith.mulf %get3A_1986, %mul3A_1988 : vector<16xf32>
        %swap3A_1990 = arith.constant 42 : i32
        %swap3A_1991 = arith.index_cast %scan3A_622 : i32 to index
        %swap3A_1992 = arith.index_cast %swap3A_1990 : i32 to index
        %swap3A_1993 = arith.constant 16 : index
        %swap3A_1994 = tpu.vector_load %arg7[%swap3A_1991, %swap3A_1992, %swap3A_1993] {strides = array<i32>} : memref<16x50x32xf32, #tpu.memory_space<vmem>>, vector<1x1x16xf32>,
        %swap3A_1995 = vector.shape_cast %swap3A_1994 : vector<1x1x16xf32> to vector<16xf32>
        %swap3A_1996 = vector.shape_cast %mul3A_1989 : vector<16xf32> to vector<1x1x16xf32>
        tpu.vector_store %arg7[%swap3A_1991, %swap3A_1992, %swap3A_1993], %swap3A_1996 {strides = array<i32>} : memref<16x50x32xf32, #tpu.memory_space<vmem>>, vector<1x1x16xf32>,
        %get3A_1997 = arith.constant 43 : i32
        %get3A_1998 = arith.index_cast %scan3A_622 : i32 to index
        %get3A_1999 = arith.index_cast %get3A_1997 : i32 to index
        %get3A_2000 = arith.constant 0 : index
        %get3A_2001 = tpu.vector_load %arg7[%get3A_1998, %get3A_1999, %get3A_2000] {strides = array<i32>} : memref<16x50x32xf32, #tpu.memory_space<vmem>>, vector<1x1x16xf32>,
        %get3A_2002 = vector.shape_cast %get3A_2001 : vector<1x1x16xf32> to vector<16xf32>
        %mul3A_2003 = arith.constant 1.000000e-03 : f32
        %mul3A_2004 = vector.broadcast %mul3A_2003 : f32 to vector<16xf32>
        %mul3A_2005 = arith.mulf %get3A_2002, %mul3A_2004 : vector<16xf32>
        %swap3A_2006 = arith.constant 43 : i32
        %swap3A_2007 = arith.index_cast %scan3A_622 : i32 to index
        %swap3A_2008 = arith.index_cast %swap3A_2006 : i32 to index
        %swap3A_2009 = arith.constant 0 : index
        %swap3A_2010 = tpu.vector_load %arg7[%swap3A_2007, %swap3A_2008, %swap3A_2009] {strides = array<i32>} : memref<16x50x32xf32, #tpu.memory_space<vmem>>, vector<1x1x16xf32>,
        %swap3A_2011 = vector.shape_cast %swap3A_2010 : vector<1x1x16xf32> to vector<16xf32>
        %swap3A_2012 = vector.shape_cast %mul3A_2005 : vector<16xf32> to vector<1x1x16xf32>
        tpu.vector_store %arg7[%swap3A_2007, %swap3A_2008, %swap3A_2009], %swap3A_2012 {strides = array<i32>} : memref<16x50x32xf32, #tpu.memory_space<vmem>>, vector<1x1x16xf32>,
        %get3A_2013 = arith.constant 43 : i32
        %get3A_2014 = arith.index_cast %scan3A_622 : i32 to index
        %get3A_2015 = arith.index_cast %get3A_2013 : i32 to index
        %get3A_2016 = arith.constant 16 : index
        %get3A_2017 = tpu.vector_load %arg7[%get3A_2014, %get3A_2015, %get3A_2016] {strides = array<i32>} : memref<16x50x32xf32, #tpu.memory_space<vmem>>, vector<1x1x16xf32>,
        %get3A_2018 = vector.shape_cast %get3A_2017 : vector<1x1x16xf32> to vector<16xf32>
        %mul3A_2019 = arith.constant 1.000000e-03 : f32
        %mul3A_2020 = vector.broadcast %mul3A_2019 : f32 to vector<16xf32>
        %mul3A_2021 = arith.mulf %get3A_2018, %mul3A_2020 : vector<16xf32>
        %swap3A_2022 = arith.constant 43 : i32
        %swap3A_2023 = arith.index_cast %scan3A_622 : i32 to index
        %swap3A_2024 = arith.index_cast %swap3A_2022 : i32 to index
        %swap3A_2025 = arith.constant 16 : index
        %swap3A_2026 = tpu.vector_load %arg7[%swap3A_2023, %swap3A_2024, %swap3A_2025] {strides = array<i32>} : memref<16x50x32xf32, #tpu.memory_space<vmem>>, vector<1x1x16xf32>,
        %swap3A_2027 = vector.shape_cast %swap3A_2026 : vector<1x1x16xf32> to vector<16xf32>
        %swap3A_2028 = vector.shape_cast %mul3A_2021 : vector<16xf32> to vector<1x1x16xf32>
        tpu.vector_store %arg7[%swap3A_2023, %swap3A_2024, %swap3A_2025], %swap3A_2028 {strides = array<i32>} : memref<16x50x32xf32, #tpu.memory_space<vmem>>, vector<1x1x16xf32>,
        %get3A_2029 = arith.constant 44 : i32
        %get3A_2030 = arith.index_cast %scan3A_622 : i32 to index
        %get3A_2031 = arith.index_cast %get3A_2029 : i32 to index
        %get3A_2032 = arith.constant 0 : index
        %get3A_2033 = tpu.vector_load %arg7[%get3A_2030, %get3A_2031, %get3A_2032] {strides = array<i32>} : memref<16x50x32xf32, #tpu.memory_space<vmem>>, vector<1x1x16xf32>,
        %get3A_2034 = vector.shape_cast %get3A_2033 : vector<1x1x16xf32> to vector<16xf32>
        %mul3A_2035 = arith.constant 1.000000e-03 : f32
        %mul3A_2036 = vector.broadcast %mul3A_2035 : f32 to vector<16xf32>
        %mul3A_2037 = arith.mulf %get3A_2034, %mul3A_2036 : vector<16xf32>
        %swap3A_2038 = arith.constant 44 : i32
        %swap3A_2039 = arith.index_cast %scan3A_622 : i32 to index
        %swap3A_2040 = arith.index_cast %swap3A_2038 : i32 to index
        %swap3A_2041 = arith.constant 0 : index
        %swap3A_2042 = tpu.vector_load %arg7[%swap3A_2039, %swap3A_2040, %swap3A_2041] {strides = array<i32>} : memref<16x50x32xf32, #tpu.memory_space<vmem>>, vector<1x1x16xf32>,
        %swap3A_2043 = vector.shape_cast %swap3A_2042 : vector<1x1x16xf32> to vector<16xf32>
        %swap3A_2044 = vector.shape_cast %mul3A_2037 : vector<16xf32> to vector<1x1x16xf32>
        tpu.vector_store %arg7[%swap3A_2039, %swap3A_2040, %swap3A_2041], %swap3A_2044 {strides = array<i32>} : memref<16x50x32xf32, #tpu.memory_space<vmem>>, vector<1x1x16xf32>,
        %get3A_2045 = arith.constant 44 : i32
        %get3A_2046 = arith.index_cast %scan3A_622 : i32 to index
        %get3A_2047 = arith.index_cast %get3A_2045 : i32 to index
        %get3A_2048 = arith.constant 16 : index
        %get3A_2049 = tpu.vector_load %arg7[%get3A_2046, %get3A_2047, %get3A_2048] {strides = array<i32>} : memref<16x50x32xf32, #tpu.memory_space<vmem>>, vector<1x1x16xf32>,
        %get3A_2050 = vector.shape_cast %get3A_2049 : vector<1x1x16xf32> to vector<16xf32>
        %mul3A_2051 = arith.constant 1.000000e-03 : f32
        %mul3A_2052 = vector.broadcast %mul3A_2051 : f32 to vector<16xf32>
        %mul3A_2053 = arith.mulf %get3A_2050, %mul3A_2052 : vector<16xf32>
        %swap3A_2054 = arith.constant 44 : i32
        %swap3A_2055 = arith.index_cast %scan3A_622 : i32 to index
        %swap3A_2056 = arith.index_cast %swap3A_2054 : i32 to index
        %swap3A_2057 = arith.constant 16 : index
        %swap3A_2058 = tpu.vector_load %arg7[%swap3A_2055, %swap3A_2056, %swap3A_2057] {strides = array<i32>} : memref<16x50x32xf32, #tpu.memory_space<vmem>>, vector<1x1x16xf32>,
        %swap3A_2059 = vector.shape_cast %swap3A_2058 : vector<1x1x16xf32> to vector<16xf32>
        %swap3A_2060 = vector.shape_cast %mul3A_2053 : vector<16xf32> to vector<1x1x16xf32>
        tpu.vector_store %arg7[%swap3A_2055, %swap3A_2056, %swap3A_2057], %swap3A_2060 {strides = array<i32>} : memref<16x50x32xf32, #tpu.memory_space<vmem>>, vector<1x1x16xf32>,
        %get3A_2061 = arith.constant 45 : i32
        %get3A_2062 = arith.index_cast %scan3A_622 : i32 to index
        %get3A_2063 = arith.index_cast %get3A_2061 : i32 to index
        %get3A_2064 = arith.constant 0 : index
        %get3A_2065 = tpu.vector_load %arg7[%get3A_2062, %get3A_2063, %get3A_2064] {strides = array<i32>} : memref<16x50x32xf32, #tpu.memory_space<vmem>>, vector<1x1x16xf32>,
        %get3A_2066 = vector.shape_cast %get3A_2065 : vector<1x1x16xf32> to vector<16xf32>
        %mul3A_2067 = arith.constant 1.000000e-03 : f32
        %mul3A_2068 = vector.broadcast %mul3A_2067 : f32 to vector<16xf32>
        %mul3A_2069 = arith.mulf %get3A_2066, %mul3A_2068 : vector<16xf32>
        %swap3A_2070 = arith.constant 45 : i32
        %swap3A_2071 = arith.index_cast %scan3A_622 : i32 to index
        %swap3A_2072 = arith.index_cast %swap3A_2070 : i32 to index
        %swap3A_2073 = arith.constant 0 : index
        %swap3A_2074 = tpu.vector_load %arg7[%swap3A_2071, %swap3A_2072, %swap3A_2073] {strides = array<i32>} : memref<16x50x32xf32, #tpu.memory_space<vmem>>, vector<1x1x16xf32>,
        %swap3A_2075 = vector.shape_cast %swap3A_2074 : vector<1x1x16xf32> to vector<16xf32>
        %swap3A_2076 = vector.shape_cast %mul3A_2069 : vector<16xf32> to vector<1x1x16xf32>
        tpu.vector_store %arg7[%swap3A_2071, %swap3A_2072, %swap3A_2073], %swap3A_2076 {strides = array<i32>} : memref<16x50x32xf32, #tpu.memory_space<vmem>>, vector<1x1x16xf32>,
        %get3A_2077 = arith.constant 45 : i32
        %get3A_2078 = arith.index_cast %scan3A_622 : i32 to index
        %get3A_2079 = arith.index_cast %get3A_2077 : i32 to index
        %get3A_2080 = arith.constant 16 : index
        %get3A_2081 = tpu.vector_load %arg7[%get3A_2078, %get3A_2079, %get3A_2080] {strides = array<i32>} : memref<16x50x32xf32, #tpu.memory_space<vmem>>, vector<1x1x16xf32>,
        %get3A_2082 = vector.shape_cast %get3A_2081 : vector<1x1x16xf32> to vector<16xf32>
        %mul3A_2083 = arith.constant 1.000000e-03 : f32
        %mul3A_2084 = vector.broadcast %mul3A_2083 : f32 to vector<16xf32>
        %mul3A_2085 = arith.mulf %get3A_2082, %mul3A_2084 : vector<16xf32>
        %swap3A_2086 = arith.constant 45 : i32
        %swap3A_2087 = arith.index_cast %scan3A_622 : i32 to index
        %swap3A_2088 = arith.index_cast %swap3A_2086 : i32 to index
        %swap3A_2089 = arith.constant 16 : index
        %swap3A_2090 = tpu.vector_load %arg7[%swap3A_2087, %swap3A_2088, %swap3A_2089] {strides = array<i32>} : memref<16x50x32xf32, #tpu.memory_space<vmem>>, vector<1x1x16xf32>,
        %swap3A_2091 = vector.shape_cast %swap3A_2090 : vector<1x1x16xf32> to vector<16xf32>
        %swap3A_2092 = vector.shape_cast %mul3A_2085 : vector<16xf32> to vector<1x1x16xf32>
        tpu.vector_store %arg7[%swap3A_2087, %swap3A_2088, %swap3A_2089], %swap3A_2092 {strides = array<i32>} : memref<16x50x32xf32, #tpu.memory_space<vmem>>, vector<1x1x16xf32>,
        %get3A_2093 = arith.constant 46 : i32
        %get3A_2094 = arith.index_cast %scan3A_622 : i32 to index
        %get3A_2095 = arith.index_cast %get3A_2093 : i32 to index
        %get3A_2096 = arith.constant 0 : index
        %get3A_2097 = tpu.vector_load %arg7[%get3A_2094, %get3A_2095, %get3A_2096] {strides = array<i32>} : memref<16x50x32xf32, #tpu.memory_space<vmem>>, vector<1x1x16xf32>,
        %get3A_2098 = vector.shape_cast %get3A_2097 : vector<1x1x16xf32> to vector<16xf32>
        %mul3A_2099 = arith.constant 1.000000e-03 : f32
        %mul3A_2100 = vector.broadcast %mul3A_2099 : f32 to vector<16xf32>
        %mul3A_2101 = arith.mulf %get3A_2098, %mul3A_2100 : vector<16xf32>
        %swap3A_2102 = arith.constant 46 : i32
        %swap3A_2103 = arith.index_cast %scan3A_622 : i32 to index
        %swap3A_2104 = arith.index_cast %swap3A_2102 : i32 to index
        %swap3A_2105 = arith.constant 0 : index
        %swap3A_2106 = tpu.vector_load %arg7[%swap3A_2103, %swap3A_2104, %swap3A_2105] {strides = array<i32>} : memref<16x50x32xf32, #tpu.memory_space<vmem>>, vector<1x1x16xf32>,
        %swap3A_2107 = vector.shape_cast %swap3A_2106 : vector<1x1x16xf32> to vector<16xf32>
        %swap3A_2108 = vector.shape_cast %mul3A_2101 : vector<16xf32> to vector<1x1x16xf32>
        tpu.vector_store %arg7[%swap3A_2103, %swap3A_2104, %swap3A_2105], %swap3A_2108 {strides = array<i32>} : memref<16x50x32xf32, #tpu.memory_space<vmem>>, vector<1x1x16xf32>,
        %get3A_2109 = arith.constant 46 : i32
        %get3A_2110 = arith.index_cast %scan3A_622 : i32 to index
        %get3A_2111 = arith.index_cast %get3A_2109 : i32 to index
        %get3A_2112 = arith.constant 16 : index
        %get3A_2113 = tpu.vector_load %arg7[%get3A_2110, %get3A_2111, %get3A_2112] {strides = array<i32>} : memref<16x50x32xf32, #tpu.memory_space<vmem>>, vector<1x1x16xf32>,
        %get3A_2114 = vector.shape_cast %get3A_2113 : vector<1x1x16xf32> to vector<16xf32>
        %mul3A_2115 = arith.constant 1.000000e-03 : f32
        %mul3A_2116 = vector.broadcast %mul3A_2115 : f32 to vector<16xf32>
        %mul3A_2117 = arith.mulf %get3A_2114, %mul3A_2116 : vector<16xf32>
        %swap3A_2118 = arith.constant 46 : i32
        %swap3A_2119 = arith.index_cast %scan3A_622 : i32 to index
        %swap3A_2120 = arith.index_cast %swap3A_2118 : i32 to index
        %swap3A_2121 = arith.constant 16 : index
        %swap3A_2122 = tpu.vector_load %arg7[%swap3A_2119, %swap3A_2120, %swap3A_2121] {strides = array<i32>} : memref<16x50x32xf32, #tpu.memory_space<vmem>>, vector<1x1x16xf32>,
        %swap3A_2123 = vector.shape_cast %swap3A_2122 : vector<1x1x16xf32> to vector<16xf32>
        %swap3A_2124 = vector.shape_cast %mul3A_2117 : vector<16xf32> to vector<1x1x16xf32>
        tpu.vector_store %arg7[%swap3A_2119, %swap3A_2120, %swap3A_2121], %swap3A_2124 {strides = array<i32>} : memref<16x50x32xf32, #tpu.memory_space<vmem>>, vector<1x1x16xf32>,
        %get3A_2125 = arith.constant 47 : i32
        %get3A_2126 = arith.index_cast %scan3A_622 : i32 to index
        %get3A_2127 = arith.index_cast %get3A_2125 : i32 to index
        %get3A_2128 = arith.constant 0 : index
        %get3A_2129 = tpu.vector_load %arg7[%get3A_2126, %get3A_2127, %get3A_2128] {strides = array<i32>} : memref<16x50x32xf32, #tpu.memory_space<vmem>>, vector<1x1x16xf32>,
        %get3A_2130 = vector.shape_cast %get3A_2129 : vector<1x1x16xf32> to vector<16xf32>
        %mul3A_2131 = arith.constant 1.000000e-03 : f32
        %mul3A_2132 = vector.broadcast %mul3A_2131 : f32 to vector<16xf32>
        %mul3A_2133 = arith.mulf %get3A_2130, %mul3A_2132 : vector<16xf32>
        %swap3A_2134 = arith.constant 47 : i32
        %swap3A_2135 = arith.index_cast %scan3A_622 : i32 to index
        %swap3A_2136 = arith.index_cast %swap3A_2134 : i32 to index
        %swap3A_2137 = arith.constant 0 : index
        %swap3A_2138 = tpu.vector_load %arg7[%swap3A_2135, %swap3A_2136, %swap3A_2137] {strides = array<i32>} : memref<16x50x32xf32, #tpu.memory_space<vmem>>, vector<1x1x16xf32>,
        %swap3A_2139 = vector.shape_cast %swap3A_2138 : vector<1x1x16xf32> to vector<16xf32>
        %swap3A_2140 = vector.shape_cast %mul3A_2133 : vector<16xf32> to vector<1x1x16xf32>
        tpu.vector_store %arg7[%swap3A_2135, %swap3A_2136, %swap3A_2137], %swap3A_2140 {strides = array<i32>} : memref<16x50x32xf32, #tpu.memory_space<vmem>>, vector<1x1x16xf32>,
        %get3A_2141 = arith.constant 47 : i32
        %get3A_2142 = arith.index_cast %scan3A_622 : i32 to index
        %get3A_2143 = arith.index_cast %get3A_2141 : i32 to index
        %get3A_2144 = arith.constant 16 : index
        %get3A_2145 = tpu.vector_load %arg7[%get3A_2142, %get3A_2143, %get3A_2144] {strides = array<i32>} : memref<16x50x32xf32, #tpu.memory_space<vmem>>, vector<1x1x16xf32>,
        %get3A_2146 = vector.shape_cast %get3A_2145 : vector<1x1x16xf32> to vector<16xf32>
        %mul3A_2147 = arith.constant 1.000000e-03 : f32
        %mul3A_2148 = vector.broadcast %mul3A_2147 : f32 to vector<16xf32>
        %mul3A_2149 = arith.mulf %get3A_2146, %mul3A_2148 : vector<16xf32>
        %swap3A_2150 = arith.constant 47 : i32
        %swap3A_2151 = arith.index_cast %scan3A_622 : i32 to index
        %swap3A_2152 = arith.index_cast %swap3A_2150 : i32 to index
        %swap3A_2153 = arith.constant 16 : index
        %swap3A_2154 = tpu.vector_load %arg7[%swap3A_2151, %swap3A_2152, %swap3A_2153] {strides = array<i32>} : memref<16x50x32xf32, #tpu.memory_space<vmem>>, vector<1x1x16xf32>,
        %swap3A_2155 = vector.shape_cast %swap3A_2154 : vector<1x1x16xf32> to vector<16xf32>
        %swap3A_2156 = vector.shape_cast %mul3A_2149 : vector<16xf32> to vector<1x1x16xf32>
        tpu.vector_store %arg7[%swap3A_2151, %swap3A_2152, %swap3A_2153], %swap3A_2156 {strides = array<i32>} : memref<16x50x32xf32, #tpu.memory_space<vmem>>, vector<1x1x16xf32>,
        %get3A_2157 = arith.constant 48 : i32
        %get3A_2158 = arith.index_cast %scan3A_622 : i32 to index
        %get3A_2159 = arith.index_cast %get3A_2157 : i32 to index
        %get3A_2160 = arith.constant 0 : index
        %get3A_2161 = tpu.vector_load %arg7[%get3A_2158, %get3A_2159, %get3A_2160] {strides = array<i32>} : memref<16x50x32xf32, #tpu.memory_space<vmem>>, vector<1x1x16xf32>,
        %get3A_2162 = vector.shape_cast %get3A_2161 : vector<1x1x16xf32> to vector<16xf32>
        %mul3A_2163 = arith.constant 1.000000e-03 : f32
        %mul3A_2164 = vector.broadcast %mul3A_2163 : f32 to vector<16xf32>
        %mul3A_2165 = arith.mulf %get3A_2162, %mul3A_2164 : vector<16xf32>
        %swap3A_2166 = arith.constant 48 : i32
        %swap3A_2167 = arith.index_cast %scan3A_622 : i32 to index
        %swap3A_2168 = arith.index_cast %swap3A_2166 : i32 to index
        %swap3A_2169 = arith.constant 0 : index
        %swap3A_2170 = tpu.vector_load %arg7[%swap3A_2167, %swap3A_2168, %swap3A_2169] {strides = array<i32>} : memref<16x50x32xf32, #tpu.memory_space<vmem>>, vector<1x1x16xf32>,
        %swap3A_2171 = vector.shape_cast %swap3A_2170 : vector<1x1x16xf32> to vector<16xf32>
        %swap3A_2172 = vector.shape_cast %mul3A_2165 : vector<16xf32> to vector<1x1x16xf32>
        tpu.vector_store %arg7[%swap3A_2167, %swap3A_2168, %swap3A_2169], %swap3A_2172 {strides = array<i32>} : memref<16x50x32xf32, #tpu.memory_space<vmem>>, vector<1x1x16xf32>,
        %get3A_2173 = arith.constant 48 : i32
        %get3A_2174 = arith.index_cast %scan3A_622 : i32 to index
        %get3A_2175 = arith.index_cast %get3A_2173 : i32 to index
        %get3A_2176 = arith.constant 16 : index
        %get3A_2177 = tpu.vector_load %arg7[%get3A_2174, %get3A_2175, %get3A_2176] {strides = array<i32>} : memref<16x50x32xf32, #tpu.memory_space<vmem>>, vector<1x1x16xf32>,
        %get3A_2178 = vector.shape_cast %get3A_2177 : vector<1x1x16xf32> to vector<16xf32>
        %mul3A_2179 = arith.constant 1.000000e-03 : f32
        %mul3A_2180 = vector.broadcast %mul3A_2179 : f32 to vector<16xf32>
        %mul3A_2181 = arith.mulf %get3A_2178, %mul3A_2180 : vector<16xf32>
        %swap3A_2182 = arith.constant 48 : i32
        %swap3A_2183 = arith.index_cast %scan3A_622 : i32 to index
        %swap3A_2184 = arith.index_cast %swap3A_2182 : i32 to index
        %swap3A_2185 = arith.constant 16 : index
        %swap3A_2186 = tpu.vector_load %arg7[%swap3A_2183, %swap3A_2184, %swap3A_2185] {strides = array<i32>} : memref<16x50x32xf32, #tpu.memory_space<vmem>>, vector<1x1x16xf32>,
        %swap3A_2187 = vector.shape_cast %swap3A_2186 : vector<1x1x16xf32> to vector<16xf32>
        %swap3A_2188 = vector.shape_cast %mul3A_2181 : vector<16xf32> to vector<1x1x16xf32>
        tpu.vector_store %arg7[%swap3A_2183, %swap3A_2184, %swap3A_2185], %swap3A_2188 {strides = array<i32>} : memref<16x50x32xf32, #tpu.memory_space<vmem>>, vector<1x1x16xf32>,
        %get3A_2189 = arith.constant 49 : i32
        %get3A_2190 = arith.index_cast %scan3A_622 : i32 to index
        %get3A_2191 = arith.index_cast %get3A_2189 : i32 to index
        %get3A_2192 = arith.constant 0 : index
        %get3A_2193 = tpu.vector_load %arg7[%get3A_2190, %get3A_2191, %get3A_2192] {strides = array<i32>} : memref<16x50x32xf32, #tpu.memory_space<vmem>>, vector<1x1x16xf32>,
        %get3A_2194 = vector.shape_cast %get3A_2193 : vector<1x1x16xf32> to vector<16xf32>
        %mul3A_2195 = arith.constant 1.000000e-03 : f32
        %mul3A_2196 = vector.broadcast %mul3A_2195 : f32 to vector<16xf32>
        %mul3A_2197 = arith.mulf %get3A_2194, %mul3A_2196 : vector<16xf32>
        %swap3A_2198 = arith.constant 49 : i32
        %swap3A_2199 = arith.index_cast %scan3A_622 : i32 to index
        %swap3A_2200 = arith.index_cast %swap3A_2198 : i32 to index
        %swap3A_2201 = arith.constant 0 : index
        %swap3A_2202 = tpu.vector_load %arg7[%swap3A_2199, %swap3A_2200, %swap3A_2201] {strides = array<i32>} : memref<16x50x32xf32, #tpu.memory_space<vmem>>, vector<1x1x16xf32>,
        %swap3A_2203 = vector.shape_cast %swap3A_2202 : vector<1x1x16xf32> to vector<16xf32>
        %swap3A_2204 = vector.shape_cast %mul3A_2197 : vector<16xf32> to vector<1x1x16xf32>
        tpu.vector_store %arg7[%swap3A_2199, %swap3A_2200, %swap3A_2201], %swap3A_2204 {strides = array<i32>} : memref<16x50x32xf32, #tpu.memory_space<vmem>>, vector<1x1x16xf32>,
        %get3A_2205 = arith.constant 49 : i32
        %get3A_2206 = arith.index_cast %scan3A_622 : i32 to index
        %get3A_2207 = arith.index_cast %get3A_2205 : i32 to index
        %get3A_2208 = arith.constant 16 : index
        %get3A_2209 = tpu.vector_load %arg7[%get3A_2206, %get3A_2207, %get3A_2208] {strides = array<i32>} : memref<16x50x32xf32, #tpu.memory_space<vmem>>, vector<1x1x16xf32>,
        %get3A_2210 = vector.shape_cast %get3A_2209 : vector<1x1x16xf32> to vector<16xf32>
        %mul3A_2211 = arith.constant 1.000000e-03 : f32
        %mul3A_2212 = vector.broadcast %mul3A_2211 : f32 to vector<16xf32>
        %mul3A_2213 = arith.mulf %get3A_2210, %mul3A_2212 : vector<16xf32>
        %swap3A_2214 = arith.constant 49 : i32
        %swap3A_2215 = arith.index_cast %scan3A_622 : i32 to index
        %swap3A_2216 = arith.index_cast %swap3A_2214 : i32 to index
        %swap3A_2217 = arith.constant 16 : index
        %swap3A_2218 = tpu.vector_load %arg7[%swap3A_2215, %swap3A_2216, %swap3A_2217] {strides = array<i32>} : memref<16x50x32xf32, #tpu.memory_space<vmem>>, vector<1x1x16xf32>,
        %swap3A_2219 = vector.shape_cast %swap3A_2218 : vector<1x1x16xf32> to vector<16xf32>
        %swap3A_2220 = vector.shape_cast %mul3A_2213 : vector<16xf32> to vector<1x1x16xf32>
        tpu.vector_store %arg7[%swap3A_2215, %swap3A_2216, %swap3A_2217], %swap3A_2220 {strides = array<i32>} : memref<16x50x32xf32, #tpu.memory_space<vmem>>, vector<1x1x16xf32>,
      }
      %scan3A_404 = arith.constant 16 : i32
      %mul3A_405 = arith.constant 16 : i32
      %mul3A_406 = arith.muli %mul3A_203, %mul3A_405 : i32
      %add3A_407 = arith.addi %mul3A_2, %mul3A_406 : i32
      %multiple_of3A_408 = tpu.assume_multiple %add3A_407, 16 : i32
      "tpu.region"() ({
        %run_scoped3A = tpu.sem_alloc : memref<!tpu.dma_semaphore, #tpu.memory_space<semaphore_mem>>
        %dma_start3A_622 = arith.constant 0 : i32
        %dma_start3A_623 = arith.constant 0 : i32
        %dma_start3A_624 = tpu.memref_slice %arg4[%multiple_of3A_408, %dma_start3A_622, %dma_start3A_623] : memref<16384x50x32xf32, #tpu.memory_space<hbm>> -> memref<16x50x32xf32, #tpu.memory_space<hbm>>
        %dma_start3A_625 = arith.constant 0 : i32
        %dma_start3A_626 = arith.constant 0 : i32
        %dma_start3A_627 = tpu.memref_slice %arg4[%multiple_of3A_408, %dma_start3A_625, %dma_start3A_626] : memref<16384x50x32xf32, #tpu.memory_space<hbm>> -> memref<16x50x32xf32, #tpu.memory_space<hbm>>
        tpu.enqueue_dma source(%arg7 : memref<16x50x32xf32, #tpu.memory_space<vmem>>) target(%dma_start3A_627 : memref<16x50x32xf32, #tpu.memory_space<hbm>>) target_semaphore(%run_scoped3A : memref<!tpu.dma_semaphore, #tpu.memory_space<semaphore_mem>>)
        %dma_wait3A_628 = arith.constant 0 : i32
        %dma_wait3A_629 = arith.constant 0 : i32
        %dma_wait3A_630 = tpu.memref_slice %arg4[%multiple_of3A_408, %dma_wait3A_628, %dma_wait3A_629] : memref<16384x50x32xf32, #tpu.memory_space<hbm>> -> memref<16x50x32xf32, #tpu.memory_space<hbm>>
        %dma_wait3A_631 = arith.constant 0 : i32
        %dma_wait3A_632 = arith.constant 0 : i32
        %dma_wait3A_633 = tpu.memref_slice %arg4[%multiple_of3A_408, %dma_wait3A_631, %dma_wait3A_632] : memref<16384x50x32xf32, #tpu.memory_space<hbm>> -> memref<16x50x32xf32, #tpu.memory_space<hbm>>
        tpu.wait_dma2 semaphore(%run_scoped3A : memref<!tpu.dma_semaphore, #tpu.memory_space<semaphore_mem>>) src(%arg7 : memref<16x50x32xf32, #tpu.memory_space<vmem>>) dst(%dma_wait3A_633 : memref<16x50x32xf32, #tpu.memory_space<hbm>>)
        tpu.yield
      }) : () -> ()
      %mul3A_409 = arith.constant 2 : i32
      %mul3A_410 = arith.muli %scan3A_201, %mul3A_409 : i32
      %add3A_411 = arith.constant 1 : i32
      %add3A_412 = arith.addi %mul3A_410, %add3A_411 : i32
      %add3A_413 = arith.constant 1 : i32
      %add3A_414 = arith.addi %add3A_412, %add3A_413 : i32
      %lt3A_415 = arith.constant 32 : i32
      %lt3A_416 = arith.cmpi slt, %add3A_414, %lt3A_415 : i32
      %convert_element_type3A_417 = arith.extui %lt3A_416 : i1 to i32
      %cond3A_418 = arith.constant 0 : i32
      %cond3A_419 = arith.cmpi ne, %convert_element_type3A_417, %cond3A_418 : i32
      scf.if %cond3A_419 {
        %add3A_622 = arith.constant 1 : i32
        %add3A_623 = arith.addi %add3A_412, %add3A_622 : i32
        %mul3A_624 = arith.constant 16 : i32
        %mul3A_625 = arith.muli %add3A_623, %mul3A_624 : i32
        %add3A_626 = arith.addi %mul3A_2, %mul3A_625 : i32
        %multiple_of3A_627 = tpu.assume_multiple %add3A_626, 16 : i32
        "tpu.region"() ({
          %run_scoped3A = tpu.sem_alloc : memref<!tpu.dma_semaphore, #tpu.memory_space<semaphore_mem>>
          %dma_start3A_820 = arith.constant 0 : i32
          %dma_start3A_821 = tpu.memref_slice %arg2[%multiple_of3A_627, %dma_start3A_820] : memref<16384x50xi32, #tpu.memory_space<hbm>> -> memref<16x50xi32, #tpu.memory_space<hbm>>
          %dma_start3A_822 = arith.constant 0 : i32
          %dma_start3A_823 = tpu.memref_slice %arg2[%multiple_of3A_627, %dma_start3A_822] : memref<16384x50xi32, #tpu.memory_space<hbm>> -> memref<16x50xi32, #tpu.memory_space<hbm>>
          tpu.enqueue_dma source(%dma_start3A_823 : memref<16x50xi32, #tpu.memory_space<hbm>>) target(%arg5 : memref<16x50xi32, #tpu.memory_space<vmem>>) target_semaphore(%run_scoped3A : memref<!tpu.dma_semaphore, #tpu.memory_space<semaphore_mem>>)
          %dma_wait3A_824 = arith.constant 0 : i32
          %dma_wait3A_825 = tpu.memref_slice %arg2[%multiple_of3A_627, %dma_wait3A_824] : memref<16384x50xi32, #tpu.memory_space<hbm>> -> memref<16x50xi32, #tpu.memory_space<hbm>>
          %dma_wait3A_826 = arith.constant 0 : i32
          %dma_wait3A_827 = tpu.memref_slice %arg2[%multiple_of3A_627, %dma_wait3A_826] : memref<16384x50xi32, #tpu.memory_space<hbm>> -> memref<16x50xi32, #tpu.memory_space<hbm>>
          tpu.wait_dma2 semaphore(%run_scoped3A : memref<!tpu.dma_semaphore, #tpu.memory_space<semaphore_mem>>) src(%dma_wait3A_827 : memref<16x50xi32, #tpu.memory_space<hbm>>) dst(%arg5 : memref<16x50xi32, #tpu.memory_space<vmem>>)
          tpu.yield
        }) : () -> ()
        %dma_start3A_628 = arith.constant 0 : i32
        %dma_start3A_629 = arith.constant 0 : i32
        %dma_start3A_630 = arith.constant 0 : i32
        %dma_start3A_631 = arith.constant 0 : i32
        %dma_start3A_632 = tpu.memref_slice %arg7[%dma_start3A_629, %dma_start3A_630, %dma_start3A_631] : memref<16x50x32xf32, #tpu.memory_space<vmem>> -> memref<1x50x32xf32, #tpu.memory_space<vmem>>
        %dma_start3A_633 = tpu.memref_squeeze %dma_start3A_632 : memref<1x50x32xf32, #tpu.memory_space<vmem>> -> memref<50x32xf32, #tpu.memory_space<vmem>>
        %dma_start3A_634 = arith.constant 0 : i32
        %dma_start3A_635 = tpu.memref_slice %arg5[%dma_start3A_628, %dma_start3A_634] : memref<16x50xi32, #tpu.memory_space<vmem>> -> memref<1x50xi32, #tpu.memory_space<vmem>>
        %dma_start3A_636 = tpu.memref_squeeze %dma_start3A_635 : memref<1x50xi32, #tpu.memory_space<vmem>> -> memref<50xi32, #tpu.memory_space<vmem>>
        %dma_start3A_637 = arith.constant 0 : i32
        %dma_start3A_638 = arith.constant 0 : i32
        %dma_start3A_639 = tpu.memref_slice %arg3[%dma_start3A_637, %dma_start3A_638] : memref<1000000x32xf32, #tpu.memory_space<hbm>> -> memref<1000000x32xf32, #tpu.memory_space<hbm>>
        tpu.enqueue_indirect_dma source(%dma_start3A_639 : memref<1000000x32xf32, #tpu.memory_space<hbm>>) target(%dma_start3A_633 : memref<50x32xf32, #tpu.memory_space<vmem>>) offsets(%dma_start3A_636 : memref<50xi32, #tpu.memory_space<vmem>>) semaphore(%arg9 : memref<!tpu.dma_semaphore, #tpu.memory_space<semaphore_mem>>)
        %dma_start3A_640 = arith.constant 1 : i32
        %dma_start3A_641 = arith.constant 1 : i32
        %dma_start3A_642 = arith.constant 0 : i32
        %dma_start3A_643 = arith.constant 0 : i32
        %dma_start3A_644 = tpu.memref_slice %arg7[%dma_start3A_641, %dma_start3A_642, %dma_start3A_643] : memref<16x50x32xf32, #tpu.memory_space<vmem>> -> memref<1x50x32xf32, #tpu.memory_space<vmem>>
        %dma_start3A_645 = tpu.memref_squeeze %dma_start3A_644 : memref<1x50x32xf32, #tpu.memory_space<vmem>> -> memref<50x32xf32, #tpu.memory_space<vmem>>
        %dma_start3A_646 = arith.constant 0 : i32
        %dma_start3A_647 = tpu.memref_slice %arg5[%dma_start3A_640, %dma_start3A_646] : memref<16x50xi32, #tpu.memory_space<vmem>> -> memref<1x50xi32, #tpu.memory_space<vmem>>
        %dma_start3A_648 = tpu.memref_squeeze %dma_start3A_647 : memref<1x50xi32, #tpu.memory_space<vmem>> -> memref<50xi32, #tpu.memory_space<vmem>>
        %dma_start3A_649 = arith.constant 0 : i32
        %dma_start3A_650 = arith.constant 0 : i32
        %dma_start3A_651 = tpu.memref_slice %arg3[%dma_start3A_649, %dma_start3A_650] : memref<1000000x32xf32, #tpu.memory_space<hbm>> -> memref<1000000x32xf32, #tpu.memory_space<hbm>>
        tpu.enqueue_indirect_dma source(%dma_start3A_651 : memref<1000000x32xf32, #tpu.memory_space<hbm>>) target(%dma_start3A_645 : memref<50x32xf32, #tpu.memory_space<vmem>>) offsets(%dma_start3A_648 : memref<50xi32, #tpu.memory_space<vmem>>) semaphore(%arg9 : memref<!tpu.dma_semaphore, #tpu.memory_space<semaphore_mem>>)
        %dma_start3A_652 = arith.constant 2 : i32
        %dma_start3A_653 = arith.constant 2 : i32
        %dma_start3A_654 = arith.constant 0 : i32
        %dma_start3A_655 = arith.constant 0 : i32
        %dma_start3A_656 = tpu.memref_slice %arg7[%dma_start3A_653, %dma_start3A_654, %dma_start3A_655] : memref<16x50x32xf32, #tpu.memory_space<vmem>> -> memref<1x50x32xf32, #tpu.memory_space<vmem>>
        %dma_start3A_657 = tpu.memref_squeeze %dma_start3A_656 : memref<1x50x32xf32, #tpu.memory_space<vmem>> -> memref<50x32xf32, #tpu.memory_space<vmem>>
        %dma_start3A_658 = arith.constant 0 : i32
        %dma_start3A_659 = tpu.memref_slice %arg5[%dma_start3A_652, %dma_start3A_658] : memref<16x50xi32, #tpu.memory_space<vmem>> -> memref<1x50xi32, #tpu.memory_space<vmem>>
        %dma_start3A_660 = tpu.memref_squeeze %dma_start3A_659 : memref<1x50xi32, #tpu.memory_space<vmem>> -> memref<50xi32, #tpu.memory_space<vmem>>
        %dma_start3A_661 = arith.constant 0 : i32
        %dma_start3A_662 = arith.constant 0 : i32
        %dma_start3A_663 = tpu.memref_slice %arg3[%dma_start3A_661, %dma_start3A_662] : memref<1000000x32xf32, #tpu.memory_space<hbm>> -> memref<1000000x32xf32, #tpu.memory_space<hbm>>
        tpu.enqueue_indirect_dma source(%dma_start3A_663 : memref<1000000x32xf32, #tpu.memory_space<hbm>>) target(%dma_start3A_657 : memref<50x32xf32, #tpu.memory_space<vmem>>) offsets(%dma_start3A_660 : memref<50xi32, #tpu.memory_space<vmem>>) semaphore(%arg9 : memref<!tpu.dma_semaphore, #tpu.memory_space<semaphore_mem>>)
        %dma_start3A_664 = arith.constant 3 : i32
        %dma_start3A_665 = arith.constant 3 : i32
        %dma_start3A_666 = arith.constant 0 : i32
        %dma_start3A_667 = arith.constant 0 : i32
        %dma_start3A_668 = tpu.memref_slice %arg7[%dma_start3A_665, %dma_start3A_666, %dma_start3A_667] : memref<16x50x32xf32, #tpu.memory_space<vmem>> -> memref<1x50x32xf32, #tpu.memory_space<vmem>>
        %dma_start3A_669 = tpu.memref_squeeze %dma_start3A_668 : memref<1x50x32xf32, #tpu.memory_space<vmem>> -> memref<50x32xf32, #tpu.memory_space<vmem>>
        %dma_start3A_670 = arith.constant 0 : i32
        %dma_start3A_671 = tpu.memref_slice %arg5[%dma_start3A_664, %dma_start3A_670] : memref<16x50xi32, #tpu.memory_space<vmem>> -> memref<1x50xi32, #tpu.memory_space<vmem>>
        %dma_start3A_672 = tpu.memref_squeeze %dma_start3A_671 : memref<1x50xi32, #tpu.memory_space<vmem>> -> memref<50xi32, #tpu.memory_space<vmem>>
        %dma_start3A_673 = arith.constant 0 : i32
        %dma_start3A_674 = arith.constant 0 : i32
        %dma_start3A_675 = tpu.memref_slice %arg3[%dma_start3A_673, %dma_start3A_674] : memref<1000000x32xf32, #tpu.memory_space<hbm>> -> memref<1000000x32xf32, #tpu.memory_space<hbm>>
        tpu.enqueue_indirect_dma source(%dma_start3A_675 : memref<1000000x32xf32, #tpu.memory_space<hbm>>) target(%dma_start3A_669 : memref<50x32xf32, #tpu.memory_space<vmem>>) offsets(%dma_start3A_672 : memref<50xi32, #tpu.memory_space<vmem>>) semaphore(%arg9 : memref<!tpu.dma_semaphore, #tpu.memory_space<semaphore_mem>>)
        %dma_start3A_676 = arith.constant 4 : i32
        %dma_start3A_677 = arith.constant 4 : i32
        %dma_start3A_678 = arith.constant 0 : i32
        %dma_start3A_679 = arith.constant 0 : i32
        %dma_start3A_680 = tpu.memref_slice %arg7[%dma_start3A_677, %dma_start3A_678, %dma_start3A_679] : memref<16x50x32xf32, #tpu.memory_space<vmem>> -> memref<1x50x32xf32, #tpu.memory_space<vmem>>
        %dma_start3A_681 = tpu.memref_squeeze %dma_start3A_680 : memref<1x50x32xf32, #tpu.memory_space<vmem>> -> memref<50x32xf32, #tpu.memory_space<vmem>>
        %dma_start3A_682 = arith.constant 0 : i32
        %dma_start3A_683 = tpu.memref_slice %arg5[%dma_start3A_676, %dma_start3A_682] : memref<16x50xi32, #tpu.memory_space<vmem>> -> memref<1x50xi32, #tpu.memory_space<vmem>>
        %dma_start3A_684 = tpu.memref_squeeze %dma_start3A_683 : memref<1x50xi32, #tpu.memory_space<vmem>> -> memref<50xi32, #tpu.memory_space<vmem>>
        %dma_start3A_685 = arith.constant 0 : i32
        %dma_start3A_686 = arith.constant 0 : i32
        %dma_start3A_687 = tpu.memref_slice %arg3[%dma_start3A_685, %dma_start3A_686] : memref<1000000x32xf32, #tpu.memory_space<hbm>> -> memref<1000000x32xf32, #tpu.memory_space<hbm>>
        tpu.enqueue_indirect_dma source(%dma_start3A_687 : memref<1000000x32xf32, #tpu.memory_space<hbm>>) target(%dma_start3A_681 : memref<50x32xf32, #tpu.memory_space<vmem>>) offsets(%dma_start3A_684 : memref<50xi32, #tpu.memory_space<vmem>>) semaphore(%arg9 : memref<!tpu.dma_semaphore, #tpu.memory_space<semaphore_mem>>)
        %dma_start3A_688 = arith.constant 5 : i32
        %dma_start3A_689 = arith.constant 5 : i32
        %dma_start3A_690 = arith.constant 0 : i32
        %dma_start3A_691 = arith.constant 0 : i32
        %dma_start3A_692 = tpu.memref_slice %arg7[%dma_start3A_689, %dma_start3A_690, %dma_start3A_691] : memref<16x50x32xf32, #tpu.memory_space<vmem>> -> memref<1x50x32xf32, #tpu.memory_space<vmem>>
        %dma_start3A_693 = tpu.memref_squeeze %dma_start3A_692 : memref<1x50x32xf32, #tpu.memory_space<vmem>> -> memref<50x32xf32, #tpu.memory_space<vmem>>
        %dma_start3A_694 = arith.constant 0 : i32
        %dma_start3A_695 = tpu.memref_slice %arg5[%dma_start3A_688, %dma_start3A_694] : memref<16x50xi32, #tpu.memory_space<vmem>> -> memref<1x50xi32, #tpu.memory_space<vmem>>
        %dma_start3A_696 = tpu.memref_squeeze %dma_start3A_695 : memref<1x50xi32, #tpu.memory_space<vmem>> -> memref<50xi32, #tpu.memory_space<vmem>>
        %dma_start3A_697 = arith.constant 0 : i32
        %dma_start3A_698 = arith.constant 0 : i32
        %dma_start3A_699 = tpu.memref_slice %arg3[%dma_start3A_697, %dma_start3A_698] : memref<1000000x32xf32, #tpu.memory_space<hbm>> -> memref<1000000x32xf32, #tpu.memory_space<hbm>>
        tpu.enqueue_indirect_dma source(%dma_start3A_699 : memref<1000000x32xf32, #tpu.memory_space<hbm>>) target(%dma_start3A_693 : memref<50x32xf32, #tpu.memory_space<vmem>>) offsets(%dma_start3A_696 : memref<50xi32, #tpu.memory_space<vmem>>) semaphore(%arg9 : memref<!tpu.dma_semaphore, #tpu.memory_space<semaphore_mem>>)
        %dma_start3A_700 = arith.constant 6 : i32
        %dma_start3A_701 = arith.constant 6 : i32
        %dma_start3A_702 = arith.constant 0 : i32
        %dma_start3A_703 = arith.constant 0 : i32
        %dma_start3A_704 = tpu.memref_slice %arg7[%dma_start3A_701, %dma_start3A_702, %dma_start3A_703] : memref<16x50x32xf32, #tpu.memory_space<vmem>> -> memref<1x50x32xf32, #tpu.memory_space<vmem>>
        %dma_start3A_705 = tpu.memref_squeeze %dma_start3A_704 : memref<1x50x32xf32, #tpu.memory_space<vmem>> -> memref<50x32xf32, #tpu.memory_space<vmem>>
        %dma_start3A_706 = arith.constant 0 : i32
        %dma_start3A_707 = tpu.memref_slice %arg5[%dma_start3A_700, %dma_start3A_706] : memref<16x50xi32, #tpu.memory_space<vmem>> -> memref<1x50xi32, #tpu.memory_space<vmem>>
        %dma_start3A_708 = tpu.memref_squeeze %dma_start3A_707 : memref<1x50xi32, #tpu.memory_space<vmem>> -> memref<50xi32, #tpu.memory_space<vmem>>
        %dma_start3A_709 = arith.constant 0 : i32
        %dma_start3A_710 = arith.constant 0 : i32
        %dma_start3A_711 = tpu.memref_slice %arg3[%dma_start3A_709, %dma_start3A_710] : memref<1000000x32xf32, #tpu.memory_space<hbm>> -> memref<1000000x32xf32, #tpu.memory_space<hbm>>
        tpu.enqueue_indirect_dma source(%dma_start3A_711 : memref<1000000x32xf32, #tpu.memory_space<hbm>>) target(%dma_start3A_705 : memref<50x32xf32, #tpu.memory_space<vmem>>) offsets(%dma_start3A_708 : memref<50xi32, #tpu.memory_space<vmem>>) semaphore(%arg9 : memref<!tpu.dma_semaphore, #tpu.memory_space<semaphore_mem>>)
        %dma_start3A_712 = arith.constant 7 : i32
        %dma_start3A_713 = arith.constant 7 : i32
        %dma_start3A_714 = arith.constant 0 : i32
        %dma_start3A_715 = arith.constant 0 : i32
        %dma_start3A_716 = tpu.memref_slice %arg7[%dma_start3A_713, %dma_start3A_714, %dma_start3A_715] : memref<16x50x32xf32, #tpu.memory_space<vmem>> -> memref<1x50x32xf32, #tpu.memory_space<vmem>>
        %dma_start3A_717 = tpu.memref_squeeze %dma_start3A_716 : memref<1x50x32xf32, #tpu.memory_space<vmem>> -> memref<50x32xf32, #tpu.memory_space<vmem>>
        %dma_start3A_718 = arith.constant 0 : i32
        %dma_start3A_719 = tpu.memref_slice %arg5[%dma_start3A_712, %dma_start3A_718] : memref<16x50xi32, #tpu.memory_space<vmem>> -> memref<1x50xi32, #tpu.memory_space<vmem>>
        %dma_start3A_720 = tpu.memref_squeeze %dma_start3A_719 : memref<1x50xi32, #tpu.memory_space<vmem>> -> memref<50xi32, #tpu.memory_space<vmem>>
        %dma_start3A_721 = arith.constant 0 : i32
        %dma_start3A_722 = arith.constant 0 : i32
        %dma_start3A_723 = tpu.memref_slice %arg3[%dma_start3A_721, %dma_start3A_722] : memref<1000000x32xf32, #tpu.memory_space<hbm>> -> memref<1000000x32xf32, #tpu.memory_space<hbm>>
        tpu.enqueue_indirect_dma source(%dma_start3A_723 : memref<1000000x32xf32, #tpu.memory_space<hbm>>) target(%dma_start3A_717 : memref<50x32xf32, #tpu.memory_space<vmem>>) offsets(%dma_start3A_720 : memref<50xi32, #tpu.memory_space<vmem>>) semaphore(%arg9 : memref<!tpu.dma_semaphore, #tpu.memory_space<semaphore_mem>>)
        %dma_start3A_724 = arith.constant 8 : i32
        %dma_start3A_725 = arith.constant 8 : i32
        %dma_start3A_726 = arith.constant 0 : i32
        %dma_start3A_727 = arith.constant 0 : i32
        %dma_start3A_728 = tpu.memref_slice %arg7[%dma_start3A_725, %dma_start3A_726, %dma_start3A_727] : memref<16x50x32xf32, #tpu.memory_space<vmem>> -> memref<1x50x32xf32, #tpu.memory_space<vmem>>
        %dma_start3A_729 = tpu.memref_squeeze %dma_start3A_728 : memref<1x50x32xf32, #tpu.memory_space<vmem>> -> memref<50x32xf32, #tpu.memory_space<vmem>>
        %dma_start3A_730 = arith.constant 0 : i32
        %dma_start3A_731 = tpu.memref_slice %arg5[%dma_start3A_724, %dma_start3A_730] : memref<16x50xi32, #tpu.memory_space<vmem>> -> memref<1x50xi32, #tpu.memory_space<vmem>>
        %dma_start3A_732 = tpu.memref_squeeze %dma_start3A_731 : memref<1x50xi32, #tpu.memory_space<vmem>> -> memref<50xi32, #tpu.memory_space<vmem>>
        %dma_start3A_733 = arith.constant 0 : i32
        %dma_start3A_734 = arith.constant 0 : i32
        %dma_start3A_735 = tpu.memref_slice %arg3[%dma_start3A_733, %dma_start3A_734] : memref<1000000x32xf32, #tpu.memory_space<hbm>> -> memref<1000000x32xf32, #tpu.memory_space<hbm>>
        tpu.enqueue_indirect_dma source(%dma_start3A_735 : memref<1000000x32xf32, #tpu.memory_space<hbm>>) target(%dma_start3A_729 : memref<50x32xf32, #tpu.memory_space<vmem>>) offsets(%dma_start3A_732 : memref<50xi32, #tpu.memory_space<vmem>>) semaphore(%arg9 : memref<!tpu.dma_semaphore, #tpu.memory_space<semaphore_mem>>)
        %dma_start3A_736 = arith.constant 9 : i32
        %dma_start3A_737 = arith.constant 9 : i32
        %dma_start3A_738 = arith.constant 0 : i32
        %dma_start3A_739 = arith.constant 0 : i32
        %dma_start3A_740 = tpu.memref_slice %arg7[%dma_start3A_737, %dma_start3A_738, %dma_start3A_739] : memref<16x50x32xf32, #tpu.memory_space<vmem>> -> memref<1x50x32xf32, #tpu.memory_space<vmem>>
        %dma_start3A_741 = tpu.memref_squeeze %dma_start3A_740 : memref<1x50x32xf32, #tpu.memory_space<vmem>> -> memref<50x32xf32, #tpu.memory_space<vmem>>
        %dma_start3A_742 = arith.constant 0 : i32
        %dma_start3A_743 = tpu.memref_slice %arg5[%dma_start3A_736, %dma_start3A_742] : memref<16x50xi32, #tpu.memory_space<vmem>> -> memref<1x50xi32, #tpu.memory_space<vmem>>
        %dma_start3A_744 = tpu.memref_squeeze %dma_start3A_743 : memref<1x50xi32, #tpu.memory_space<vmem>> -> memref<50xi32, #tpu.memory_space<vmem>>
        %dma_start3A_745 = arith.constant 0 : i32
        %dma_start3A_746 = arith.constant 0 : i32
        %dma_start3A_747 = tpu.memref_slice %arg3[%dma_start3A_745, %dma_start3A_746] : memref<1000000x32xf32, #tpu.memory_space<hbm>> -> memref<1000000x32xf32, #tpu.memory_space<hbm>>
        tpu.enqueue_indirect_dma source(%dma_start3A_747 : memref<1000000x32xf32, #tpu.memory_space<hbm>>) target(%dma_start3A_741 : memref<50x32xf32, #tpu.memory_space<vmem>>) offsets(%dma_start3A_744 : memref<50xi32, #tpu.memory_space<vmem>>) semaphore(%arg9 : memref<!tpu.dma_semaphore, #tpu.memory_space<semaphore_mem>>)
        %dma_start3A_748 = arith.constant 10 : i32
        %dma_start3A_749 = arith.constant 10 : i32
        %dma_start3A_750 = arith.constant 0 : i32
        %dma_start3A_751 = arith.constant 0 : i32
        %dma_start3A_752 = tpu.memref_slice %arg7[%dma_start3A_749, %dma_start3A_750, %dma_start3A_751] : memref<16x50x32xf32, #tpu.memory_space<vmem>> -> memref<1x50x32xf32, #tpu.memory_space<vmem>>
        %dma_start3A_753 = tpu.memref_squeeze %dma_start3A_752 : memref<1x50x32xf32, #tpu.memory_space<vmem>> -> memref<50x32xf32, #tpu.memory_space<vmem>>
        %dma_start3A_754 = arith.constant 0 : i32
        %dma_start3A_755 = tpu.memref_slice %arg5[%dma_start3A_748, %dma_start3A_754] : memref<16x50xi32, #tpu.memory_space<vmem>> -> memref<1x50xi32, #tpu.memory_space<vmem>>
        %dma_start3A_756 = tpu.memref_squeeze %dma_start3A_755 : memref<1x50xi32, #tpu.memory_space<vmem>> -> memref<50xi32, #tpu.memory_space<vmem>>
        %dma_start3A_757 = arith.constant 0 : i32
        %dma_start3A_758 = arith.constant 0 : i32
        %dma_start3A_759 = tpu.memref_slice %arg3[%dma_start3A_757, %dma_start3A_758] : memref<1000000x32xf32, #tpu.memory_space<hbm>> -> memref<1000000x32xf32, #tpu.memory_space<hbm>>
        tpu.enqueue_indirect_dma source(%dma_start3A_759 : memref<1000000x32xf32, #tpu.memory_space<hbm>>) target(%dma_start3A_753 : memref<50x32xf32, #tpu.memory_space<vmem>>) offsets(%dma_start3A_756 : memref<50xi32, #tpu.memory_space<vmem>>) semaphore(%arg9 : memref<!tpu.dma_semaphore, #tpu.memory_space<semaphore_mem>>)
        %dma_start3A_760 = arith.constant 11 : i32
        %dma_start3A_761 = arith.constant 11 : i32
        %dma_start3A_762 = arith.constant 0 : i32
        %dma_start3A_763 = arith.constant 0 : i32
        %dma_start3A_764 = tpu.memref_slice %arg7[%dma_start3A_761, %dma_start3A_762, %dma_start3A_763] : memref<16x50x32xf32, #tpu.memory_space<vmem>> -> memref<1x50x32xf32, #tpu.memory_space<vmem>>
        %dma_start3A_765 = tpu.memref_squeeze %dma_start3A_764 : memref<1x50x32xf32, #tpu.memory_space<vmem>> -> memref<50x32xf32, #tpu.memory_space<vmem>>
        %dma_start3A_766 = arith.constant 0 : i32
        %dma_start3A_767 = tpu.memref_slice %arg5[%dma_start3A_760, %dma_start3A_766] : memref<16x50xi32, #tpu.memory_space<vmem>> -> memref<1x50xi32, #tpu.memory_space<vmem>>
        %dma_start3A_768 = tpu.memref_squeeze %dma_start3A_767 : memref<1x50xi32, #tpu.memory_space<vmem>> -> memref<50xi32, #tpu.memory_space<vmem>>
        %dma_start3A_769 = arith.constant 0 : i32
        %dma_start3A_770 = arith.constant 0 : i32
        %dma_start3A_771 = tpu.memref_slice %arg3[%dma_start3A_769, %dma_start3A_770] : memref<1000000x32xf32, #tpu.memory_space<hbm>> -> memref<1000000x32xf32, #tpu.memory_space<hbm>>
        tpu.enqueue_indirect_dma source(%dma_start3A_771 : memref<1000000x32xf32, #tpu.memory_space<hbm>>) target(%dma_start3A_765 : memref<50x32xf32, #tpu.memory_space<vmem>>) offsets(%dma_start3A_768 : memref<50xi32, #tpu.memory_space<vmem>>) semaphore(%arg9 : memref<!tpu.dma_semaphore, #tpu.memory_space<semaphore_mem>>)
        %dma_start3A_772 = arith.constant 12 : i32
        %dma_start3A_773 = arith.constant 12 : i32
        %dma_start3A_774 = arith.constant 0 : i32
        %dma_start3A_775 = arith.constant 0 : i32
        %dma_start3A_776 = tpu.memref_slice %arg7[%dma_start3A_773, %dma_start3A_774, %dma_start3A_775] : memref<16x50x32xf32, #tpu.memory_space<vmem>> -> memref<1x50x32xf32, #tpu.memory_space<vmem>>
        %dma_start3A_777 = tpu.memref_squeeze %dma_start3A_776 : memref<1x50x32xf32, #tpu.memory_space<vmem>> -> memref<50x32xf32, #tpu.memory_space<vmem>>
        %dma_start3A_778 = arith.constant 0 : i32
        %dma_start3A_779 = tpu.memref_slice %arg5[%dma_start3A_772, %dma_start3A_778] : memref<16x50xi32, #tpu.memory_space<vmem>> -> memref<1x50xi32, #tpu.memory_space<vmem>>
        %dma_start3A_780 = tpu.memref_squeeze %dma_start3A_779 : memref<1x50xi32, #tpu.memory_space<vmem>> -> memref<50xi32, #tpu.memory_space<vmem>>
        %dma_start3A_781 = arith.constant 0 : i32
        %dma_start3A_782 = arith.constant 0 : i32
        %dma_start3A_783 = tpu.memref_slice %arg3[%dma_start3A_781, %dma_start3A_782] : memref<1000000x32xf32, #tpu.memory_space<hbm>> -> memref<1000000x32xf32, #tpu.memory_space<hbm>>
        tpu.enqueue_indirect_dma source(%dma_start3A_783 : memref<1000000x32xf32, #tpu.memory_space<hbm>>) target(%dma_start3A_777 : memref<50x32xf32, #tpu.memory_space<vmem>>) offsets(%dma_start3A_780 : memref<50xi32, #tpu.memory_space<vmem>>) semaphore(%arg9 : memref<!tpu.dma_semaphore, #tpu.memory_space<semaphore_mem>>)
        %dma_start3A_784 = arith.constant 13 : i32
        %dma_start3A_785 = arith.constant 13 : i32
        %dma_start3A_786 = arith.constant 0 : i32
        %dma_start3A_787 = arith.constant 0 : i32
        %dma_start3A_788 = tpu.memref_slice %arg7[%dma_start3A_785, %dma_start3A_786, %dma_start3A_787] : memref<16x50x32xf32, #tpu.memory_space<vmem>> -> memref<1x50x32xf32, #tpu.memory_space<vmem>>
        %dma_start3A_789 = tpu.memref_squeeze %dma_start3A_788 : memref<1x50x32xf32, #tpu.memory_space<vmem>> -> memref<50x32xf32, #tpu.memory_space<vmem>>
        %dma_start3A_790 = arith.constant 0 : i32
        %dma_start3A_791 = tpu.memref_slice %arg5[%dma_start3A_784, %dma_start3A_790] : memref<16x50xi32, #tpu.memory_space<vmem>> -> memref<1x50xi32, #tpu.memory_space<vmem>>
        %dma_start3A_792 = tpu.memref_squeeze %dma_start3A_791 : memref<1x50xi32, #tpu.memory_space<vmem>> -> memref<50xi32, #tpu.memory_space<vmem>>
        %dma_start3A_793 = arith.constant 0 : i32
        %dma_start3A_794 = arith.constant 0 : i32
        %dma_start3A_795 = tpu.memref_slice %arg3[%dma_start3A_793, %dma_start3A_794] : memref<1000000x32xf32, #tpu.memory_space<hbm>> -> memref<1000000x32xf32, #tpu.memory_space<hbm>>
        tpu.enqueue_indirect_dma source(%dma_start3A_795 : memref<1000000x32xf32, #tpu.memory_space<hbm>>) target(%dma_start3A_789 : memref<50x32xf32, #tpu.memory_space<vmem>>) offsets(%dma_start3A_792 : memref<50xi32, #tpu.memory_space<vmem>>) semaphore(%arg9 : memref<!tpu.dma_semaphore, #tpu.memory_space<semaphore_mem>>)
        %dma_start3A_796 = arith.constant 14 : i32
        %dma_start3A_797 = arith.constant 14 : i32
        %dma_start3A_798 = arith.constant 0 : i32
        %dma_start3A_799 = arith.constant 0 : i32
        %dma_start3A_800 = tpu.memref_slice %arg7[%dma_start3A_797, %dma_start3A_798, %dma_start3A_799] : memref<16x50x32xf32, #tpu.memory_space<vmem>> -> memref<1x50x32xf32, #tpu.memory_space<vmem>>
        %dma_start3A_801 = tpu.memref_squeeze %dma_start3A_800 : memref<1x50x32xf32, #tpu.memory_space<vmem>> -> memref<50x32xf32, #tpu.memory_space<vmem>>
        %dma_start3A_802 = arith.constant 0 : i32
        %dma_start3A_803 = tpu.memref_slice %arg5[%dma_start3A_796, %dma_start3A_802] : memref<16x50xi32, #tpu.memory_space<vmem>> -> memref<1x50xi32, #tpu.memory_space<vmem>>
        %dma_start3A_804 = tpu.memref_squeeze %dma_start3A_803 : memref<1x50xi32, #tpu.memory_space<vmem>> -> memref<50xi32, #tpu.memory_space<vmem>>
        %dma_start3A_805 = arith.constant 0 : i32
        %dma_start3A_806 = arith.constant 0 : i32
        %dma_start3A_807 = tpu.memref_slice %arg3[%dma_start3A_805, %dma_start3A_806] : memref<1000000x32xf32, #tpu.memory_space<hbm>> -> memref<1000000x32xf32, #tpu.memory_space<hbm>>
        tpu.enqueue_indirect_dma source(%dma_start3A_807 : memref<1000000x32xf32, #tpu.memory_space<hbm>>) target(%dma_start3A_801 : memref<50x32xf32, #tpu.memory_space<vmem>>) offsets(%dma_start3A_804 : memref<50xi32, #tpu.memory_space<vmem>>) semaphore(%arg9 : memref<!tpu.dma_semaphore, #tpu.memory_space<semaphore_mem>>)
        %dma_start3A_808 = arith.constant 15 : i32
        %dma_start3A_809 = arith.constant 15 : i32
        %dma_start3A_810 = arith.constant 0 : i32
        %dma_start3A_811 = arith.constant 0 : i32
        %dma_start3A_812 = tpu.memref_slice %arg7[%dma_start3A_809, %dma_start3A_810, %dma_start3A_811] : memref<16x50x32xf32, #tpu.memory_space<vmem>> -> memref<1x50x32xf32, #tpu.memory_space<vmem>>
        %dma_start3A_813 = tpu.memref_squeeze %dma_start3A_812 : memref<1x50x32xf32, #tpu.memory_space<vmem>> -> memref<50x32xf32, #tpu.memory_space<vmem>>
        %dma_start3A_814 = arith.constant 0 : i32
        %dma_start3A_815 = tpu.memref_slice %arg5[%dma_start3A_808, %dma_start3A_814] : memref<16x50xi32, #tpu.memory_space<vmem>> -> memref<1x50xi32, #tpu.memory_space<vmem>>
        %dma_start3A_816 = tpu.memref_squeeze %dma_start3A_815 : memref<1x50xi32, #tpu.memory_space<vmem>> -> memref<50xi32, #tpu.memory_space<vmem>>
        %dma_start3A_817 = arith.constant 0 : i32
        %dma_start3A_818 = arith.constant 0 : i32
        %dma_start3A_819 = tpu.memref_slice %arg3[%dma_start3A_817, %dma_start3A_818] : memref<1000000x32xf32, #tpu.memory_space<hbm>> -> memref<1000000x32xf32, #tpu.memory_space<hbm>>
        tpu.enqueue_indirect_dma source(%dma_start3A_819 : memref<1000000x32xf32, #tpu.memory_space<hbm>>) target(%dma_start3A_813 : memref<50x32xf32, #tpu.memory_space<vmem>>) offsets(%dma_start3A_816 : memref<50xi32, #tpu.memory_space<vmem>>) semaphore(%arg9 : memref<!tpu.dma_semaphore, #tpu.memory_space<semaphore_mem>>)
      } else {
      }
      %dma_wait3A_420 = arith.constant 0 : i32
      %dma_wait3A_421 = arith.constant 0 : i32
      %dma_wait3A_422 = arith.constant 0 : i32
      %dma_wait3A_423 = arith.constant 0 : i32
      %dma_wait3A_424 = tpu.memref_slice %arg8[%dma_wait3A_421, %dma_wait3A_422, %dma_wait3A_423] : memref<16x50x32xf32, #tpu.memory_space<vmem>> -> memref<1x50x32xf32, #tpu.memory_space<vmem>>
      %dma_wait3A_425 = tpu.memref_squeeze %dma_wait3A_424 : memref<1x50x32xf32, #tpu.memory_space<vmem>> -> memref<50x32xf32, #tpu.memory_space<vmem>>
      %dma_wait3A_426 = arith.constant 0 : i32
      %dma_wait3A_427 = tpu.memref_slice %arg6[%dma_wait3A_420, %dma_wait3A_426] : memref<16x50xi32, #tpu.memory_space<vmem>> -> memref<1x50xi32, #tpu.memory_space<vmem>>
      %dma_wait3A_428 = tpu.memref_squeeze %dma_wait3A_427 : memref<1x50xi32, #tpu.memory_space<vmem>> -> memref<50xi32, #tpu.memory_space<vmem>>
      %dma_wait3A_429 = arith.constant 0 : i32
      %dma_wait3A_430 = arith.constant 0 : i32
      %dma_wait3A_431 = tpu.memref_slice %arg3[%dma_wait3A_429, %dma_wait3A_430] : memref<1000000x32xf32, #tpu.memory_space<hbm>> -> memref<1000000x32xf32, #tpu.memory_space<hbm>>
      tpu.wait_indirect_dma semaphore(%arg10 : memref<!tpu.dma_semaphore, #tpu.memory_space<semaphore_mem>>) src(%dma_wait3A_431 : memref<1000000x32xf32, #tpu.memory_space<hbm>>) dst(%dma_wait3A_425 : memref<50x32xf32, #tpu.memory_space<vmem>>)
      %dma_wait3A_432 = arith.constant 1 : i32
      %dma_wait3A_433 = arith.constant 1 : i32
      %dma_wait3A_434 = arith.constant 0 : i32
      %dma_wait3A_435 = arith.constant 0 : i32
      %dma_wait3A_436 = tpu.memref_slice %arg8[%dma_wait3A_433, %dma_wait3A_434, %dma_wait3A_435] : memref<16x50x32xf32, #tpu.memory_space<vmem>> -> memref<1x50x32xf32, #tpu.memory_space<vmem>>
      %dma_wait3A_437 = tpu.memref_squeeze %dma_wait3A_436 : memref<1x50x32xf32, #tpu.memory_space<vmem>> -> memref<50x32xf32, #tpu.memory_space<vmem>>
      %dma_wait3A_438 = arith.constant 0 : i32
      %dma_wait3A_439 = tpu.memref_slice %arg6[%dma_wait3A_432, %dma_wait3A_438] : memref<16x50xi32, #tpu.memory_space<vmem>> -> memref<1x50xi32, #tpu.memory_space<vmem>>
      %dma_wait3A_440 = tpu.memref_squeeze %dma_wait3A_439 : memref<1x50xi32, #tpu.memory_space<vmem>> -> memref<50xi32, #tpu.memory_space<vmem>>
      %dma_wait3A_441 = arith.constant 0 : i32
      %dma_wait3A_442 = arith.constant 0 : i32
      %dma_wait3A_443 = tpu.memref_slice %arg3[%dma_wait3A_441, %dma_wait3A_442] : memref<1000000x32xf32, #tpu.memory_space<hbm>> -> memref<1000000x32xf32, #tpu.memory_space<hbm>>
      tpu.wait_indirect_dma semaphore(%arg10 : memref<!tpu.dma_semaphore, #tpu.memory_space<semaphore_mem>>) src(%dma_wait3A_443 : memref<1000000x32xf32, #tpu.memory_space<hbm>>) dst(%dma_wait3A_437 : memref<50x32xf32, #tpu.memory_space<vmem>>)
      %dma_wait3A_444 = arith.constant 2 : i32
      %dma_wait3A_445 = arith.constant 2 : i32
      %dma_wait3A_446 = arith.constant 0 : i32
      %dma_wait3A_447 = arith.constant 0 : i32
      %dma_wait3A_448 = tpu.memref_slice %arg8[%dma_wait3A_445, %dma_wait3A_446, %dma_wait3A_447] : memref<16x50x32xf32, #tpu.memory_space<vmem>> -> memref<1x50x32xf32, #tpu.memory_space<vmem>>
      %dma_wait3A_449 = tpu.memref_squeeze %dma_wait3A_448 : memref<1x50x32xf32, #tpu.memory_space<vmem>> -> memref<50x32xf32, #tpu.memory_space<vmem>>
      %dma_wait3A_450 = arith.constant 0 : i32
      %dma_wait3A_451 = tpu.memref_slice %arg6[%dma_wait3A_444, %dma_wait3A_450] : memref<16x50xi32, #tpu.memory_space<vmem>> -> memref<1x50xi32, #tpu.memory_space<vmem>>
      %dma_wait3A_452 = tpu.memref_squeeze %dma_wait3A_451 : memref<1x50xi32, #tpu.memory_space<vmem>> -> memref<50xi32, #tpu.memory_space<vmem>>
      %dma_wait3A_453 = arith.constant 0 : i32
      %dma_wait3A_454 = arith.constant 0 : i32
      %dma_wait3A_455 = tpu.memref_slice %arg3[%dma_wait3A_453, %dma_wait3A_454] : memref<1000000x32xf32, #tpu.memory_space<hbm>> -> memref<1000000x32xf32, #tpu.memory_space<hbm>>
      tpu.wait_indirect_dma semaphore(%arg10 : memref<!tpu.dma_semaphore, #tpu.memory_space<semaphore_mem>>) src(%dma_wait3A_455 : memref<1000000x32xf32, #tpu.memory_space<hbm>>) dst(%dma_wait3A_449 : memref<50x32xf32, #tpu.memory_space<vmem>>)
      %dma_wait3A_456 = arith.constant 3 : i32
      %dma_wait3A_457 = arith.constant 3 : i32
      %dma_wait3A_458 = arith.constant 0 : i32
      %dma_wait3A_459 = arith.constant 0 : i32
      %dma_wait3A_460 = tpu.memref_slice %arg8[%dma_wait3A_457, %dma_wait3A_458, %dma_wait3A_459] : memref<16x50x32xf32, #tpu.memory_space<vmem>> -> memref<1x50x32xf32, #tpu.memory_space<vmem>>
      %dma_wait3A_461 = tpu.memref_squeeze %dma_wait3A_460 : memref<1x50x32xf32, #tpu.memory_space<vmem>> -> memref<50x32xf32, #tpu.memory_space<vmem>>
      %dma_wait3A_462 = arith.constant 0 : i32
      %dma_wait3A_463 = tpu.memref_slice %arg6[%dma_wait3A_456, %dma_wait3A_462] : memref<16x50xi32, #tpu.memory_space<vmem>> -> memref<1x50xi32, #tpu.memory_space<vmem>>
      %dma_wait3A_464 = tpu.memref_squeeze %dma_wait3A_463 : memref<1x50xi32, #tpu.memory_space<vmem>> -> memref<50xi32, #tpu.memory_space<vmem>>
      %dma_wait3A_465 = arith.constant 0 : i32
      %dma_wait3A_466 = arith.constant 0 : i32
      %dma_wait3A_467 = tpu.memref_slice %arg3[%dma_wait3A_465, %dma_wait3A_466] : memref<1000000x32xf32, #tpu.memory_space<hbm>> -> memref<1000000x32xf32, #tpu.memory_space<hbm>>
      tpu.wait_indirect_dma semaphore(%arg10 : memref<!tpu.dma_semaphore, #tpu.memory_space<semaphore_mem>>) src(%dma_wait3A_467 : memref<1000000x32xf32, #tpu.memory_space<hbm>>) dst(%dma_wait3A_461 : memref<50x32xf32, #tpu.memory_space<vmem>>)
      %dma_wait3A_468 = arith.constant 4 : i32
      %dma_wait3A_469 = arith.constant 4 : i32
      %dma_wait3A_470 = arith.constant 0 : i32
      %dma_wait3A_471 = arith.constant 0 : i32
      %dma_wait3A_472 = tpu.memref_slice %arg8[%dma_wait3A_469, %dma_wait3A_470, %dma_wait3A_471] : memref<16x50x32xf32, #tpu.memory_space<vmem>> -> memref<1x50x32xf32, #tpu.memory_space<vmem>>
      %dma_wait3A_473 = tpu.memref_squeeze %dma_wait3A_472 : memref<1x50x32xf32, #tpu.memory_space<vmem>> -> memref<50x32xf32, #tpu.memory_space<vmem>>
      %dma_wait3A_474 = arith.constant 0 : i32
      %dma_wait3A_475 = tpu.memref_slice %arg6[%dma_wait3A_468, %dma_wait3A_474] : memref<16x50xi32, #tpu.memory_space<vmem>> -> memref<1x50xi32, #tpu.memory_space<vmem>>
      %dma_wait3A_476 = tpu.memref_squeeze %dma_wait3A_475 : memref<1x50xi32, #tpu.memory_space<vmem>> -> memref<50xi32, #tpu.memory_space<vmem>>
      %dma_wait3A_477 = arith.constant 0 : i32
      %dma_wait3A_478 = arith.constant 0 : i32
      %dma_wait3A_479 = tpu.memref_slice %arg3[%dma_wait3A_477, %dma_wait3A_478] : memref<1000000x32xf32, #tpu.memory_space<hbm>> -> memref<1000000x32xf32, #tpu.memory_space<hbm>>
      tpu.wait_indirect_dma semaphore(%arg10 : memref<!tpu.dma_semaphore, #tpu.memory_space<semaphore_mem>>) src(%dma_wait3A_479 : memref<1000000x32xf32, #tpu.memory_space<hbm>>) dst(%dma_wait3A_473 : memref<50x32xf32, #tpu.memory_space<vmem>>)
      %dma_wait3A_480 = arith.constant 5 : i32
      %dma_wait3A_481 = arith.constant 5 : i32
      %dma_wait3A_482 = arith.constant 0 : i32
      %dma_wait3A_483 = arith.constant 0 : i32
      %dma_wait3A_484 = tpu.memref_slice %arg8[%dma_wait3A_481, %dma_wait3A_482, %dma_wait3A_483] : memref<16x50x32xf32, #tpu.memory_space<vmem>> -> memref<1x50x32xf32, #tpu.memory_space<vmem>>
      %dma_wait3A_485 = tpu.memref_squeeze %dma_wait3A_484 : memref<1x50x32xf32, #tpu.memory_space<vmem>> -> memref<50x32xf32, #tpu.memory_space<vmem>>
      %dma_wait3A_486 = arith.constant 0 : i32
      %dma_wait3A_487 = tpu.memref_slice %arg6[%dma_wait3A_480, %dma_wait3A_486] : memref<16x50xi32, #tpu.memory_space<vmem>> -> memref<1x50xi32, #tpu.memory_space<vmem>>
      %dma_wait3A_488 = tpu.memref_squeeze %dma_wait3A_487 : memref<1x50xi32, #tpu.memory_space<vmem>> -> memref<50xi32, #tpu.memory_space<vmem>>
      %dma_wait3A_489 = arith.constant 0 : i32
      %dma_wait3A_490 = arith.constant 0 : i32
      %dma_wait3A_491 = tpu.memref_slice %arg3[%dma_wait3A_489, %dma_wait3A_490] : memref<1000000x32xf32, #tpu.memory_space<hbm>> -> memref<1000000x32xf32, #tpu.memory_space<hbm>>
      tpu.wait_indirect_dma semaphore(%arg10 : memref<!tpu.dma_semaphore, #tpu.memory_space<semaphore_mem>>) src(%dma_wait3A_491 : memref<1000000x32xf32, #tpu.memory_space<hbm>>) dst(%dma_wait3A_485 : memref<50x32xf32, #tpu.memory_space<vmem>>)
      %dma_wait3A_492 = arith.constant 6 : i32
      %dma_wait3A_493 = arith.constant 6 : i32
      %dma_wait3A_494 = arith.constant 0 : i32
      %dma_wait3A_495 = arith.constant 0 : i32
      %dma_wait3A_496 = tpu.memref_slice %arg8[%dma_wait3A_493, %dma_wait3A_494, %dma_wait3A_495] : memref<16x50x32xf32, #tpu.memory_space<vmem>> -> memref<1x50x32xf32, #tpu.memory_space<vmem>>
      %dma_wait3A_497 = tpu.memref_squeeze %dma_wait3A_496 : memref<1x50x32xf32, #tpu.memory_space<vmem>> -> memref<50x32xf32, #tpu.memory_space<vmem>>
      %dma_wait3A_498 = arith.constant 0 : i32
      %dma_wait3A_499 = tpu.memref_slice %arg6[%dma_wait3A_492, %dma_wait3A_498] : memref<16x50xi32, #tpu.memory_space<vmem>> -> memref<1x50xi32, #tpu.memory_space<vmem>>
      %dma_wait3A_500 = tpu.memref_squeeze %dma_wait3A_499 : memref<1x50xi32, #tpu.memory_space<vmem>> -> memref<50xi32, #tpu.memory_space<vmem>>
      %dma_wait3A_501 = arith.constant 0 : i32
      %dma_wait3A_502 = arith.constant 0 : i32
      %dma_wait3A_503 = tpu.memref_slice %arg3[%dma_wait3A_501, %dma_wait3A_502] : memref<1000000x32xf32, #tpu.memory_space<hbm>> -> memref<1000000x32xf32, #tpu.memory_space<hbm>>
      tpu.wait_indirect_dma semaphore(%arg10 : memref<!tpu.dma_semaphore, #tpu.memory_space<semaphore_mem>>) src(%dma_wait3A_503 : memref<1000000x32xf32, #tpu.memory_space<hbm>>) dst(%dma_wait3A_497 : memref<50x32xf32, #tpu.memory_space<vmem>>)
      %dma_wait3A_504 = arith.constant 7 : i32
      %dma_wait3A_505 = arith.constant 7 : i32
      %dma_wait3A_506 = arith.constant 0 : i32
      %dma_wait3A_507 = arith.constant 0 : i32
      %dma_wait3A_508 = tpu.memref_slice %arg8[%dma_wait3A_505, %dma_wait3A_506, %dma_wait3A_507] : memref<16x50x32xf32, #tpu.memory_space<vmem>> -> memref<1x50x32xf32, #tpu.memory_space<vmem>>
      %dma_wait3A_509 = tpu.memref_squeeze %dma_wait3A_508 : memref<1x50x32xf32, #tpu.memory_space<vmem>> -> memref<50x32xf32, #tpu.memory_space<vmem>>
      %dma_wait3A_510 = arith.constant 0 : i32
      %dma_wait3A_511 = tpu.memref_slice %arg6[%dma_wait3A_504, %dma_wait3A_510] : memref<16x50xi32, #tpu.memory_space<vmem>> -> memref<1x50xi32, #tpu.memory_space<vmem>>
      %dma_wait3A_512 = tpu.memref_squeeze %dma_wait3A_511 : memref<1x50xi32, #tpu.memory_space<vmem>> -> memref<50xi32, #tpu.memory_space<vmem>>
      %dma_wait3A_513 = arith.constant 0 : i32
      %dma_wait3A_514 = arith.constant 0 : i32
      %dma_wait3A_515 = tpu.memref_slice %arg3[%dma_wait3A_513, %dma_wait3A_514] : memref<1000000x32xf32, #tpu.memory_space<hbm>> -> memref<1000000x32xf32, #tpu.memory_space<hbm>>
      tpu.wait_indirect_dma semaphore(%arg10 : memref<!tpu.dma_semaphore, #tpu.memory_space<semaphore_mem>>) src(%dma_wait3A_515 : memref<1000000x32xf32, #tpu.memory_space<hbm>>) dst(%dma_wait3A_509 : memref<50x32xf32, #tpu.memory_space<vmem>>)
      %dma_wait3A_516 = arith.constant 8 : i32
      %dma_wait3A_517 = arith.constant 8 : i32
      %dma_wait3A_518 = arith.constant 0 : i32
      %dma_wait3A_519 = arith.constant 0 : i32
      %dma_wait3A_520 = tpu.memref_slice %arg8[%dma_wait3A_517, %dma_wait3A_518, %dma_wait3A_519] : memref<16x50x32xf32, #tpu.memory_space<vmem>> -> memref<1x50x32xf32, #tpu.memory_space<vmem>>
      %dma_wait3A_521 = tpu.memref_squeeze %dma_wait3A_520 : memref<1x50x32xf32, #tpu.memory_space<vmem>> -> memref<50x32xf32, #tpu.memory_space<vmem>>
      %dma_wait3A_522 = arith.constant 0 : i32
      %dma_wait3A_523 = tpu.memref_slice %arg6[%dma_wait3A_516, %dma_wait3A_522] : memref<16x50xi32, #tpu.memory_space<vmem>> -> memref<1x50xi32, #tpu.memory_space<vmem>>
      %dma_wait3A_524 = tpu.memref_squeeze %dma_wait3A_523 : memref<1x50xi32, #tpu.memory_space<vmem>> -> memref<50xi32, #tpu.memory_space<vmem>>
      %dma_wait3A_525 = arith.constant 0 : i32
      %dma_wait3A_526 = arith.constant 0 : i32
      %dma_wait3A_527 = tpu.memref_slice %arg3[%dma_wait3A_525, %dma_wait3A_526] : memref<1000000x32xf32, #tpu.memory_space<hbm>> -> memref<1000000x32xf32, #tpu.memory_space<hbm>>
      tpu.wait_indirect_dma semaphore(%arg10 : memref<!tpu.dma_semaphore, #tpu.memory_space<semaphore_mem>>) src(%dma_wait3A_527 : memref<1000000x32xf32, #tpu.memory_space<hbm>>) dst(%dma_wait3A_521 : memref<50x32xf32, #tpu.memory_space<vmem>>)
      %dma_wait3A_528 = arith.constant 9 : i32
      %dma_wait3A_529 = arith.constant 9 : i32
      %dma_wait3A_530 = arith.constant 0 : i32
      %dma_wait3A_531 = arith.constant 0 : i32
      %dma_wait3A_532 = tpu.memref_slice %arg8[%dma_wait3A_529, %dma_wait3A_530, %dma_wait3A_531] : memref<16x50x32xf32, #tpu.memory_space<vmem>> -> memref<1x50x32xf32, #tpu.memory_space<vmem>>
      %dma_wait3A_533 = tpu.memref_squeeze %dma_wait3A_532 : memref<1x50x32xf32, #tpu.memory_space<vmem>> -> memref<50x32xf32, #tpu.memory_space<vmem>>
      %dma_wait3A_534 = arith.constant 0 : i32
      %dma_wait3A_535 = tpu.memref_slice %arg6[%dma_wait3A_528, %dma_wait3A_534] : memref<16x50xi32, #tpu.memory_space<vmem>> -> memref<1x50xi32, #tpu.memory_space<vmem>>
      %dma_wait3A_536 = tpu.memref_squeeze %dma_wait3A_535 : memref<1x50xi32, #tpu.memory_space<vmem>> -> memref<50xi32, #tpu.memory_space<vmem>>
      %dma_wait3A_537 = arith.constant 0 : i32
      %dma_wait3A_538 = arith.constant 0 : i32
      %dma_wait3A_539 = tpu.memref_slice %arg3[%dma_wait3A_537, %dma_wait3A_538] : memref<1000000x32xf32, #tpu.memory_space<hbm>> -> memref<1000000x32xf32, #tpu.memory_space<hbm>>
      tpu.wait_indirect_dma semaphore(%arg10 : memref<!tpu.dma_semaphore, #tpu.memory_space<semaphore_mem>>) src(%dma_wait3A_539 : memref<1000000x32xf32, #tpu.memory_space<hbm>>) dst(%dma_wait3A_533 : memref<50x32xf32, #tpu.memory_space<vmem>>)
      %dma_wait3A_540 = arith.constant 10 : i32
      %dma_wait3A_541 = arith.constant 10 : i32
      %dma_wait3A_542 = arith.constant 0 : i32
      %dma_wait3A_543 = arith.constant 0 : i32
      %dma_wait3A_544 = tpu.memref_slice %arg8[%dma_wait3A_541, %dma_wait3A_542, %dma_wait3A_543] : memref<16x50x32xf32, #tpu.memory_space<vmem>> -> memref<1x50x32xf32, #tpu.memory_space<vmem>>
      %dma_wait3A_545 = tpu.memref_squeeze %dma_wait3A_544 : memref<1x50x32xf32, #tpu.memory_space<vmem>> -> memref<50x32xf32, #tpu.memory_space<vmem>>
      %dma_wait3A_546 = arith.constant 0 : i32
      %dma_wait3A_547 = tpu.memref_slice %arg6[%dma_wait3A_540, %dma_wait3A_546] : memref<16x50xi32, #tpu.memory_space<vmem>> -> memref<1x50xi32, #tpu.memory_space<vmem>>
      %dma_wait3A_548 = tpu.memref_squeeze %dma_wait3A_547 : memref<1x50xi32, #tpu.memory_space<vmem>> -> memref<50xi32, #tpu.memory_space<vmem>>
      %dma_wait3A_549 = arith.constant 0 : i32
      %dma_wait3A_550 = arith.constant 0 : i32
      %dma_wait3A_551 = tpu.memref_slice %arg3[%dma_wait3A_549, %dma_wait3A_550] : memref<1000000x32xf32, #tpu.memory_space<hbm>> -> memref<1000000x32xf32, #tpu.memory_space<hbm>>
      tpu.wait_indirect_dma semaphore(%arg10 : memref<!tpu.dma_semaphore, #tpu.memory_space<semaphore_mem>>) src(%dma_wait3A_551 : memref<1000000x32xf32, #tpu.memory_space<hbm>>) dst(%dma_wait3A_545 : memref<50x32xf32, #tpu.memory_space<vmem>>)
      %dma_wait3A_552 = arith.constant 11 : i32
      %dma_wait3A_553 = arith.constant 11 : i32
      %dma_wait3A_554 = arith.constant 0 : i32
      %dma_wait3A_555 = arith.constant 0 : i32
      %dma_wait3A_556 = tpu.memref_slice %arg8[%dma_wait3A_553, %dma_wait3A_554, %dma_wait3A_555] : memref<16x50x32xf32, #tpu.memory_space<vmem>> -> memref<1x50x32xf32, #tpu.memory_space<vmem>>
      %dma_wait3A_557 = tpu.memref_squeeze %dma_wait3A_556 : memref<1x50x32xf32, #tpu.memory_space<vmem>> -> memref<50x32xf32, #tpu.memory_space<vmem>>
      %dma_wait3A_558 = arith.constant 0 : i32
      %dma_wait3A_559 = tpu.memref_slice %arg6[%dma_wait3A_552, %dma_wait3A_558] : memref<16x50xi32, #tpu.memory_space<vmem>> -> memref<1x50xi32, #tpu.memory_space<vmem>>
      %dma_wait3A_560 = tpu.memref_squeeze %dma_wait3A_559 : memref<1x50xi32, #tpu.memory_space<vmem>> -> memref<50xi32, #tpu.memory_space<vmem>>
      %dma_wait3A_561 = arith.constant 0 : i32
      %dma_wait3A_562 = arith.constant 0 : i32
      %dma_wait3A_563 = tpu.memref_slice %arg3[%dma_wait3A_561, %dma_wait3A_562] : memref<1000000x32xf32, #tpu.memory_space<hbm>> -> memref<1000000x32xf32, #tpu.memory_space<hbm>>
      tpu.wait_indirect_dma semaphore(%arg10 : memref<!tpu.dma_semaphore, #tpu.memory_space<semaphore_mem>>) src(%dma_wait3A_563 : memref<1000000x32xf32, #tpu.memory_space<hbm>>) dst(%dma_wait3A_557 : memref<50x32xf32, #tpu.memory_space<vmem>>)
      %dma_wait3A_564 = arith.constant 12 : i32
      %dma_wait3A_565 = arith.constant 12 : i32
      %dma_wait3A_566 = arith.constant 0 : i32
      %dma_wait3A_567 = arith.constant 0 : i32
      %dma_wait3A_568 = tpu.memref_slice %arg8[%dma_wait3A_565, %dma_wait3A_566, %dma_wait3A_567] : memref<16x50x32xf32, #tpu.memory_space<vmem>> -> memref<1x50x32xf32, #tpu.memory_space<vmem>>
      %dma_wait3A_569 = tpu.memref_squeeze %dma_wait3A_568 : memref<1x50x32xf32, #tpu.memory_space<vmem>> -> memref<50x32xf32, #tpu.memory_space<vmem>>
      %dma_wait3A_570 = arith.constant 0 : i32
      %dma_wait3A_571 = tpu.memref_slice %arg6[%dma_wait3A_564, %dma_wait3A_570] : memref<16x50xi32, #tpu.memory_space<vmem>> -> memref<1x50xi32, #tpu.memory_space<vmem>>
      %dma_wait3A_572 = tpu.memref_squeeze %dma_wait3A_571 : memref<1x50xi32, #tpu.memory_space<vmem>> -> memref<50xi32, #tpu.memory_space<vmem>>
      %dma_wait3A_573 = arith.constant 0 : i32
      %dma_wait3A_574 = arith.constant 0 : i32
      %dma_wait3A_575 = tpu.memref_slice %arg3[%dma_wait3A_573, %dma_wait3A_574] : memref<1000000x32xf32, #tpu.memory_space<hbm>> -> memref<1000000x32xf32, #tpu.memory_space<hbm>>
      tpu.wait_indirect_dma semaphore(%arg10 : memref<!tpu.dma_semaphore, #tpu.memory_space<semaphore_mem>>) src(%dma_wait3A_575 : memref<1000000x32xf32, #tpu.memory_space<hbm>>) dst(%dma_wait3A_569 : memref<50x32xf32, #tpu.memory_space<vmem>>)
      %dma_wait3A_576 = arith.constant 13 : i32
      %dma_wait3A_577 = arith.constant 13 : i32
      %dma_wait3A_578 = arith.constant 0 : i32
      %dma_wait3A_579 = arith.constant 0 : i32
      %dma_wait3A_580 = tpu.memref_slice %arg8[%dma_wait3A_577, %dma_wait3A_578, %dma_wait3A_579] : memref<16x50x32xf32, #tpu.memory_space<vmem>> -> memref<1x50x32xf32, #tpu.memory_space<vmem>>
      %dma_wait3A_581 = tpu.memref_squeeze %dma_wait3A_580 : memref<1x50x32xf32, #tpu.memory_space<vmem>> -> memref<50x32xf32, #tpu.memory_space<vmem>>
      %dma_wait3A_582 = arith.constant 0 : i32
      %dma_wait3A_583 = tpu.memref_slice %arg6[%dma_wait3A_576, %dma_wait3A_582] : memref<16x50xi32, #tpu.memory_space<vmem>> -> memref<1x50xi32, #tpu.memory_space<vmem>>
      %dma_wait3A_584 = tpu.memref_squeeze %dma_wait3A_583 : memref<1x50xi32, #tpu.memory_space<vmem>> -> memref<50xi32, #tpu.memory_space<vmem>>
      %dma_wait3A_585 = arith.constant 0 : i32
      %dma_wait3A_586 = arith.constant 0 : i32
      %dma_wait3A_587 = tpu.memref_slice %arg3[%dma_wait3A_585, %dma_wait3A_586] : memref<1000000x32xf32, #tpu.memory_space<hbm>> -> memref<1000000x32xf32, #tpu.memory_space<hbm>>
      tpu.wait_indirect_dma semaphore(%arg10 : memref<!tpu.dma_semaphore, #tpu.memory_space<semaphore_mem>>) src(%dma_wait3A_587 : memref<1000000x32xf32, #tpu.memory_space<hbm>>) dst(%dma_wait3A_581 : memref<50x32xf32, #tpu.memory_space<vmem>>)
      %dma_wait3A_588 = arith.constant 14 : i32
      %dma_wait3A_589 = arith.constant 14 : i32
      %dma_wait3A_590 = arith.constant 0 : i32
      %dma_wait3A_591 = arith.constant 0 : i32
      %dma_wait3A_592 = tpu.memref_slice %arg8[%dma_wait3A_589, %dma_wait3A_590, %dma_wait3A_591] : memref<16x50x32xf32, #tpu.memory_space<vmem>> -> memref<1x50x32xf32, #tpu.memory_space<vmem>>
      %dma_wait3A_593 = tpu.memref_squeeze %dma_wait3A_592 : memref<1x50x32xf32, #tpu.memory_space<vmem>> -> memref<50x32xf32, #tpu.memory_space<vmem>>
      %dma_wait3A_594 = arith.constant 0 : i32
      %dma_wait3A_595 = tpu.memref_slice %arg6[%dma_wait3A_588, %dma_wait3A_594] : memref<16x50xi32, #tpu.memory_space<vmem>> -> memref<1x50xi32, #tpu.memory_space<vmem>>
      %dma_wait3A_596 = tpu.memref_squeeze %dma_wait3A_595 : memref<1x50xi32, #tpu.memory_space<vmem>> -> memref<50xi32, #tpu.memory_space<vmem>>
      %dma_wait3A_597 = arith.constant 0 : i32
      %dma_wait3A_598 = arith.constant 0 : i32
      %dma_wait3A_599 = tpu.memref_slice %arg3[%dma_wait3A_597, %dma_wait3A_598] : memref<1000000x32xf32, #tpu.memory_space<hbm>> -> memref<1000000x32xf32, #tpu.memory_space<hbm>>
      tpu.wait_indirect_dma semaphore(%arg10 : memref<!tpu.dma_semaphore, #tpu.memory_space<semaphore_mem>>) src(%dma_wait3A_599 : memref<1000000x32xf32, #tpu.memory_space<hbm>>) dst(%dma_wait3A_593 : memref<50x32xf32, #tpu.memory_space<vmem>>)
      %dma_wait3A_600 = arith.constant 15 : i32
      %dma_wait3A_601 = arith.constant 15 : i32
      %dma_wait3A_602 = arith.constant 0 : i32
      %dma_wait3A_603 = arith.constant 0 : i32
      %dma_wait3A_604 = tpu.memref_slice %arg8[%dma_wait3A_601, %dma_wait3A_602, %dma_wait3A_603] : memref<16x50x32xf32, #tpu.memory_space<vmem>> -> memref<1x50x32xf32, #tpu.memory_space<vmem>>
      %dma_wait3A_605 = tpu.memref_squeeze %dma_wait3A_604 : memref<1x50x32xf32, #tpu.memory_space<vmem>> -> memref<50x32xf32, #tpu.memory_space<vmem>>
      %dma_wait3A_606 = arith.constant 0 : i32
      %dma_wait3A_607 = tpu.memref_slice %arg6[%dma_wait3A_600, %dma_wait3A_606] : memref<16x50xi32, #tpu.memory_space<vmem>> -> memref<1x50xi32, #tpu.memory_space<vmem>>
      %dma_wait3A_608 = tpu.memref_squeeze %dma_wait3A_607 : memref<1x50xi32, #tpu.memory_space<vmem>> -> memref<50xi32, #tpu.memory_space<vmem>>
      %dma_wait3A_609 = arith.constant 0 : i32
      %dma_wait3A_610 = arith.constant 0 : i32
      %dma_wait3A_611 = tpu.memref_slice %arg3[%dma_wait3A_609, %dma_wait3A_610] : memref<1000000x32xf32, #tpu.memory_space<hbm>> -> memref<1000000x32xf32, #tpu.memory_space<hbm>>
      tpu.wait_indirect_dma semaphore(%arg10 : memref<!tpu.dma_semaphore, #tpu.memory_space<semaphore_mem>>) src(%dma_wait3A_611 : memref<1000000x32xf32, #tpu.memory_space<hbm>>) dst(%dma_wait3A_605 : memref<50x32xf32, #tpu.memory_space<vmem>>)
      %scan3A_612 = arith.constant 0 : i32
      %scan3A_613 = arith.constant 0 : i32
      %scan3A_614 = arith.constant 16 : i32
      %scan3A_615 = arith.addi %scan3A_613, %scan3A_614 : i32
      %scan3A_616 = arith.constant 1 : i32
      scf.for %scan3A_622 = %scan3A_613 to %scan3A_615 step %scan3A_616  : i32 {
        %get3A = arith.constant 0 : i32
        %get3A_623 = arith.index_cast %scan3A_622 : i32 to index
        %get3A_624 = arith.index_cast %get3A : i32 to index
        %get3A_625 = arith.constant 0 : index
        %get3A_626 = tpu.vector_load %arg8[%get3A_623, %get3A_624, %get3A_625] {strides = array<i32>} : memref<16x50x32xf32, #tpu.memory_space<vmem>>, vector<1x1x16xf32>,
        %get3A_627 = vector.shape_cast %get3A_626 : vector<1x1x16xf32> to vector<16xf32>
        %mul3A_628 = arith.constant 1.000000e-03 : f32
        %mul3A_629 = vector.broadcast %mul3A_628 : f32 to vector<16xf32>
        %mul3A_630 = arith.mulf %get3A_627, %mul3A_629 : vector<16xf32>
        %swap3A = arith.constant 0 : i32
        %swap3A_631 = arith.index_cast %scan3A_622 : i32 to index
        %swap3A_632 = arith.index_cast %swap3A : i32 to index
        %swap3A_633 = arith.constant 0 : index
        %swap3A_634 = tpu.vector_load %arg8[%swap3A_631, %swap3A_632, %swap3A_633] {strides = array<i32>} : memref<16x50x32xf32, #tpu.memory_space<vmem>>, vector<1x1x16xf32>,
        %swap3A_635 = vector.shape_cast %swap3A_634 : vector<1x1x16xf32> to vector<16xf32>
        %swap3A_636 = vector.shape_cast %mul3A_630 : vector<16xf32> to vector<1x1x16xf32>
        tpu.vector_store %arg8[%swap3A_631, %swap3A_632, %swap3A_633], %swap3A_636 {strides = array<i32>} : memref<16x50x32xf32, #tpu.memory_space<vmem>>, vector<1x1x16xf32>,
        %get3A_637 = arith.constant 0 : i32
        %get3A_638 = arith.index_cast %scan3A_622 : i32 to index
        %get3A_639 = arith.index_cast %get3A_637 : i32 to index
        %get3A_640 = arith.constant 16 : index
        %get3A_641 = tpu.vector_load %arg8[%get3A_638, %get3A_639, %get3A_640] {strides = array<i32>} : memref<16x50x32xf32, #tpu.memory_space<vmem>>, vector<1x1x16xf32>,
        %get3A_642 = vector.shape_cast %get3A_641 : vector<1x1x16xf32> to vector<16xf32>
        %mul3A_643 = arith.constant 1.000000e-03 : f32
        %mul3A_644 = vector.broadcast %mul3A_643 : f32 to vector<16xf32>
        %mul3A_645 = arith.mulf %get3A_642, %mul3A_644 : vector<16xf32>
        %swap3A_646 = arith.constant 0 : i32
        %swap3A_647 = arith.index_cast %scan3A_622 : i32 to index
        %swap3A_648 = arith.index_cast %swap3A_646 : i32 to index
        %swap3A_649 = arith.constant 16 : index
        %swap3A_650 = tpu.vector_load %arg8[%swap3A_647, %swap3A_648, %swap3A_649] {strides = array<i32>} : memref<16x50x32xf32, #tpu.memory_space<vmem>>, vector<1x1x16xf32>,
        %swap3A_651 = vector.shape_cast %swap3A_650 : vector<1x1x16xf32> to vector<16xf32>
        %swap3A_652 = vector.shape_cast %mul3A_645 : vector<16xf32> to vector<1x1x16xf32>
        tpu.vector_store %arg8[%swap3A_647, %swap3A_648, %swap3A_649], %swap3A_652 {strides = array<i32>} : memref<16x50x32xf32, #tpu.memory_space<vmem>>, vector<1x1x16xf32>,
        %get3A_653 = arith.constant 1 : i32
        %get3A_654 = arith.index_cast %scan3A_622 : i32 to index
        %get3A_655 = arith.index_cast %get3A_653 : i32 to index
        %get3A_656 = arith.constant 0 : index
        %get3A_657 = tpu.vector_load %arg8[%get3A_654, %get3A_655, %get3A_656] {strides = array<i32>} : memref<16x50x32xf32, #tpu.memory_space<vmem>>, vector<1x1x16xf32>,
        %get3A_658 = vector.shape_cast %get3A_657 : vector<1x1x16xf32> to vector<16xf32>
        %mul3A_659 = arith.constant 1.000000e-03 : f32
        %mul3A_660 = vector.broadcast %mul3A_659 : f32 to vector<16xf32>
        %mul3A_661 = arith.mulf %get3A_658, %mul3A_660 : vector<16xf32>
        %swap3A_662 = arith.constant 1 : i32
        %swap3A_663 = arith.index_cast %scan3A_622 : i32 to index
        %swap3A_664 = arith.index_cast %swap3A_662 : i32 to index
        %swap3A_665 = arith.constant 0 : index
        %swap3A_666 = tpu.vector_load %arg8[%swap3A_663, %swap3A_664, %swap3A_665] {strides = array<i32>} : memref<16x50x32xf32, #tpu.memory_space<vmem>>, vector<1x1x16xf32>,
        %swap3A_667 = vector.shape_cast %swap3A_666 : vector<1x1x16xf32> to vector<16xf32>
        %swap3A_668 = vector.shape_cast %mul3A_661 : vector<16xf32> to vector<1x1x16xf32>
        tpu.vector_store %arg8[%swap3A_663, %swap3A_664, %swap3A_665], %swap3A_668 {strides = array<i32>} : memref<16x50x32xf32, #tpu.memory_space<vmem>>, vector<1x1x16xf32>,
        %get3A_669 = arith.constant 1 : i32
        %get3A_670 = arith.index_cast %scan3A_622 : i32 to index
        %get3A_671 = arith.index_cast %get3A_669 : i32 to index
        %get3A_672 = arith.constant 16 : index
        %get3A_673 = tpu.vector_load %arg8[%get3A_670, %get3A_671, %get3A_672] {strides = array<i32>} : memref<16x50x32xf32, #tpu.memory_space<vmem>>, vector<1x1x16xf32>,
        %get3A_674 = vector.shape_cast %get3A_673 : vector<1x1x16xf32> to vector<16xf32>
        %mul3A_675 = arith.constant 1.000000e-03 : f32
        %mul3A_676 = vector.broadcast %mul3A_675 : f32 to vector<16xf32>
        %mul3A_677 = arith.mulf %get3A_674, %mul3A_676 : vector<16xf32>
        %swap3A_678 = arith.constant 1 : i32
        %swap3A_679 = arith.index_cast %scan3A_622 : i32 to index
        %swap3A_680 = arith.index_cast %swap3A_678 : i32 to index
        %swap3A_681 = arith.constant 16 : index
        %swap3A_682 = tpu.vector_load %arg8[%swap3A_679, %swap3A_680, %swap3A_681] {strides = array<i32>} : memref<16x50x32xf32, #tpu.memory_space<vmem>>, vector<1x1x16xf32>,
        %swap3A_683 = vector.shape_cast %swap3A_682 : vector<1x1x16xf32> to vector<16xf32>
        %swap3A_684 = vector.shape_cast %mul3A_677 : vector<16xf32> to vector<1x1x16xf32>
        tpu.vector_store %arg8[%swap3A_679, %swap3A_680, %swap3A_681], %swap3A_684 {strides = array<i32>} : memref<16x50x32xf32, #tpu.memory_space<vmem>>, vector<1x1x16xf32>,
        %get3A_685 = arith.constant 2 : i32
        %get3A_686 = arith.index_cast %scan3A_622 : i32 to index
        %get3A_687 = arith.index_cast %get3A_685 : i32 to index
        %get3A_688 = arith.constant 0 : index
        %get3A_689 = tpu.vector_load %arg8[%get3A_686, %get3A_687, %get3A_688] {strides = array<i32>} : memref<16x50x32xf32, #tpu.memory_space<vmem>>, vector<1x1x16xf32>,
        %get3A_690 = vector.shape_cast %get3A_689 : vector<1x1x16xf32> to vector<16xf32>
        %mul3A_691 = arith.constant 1.000000e-03 : f32
        %mul3A_692 = vector.broadcast %mul3A_691 : f32 to vector<16xf32>
        %mul3A_693 = arith.mulf %get3A_690, %mul3A_692 : vector<16xf32>
        %swap3A_694 = arith.constant 2 : i32
        %swap3A_695 = arith.index_cast %scan3A_622 : i32 to index
        %swap3A_696 = arith.index_cast %swap3A_694 : i32 to index
        %swap3A_697 = arith.constant 0 : index
        %swap3A_698 = tpu.vector_load %arg8[%swap3A_695, %swap3A_696, %swap3A_697] {strides = array<i32>} : memref<16x50x32xf32, #tpu.memory_space<vmem>>, vector<1x1x16xf32>,
        %swap3A_699 = vector.shape_cast %swap3A_698 : vector<1x1x16xf32> to vector<16xf32>
        %swap3A_700 = vector.shape_cast %mul3A_693 : vector<16xf32> to vector<1x1x16xf32>
        tpu.vector_store %arg8[%swap3A_695, %swap3A_696, %swap3A_697], %swap3A_700 {strides = array<i32>} : memref<16x50x32xf32, #tpu.memory_space<vmem>>, vector<1x1x16xf32>,
        %get3A_701 = arith.constant 2 : i32
        %get3A_702 = arith.index_cast %scan3A_622 : i32 to index
        %get3A_703 = arith.index_cast %get3A_701 : i32 to index
        %get3A_704 = arith.constant 16 : index
        %get3A_705 = tpu.vector_load %arg8[%get3A_702, %get3A_703, %get3A_704] {strides = array<i32>} : memref<16x50x32xf32, #tpu.memory_space<vmem>>, vector<1x1x16xf32>,
        %get3A_706 = vector.shape_cast %get3A_705 : vector<1x1x16xf32> to vector<16xf32>
        %mul3A_707 = arith.constant 1.000000e-03 : f32
        %mul3A_708 = vector.broadcast %mul3A_707 : f32 to vector<16xf32>
        %mul3A_709 = arith.mulf %get3A_706, %mul3A_708 : vector<16xf32>
        %swap3A_710 = arith.constant 2 : i32
        %swap3A_711 = arith.index_cast %scan3A_622 : i32 to index
        %swap3A_712 = arith.index_cast %swap3A_710 : i32 to index
        %swap3A_713 = arith.constant 16 : index
        %swap3A_714 = tpu.vector_load %arg8[%swap3A_711, %swap3A_712, %swap3A_713] {strides = array<i32>} : memref<16x50x32xf32, #tpu.memory_space<vmem>>, vector<1x1x16xf32>,
        %swap3A_715 = vector.shape_cast %swap3A_714 : vector<1x1x16xf32> to vector<16xf32>
        %swap3A_716 = vector.shape_cast %mul3A_709 : vector<16xf32> to vector<1x1x16xf32>
        tpu.vector_store %arg8[%swap3A_711, %swap3A_712, %swap3A_713], %swap3A_716 {strides = array<i32>} : memref<16x50x32xf32, #tpu.memory_space<vmem>>, vector<1x1x16xf32>,
        %get3A_717 = arith.constant 3 : i32
        %get3A_718 = arith.index_cast %scan3A_622 : i32 to index
        %get3A_719 = arith.index_cast %get3A_717 : i32 to index
        %get3A_720 = arith.constant 0 : index
        %get3A_721 = tpu.vector_load %arg8[%get3A_718, %get3A_719, %get3A_720] {strides = array<i32>} : memref<16x50x32xf32, #tpu.memory_space<vmem>>, vector<1x1x16xf32>,
        %get3A_722 = vector.shape_cast %get3A_721 : vector<1x1x16xf32> to vector<16xf32>
        %mul3A_723 = arith.constant 1.000000e-03 : f32
        %mul3A_724 = vector.broadcast %mul3A_723 : f32 to vector<16xf32>
        %mul3A_725 = arith.mulf %get3A_722, %mul3A_724 : vector<16xf32>
        %swap3A_726 = arith.constant 3 : i32
        %swap3A_727 = arith.index_cast %scan3A_622 : i32 to index
        %swap3A_728 = arith.index_cast %swap3A_726 : i32 to index
        %swap3A_729 = arith.constant 0 : index
        %swap3A_730 = tpu.vector_load %arg8[%swap3A_727, %swap3A_728, %swap3A_729] {strides = array<i32>} : memref<16x50x32xf32, #tpu.memory_space<vmem>>, vector<1x1x16xf32>,
        %swap3A_731 = vector.shape_cast %swap3A_730 : vector<1x1x16xf32> to vector<16xf32>
        %swap3A_732 = vector.shape_cast %mul3A_725 : vector<16xf32> to vector<1x1x16xf32>
        tpu.vector_store %arg8[%swap3A_727, %swap3A_728, %swap3A_729], %swap3A_732 {strides = array<i32>} : memref<16x50x32xf32, #tpu.memory_space<vmem>>, vector<1x1x16xf32>,
        %get3A_733 = arith.constant 3 : i32
        %get3A_734 = arith.index_cast %scan3A_622 : i32 to index
        %get3A_735 = arith.index_cast %get3A_733 : i32 to index
        %get3A_736 = arith.constant 16 : index
        %get3A_737 = tpu.vector_load %arg8[%get3A_734, %get3A_735, %get3A_736] {strides = array<i32>} : memref<16x50x32xf32, #tpu.memory_space<vmem>>, vector<1x1x16xf32>,
        %get3A_738 = vector.shape_cast %get3A_737 : vector<1x1x16xf32> to vector<16xf32>
        %mul3A_739 = arith.constant 1.000000e-03 : f32
        %mul3A_740 = vector.broadcast %mul3A_739 : f32 to vector<16xf32>
        %mul3A_741 = arith.mulf %get3A_738, %mul3A_740 : vector<16xf32>
        %swap3A_742 = arith.constant 3 : i32
        %swap3A_743 = arith.index_cast %scan3A_622 : i32 to index
        %swap3A_744 = arith.index_cast %swap3A_742 : i32 to index
        %swap3A_745 = arith.constant 16 : index
        %swap3A_746 = tpu.vector_load %arg8[%swap3A_743, %swap3A_744, %swap3A_745] {strides = array<i32>} : memref<16x50x32xf32, #tpu.memory_space<vmem>>, vector<1x1x16xf32>,
        %swap3A_747 = vector.shape_cast %swap3A_746 : vector<1x1x16xf32> to vector<16xf32>
        %swap3A_748 = vector.shape_cast %mul3A_741 : vector<16xf32> to vector<1x1x16xf32>
        tpu.vector_store %arg8[%swap3A_743, %swap3A_744, %swap3A_745], %swap3A_748 {strides = array<i32>} : memref<16x50x32xf32, #tpu.memory_space<vmem>>, vector<1x1x16xf32>,
        %get3A_749 = arith.constant 4 : i32
        %get3A_750 = arith.index_cast %scan3A_622 : i32 to index
        %get3A_751 = arith.index_cast %get3A_749 : i32 to index
        %get3A_752 = arith.constant 0 : index
        %get3A_753 = tpu.vector_load %arg8[%get3A_750, %get3A_751, %get3A_752] {strides = array<i32>} : memref<16x50x32xf32, #tpu.memory_space<vmem>>, vector<1x1x16xf32>,
        %get3A_754 = vector.shape_cast %get3A_753 : vector<1x1x16xf32> to vector<16xf32>
        %mul3A_755 = arith.constant 1.000000e-03 : f32
        %mul3A_756 = vector.broadcast %mul3A_755 : f32 to vector<16xf32>
        %mul3A_757 = arith.mulf %get3A_754, %mul3A_756 : vector<16xf32>
        %swap3A_758 = arith.constant 4 : i32
        %swap3A_759 = arith.index_cast %scan3A_622 : i32 to index
        %swap3A_760 = arith.index_cast %swap3A_758 : i32 to index
        %swap3A_761 = arith.constant 0 : index
        %swap3A_762 = tpu.vector_load %arg8[%swap3A_759, %swap3A_760, %swap3A_761] {strides = array<i32>} : memref<16x50x32xf32, #tpu.memory_space<vmem>>, vector<1x1x16xf32>,
        %swap3A_763 = vector.shape_cast %swap3A_762 : vector<1x1x16xf32> to vector<16xf32>
        %swap3A_764 = vector.shape_cast %mul3A_757 : vector<16xf32> to vector<1x1x16xf32>
        tpu.vector_store %arg8[%swap3A_759, %swap3A_760, %swap3A_761], %swap3A_764 {strides = array<i32>} : memref<16x50x32xf32, #tpu.memory_space<vmem>>, vector<1x1x16xf32>,
        %get3A_765 = arith.constant 4 : i32
        %get3A_766 = arith.index_cast %scan3A_622 : i32 to index
        %get3A_767 = arith.index_cast %get3A_765 : i32 to index
        %get3A_768 = arith.constant 16 : index
        %get3A_769 = tpu.vector_load %arg8[%get3A_766, %get3A_767, %get3A_768] {strides = array<i32>} : memref<16x50x32xf32, #tpu.memory_space<vmem>>, vector<1x1x16xf32>,
        %get3A_770 = vector.shape_cast %get3A_769 : vector<1x1x16xf32> to vector<16xf32>
        %mul3A_771 = arith.constant 1.000000e-03 : f32
        %mul3A_772 = vector.broadcast %mul3A_771 : f32 to vector<16xf32>
        %mul3A_773 = arith.mulf %get3A_770, %mul3A_772 : vector<16xf32>
        %swap3A_774 = arith.constant 4 : i32
        %swap3A_775 = arith.index_cast %scan3A_622 : i32 to index
        %swap3A_776 = arith.index_cast %swap3A_774 : i32 to index
        %swap3A_777 = arith.constant 16 : index
        %swap3A_778 = tpu.vector_load %arg8[%swap3A_775, %swap3A_776, %swap3A_777] {strides = array<i32>} : memref<16x50x32xf32, #tpu.memory_space<vmem>>, vector<1x1x16xf32>,
        %swap3A_779 = vector.shape_cast %swap3A_778 : vector<1x1x16xf32> to vector<16xf32>
        %swap3A_780 = vector.shape_cast %mul3A_773 : vector<16xf32> to vector<1x1x16xf32>
        tpu.vector_store %arg8[%swap3A_775, %swap3A_776, %swap3A_777], %swap3A_780 {strides = array<i32>} : memref<16x50x32xf32, #tpu.memory_space<vmem>>, vector<1x1x16xf32>,
        %get3A_781 = arith.constant 5 : i32
        %get3A_782 = arith.index_cast %scan3A_622 : i32 to index
        %get3A_783 = arith.index_cast %get3A_781 : i32 to index
        %get3A_784 = arith.constant 0 : index
        %get3A_785 = tpu.vector_load %arg8[%get3A_782, %get3A_783, %get3A_784] {strides = array<i32>} : memref<16x50x32xf32, #tpu.memory_space<vmem>>, vector<1x1x16xf32>,
        %get3A_786 = vector.shape_cast %get3A_785 : vector<1x1x16xf32> to vector<16xf32>
        %mul3A_787 = arith.constant 1.000000e-03 : f32
        %mul3A_788 = vector.broadcast %mul3A_787 : f32 to vector<16xf32>
        %mul3A_789 = arith.mulf %get3A_786, %mul3A_788 : vector<16xf32>
        %swap3A_790 = arith.constant 5 : i32
        %swap3A_791 = arith.index_cast %scan3A_622 : i32 to index
        %swap3A_792 = arith.index_cast %swap3A_790 : i32 to index
        %swap3A_793 = arith.constant 0 : index
        %swap3A_794 = tpu.vector_load %arg8[%swap3A_791, %swap3A_792, %swap3A_793] {strides = array<i32>} : memref<16x50x32xf32, #tpu.memory_space<vmem>>, vector<1x1x16xf32>,
        %swap3A_795 = vector.shape_cast %swap3A_794 : vector<1x1x16xf32> to vector<16xf32>
        %swap3A_796 = vector.shape_cast %mul3A_789 : vector<16xf32> to vector<1x1x16xf32>
        tpu.vector_store %arg8[%swap3A_791, %swap3A_792, %swap3A_793], %swap3A_796 {strides = array<i32>} : memref<16x50x32xf32, #tpu.memory_space<vmem>>, vector<1x1x16xf32>,
        %get3A_797 = arith.constant 5 : i32
        %get3A_798 = arith.index_cast %scan3A_622 : i32 to index
        %get3A_799 = arith.index_cast %get3A_797 : i32 to index
        %get3A_800 = arith.constant 16 : index
        %get3A_801 = tpu.vector_load %arg8[%get3A_798, %get3A_799, %get3A_800] {strides = array<i32>} : memref<16x50x32xf32, #tpu.memory_space<vmem>>, vector<1x1x16xf32>,
        %get3A_802 = vector.shape_cast %get3A_801 : vector<1x1x16xf32> to vector<16xf32>
        %mul3A_803 = arith.constant 1.000000e-03 : f32
        %mul3A_804 = vector.broadcast %mul3A_803 : f32 to vector<16xf32>
        %mul3A_805 = arith.mulf %get3A_802, %mul3A_804 : vector<16xf32>
        %swap3A_806 = arith.constant 5 : i32
        %swap3A_807 = arith.index_cast %scan3A_622 : i32 to index
        %swap3A_808 = arith.index_cast %swap3A_806 : i32 to index
        %swap3A_809 = arith.constant 16 : index
        %swap3A_810 = tpu.vector_load %arg8[%swap3A_807, %swap3A_808, %swap3A_809] {strides = array<i32>} : memref<16x50x32xf32, #tpu.memory_space<vmem>>, vector<1x1x16xf32>,
        %swap3A_811 = vector.shape_cast %swap3A_810 : vector<1x1x16xf32> to vector<16xf32>
        %swap3A_812 = vector.shape_cast %mul3A_805 : vector<16xf32> to vector<1x1x16xf32>
        tpu.vector_store %arg8[%swap3A_807, %swap3A_808, %swap3A_809], %swap3A_812 {strides = array<i32>} : memref<16x50x32xf32, #tpu.memory_space<vmem>>, vector<1x1x16xf32>,
        %get3A_813 = arith.constant 6 : i32
        %get3A_814 = arith.index_cast %scan3A_622 : i32 to index
        %get3A_815 = arith.index_cast %get3A_813 : i32 to index
        %get3A_816 = arith.constant 0 : index
        %get3A_817 = tpu.vector_load %arg8[%get3A_814, %get3A_815, %get3A_816] {strides = array<i32>} : memref<16x50x32xf32, #tpu.memory_space<vmem>>, vector<1x1x16xf32>,
        %get3A_818 = vector.shape_cast %get3A_817 : vector<1x1x16xf32> to vector<16xf32>
        %mul3A_819 = arith.constant 1.000000e-03 : f32
        %mul3A_820 = vector.broadcast %mul3A_819 : f32 to vector<16xf32>
        %mul3A_821 = arith.mulf %get3A_818, %mul3A_820 : vector<16xf32>
        %swap3A_822 = arith.constant 6 : i32
        %swap3A_823 = arith.index_cast %scan3A_622 : i32 to index
        %swap3A_824 = arith.index_cast %swap3A_822 : i32 to index
        %swap3A_825 = arith.constant 0 : index
        %swap3A_826 = tpu.vector_load %arg8[%swap3A_823, %swap3A_824, %swap3A_825] {strides = array<i32>} : memref<16x50x32xf32, #tpu.memory_space<vmem>>, vector<1x1x16xf32>,
        %swap3A_827 = vector.shape_cast %swap3A_826 : vector<1x1x16xf32> to vector<16xf32>
        %swap3A_828 = vector.shape_cast %mul3A_821 : vector<16xf32> to vector<1x1x16xf32>
        tpu.vector_store %arg8[%swap3A_823, %swap3A_824, %swap3A_825], %swap3A_828 {strides = array<i32>} : memref<16x50x32xf32, #tpu.memory_space<vmem>>, vector<1x1x16xf32>,
        %get3A_829 = arith.constant 6 : i32
        %get3A_830 = arith.index_cast %scan3A_622 : i32 to index
        %get3A_831 = arith.index_cast %get3A_829 : i32 to index
        %get3A_832 = arith.constant 16 : index
        %get3A_833 = tpu.vector_load %arg8[%get3A_830, %get3A_831, %get3A_832] {strides = array<i32>} : memref<16x50x32xf32, #tpu.memory_space<vmem>>, vector<1x1x16xf32>,
        %get3A_834 = vector.shape_cast %get3A_833 : vector<1x1x16xf32> to vector<16xf32>
        %mul3A_835 = arith.constant 1.000000e-03 : f32
        %mul3A_836 = vector.broadcast %mul3A_835 : f32 to vector<16xf32>
        %mul3A_837 = arith.mulf %get3A_834, %mul3A_836 : vector<16xf32>
        %swap3A_838 = arith.constant 6 : i32
        %swap3A_839 = arith.index_cast %scan3A_622 : i32 to index
        %swap3A_840 = arith.index_cast %swap3A_838 : i32 to index
        %swap3A_841 = arith.constant 16 : index
        %swap3A_842 = tpu.vector_load %arg8[%swap3A_839, %swap3A_840, %swap3A_841] {strides = array<i32>} : memref<16x50x32xf32, #tpu.memory_space<vmem>>, vector<1x1x16xf32>,
        %swap3A_843 = vector.shape_cast %swap3A_842 : vector<1x1x16xf32> to vector<16xf32>
        %swap3A_844 = vector.shape_cast %mul3A_837 : vector<16xf32> to vector<1x1x16xf32>
        tpu.vector_store %arg8[%swap3A_839, %swap3A_840, %swap3A_841], %swap3A_844 {strides = array<i32>} : memref<16x50x32xf32, #tpu.memory_space<vmem>>, vector<1x1x16xf32>,
        %get3A_845 = arith.constant 7 : i32
        %get3A_846 = arith.index_cast %scan3A_622 : i32 to index
        %get3A_847 = arith.index_cast %get3A_845 : i32 to index
        %get3A_848 = arith.constant 0 : index
        %get3A_849 = tpu.vector_load %arg8[%get3A_846, %get3A_847, %get3A_848] {strides = array<i32>} : memref<16x50x32xf32, #tpu.memory_space<vmem>>, vector<1x1x16xf32>,
        %get3A_850 = vector.shape_cast %get3A_849 : vector<1x1x16xf32> to vector<16xf32>
        %mul3A_851 = arith.constant 1.000000e-03 : f32
        %mul3A_852 = vector.broadcast %mul3A_851 : f32 to vector<16xf32>
        %mul3A_853 = arith.mulf %get3A_850, %mul3A_852 : vector<16xf32>
        %swap3A_854 = arith.constant 7 : i32
        %swap3A_855 = arith.index_cast %scan3A_622 : i32 to index
        %swap3A_856 = arith.index_cast %swap3A_854 : i32 to index
        %swap3A_857 = arith.constant 0 : index
        %swap3A_858 = tpu.vector_load %arg8[%swap3A_855, %swap3A_856, %swap3A_857] {strides = array<i32>} : memref<16x50x32xf32, #tpu.memory_space<vmem>>, vector<1x1x16xf32>,
        %swap3A_859 = vector.shape_cast %swap3A_858 : vector<1x1x16xf32> to vector<16xf32>
        %swap3A_860 = vector.shape_cast %mul3A_853 : vector<16xf32> to vector<1x1x16xf32>
        tpu.vector_store %arg8[%swap3A_855, %swap3A_856, %swap3A_857], %swap3A_860 {strides = array<i32>} : memref<16x50x32xf32, #tpu.memory_space<vmem>>, vector<1x1x16xf32>,
        %get3A_861 = arith.constant 7 : i32
        %get3A_862 = arith.index_cast %scan3A_622 : i32 to index
        %get3A_863 = arith.index_cast %get3A_861 : i32 to index
        %get3A_864 = arith.constant 16 : index
        %get3A_865 = tpu.vector_load %arg8[%get3A_862, %get3A_863, %get3A_864] {strides = array<i32>} : memref<16x50x32xf32, #tpu.memory_space<vmem>>, vector<1x1x16xf32>,
        %get3A_866 = vector.shape_cast %get3A_865 : vector<1x1x16xf32> to vector<16xf32>
        %mul3A_867 = arith.constant 1.000000e-03 : f32
        %mul3A_868 = vector.broadcast %mul3A_867 : f32 to vector<16xf32>
        %mul3A_869 = arith.mulf %get3A_866, %mul3A_868 : vector<16xf32>
        %swap3A_870 = arith.constant 7 : i32
        %swap3A_871 = arith.index_cast %scan3A_622 : i32 to index
        %swap3A_872 = arith.index_cast %swap3A_870 : i32 to index
        %swap3A_873 = arith.constant 16 : index
        %swap3A_874 = tpu.vector_load %arg8[%swap3A_871, %swap3A_872, %swap3A_873] {strides = array<i32>} : memref<16x50x32xf32, #tpu.memory_space<vmem>>, vector<1x1x16xf32>,
        %swap3A_875 = vector.shape_cast %swap3A_874 : vector<1x1x16xf32> to vector<16xf32>
        %swap3A_876 = vector.shape_cast %mul3A_869 : vector<16xf32> to vector<1x1x16xf32>
        tpu.vector_store %arg8[%swap3A_871, %swap3A_872, %swap3A_873], %swap3A_876 {strides = array<i32>} : memref<16x50x32xf32, #tpu.memory_space<vmem>>, vector<1x1x16xf32>,
        %get3A_877 = arith.constant 8 : i32
        %get3A_878 = arith.index_cast %scan3A_622 : i32 to index
        %get3A_879 = arith.index_cast %get3A_877 : i32 to index
        %get3A_880 = arith.constant 0 : index
        %get3A_881 = tpu.vector_load %arg8[%get3A_878, %get3A_879, %get3A_880] {strides = array<i32>} : memref<16x50x32xf32, #tpu.memory_space<vmem>>, vector<1x1x16xf32>,
        %get3A_882 = vector.shape_cast %get3A_881 : vector<1x1x16xf32> to vector<16xf32>
        %mul3A_883 = arith.constant 1.000000e-03 : f32
        %mul3A_884 = vector.broadcast %mul3A_883 : f32 to vector<16xf32>
        %mul3A_885 = arith.mulf %get3A_882, %mul3A_884 : vector<16xf32>
        %swap3A_886 = arith.constant 8 : i32
        %swap3A_887 = arith.index_cast %scan3A_622 : i32 to index
        %swap3A_888 = arith.index_cast %swap3A_886 : i32 to index
        %swap3A_889 = arith.constant 0 : index
        %swap3A_890 = tpu.vector_load %arg8[%swap3A_887, %swap3A_888, %swap3A_889] {strides = array<i32>} : memref<16x50x32xf32, #tpu.memory_space<vmem>>, vector<1x1x16xf32>,
        %swap3A_891 = vector.shape_cast %swap3A_890 : vector<1x1x16xf32> to vector<16xf32>
        %swap3A_892 = vector.shape_cast %mul3A_885 : vector<16xf32> to vector<1x1x16xf32>
        tpu.vector_store %arg8[%swap3A_887, %swap3A_888, %swap3A_889], %swap3A_892 {strides = array<i32>} : memref<16x50x32xf32, #tpu.memory_space<vmem>>, vector<1x1x16xf32>,
        %get3A_893 = arith.constant 8 : i32
        %get3A_894 = arith.index_cast %scan3A_622 : i32 to index
        %get3A_895 = arith.index_cast %get3A_893 : i32 to index
        %get3A_896 = arith.constant 16 : index
        %get3A_897 = tpu.vector_load %arg8[%get3A_894, %get3A_895, %get3A_896] {strides = array<i32>} : memref<16x50x32xf32, #tpu.memory_space<vmem>>, vector<1x1x16xf32>,
        %get3A_898 = vector.shape_cast %get3A_897 : vector<1x1x16xf32> to vector<16xf32>
        %mul3A_899 = arith.constant 1.000000e-03 : f32
        %mul3A_900 = vector.broadcast %mul3A_899 : f32 to vector<16xf32>
        %mul3A_901 = arith.mulf %get3A_898, %mul3A_900 : vector<16xf32>
        %swap3A_902 = arith.constant 8 : i32
        %swap3A_903 = arith.index_cast %scan3A_622 : i32 to index
        %swap3A_904 = arith.index_cast %swap3A_902 : i32 to index
        %swap3A_905 = arith.constant 16 : index
        %swap3A_906 = tpu.vector_load %arg8[%swap3A_903, %swap3A_904, %swap3A_905] {strides = array<i32>} : memref<16x50x32xf32, #tpu.memory_space<vmem>>, vector<1x1x16xf32>,
        %swap3A_907 = vector.shape_cast %swap3A_906 : vector<1x1x16xf32> to vector<16xf32>
        %swap3A_908 = vector.shape_cast %mul3A_901 : vector<16xf32> to vector<1x1x16xf32>
        tpu.vector_store %arg8[%swap3A_903, %swap3A_904, %swap3A_905], %swap3A_908 {strides = array<i32>} : memref<16x50x32xf32, #tpu.memory_space<vmem>>, vector<1x1x16xf32>,
        %get3A_909 = arith.constant 9 : i32
        %get3A_910 = arith.index_cast %scan3A_622 : i32 to index
        %get3A_911 = arith.index_cast %get3A_909 : i32 to index
        %get3A_912 = arith.constant 0 : index
        %get3A_913 = tpu.vector_load %arg8[%get3A_910, %get3A_911, %get3A_912] {strides = array<i32>} : memref<16x50x32xf32, #tpu.memory_space<vmem>>, vector<1x1x16xf32>,
        %get3A_914 = vector.shape_cast %get3A_913 : vector<1x1x16xf32> to vector<16xf32>
        %mul3A_915 = arith.constant 1.000000e-03 : f32
        %mul3A_916 = vector.broadcast %mul3A_915 : f32 to vector<16xf32>
        %mul3A_917 = arith.mulf %get3A_914, %mul3A_916 : vector<16xf32>
        %swap3A_918 = arith.constant 9 : i32
        %swap3A_919 = arith.index_cast %scan3A_622 : i32 to index
        %swap3A_920 = arith.index_cast %swap3A_918 : i32 to index
        %swap3A_921 = arith.constant 0 : index
        %swap3A_922 = tpu.vector_load %arg8[%swap3A_919, %swap3A_920, %swap3A_921] {strides = array<i32>} : memref<16x50x32xf32, #tpu.memory_space<vmem>>, vector<1x1x16xf32>,
        %swap3A_923 = vector.shape_cast %swap3A_922 : vector<1x1x16xf32> to vector<16xf32>
        %swap3A_924 = vector.shape_cast %mul3A_917 : vector<16xf32> to vector<1x1x16xf32>
        tpu.vector_store %arg8[%swap3A_919, %swap3A_920, %swap3A_921], %swap3A_924 {strides = array<i32>} : memref<16x50x32xf32, #tpu.memory_space<vmem>>, vector<1x1x16xf32>,
        %get3A_925 = arith.constant 9 : i32
        %get3A_926 = arith.index_cast %scan3A_622 : i32 to index
        %get3A_927 = arith.index_cast %get3A_925 : i32 to index
        %get3A_928 = arith.constant 16 : index
        %get3A_929 = tpu.vector_load %arg8[%get3A_926, %get3A_927, %get3A_928] {strides = array<i32>} : memref<16x50x32xf32, #tpu.memory_space<vmem>>, vector<1x1x16xf32>,
        %get3A_930 = vector.shape_cast %get3A_929 : vector<1x1x16xf32> to vector<16xf32>
        %mul3A_931 = arith.constant 1.000000e-03 : f32
        %mul3A_932 = vector.broadcast %mul3A_931 : f32 to vector<16xf32>
        %mul3A_933 = arith.mulf %get3A_930, %mul3A_932 : vector<16xf32>
        %swap3A_934 = arith.constant 9 : i32
        %swap3A_935 = arith.index_cast %scan3A_622 : i32 to index
        %swap3A_936 = arith.index_cast %swap3A_934 : i32 to index
        %swap3A_937 = arith.constant 16 : index
        %swap3A_938 = tpu.vector_load %arg8[%swap3A_935, %swap3A_936, %swap3A_937] {strides = array<i32>} : memref<16x50x32xf32, #tpu.memory_space<vmem>>, vector<1x1x16xf32>,
        %swap3A_939 = vector.shape_cast %swap3A_938 : vector<1x1x16xf32> to vector<16xf32>
        %swap3A_940 = vector.shape_cast %mul3A_933 : vector<16xf32> to vector<1x1x16xf32>
        tpu.vector_store %arg8[%swap3A_935, %swap3A_936, %swap3A_937], %swap3A_940 {strides = array<i32>} : memref<16x50x32xf32, #tpu.memory_space<vmem>>, vector<1x1x16xf32>,
        %get3A_941 = arith.constant 10 : i32
        %get3A_942 = arith.index_cast %scan3A_622 : i32 to index
        %get3A_943 = arith.index_cast %get3A_941 : i32 to index
        %get3A_944 = arith.constant 0 : index
        %get3A_945 = tpu.vector_load %arg8[%get3A_942, %get3A_943, %get3A_944] {strides = array<i32>} : memref<16x50x32xf32, #tpu.memory_space<vmem>>, vector<1x1x16xf32>,
        %get3A_946 = vector.shape_cast %get3A_945 : vector<1x1x16xf32> to vector<16xf32>
        %mul3A_947 = arith.constant 1.000000e-03 : f32
        %mul3A_948 = vector.broadcast %mul3A_947 : f32 to vector<16xf32>
        %mul3A_949 = arith.mulf %get3A_946, %mul3A_948 : vector<16xf32>
        %swap3A_950 = arith.constant 10 : i32
        %swap3A_951 = arith.index_cast %scan3A_622 : i32 to index
        %swap3A_952 = arith.index_cast %swap3A_950 : i32 to index
        %swap3A_953 = arith.constant 0 : index
        %swap3A_954 = tpu.vector_load %arg8[%swap3A_951, %swap3A_952, %swap3A_953] {strides = array<i32>} : memref<16x50x32xf32, #tpu.memory_space<vmem>>, vector<1x1x16xf32>,
        %swap3A_955 = vector.shape_cast %swap3A_954 : vector<1x1x16xf32> to vector<16xf32>
        %swap3A_956 = vector.shape_cast %mul3A_949 : vector<16xf32> to vector<1x1x16xf32>
        tpu.vector_store %arg8[%swap3A_951, %swap3A_952, %swap3A_953], %swap3A_956 {strides = array<i32>} : memref<16x50x32xf32, #tpu.memory_space<vmem>>, vector<1x1x16xf32>,
        %get3A_957 = arith.constant 10 : i32
        %get3A_958 = arith.index_cast %scan3A_622 : i32 to index
        %get3A_959 = arith.index_cast %get3A_957 : i32 to index
        %get3A_960 = arith.constant 16 : index
        %get3A_961 = tpu.vector_load %arg8[%get3A_958, %get3A_959, %get3A_960] {strides = array<i32>} : memref<16x50x32xf32, #tpu.memory_space<vmem>>, vector<1x1x16xf32>,
        %get3A_962 = vector.shape_cast %get3A_961 : vector<1x1x16xf32> to vector<16xf32>
        %mul3A_963 = arith.constant 1.000000e-03 : f32
        %mul3A_964 = vector.broadcast %mul3A_963 : f32 to vector<16xf32>
        %mul3A_965 = arith.mulf %get3A_962, %mul3A_964 : vector<16xf32>
        %swap3A_966 = arith.constant 10 : i32
        %swap3A_967 = arith.index_cast %scan3A_622 : i32 to index
        %swap3A_968 = arith.index_cast %swap3A_966 : i32 to index
        %swap3A_969 = arith.constant 16 : index
        %swap3A_970 = tpu.vector_load %arg8[%swap3A_967, %swap3A_968, %swap3A_969] {strides = array<i32>} : memref<16x50x32xf32, #tpu.memory_space<vmem>>, vector<1x1x16xf32>,
        %swap3A_971 = vector.shape_cast %swap3A_970 : vector<1x1x16xf32> to vector<16xf32>
        %swap3A_972 = vector.shape_cast %mul3A_965 : vector<16xf32> to vector<1x1x16xf32>
        tpu.vector_store %arg8[%swap3A_967, %swap3A_968, %swap3A_969], %swap3A_972 {strides = array<i32>} : memref<16x50x32xf32, #tpu.memory_space<vmem>>, vector<1x1x16xf32>,
        %get3A_973 = arith.constant 11 : i32
        %get3A_974 = arith.index_cast %scan3A_622 : i32 to index
        %get3A_975 = arith.index_cast %get3A_973 : i32 to index
        %get3A_976 = arith.constant 0 : index
        %get3A_977 = tpu.vector_load %arg8[%get3A_974, %get3A_975, %get3A_976] {strides = array<i32>} : memref<16x50x32xf32, #tpu.memory_space<vmem>>, vector<1x1x16xf32>,
        %get3A_978 = vector.shape_cast %get3A_977 : vector<1x1x16xf32> to vector<16xf32>
        %mul3A_979 = arith.constant 1.000000e-03 : f32
        %mul3A_980 = vector.broadcast %mul3A_979 : f32 to vector<16xf32>
        %mul3A_981 = arith.mulf %get3A_978, %mul3A_980 : vector<16xf32>
        %swap3A_982 = arith.constant 11 : i32
        %swap3A_983 = arith.index_cast %scan3A_622 : i32 to index
        %swap3A_984 = arith.index_cast %swap3A_982 : i32 to index
        %swap3A_985 = arith.constant 0 : index
        %swap3A_986 = tpu.vector_load %arg8[%swap3A_983, %swap3A_984, %swap3A_985] {strides = array<i32>} : memref<16x50x32xf32, #tpu.memory_space<vmem>>, vector<1x1x16xf32>,
        %swap3A_987 = vector.shape_cast %swap3A_986 : vector<1x1x16xf32> to vector<16xf32>
        %swap3A_988 = vector.shape_cast %mul3A_981 : vector<16xf32> to vector<1x1x16xf32>
        tpu.vector_store %arg8[%swap3A_983, %swap3A_984, %swap3A_985], %swap3A_988 {strides = array<i32>} : memref<16x50x32xf32, #tpu.memory_space<vmem>>, vector<1x1x16xf32>,
        %get3A_989 = arith.constant 11 : i32
        %get3A_990 = arith.index_cast %scan3A_622 : i32 to index
        %get3A_991 = arith.index_cast %get3A_989 : i32 to index
        %get3A_992 = arith.constant 16 : index
        %get3A_993 = tpu.vector_load %arg8[%get3A_990, %get3A_991, %get3A_992] {strides = array<i32>} : memref<16x50x32xf32, #tpu.memory_space<vmem>>, vector<1x1x16xf32>,
        %get3A_994 = vector.shape_cast %get3A_993 : vector<1x1x16xf32> to vector<16xf32>
        %mul3A_995 = arith.constant 1.000000e-03 : f32
        %mul3A_996 = vector.broadcast %mul3A_995 : f32 to vector<16xf32>
        %mul3A_997 = arith.mulf %get3A_994, %mul3A_996 : vector<16xf32>
        %swap3A_998 = arith.constant 11 : i32
        %swap3A_999 = arith.index_cast %scan3A_622 : i32 to index
        %swap3A_1000 = arith.index_cast %swap3A_998 : i32 to index
        %swap3A_1001 = arith.constant 16 : index
        %swap3A_1002 = tpu.vector_load %arg8[%swap3A_999, %swap3A_1000, %swap3A_1001] {strides = array<i32>} : memref<16x50x32xf32, #tpu.memory_space<vmem>>, vector<1x1x16xf32>,
        %swap3A_1003 = vector.shape_cast %swap3A_1002 : vector<1x1x16xf32> to vector<16xf32>
        %swap3A_1004 = vector.shape_cast %mul3A_997 : vector<16xf32> to vector<1x1x16xf32>
        tpu.vector_store %arg8[%swap3A_999, %swap3A_1000, %swap3A_1001], %swap3A_1004 {strides = array<i32>} : memref<16x50x32xf32, #tpu.memory_space<vmem>>, vector<1x1x16xf32>,
        %get3A_1005 = arith.constant 12 : i32
        %get3A_1006 = arith.index_cast %scan3A_622 : i32 to index
        %get3A_1007 = arith.index_cast %get3A_1005 : i32 to index
        %get3A_1008 = arith.constant 0 : index
        %get3A_1009 = tpu.vector_load %arg8[%get3A_1006, %get3A_1007, %get3A_1008] {strides = array<i32>} : memref<16x50x32xf32, #tpu.memory_space<vmem>>, vector<1x1x16xf32>,
        %get3A_1010 = vector.shape_cast %get3A_1009 : vector<1x1x16xf32> to vector<16xf32>
        %mul3A_1011 = arith.constant 1.000000e-03 : f32
        %mul3A_1012 = vector.broadcast %mul3A_1011 : f32 to vector<16xf32>
        %mul3A_1013 = arith.mulf %get3A_1010, %mul3A_1012 : vector<16xf32>
        %swap3A_1014 = arith.constant 12 : i32
        %swap3A_1015 = arith.index_cast %scan3A_622 : i32 to index
        %swap3A_1016 = arith.index_cast %swap3A_1014 : i32 to index
        %swap3A_1017 = arith.constant 0 : index
        %swap3A_1018 = tpu.vector_load %arg8[%swap3A_1015, %swap3A_1016, %swap3A_1017] {strides = array<i32>} : memref<16x50x32xf32, #tpu.memory_space<vmem>>, vector<1x1x16xf32>,
        %swap3A_1019 = vector.shape_cast %swap3A_1018 : vector<1x1x16xf32> to vector<16xf32>
        %swap3A_1020 = vector.shape_cast %mul3A_1013 : vector<16xf32> to vector<1x1x16xf32>
        tpu.vector_store %arg8[%swap3A_1015, %swap3A_1016, %swap3A_1017], %swap3A_1020 {strides = array<i32>} : memref<16x50x32xf32, #tpu.memory_space<vmem>>, vector<1x1x16xf32>,
        %get3A_1021 = arith.constant 12 : i32
        %get3A_1022 = arith.index_cast %scan3A_622 : i32 to index
        %get3A_1023 = arith.index_cast %get3A_1021 : i32 to index
        %get3A_1024 = arith.constant 16 : index
        %get3A_1025 = tpu.vector_load %arg8[%get3A_1022, %get3A_1023, %get3A_1024] {strides = array<i32>} : memref<16x50x32xf32, #tpu.memory_space<vmem>>, vector<1x1x16xf32>,
        %get3A_1026 = vector.shape_cast %get3A_1025 : vector<1x1x16xf32> to vector<16xf32>
        %mul3A_1027 = arith.constant 1.000000e-03 : f32
        %mul3A_1028 = vector.broadcast %mul3A_1027 : f32 to vector<16xf32>
        %mul3A_1029 = arith.mulf %get3A_1026, %mul3A_1028 : vector<16xf32>
        %swap3A_1030 = arith.constant 12 : i32
        %swap3A_1031 = arith.index_cast %scan3A_622 : i32 to index
        %swap3A_1032 = arith.index_cast %swap3A_1030 : i32 to index
        %swap3A_1033 = arith.constant 16 : index
        %swap3A_1034 = tpu.vector_load %arg8[%swap3A_1031, %swap3A_1032, %swap3A_1033] {strides = array<i32>} : memref<16x50x32xf32, #tpu.memory_space<vmem>>, vector<1x1x16xf32>,
        %swap3A_1035 = vector.shape_cast %swap3A_1034 : vector<1x1x16xf32> to vector<16xf32>
        %swap3A_1036 = vector.shape_cast %mul3A_1029 : vector<16xf32> to vector<1x1x16xf32>
        tpu.vector_store %arg8[%swap3A_1031, %swap3A_1032, %swap3A_1033], %swap3A_1036 {strides = array<i32>} : memref<16x50x32xf32, #tpu.memory_space<vmem>>, vector<1x1x16xf32>,
        %get3A_1037 = arith.constant 13 : i32
        %get3A_1038 = arith.index_cast %scan3A_622 : i32 to index
        %get3A_1039 = arith.index_cast %get3A_1037 : i32 to index
        %get3A_1040 = arith.constant 0 : index
        %get3A_1041 = tpu.vector_load %arg8[%get3A_1038, %get3A_1039, %get3A_1040] {strides = array<i32>} : memref<16x50x32xf32, #tpu.memory_space<vmem>>, vector<1x1x16xf32>,
        %get3A_1042 = vector.shape_cast %get3A_1041 : vector<1x1x16xf32> to vector<16xf32>
        %mul3A_1043 = arith.constant 1.000000e-03 : f32
        %mul3A_1044 = vector.broadcast %mul3A_1043 : f32 to vector<16xf32>
        %mul3A_1045 = arith.mulf %get3A_1042, %mul3A_1044 : vector<16xf32>
        %swap3A_1046 = arith.constant 13 : i32
        %swap3A_1047 = arith.index_cast %scan3A_622 : i32 to index
        %swap3A_1048 = arith.index_cast %swap3A_1046 : i32 to index
        %swap3A_1049 = arith.constant 0 : index
        %swap3A_1050 = tpu.vector_load %arg8[%swap3A_1047, %swap3A_1048, %swap3A_1049] {strides = array<i32>} : memref<16x50x32xf32, #tpu.memory_space<vmem>>, vector<1x1x16xf32>,
        %swap3A_1051 = vector.shape_cast %swap3A_1050 : vector<1x1x16xf32> to vector<16xf32>
        %swap3A_1052 = vector.shape_cast %mul3A_1045 : vector<16xf32> to vector<1x1x16xf32>
        tpu.vector_store %arg8[%swap3A_1047, %swap3A_1048, %swap3A_1049], %swap3A_1052 {strides = array<i32>} : memref<16x50x32xf32, #tpu.memory_space<vmem>>, vector<1x1x16xf32>,
        %get3A_1053 = arith.constant 13 : i32
        %get3A_1054 = arith.index_cast %scan3A_622 : i32 to index
        %get3A_1055 = arith.index_cast %get3A_1053 : i32 to index
        %get3A_1056 = arith.constant 16 : index
        %get3A_1057 = tpu.vector_load %arg8[%get3A_1054, %get3A_1055, %get3A_1056] {strides = array<i32>} : memref<16x50x32xf32, #tpu.memory_space<vmem>>, vector<1x1x16xf32>,
        %get3A_1058 = vector.shape_cast %get3A_1057 : vector<1x1x16xf32> to vector<16xf32>
        %mul3A_1059 = arith.constant 1.000000e-03 : f32
        %mul3A_1060 = vector.broadcast %mul3A_1059 : f32 to vector<16xf32>
        %mul3A_1061 = arith.mulf %get3A_1058, %mul3A_1060 : vector<16xf32>
        %swap3A_1062 = arith.constant 13 : i32
        %swap3A_1063 = arith.index_cast %scan3A_622 : i32 to index
        %swap3A_1064 = arith.index_cast %swap3A_1062 : i32 to index
        %swap3A_1065 = arith.constant 16 : index
        %swap3A_1066 = tpu.vector_load %arg8[%swap3A_1063, %swap3A_1064, %swap3A_1065] {strides = array<i32>} : memref<16x50x32xf32, #tpu.memory_space<vmem>>, vector<1x1x16xf32>,
        %swap3A_1067 = vector.shape_cast %swap3A_1066 : vector<1x1x16xf32> to vector<16xf32>
        %swap3A_1068 = vector.shape_cast %mul3A_1061 : vector<16xf32> to vector<1x1x16xf32>
        tpu.vector_store %arg8[%swap3A_1063, %swap3A_1064, %swap3A_1065], %swap3A_1068 {strides = array<i32>} : memref<16x50x32xf32, #tpu.memory_space<vmem>>, vector<1x1x16xf32>,
        %get3A_1069 = arith.constant 14 : i32
        %get3A_1070 = arith.index_cast %scan3A_622 : i32 to index
        %get3A_1071 = arith.index_cast %get3A_1069 : i32 to index
        %get3A_1072 = arith.constant 0 : index
        %get3A_1073 = tpu.vector_load %arg8[%get3A_1070, %get3A_1071, %get3A_1072] {strides = array<i32>} : memref<16x50x32xf32, #tpu.memory_space<vmem>>, vector<1x1x16xf32>,
        %get3A_1074 = vector.shape_cast %get3A_1073 : vector<1x1x16xf32> to vector<16xf32>
        %mul3A_1075 = arith.constant 1.000000e-03 : f32
        %mul3A_1076 = vector.broadcast %mul3A_1075 : f32 to vector<16xf32>
        %mul3A_1077 = arith.mulf %get3A_1074, %mul3A_1076 : vector<16xf32>
        %swap3A_1078 = arith.constant 14 : i32
        %swap3A_1079 = arith.index_cast %scan3A_622 : i32 to index
        %swap3A_1080 = arith.index_cast %swap3A_1078 : i32 to index
        %swap3A_1081 = arith.constant 0 : index
        %swap3A_1082 = tpu.vector_load %arg8[%swap3A_1079, %swap3A_1080, %swap3A_1081] {strides = array<i32>} : memref<16x50x32xf32, #tpu.memory_space<vmem>>, vector<1x1x16xf32>,
        %swap3A_1083 = vector.shape_cast %swap3A_1082 : vector<1x1x16xf32> to vector<16xf32>
        %swap3A_1084 = vector.shape_cast %mul3A_1077 : vector<16xf32> to vector<1x1x16xf32>
        tpu.vector_store %arg8[%swap3A_1079, %swap3A_1080, %swap3A_1081], %swap3A_1084 {strides = array<i32>} : memref<16x50x32xf32, #tpu.memory_space<vmem>>, vector<1x1x16xf32>,
        %get3A_1085 = arith.constant 14 : i32
        %get3A_1086 = arith.index_cast %scan3A_622 : i32 to index
        %get3A_1087 = arith.index_cast %get3A_1085 : i32 to index
        %get3A_1088 = arith.constant 16 : index
        %get3A_1089 = tpu.vector_load %arg8[%get3A_1086, %get3A_1087, %get3A_1088] {strides = array<i32>} : memref<16x50x32xf32, #tpu.memory_space<vmem>>, vector<1x1x16xf32>,
        %get3A_1090 = vector.shape_cast %get3A_1089 : vector<1x1x16xf32> to vector<16xf32>
        %mul3A_1091 = arith.constant 1.000000e-03 : f32
        %mul3A_1092 = vector.broadcast %mul3A_1091 : f32 to vector<16xf32>
        %mul3A_1093 = arith.mulf %get3A_1090, %mul3A_1092 : vector<16xf32>
        %swap3A_1094 = arith.constant 14 : i32
        %swap3A_1095 = arith.index_cast %scan3A_622 : i32 to index
        %swap3A_1096 = arith.index_cast %swap3A_1094 : i32 to index
        %swap3A_1097 = arith.constant 16 : index
        %swap3A_1098 = tpu.vector_load %arg8[%swap3A_1095, %swap3A_1096, %swap3A_1097] {strides = array<i32>} : memref<16x50x32xf32, #tpu.memory_space<vmem>>, vector<1x1x16xf32>,
        %swap3A_1099 = vector.shape_cast %swap3A_1098 : vector<1x1x16xf32> to vector<16xf32>
        %swap3A_1100 = vector.shape_cast %mul3A_1093 : vector<16xf32> to vector<1x1x16xf32>
        tpu.vector_store %arg8[%swap3A_1095, %swap3A_1096, %swap3A_1097], %swap3A_1100 {strides = array<i32>} : memref<16x50x32xf32, #tpu.memory_space<vmem>>, vector<1x1x16xf32>,
        %get3A_1101 = arith.constant 15 : i32
        %get3A_1102 = arith.index_cast %scan3A_622 : i32 to index
        %get3A_1103 = arith.index_cast %get3A_1101 : i32 to index
        %get3A_1104 = arith.constant 0 : index
        %get3A_1105 = tpu.vector_load %arg8[%get3A_1102, %get3A_1103, %get3A_1104] {strides = array<i32>} : memref<16x50x32xf32, #tpu.memory_space<vmem>>, vector<1x1x16xf32>,
        %get3A_1106 = vector.shape_cast %get3A_1105 : vector<1x1x16xf32> to vector<16xf32>
        %mul3A_1107 = arith.constant 1.000000e-03 : f32
        %mul3A_1108 = vector.broadcast %mul3A_1107 : f32 to vector<16xf32>
        %mul3A_1109 = arith.mulf %get3A_1106, %mul3A_1108 : vector<16xf32>
        %swap3A_1110 = arith.constant 15 : i32
        %swap3A_1111 = arith.index_cast %scan3A_622 : i32 to index
        %swap3A_1112 = arith.index_cast %swap3A_1110 : i32 to index
        %swap3A_1113 = arith.constant 0 : index
        %swap3A_1114 = tpu.vector_load %arg8[%swap3A_1111, %swap3A_1112, %swap3A_1113] {strides = array<i32>} : memref<16x50x32xf32, #tpu.memory_space<vmem>>, vector<1x1x16xf32>,
        %swap3A_1115 = vector.shape_cast %swap3A_1114 : vector<1x1x16xf32> to vector<16xf32>
        %swap3A_1116 = vector.shape_cast %mul3A_1109 : vector<16xf32> to vector<1x1x16xf32>
        tpu.vector_store %arg8[%swap3A_1111, %swap3A_1112, %swap3A_1113], %swap3A_1116 {strides = array<i32>} : memref<16x50x32xf32, #tpu.memory_space<vmem>>, vector<1x1x16xf32>,
        %get3A_1117 = arith.constant 15 : i32
        %get3A_1118 = arith.index_cast %scan3A_622 : i32 to index
        %get3A_1119 = arith.index_cast %get3A_1117 : i32 to index
        %get3A_1120 = arith.constant 16 : index
        %get3A_1121 = tpu.vector_load %arg8[%get3A_1118, %get3A_1119, %get3A_1120] {strides = array<i32>} : memref<16x50x32xf32, #tpu.memory_space<vmem>>, vector<1x1x16xf32>,
        %get3A_1122 = vector.shape_cast %get3A_1121 : vector<1x1x16xf32> to vector<16xf32>
        %mul3A_1123 = arith.constant 1.000000e-03 : f32
        %mul3A_1124 = vector.broadcast %mul3A_1123 : f32 to vector<16xf32>
        %mul3A_1125 = arith.mulf %get3A_1122, %mul3A_1124 : vector<16xf32>
        %swap3A_1126 = arith.constant 15 : i32
        %swap3A_1127 = arith.index_cast %scan3A_622 : i32 to index
        %swap3A_1128 = arith.index_cast %swap3A_1126 : i32 to index
        %swap3A_1129 = arith.constant 16 : index
        %swap3A_1130 = tpu.vector_load %arg8[%swap3A_1127, %swap3A_1128, %swap3A_1129] {strides = array<i32>} : memref<16x50x32xf32, #tpu.memory_space<vmem>>, vector<1x1x16xf32>,
        %swap3A_1131 = vector.shape_cast %swap3A_1130 : vector<1x1x16xf32> to vector<16xf32>
        %swap3A_1132 = vector.shape_cast %mul3A_1125 : vector<16xf32> to vector<1x1x16xf32>
        tpu.vector_store %arg8[%swap3A_1127, %swap3A_1128, %swap3A_1129], %swap3A_1132 {strides = array<i32>} : memref<16x50x32xf32, #tpu.memory_space<vmem>>, vector<1x1x16xf32>,
        %get3A_1133 = arith.constant 16 : i32
        %get3A_1134 = arith.index_cast %scan3A_622 : i32 to index
        %get3A_1135 = arith.index_cast %get3A_1133 : i32 to index
        %get3A_1136 = arith.constant 0 : index
        %get3A_1137 = tpu.vector_load %arg8[%get3A_1134, %get3A_1135, %get3A_1136] {strides = array<i32>} : memref<16x50x32xf32, #tpu.memory_space<vmem>>, vector<1x1x16xf32>,
        %get3A_1138 = vector.shape_cast %get3A_1137 : vector<1x1x16xf32> to vector<16xf32>
        %mul3A_1139 = arith.constant 1.000000e-03 : f32
        %mul3A_1140 = vector.broadcast %mul3A_1139 : f32 to vector<16xf32>
        %mul3A_1141 = arith.mulf %get3A_1138, %mul3A_1140 : vector<16xf32>
        %swap3A_1142 = arith.constant 16 : i32
        %swap3A_1143 = arith.index_cast %scan3A_622 : i32 to index
        %swap3A_1144 = arith.index_cast %swap3A_1142 : i32 to index
        %swap3A_1145 = arith.constant 0 : index
        %swap3A_1146 = tpu.vector_load %arg8[%swap3A_1143, %swap3A_1144, %swap3A_1145] {strides = array<i32>} : memref<16x50x32xf32, #tpu.memory_space<vmem>>, vector<1x1x16xf32>,
        %swap3A_1147 = vector.shape_cast %swap3A_1146 : vector<1x1x16xf32> to vector<16xf32>
        %swap3A_1148 = vector.shape_cast %mul3A_1141 : vector<16xf32> to vector<1x1x16xf32>
        tpu.vector_store %arg8[%swap3A_1143, %swap3A_1144, %swap3A_1145], %swap3A_1148 {strides = array<i32>} : memref<16x50x32xf32, #tpu.memory_space<vmem>>, vector<1x1x16xf32>,
        %get3A_1149 = arith.constant 16 : i32
        %get3A_1150 = arith.index_cast %scan3A_622 : i32 to index
        %get3A_1151 = arith.index_cast %get3A_1149 : i32 to index
        %get3A_1152 = arith.constant 16 : index
        %get3A_1153 = tpu.vector_load %arg8[%get3A_1150, %get3A_1151, %get3A_1152] {strides = array<i32>} : memref<16x50x32xf32, #tpu.memory_space<vmem>>, vector<1x1x16xf32>,
        %get3A_1154 = vector.shape_cast %get3A_1153 : vector<1x1x16xf32> to vector<16xf32>
        %mul3A_1155 = arith.constant 1.000000e-03 : f32
        %mul3A_1156 = vector.broadcast %mul3A_1155 : f32 to vector<16xf32>
        %mul3A_1157 = arith.mulf %get3A_1154, %mul3A_1156 : vector<16xf32>
        %swap3A_1158 = arith.constant 16 : i32
        %swap3A_1159 = arith.index_cast %scan3A_622 : i32 to index
        %swap3A_1160 = arith.index_cast %swap3A_1158 : i32 to index
        %swap3A_1161 = arith.constant 16 : index
        %swap3A_1162 = tpu.vector_load %arg8[%swap3A_1159, %swap3A_1160, %swap3A_1161] {strides = array<i32>} : memref<16x50x32xf32, #tpu.memory_space<vmem>>, vector<1x1x16xf32>,
        %swap3A_1163 = vector.shape_cast %swap3A_1162 : vector<1x1x16xf32> to vector<16xf32>
        %swap3A_1164 = vector.shape_cast %mul3A_1157 : vector<16xf32> to vector<1x1x16xf32>
        tpu.vector_store %arg8[%swap3A_1159, %swap3A_1160, %swap3A_1161], %swap3A_1164 {strides = array<i32>} : memref<16x50x32xf32, #tpu.memory_space<vmem>>, vector<1x1x16xf32>,
        %get3A_1165 = arith.constant 17 : i32
        %get3A_1166 = arith.index_cast %scan3A_622 : i32 to index
        %get3A_1167 = arith.index_cast %get3A_1165 : i32 to index
        %get3A_1168 = arith.constant 0 : index
        %get3A_1169 = tpu.vector_load %arg8[%get3A_1166, %get3A_1167, %get3A_1168] {strides = array<i32>} : memref<16x50x32xf32, #tpu.memory_space<vmem>>, vector<1x1x16xf32>,
        %get3A_1170 = vector.shape_cast %get3A_1169 : vector<1x1x16xf32> to vector<16xf32>
        %mul3A_1171 = arith.constant 1.000000e-03 : f32
        %mul3A_1172 = vector.broadcast %mul3A_1171 : f32 to vector<16xf32>
        %mul3A_1173 = arith.mulf %get3A_1170, %mul3A_1172 : vector<16xf32>
        %swap3A_1174 = arith.constant 17 : i32
        %swap3A_1175 = arith.index_cast %scan3A_622 : i32 to index
        %swap3A_1176 = arith.index_cast %swap3A_1174 : i32 to index
        %swap3A_1177 = arith.constant 0 : index
        %swap3A_1178 = tpu.vector_load %arg8[%swap3A_1175, %swap3A_1176, %swap3A_1177] {strides = array<i32>} : memref<16x50x32xf32, #tpu.memory_space<vmem>>, vector<1x1x16xf32>,
        %swap3A_1179 = vector.shape_cast %swap3A_1178 : vector<1x1x16xf32> to vector<16xf32>
        %swap3A_1180 = vector.shape_cast %mul3A_1173 : vector<16xf32> to vector<1x1x16xf32>
        tpu.vector_store %arg8[%swap3A_1175, %swap3A_1176, %swap3A_1177], %swap3A_1180 {strides = array<i32>} : memref<16x50x32xf32, #tpu.memory_space<vmem>>, vector<1x1x16xf32>,
        %get3A_1181 = arith.constant 17 : i32
        %get3A_1182 = arith.index_cast %scan3A_622 : i32 to index
        %get3A_1183 = arith.index_cast %get3A_1181 : i32 to index
        %get3A_1184 = arith.constant 16 : index
        %get3A_1185 = tpu.vector_load %arg8[%get3A_1182, %get3A_1183, %get3A_1184] {strides = array<i32>} : memref<16x50x32xf32, #tpu.memory_space<vmem>>, vector<1x1x16xf32>,
        %get3A_1186 = vector.shape_cast %get3A_1185 : vector<1x1x16xf32> to vector<16xf32>
        %mul3A_1187 = arith.constant 1.000000e-03 : f32
        %mul3A_1188 = vector.broadcast %mul3A_1187 : f32 to vector<16xf32>
        %mul3A_1189 = arith.mulf %get3A_1186, %mul3A_1188 : vector<16xf32>
        %swap3A_1190 = arith.constant 17 : i32
        %swap3A_1191 = arith.index_cast %scan3A_622 : i32 to index
        %swap3A_1192 = arith.index_cast %swap3A_1190 : i32 to index
        %swap3A_1193 = arith.constant 16 : index
        %swap3A_1194 = tpu.vector_load %arg8[%swap3A_1191, %swap3A_1192, %swap3A_1193] {strides = array<i32>} : memref<16x50x32xf32, #tpu.memory_space<vmem>>, vector<1x1x16xf32>,
        %swap3A_1195 = vector.shape_cast %swap3A_1194 : vector<1x1x16xf32> to vector<16xf32>
        %swap3A_1196 = vector.shape_cast %mul3A_1189 : vector<16xf32> to vector<1x1x16xf32>
        tpu.vector_store %arg8[%swap3A_1191, %swap3A_1192, %swap3A_1193], %swap3A_1196 {strides = array<i32>} : memref<16x50x32xf32, #tpu.memory_space<vmem>>, vector<1x1x16xf32>,
        %get3A_1197 = arith.constant 18 : i32
        %get3A_1198 = arith.index_cast %scan3A_622 : i32 to index
        %get3A_1199 = arith.index_cast %get3A_1197 : i32 to index
        %get3A_1200 = arith.constant 0 : index
        %get3A_1201 = tpu.vector_load %arg8[%get3A_1198, %get3A_1199, %get3A_1200] {strides = array<i32>} : memref<16x50x32xf32, #tpu.memory_space<vmem>>, vector<1x1x16xf32>,
        %get3A_1202 = vector.shape_cast %get3A_1201 : vector<1x1x16xf32> to vector<16xf32>
        %mul3A_1203 = arith.constant 1.000000e-03 : f32
        %mul3A_1204 = vector.broadcast %mul3A_1203 : f32 to vector<16xf32>
        %mul3A_1205 = arith.mulf %get3A_1202, %mul3A_1204 : vector<16xf32>
        %swap3A_1206 = arith.constant 18 : i32
        %swap3A_1207 = arith.index_cast %scan3A_622 : i32 to index
        %swap3A_1208 = arith.index_cast %swap3A_1206 : i32 to index
        %swap3A_1209 = arith.constant 0 : index
        %swap3A_1210 = tpu.vector_load %arg8[%swap3A_1207, %swap3A_1208, %swap3A_1209] {strides = array<i32>} : memref<16x50x32xf32, #tpu.memory_space<vmem>>, vector<1x1x16xf32>,
        %swap3A_1211 = vector.shape_cast %swap3A_1210 : vector<1x1x16xf32> to vector<16xf32>
        %swap3A_1212 = vector.shape_cast %mul3A_1205 : vector<16xf32> to vector<1x1x16xf32>
        tpu.vector_store %arg8[%swap3A_1207, %swap3A_1208, %swap3A_1209], %swap3A_1212 {strides = array<i32>} : memref<16x50x32xf32, #tpu.memory_space<vmem>>, vector<1x1x16xf32>,
        %get3A_1213 = arith.constant 18 : i32
        %get3A_1214 = arith.index_cast %scan3A_622 : i32 to index
        %get3A_1215 = arith.index_cast %get3A_1213 : i32 to index
        %get3A_1216 = arith.constant 16 : index
        %get3A_1217 = tpu.vector_load %arg8[%get3A_1214, %get3A_1215, %get3A_1216] {strides = array<i32>} : memref<16x50x32xf32, #tpu.memory_space<vmem>>, vector<1x1x16xf32>,
        %get3A_1218 = vector.shape_cast %get3A_1217 : vector<1x1x16xf32> to vector<16xf32>
        %mul3A_1219 = arith.constant 1.000000e-03 : f32
        %mul3A_1220 = vector.broadcast %mul3A_1219 : f32 to vector<16xf32>
        %mul3A_1221 = arith.mulf %get3A_1218, %mul3A_1220 : vector<16xf32>
        %swap3A_1222 = arith.constant 18 : i32
        %swap3A_1223 = arith.index_cast %scan3A_622 : i32 to index
        %swap3A_1224 = arith.index_cast %swap3A_1222 : i32 to index
        %swap3A_1225 = arith.constant 16 : index
        %swap3A_1226 = tpu.vector_load %arg8[%swap3A_1223, %swap3A_1224, %swap3A_1225] {strides = array<i32>} : memref<16x50x32xf32, #tpu.memory_space<vmem>>, vector<1x1x16xf32>,
        %swap3A_1227 = vector.shape_cast %swap3A_1226 : vector<1x1x16xf32> to vector<16xf32>
        %swap3A_1228 = vector.shape_cast %mul3A_1221 : vector<16xf32> to vector<1x1x16xf32>
        tpu.vector_store %arg8[%swap3A_1223, %swap3A_1224, %swap3A_1225], %swap3A_1228 {strides = array<i32>} : memref<16x50x32xf32, #tpu.memory_space<vmem>>, vector<1x1x16xf32>,
        %get3A_1229 = arith.constant 19 : i32
        %get3A_1230 = arith.index_cast %scan3A_622 : i32 to index
        %get3A_1231 = arith.index_cast %get3A_1229 : i32 to index
        %get3A_1232 = arith.constant 0 : index
        %get3A_1233 = tpu.vector_load %arg8[%get3A_1230, %get3A_1231, %get3A_1232] {strides = array<i32>} : memref<16x50x32xf32, #tpu.memory_space<vmem>>, vector<1x1x16xf32>,
        %get3A_1234 = vector.shape_cast %get3A_1233 : vector<1x1x16xf32> to vector<16xf32>
        %mul3A_1235 = arith.constant 1.000000e-03 : f32
        %mul3A_1236 = vector.broadcast %mul3A_1235 : f32 to vector<16xf32>
        %mul3A_1237 = arith.mulf %get3A_1234, %mul3A_1236 : vector<16xf32>
        %swap3A_1238 = arith.constant 19 : i32
        %swap3A_1239 = arith.index_cast %scan3A_622 : i32 to index
        %swap3A_1240 = arith.index_cast %swap3A_1238 : i32 to index
        %swap3A_1241 = arith.constant 0 : index
        %swap3A_1242 = tpu.vector_load %arg8[%swap3A_1239, %swap3A_1240, %swap3A_1241] {strides = array<i32>} : memref<16x50x32xf32, #tpu.memory_space<vmem>>, vector<1x1x16xf32>,
        %swap3A_1243 = vector.shape_cast %swap3A_1242 : vector<1x1x16xf32> to vector<16xf32>
        %swap3A_1244 = vector.shape_cast %mul3A_1237 : vector<16xf32> to vector<1x1x16xf32>
        tpu.vector_store %arg8[%swap3A_1239, %swap3A_1240, %swap3A_1241], %swap3A_1244 {strides = array<i32>} : memref<16x50x32xf32, #tpu.memory_space<vmem>>, vector<1x1x16xf32>,
        %get3A_1245 = arith.constant 19 : i32
        %get3A_1246 = arith.index_cast %scan3A_622 : i32 to index
        %get3A_1247 = arith.index_cast %get3A_1245 : i32 to index
        %get3A_1248 = arith.constant 16 : index
        %get3A_1249 = tpu.vector_load %arg8[%get3A_1246, %get3A_1247, %get3A_1248] {strides = array<i32>} : memref<16x50x32xf32, #tpu.memory_space<vmem>>, vector<1x1x16xf32>,
        %get3A_1250 = vector.shape_cast %get3A_1249 : vector<1x1x16xf32> to vector<16xf32>
        %mul3A_1251 = arith.constant 1.000000e-03 : f32
        %mul3A_1252 = vector.broadcast %mul3A_1251 : f32 to vector<16xf32>
        %mul3A_1253 = arith.mulf %get3A_1250, %mul3A_1252 : vector<16xf32>
        %swap3A_1254 = arith.constant 19 : i32
        %swap3A_1255 = arith.index_cast %scan3A_622 : i32 to index
        %swap3A_1256 = arith.index_cast %swap3A_1254 : i32 to index
        %swap3A_1257 = arith.constant 16 : index
        %swap3A_1258 = tpu.vector_load %arg8[%swap3A_1255, %swap3A_1256, %swap3A_1257] {strides = array<i32>} : memref<16x50x32xf32, #tpu.memory_space<vmem>>, vector<1x1x16xf32>,
        %swap3A_1259 = vector.shape_cast %swap3A_1258 : vector<1x1x16xf32> to vector<16xf32>
        %swap3A_1260 = vector.shape_cast %mul3A_1253 : vector<16xf32> to vector<1x1x16xf32>
        tpu.vector_store %arg8[%swap3A_1255, %swap3A_1256, %swap3A_1257], %swap3A_1260 {strides = array<i32>} : memref<16x50x32xf32, #tpu.memory_space<vmem>>, vector<1x1x16xf32>,
        %get3A_1261 = arith.constant 20 : i32
        %get3A_1262 = arith.index_cast %scan3A_622 : i32 to index
        %get3A_1263 = arith.index_cast %get3A_1261 : i32 to index
        %get3A_1264 = arith.constant 0 : index
        %get3A_1265 = tpu.vector_load %arg8[%get3A_1262, %get3A_1263, %get3A_1264] {strides = array<i32>} : memref<16x50x32xf32, #tpu.memory_space<vmem>>, vector<1x1x16xf32>,
        %get3A_1266 = vector.shape_cast %get3A_1265 : vector<1x1x16xf32> to vector<16xf32>
        %mul3A_1267 = arith.constant 1.000000e-03 : f32
        %mul3A_1268 = vector.broadcast %mul3A_1267 : f32 to vector<16xf32>
        %mul3A_1269 = arith.mulf %get3A_1266, %mul3A_1268 : vector<16xf32>
        %swap3A_1270 = arith.constant 20 : i32
        %swap3A_1271 = arith.index_cast %scan3A_622 : i32 to index
        %swap3A_1272 = arith.index_cast %swap3A_1270 : i32 to index
        %swap3A_1273 = arith.constant 0 : index
        %swap3A_1274 = tpu.vector_load %arg8[%swap3A_1271, %swap3A_1272, %swap3A_1273] {strides = array<i32>} : memref<16x50x32xf32, #tpu.memory_space<vmem>>, vector<1x1x16xf32>,
        %swap3A_1275 = vector.shape_cast %swap3A_1274 : vector<1x1x16xf32> to vector<16xf32>
        %swap3A_1276 = vector.shape_cast %mul3A_1269 : vector<16xf32> to vector<1x1x16xf32>
        tpu.vector_store %arg8[%swap3A_1271, %swap3A_1272, %swap3A_1273], %swap3A_1276 {strides = array<i32>} : memref<16x50x32xf32, #tpu.memory_space<vmem>>, vector<1x1x16xf32>,
        %get3A_1277 = arith.constant 20 : i32
        %get3A_1278 = arith.index_cast %scan3A_622 : i32 to index
        %get3A_1279 = arith.index_cast %get3A_1277 : i32 to index
        %get3A_1280 = arith.constant 16 : index
        %get3A_1281 = tpu.vector_load %arg8[%get3A_1278, %get3A_1279, %get3A_1280] {strides = array<i32>} : memref<16x50x32xf32, #tpu.memory_space<vmem>>, vector<1x1x16xf32>,
        %get3A_1282 = vector.shape_cast %get3A_1281 : vector<1x1x16xf32> to vector<16xf32>
        %mul3A_1283 = arith.constant 1.000000e-03 : f32
        %mul3A_1284 = vector.broadcast %mul3A_1283 : f32 to vector<16xf32>
        %mul3A_1285 = arith.mulf %get3A_1282, %mul3A_1284 : vector<16xf32>
        %swap3A_1286 = arith.constant 20 : i32
        %swap3A_1287 = arith.index_cast %scan3A_622 : i32 to index
        %swap3A_1288 = arith.index_cast %swap3A_1286 : i32 to index
        %swap3A_1289 = arith.constant 16 : index
        %swap3A_1290 = tpu.vector_load %arg8[%swap3A_1287, %swap3A_1288, %swap3A_1289] {strides = array<i32>} : memref<16x50x32xf32, #tpu.memory_space<vmem>>, vector<1x1x16xf32>,
        %swap3A_1291 = vector.shape_cast %swap3A_1290 : vector<1x1x16xf32> to vector<16xf32>
        %swap3A_1292 = vector.shape_cast %mul3A_1285 : vector<16xf32> to vector<1x1x16xf32>
        tpu.vector_store %arg8[%swap3A_1287, %swap3A_1288, %swap3A_1289], %swap3A_1292 {strides = array<i32>} : memref<16x50x32xf32, #tpu.memory_space<vmem>>, vector<1x1x16xf32>,
        %get3A_1293 = arith.constant 21 : i32
        %get3A_1294 = arith.index_cast %scan3A_622 : i32 to index
        %get3A_1295 = arith.index_cast %get3A_1293 : i32 to index
        %get3A_1296 = arith.constant 0 : index
        %get3A_1297 = tpu.vector_load %arg8[%get3A_1294, %get3A_1295, %get3A_1296] {strides = array<i32>} : memref<16x50x32xf32, #tpu.memory_space<vmem>>, vector<1x1x16xf32>,
        %get3A_1298 = vector.shape_cast %get3A_1297 : vector<1x1x16xf32> to vector<16xf32>
        %mul3A_1299 = arith.constant 1.000000e-03 : f32
        %mul3A_1300 = vector.broadcast %mul3A_1299 : f32 to vector<16xf32>
        %mul3A_1301 = arith.mulf %get3A_1298, %mul3A_1300 : vector<16xf32>
        %swap3A_1302 = arith.constant 21 : i32
        %swap3A_1303 = arith.index_cast %scan3A_622 : i32 to index
        %swap3A_1304 = arith.index_cast %swap3A_1302 : i32 to index
        %swap3A_1305 = arith.constant 0 : index
        %swap3A_1306 = tpu.vector_load %arg8[%swap3A_1303, %swap3A_1304, %swap3A_1305] {strides = array<i32>} : memref<16x50x32xf32, #tpu.memory_space<vmem>>, vector<1x1x16xf32>,
        %swap3A_1307 = vector.shape_cast %swap3A_1306 : vector<1x1x16xf32> to vector<16xf32>
        %swap3A_1308 = vector.shape_cast %mul3A_1301 : vector<16xf32> to vector<1x1x16xf32>
        tpu.vector_store %arg8[%swap3A_1303, %swap3A_1304, %swap3A_1305], %swap3A_1308 {strides = array<i32>} : memref<16x50x32xf32, #tpu.memory_space<vmem>>, vector<1x1x16xf32>,
        %get3A_1309 = arith.constant 21 : i32
        %get3A_1310 = arith.index_cast %scan3A_622 : i32 to index
        %get3A_1311 = arith.index_cast %get3A_1309 : i32 to index
        %get3A_1312 = arith.constant 16 : index
        %get3A_1313 = tpu.vector_load %arg8[%get3A_1310, %get3A_1311, %get3A_1312] {strides = array<i32>} : memref<16x50x32xf32, #tpu.memory_space<vmem>>, vector<1x1x16xf32>,
        %get3A_1314 = vector.shape_cast %get3A_1313 : vector<1x1x16xf32> to vector<16xf32>
        %mul3A_1315 = arith.constant 1.000000e-03 : f32
        %mul3A_1316 = vector.broadcast %mul3A_1315 : f32 to vector<16xf32>
        %mul3A_1317 = arith.mulf %get3A_1314, %mul3A_1316 : vector<16xf32>
        %swap3A_1318 = arith.constant 21 : i32
        %swap3A_1319 = arith.index_cast %scan3A_622 : i32 to index
        %swap3A_1320 = arith.index_cast %swap3A_1318 : i32 to index
        %swap3A_1321 = arith.constant 16 : index
        %swap3A_1322 = tpu.vector_load %arg8[%swap3A_1319, %swap3A_1320, %swap3A_1321] {strides = array<i32>} : memref<16x50x32xf32, #tpu.memory_space<vmem>>, vector<1x1x16xf32>,
        %swap3A_1323 = vector.shape_cast %swap3A_1322 : vector<1x1x16xf32> to vector<16xf32>
        %swap3A_1324 = vector.shape_cast %mul3A_1317 : vector<16xf32> to vector<1x1x16xf32>
        tpu.vector_store %arg8[%swap3A_1319, %swap3A_1320, %swap3A_1321], %swap3A_1324 {strides = array<i32>} : memref<16x50x32xf32, #tpu.memory_space<vmem>>, vector<1x1x16xf32>,
        %get3A_1325 = arith.constant 22 : i32
        %get3A_1326 = arith.index_cast %scan3A_622 : i32 to index
        %get3A_1327 = arith.index_cast %get3A_1325 : i32 to index
        %get3A_1328 = arith.constant 0 : index
        %get3A_1329 = tpu.vector_load %arg8[%get3A_1326, %get3A_1327, %get3A_1328] {strides = array<i32>} : memref<16x50x32xf32, #tpu.memory_space<vmem>>, vector<1x1x16xf32>,
        %get3A_1330 = vector.shape_cast %get3A_1329 : vector<1x1x16xf32> to vector<16xf32>
        %mul3A_1331 = arith.constant 1.000000e-03 : f32
        %mul3A_1332 = vector.broadcast %mul3A_1331 : f32 to vector<16xf32>
        %mul3A_1333 = arith.mulf %get3A_1330, %mul3A_1332 : vector<16xf32>
        %swap3A_1334 = arith.constant 22 : i32
        %swap3A_1335 = arith.index_cast %scan3A_622 : i32 to index
        %swap3A_1336 = arith.index_cast %swap3A_1334 : i32 to index
        %swap3A_1337 = arith.constant 0 : index
        %swap3A_1338 = tpu.vector_load %arg8[%swap3A_1335, %swap3A_1336, %swap3A_1337] {strides = array<i32>} : memref<16x50x32xf32, #tpu.memory_space<vmem>>, vector<1x1x16xf32>,
        %swap3A_1339 = vector.shape_cast %swap3A_1338 : vector<1x1x16xf32> to vector<16xf32>
        %swap3A_1340 = vector.shape_cast %mul3A_1333 : vector<16xf32> to vector<1x1x16xf32>
        tpu.vector_store %arg8[%swap3A_1335, %swap3A_1336, %swap3A_1337], %swap3A_1340 {strides = array<i32>} : memref<16x50x32xf32, #tpu.memory_space<vmem>>, vector<1x1x16xf32>,
        %get3A_1341 = arith.constant 22 : i32
        %get3A_1342 = arith.index_cast %scan3A_622 : i32 to index
        %get3A_1343 = arith.index_cast %get3A_1341 : i32 to index
        %get3A_1344 = arith.constant 16 : index
        %get3A_1345 = tpu.vector_load %arg8[%get3A_1342, %get3A_1343, %get3A_1344] {strides = array<i32>} : memref<16x50x32xf32, #tpu.memory_space<vmem>>, vector<1x1x16xf32>,
        %get3A_1346 = vector.shape_cast %get3A_1345 : vector<1x1x16xf32> to vector<16xf32>
        %mul3A_1347 = arith.constant 1.000000e-03 : f32
        %mul3A_1348 = vector.broadcast %mul3A_1347 : f32 to vector<16xf32>
        %mul3A_1349 = arith.mulf %get3A_1346, %mul3A_1348 : vector<16xf32>
        %swap3A_1350 = arith.constant 22 : i32
        %swap3A_1351 = arith.index_cast %scan3A_622 : i32 to index
        %swap3A_1352 = arith.index_cast %swap3A_1350 : i32 to index
        %swap3A_1353 = arith.constant 16 : index
        %swap3A_1354 = tpu.vector_load %arg8[%swap3A_1351, %swap3A_1352, %swap3A_1353] {strides = array<i32>} : memref<16x50x32xf32, #tpu.memory_space<vmem>>, vector<1x1x16xf32>,
        %swap3A_1355 = vector.shape_cast %swap3A_1354 : vector<1x1x16xf32> to vector<16xf32>
        %swap3A_1356 = vector.shape_cast %mul3A_1349 : vector<16xf32> to vector<1x1x16xf32>
        tpu.vector_store %arg8[%swap3A_1351, %swap3A_1352, %swap3A_1353], %swap3A_1356 {strides = array<i32>} : memref<16x50x32xf32, #tpu.memory_space<vmem>>, vector<1x1x16xf32>,
        %get3A_1357 = arith.constant 23 : i32
        %get3A_1358 = arith.index_cast %scan3A_622 : i32 to index
        %get3A_1359 = arith.index_cast %get3A_1357 : i32 to index
        %get3A_1360 = arith.constant 0 : index
        %get3A_1361 = tpu.vector_load %arg8[%get3A_1358, %get3A_1359, %get3A_1360] {strides = array<i32>} : memref<16x50x32xf32, #tpu.memory_space<vmem>>, vector<1x1x16xf32>,
        %get3A_1362 = vector.shape_cast %get3A_1361 : vector<1x1x16xf32> to vector<16xf32>
        %mul3A_1363 = arith.constant 1.000000e-03 : f32
        %mul3A_1364 = vector.broadcast %mul3A_1363 : f32 to vector<16xf32>
        %mul3A_1365 = arith.mulf %get3A_1362, %mul3A_1364 : vector<16xf32>
        %swap3A_1366 = arith.constant 23 : i32
        %swap3A_1367 = arith.index_cast %scan3A_622 : i32 to index
        %swap3A_1368 = arith.index_cast %swap3A_1366 : i32 to index
        %swap3A_1369 = arith.constant 0 : index
        %swap3A_1370 = tpu.vector_load %arg8[%swap3A_1367, %swap3A_1368, %swap3A_1369] {strides = array<i32>} : memref<16x50x32xf32, #tpu.memory_space<vmem>>, vector<1x1x16xf32>,
        %swap3A_1371 = vector.shape_cast %swap3A_1370 : vector<1x1x16xf32> to vector<16xf32>
        %swap3A_1372 = vector.shape_cast %mul3A_1365 : vector<16xf32> to vector<1x1x16xf32>
        tpu.vector_store %arg8[%swap3A_1367, %swap3A_1368, %swap3A_1369], %swap3A_1372 {strides = array<i32>} : memref<16x50x32xf32, #tpu.memory_space<vmem>>, vector<1x1x16xf32>,
        %get3A_1373 = arith.constant 23 : i32
        %get3A_1374 = arith.index_cast %scan3A_622 : i32 to index
        %get3A_1375 = arith.index_cast %get3A_1373 : i32 to index
        %get3A_1376 = arith.constant 16 : index
        %get3A_1377 = tpu.vector_load %arg8[%get3A_1374, %get3A_1375, %get3A_1376] {strides = array<i32>} : memref<16x50x32xf32, #tpu.memory_space<vmem>>, vector<1x1x16xf32>,
        %get3A_1378 = vector.shape_cast %get3A_1377 : vector<1x1x16xf32> to vector<16xf32>
        %mul3A_1379 = arith.constant 1.000000e-03 : f32
        %mul3A_1380 = vector.broadcast %mul3A_1379 : f32 to vector<16xf32>
        %mul3A_1381 = arith.mulf %get3A_1378, %mul3A_1380 : vector<16xf32>
        %swap3A_1382 = arith.constant 23 : i32
        %swap3A_1383 = arith.index_cast %scan3A_622 : i32 to index
        %swap3A_1384 = arith.index_cast %swap3A_1382 : i32 to index
        %swap3A_1385 = arith.constant 16 : index
        %swap3A_1386 = tpu.vector_load %arg8[%swap3A_1383, %swap3A_1384, %swap3A_1385] {strides = array<i32>} : memref<16x50x32xf32, #tpu.memory_space<vmem>>, vector<1x1x16xf32>,
        %swap3A_1387 = vector.shape_cast %swap3A_1386 : vector<1x1x16xf32> to vector<16xf32>
        %swap3A_1388 = vector.shape_cast %mul3A_1381 : vector<16xf32> to vector<1x1x16xf32>
        tpu.vector_store %arg8[%swap3A_1383, %swap3A_1384, %swap3A_1385], %swap3A_1388 {strides = array<i32>} : memref<16x50x32xf32, #tpu.memory_space<vmem>>, vector<1x1x16xf32>,
        %get3A_1389 = arith.constant 24 : i32
        %get3A_1390 = arith.index_cast %scan3A_622 : i32 to index
        %get3A_1391 = arith.index_cast %get3A_1389 : i32 to index
        %get3A_1392 = arith.constant 0 : index
        %get3A_1393 = tpu.vector_load %arg8[%get3A_1390, %get3A_1391, %get3A_1392] {strides = array<i32>} : memref<16x50x32xf32, #tpu.memory_space<vmem>>, vector<1x1x16xf32>,
        %get3A_1394 = vector.shape_cast %get3A_1393 : vector<1x1x16xf32> to vector<16xf32>
        %mul3A_1395 = arith.constant 1.000000e-03 : f32
        %mul3A_1396 = vector.broadcast %mul3A_1395 : f32 to vector<16xf32>
        %mul3A_1397 = arith.mulf %get3A_1394, %mul3A_1396 : vector<16xf32>
        %swap3A_1398 = arith.constant 24 : i32
        %swap3A_1399 = arith.index_cast %scan3A_622 : i32 to index
        %swap3A_1400 = arith.index_cast %swap3A_1398 : i32 to index
        %swap3A_1401 = arith.constant 0 : index
        %swap3A_1402 = tpu.vector_load %arg8[%swap3A_1399, %swap3A_1400, %swap3A_1401] {strides = array<i32>} : memref<16x50x32xf32, #tpu.memory_space<vmem>>, vector<1x1x16xf32>,
        %swap3A_1403 = vector.shape_cast %swap3A_1402 : vector<1x1x16xf32> to vector<16xf32>
        %swap3A_1404 = vector.shape_cast %mul3A_1397 : vector<16xf32> to vector<1x1x16xf32>
        tpu.vector_store %arg8[%swap3A_1399, %swap3A_1400, %swap3A_1401], %swap3A_1404 {strides = array<i32>} : memref<16x50x32xf32, #tpu.memory_space<vmem>>, vector<1x1x16xf32>,
        %get3A_1405 = arith.constant 24 : i32
        %get3A_1406 = arith.index_cast %scan3A_622 : i32 to index
        %get3A_1407 = arith.index_cast %get3A_1405 : i32 to index
        %get3A_1408 = arith.constant 16 : index
        %get3A_1409 = tpu.vector_load %arg8[%get3A_1406, %get3A_1407, %get3A_1408] {strides = array<i32>} : memref<16x50x32xf32, #tpu.memory_space<vmem>>, vector<1x1x16xf32>,
        %get3A_1410 = vector.shape_cast %get3A_1409 : vector<1x1x16xf32> to vector<16xf32>
        %mul3A_1411 = arith.constant 1.000000e-03 : f32
        %mul3A_1412 = vector.broadcast %mul3A_1411 : f32 to vector<16xf32>
        %mul3A_1413 = arith.mulf %get3A_1410, %mul3A_1412 : vector<16xf32>
        %swap3A_1414 = arith.constant 24 : i32
        %swap3A_1415 = arith.index_cast %scan3A_622 : i32 to index
        %swap3A_1416 = arith.index_cast %swap3A_1414 : i32 to index
        %swap3A_1417 = arith.constant 16 : index
        %swap3A_1418 = tpu.vector_load %arg8[%swap3A_1415, %swap3A_1416, %swap3A_1417] {strides = array<i32>} : memref<16x50x32xf32, #tpu.memory_space<vmem>>, vector<1x1x16xf32>,
        %swap3A_1419 = vector.shape_cast %swap3A_1418 : vector<1x1x16xf32> to vector<16xf32>
        %swap3A_1420 = vector.shape_cast %mul3A_1413 : vector<16xf32> to vector<1x1x16xf32>
        tpu.vector_store %arg8[%swap3A_1415, %swap3A_1416, %swap3A_1417], %swap3A_1420 {strides = array<i32>} : memref<16x50x32xf32, #tpu.memory_space<vmem>>, vector<1x1x16xf32>,
        %get3A_1421 = arith.constant 25 : i32
        %get3A_1422 = arith.index_cast %scan3A_622 : i32 to index
        %get3A_1423 = arith.index_cast %get3A_1421 : i32 to index
        %get3A_1424 = arith.constant 0 : index
        %get3A_1425 = tpu.vector_load %arg8[%get3A_1422, %get3A_1423, %get3A_1424] {strides = array<i32>} : memref<16x50x32xf32, #tpu.memory_space<vmem>>, vector<1x1x16xf32>,
        %get3A_1426 = vector.shape_cast %get3A_1425 : vector<1x1x16xf32> to vector<16xf32>
        %mul3A_1427 = arith.constant 1.000000e-03 : f32
        %mul3A_1428 = vector.broadcast %mul3A_1427 : f32 to vector<16xf32>
        %mul3A_1429 = arith.mulf %get3A_1426, %mul3A_1428 : vector<16xf32>
        %swap3A_1430 = arith.constant 25 : i32
        %swap3A_1431 = arith.index_cast %scan3A_622 : i32 to index
        %swap3A_1432 = arith.index_cast %swap3A_1430 : i32 to index
        %swap3A_1433 = arith.constant 0 : index
        %swap3A_1434 = tpu.vector_load %arg8[%swap3A_1431, %swap3A_1432, %swap3A_1433] {strides = array<i32>} : memref<16x50x32xf32, #tpu.memory_space<vmem>>, vector<1x1x16xf32>,
        %swap3A_1435 = vector.shape_cast %swap3A_1434 : vector<1x1x16xf32> to vector<16xf32>
        %swap3A_1436 = vector.shape_cast %mul3A_1429 : vector<16xf32> to vector<1x1x16xf32>
        tpu.vector_store %arg8[%swap3A_1431, %swap3A_1432, %swap3A_1433], %swap3A_1436 {strides = array<i32>} : memref<16x50x32xf32, #tpu.memory_space<vmem>>, vector<1x1x16xf32>,
        %get3A_1437 = arith.constant 25 : i32
        %get3A_1438 = arith.index_cast %scan3A_622 : i32 to index
        %get3A_1439 = arith.index_cast %get3A_1437 : i32 to index
        %get3A_1440 = arith.constant 16 : index
        %get3A_1441 = tpu.vector_load %arg8[%get3A_1438, %get3A_1439, %get3A_1440] {strides = array<i32>} : memref<16x50x32xf32, #tpu.memory_space<vmem>>, vector<1x1x16xf32>,
        %get3A_1442 = vector.shape_cast %get3A_1441 : vector<1x1x16xf32> to vector<16xf32>
        %mul3A_1443 = arith.constant 1.000000e-03 : f32
        %mul3A_1444 = vector.broadcast %mul3A_1443 : f32 to vector<16xf32>
        %mul3A_1445 = arith.mulf %get3A_1442, %mul3A_1444 : vector<16xf32>
        %swap3A_1446 = arith.constant 25 : i32
        %swap3A_1447 = arith.index_cast %scan3A_622 : i32 to index
        %swap3A_1448 = arith.index_cast %swap3A_1446 : i32 to index
        %swap3A_1449 = arith.constant 16 : index
        %swap3A_1450 = tpu.vector_load %arg8[%swap3A_1447, %swap3A_1448, %swap3A_1449] {strides = array<i32>} : memref<16x50x32xf32, #tpu.memory_space<vmem>>, vector<1x1x16xf32>,
        %swap3A_1451 = vector.shape_cast %swap3A_1450 : vector<1x1x16xf32> to vector<16xf32>
        %swap3A_1452 = vector.shape_cast %mul3A_1445 : vector<16xf32> to vector<1x1x16xf32>
        tpu.vector_store %arg8[%swap3A_1447, %swap3A_1448, %swap3A_1449], %swap3A_1452 {strides = array<i32>} : memref<16x50x32xf32, #tpu.memory_space<vmem>>, vector<1x1x16xf32>,
        %get3A_1453 = arith.constant 26 : i32
        %get3A_1454 = arith.index_cast %scan3A_622 : i32 to index
        %get3A_1455 = arith.index_cast %get3A_1453 : i32 to index
        %get3A_1456 = arith.constant 0 : index
        %get3A_1457 = tpu.vector_load %arg8[%get3A_1454, %get3A_1455, %get3A_1456] {strides = array<i32>} : memref<16x50x32xf32, #tpu.memory_space<vmem>>, vector<1x1x16xf32>,
        %get3A_1458 = vector.shape_cast %get3A_1457 : vector<1x1x16xf32> to vector<16xf32>
        %mul3A_1459 = arith.constant 1.000000e-03 : f32
        %mul3A_1460 = vector.broadcast %mul3A_1459 : f32 to vector<16xf32>
        %mul3A_1461 = arith.mulf %get3A_1458, %mul3A_1460 : vector<16xf32>
        %swap3A_1462 = arith.constant 26 : i32
        %swap3A_1463 = arith.index_cast %scan3A_622 : i32 to index
        %swap3A_1464 = arith.index_cast %swap3A_1462 : i32 to index
        %swap3A_1465 = arith.constant 0 : index
        %swap3A_1466 = tpu.vector_load %arg8[%swap3A_1463, %swap3A_1464, %swap3A_1465] {strides = array<i32>} : memref<16x50x32xf32, #tpu.memory_space<vmem>>, vector<1x1x16xf32>,
        %swap3A_1467 = vector.shape_cast %swap3A_1466 : vector<1x1x16xf32> to vector<16xf32>
        %swap3A_1468 = vector.shape_cast %mul3A_1461 : vector<16xf32> to vector<1x1x16xf32>
        tpu.vector_store %arg8[%swap3A_1463, %swap3A_1464, %swap3A_1465], %swap3A_1468 {strides = array<i32>} : memref<16x50x32xf32, #tpu.memory_space<vmem>>, vector<1x1x16xf32>,
        %get3A_1469 = arith.constant 26 : i32
        %get3A_1470 = arith.index_cast %scan3A_622 : i32 to index
        %get3A_1471 = arith.index_cast %get3A_1469 : i32 to index
        %get3A_1472 = arith.constant 16 : index
        %get3A_1473 = tpu.vector_load %arg8[%get3A_1470, %get3A_1471, %get3A_1472] {strides = array<i32>} : memref<16x50x32xf32, #tpu.memory_space<vmem>>, vector<1x1x16xf32>,
        %get3A_1474 = vector.shape_cast %get3A_1473 : vector<1x1x16xf32> to vector<16xf32>
        %mul3A_1475 = arith.constant 1.000000e-03 : f32
        %mul3A_1476 = vector.broadcast %mul3A_1475 : f32 to vector<16xf32>
        %mul3A_1477 = arith.mulf %get3A_1474, %mul3A_1476 : vector<16xf32>
        %swap3A_1478 = arith.constant 26 : i32
        %swap3A_1479 = arith.index_cast %scan3A_622 : i32 to index
        %swap3A_1480 = arith.index_cast %swap3A_1478 : i32 to index
        %swap3A_1481 = arith.constant 16 : index
        %swap3A_1482 = tpu.vector_load %arg8[%swap3A_1479, %swap3A_1480, %swap3A_1481] {strides = array<i32>} : memref<16x50x32xf32, #tpu.memory_space<vmem>>, vector<1x1x16xf32>,
        %swap3A_1483 = vector.shape_cast %swap3A_1482 : vector<1x1x16xf32> to vector<16xf32>
        %swap3A_1484 = vector.shape_cast %mul3A_1477 : vector<16xf32> to vector<1x1x16xf32>
        tpu.vector_store %arg8[%swap3A_1479, %swap3A_1480, %swap3A_1481], %swap3A_1484 {strides = array<i32>} : memref<16x50x32xf32, #tpu.memory_space<vmem>>, vector<1x1x16xf32>,
        %get3A_1485 = arith.constant 27 : i32
        %get3A_1486 = arith.index_cast %scan3A_622 : i32 to index
        %get3A_1487 = arith.index_cast %get3A_1485 : i32 to index
        %get3A_1488 = arith.constant 0 : index
        %get3A_1489 = tpu.vector_load %arg8[%get3A_1486, %get3A_1487, %get3A_1488] {strides = array<i32>} : memref<16x50x32xf32, #tpu.memory_space<vmem>>, vector<1x1x16xf32>,
        %get3A_1490 = vector.shape_cast %get3A_1489 : vector<1x1x16xf32> to vector<16xf32>
        %mul3A_1491 = arith.constant 1.000000e-03 : f32
        %mul3A_1492 = vector.broadcast %mul3A_1491 : f32 to vector<16xf32>
        %mul3A_1493 = arith.mulf %get3A_1490, %mul3A_1492 : vector<16xf32>
        %swap3A_1494 = arith.constant 27 : i32
        %swap3A_1495 = arith.index_cast %scan3A_622 : i32 to index
        %swap3A_1496 = arith.index_cast %swap3A_1494 : i32 to index
        %swap3A_1497 = arith.constant 0 : index
        %swap3A_1498 = tpu.vector_load %arg8[%swap3A_1495, %swap3A_1496, %swap3A_1497] {strides = array<i32>} : memref<16x50x32xf32, #tpu.memory_space<vmem>>, vector<1x1x16xf32>,
        %swap3A_1499 = vector.shape_cast %swap3A_1498 : vector<1x1x16xf32> to vector<16xf32>
        %swap3A_1500 = vector.shape_cast %mul3A_1493 : vector<16xf32> to vector<1x1x16xf32>
        tpu.vector_store %arg8[%swap3A_1495, %swap3A_1496, %swap3A_1497], %swap3A_1500 {strides = array<i32>} : memref<16x50x32xf32, #tpu.memory_space<vmem>>, vector<1x1x16xf32>,
        %get3A_1501 = arith.constant 27 : i32
        %get3A_1502 = arith.index_cast %scan3A_622 : i32 to index
        %get3A_1503 = arith.index_cast %get3A_1501 : i32 to index
        %get3A_1504 = arith.constant 16 : index
        %get3A_1505 = tpu.vector_load %arg8[%get3A_1502, %get3A_1503, %get3A_1504] {strides = array<i32>} : memref<16x50x32xf32, #tpu.memory_space<vmem>>, vector<1x1x16xf32>,
        %get3A_1506 = vector.shape_cast %get3A_1505 : vector<1x1x16xf32> to vector<16xf32>
        %mul3A_1507 = arith.constant 1.000000e-03 : f32
        %mul3A_1508 = vector.broadcast %mul3A_1507 : f32 to vector<16xf32>
        %mul3A_1509 = arith.mulf %get3A_1506, %mul3A_1508 : vector<16xf32>
        %swap3A_1510 = arith.constant 27 : i32
        %swap3A_1511 = arith.index_cast %scan3A_622 : i32 to index
        %swap3A_1512 = arith.index_cast %swap3A_1510 : i32 to index
        %swap3A_1513 = arith.constant 16 : index
        %swap3A_1514 = tpu.vector_load %arg8[%swap3A_1511, %swap3A_1512, %swap3A_1513] {strides = array<i32>} : memref<16x50x32xf32, #tpu.memory_space<vmem>>, vector<1x1x16xf32>,
        %swap3A_1515 = vector.shape_cast %swap3A_1514 : vector<1x1x16xf32> to vector<16xf32>
        %swap3A_1516 = vector.shape_cast %mul3A_1509 : vector<16xf32> to vector<1x1x16xf32>
        tpu.vector_store %arg8[%swap3A_1511, %swap3A_1512, %swap3A_1513], %swap3A_1516 {strides = array<i32>} : memref<16x50x32xf32, #tpu.memory_space<vmem>>, vector<1x1x16xf32>,
        %get3A_1517 = arith.constant 28 : i32
        %get3A_1518 = arith.index_cast %scan3A_622 : i32 to index
        %get3A_1519 = arith.index_cast %get3A_1517 : i32 to index
        %get3A_1520 = arith.constant 0 : index
        %get3A_1521 = tpu.vector_load %arg8[%get3A_1518, %get3A_1519, %get3A_1520] {strides = array<i32>} : memref<16x50x32xf32, #tpu.memory_space<vmem>>, vector<1x1x16xf32>,
        %get3A_1522 = vector.shape_cast %get3A_1521 : vector<1x1x16xf32> to vector<16xf32>
        %mul3A_1523 = arith.constant 1.000000e-03 : f32
        %mul3A_1524 = vector.broadcast %mul3A_1523 : f32 to vector<16xf32>
        %mul3A_1525 = arith.mulf %get3A_1522, %mul3A_1524 : vector<16xf32>
        %swap3A_1526 = arith.constant 28 : i32
        %swap3A_1527 = arith.index_cast %scan3A_622 : i32 to index
        %swap3A_1528 = arith.index_cast %swap3A_1526 : i32 to index
        %swap3A_1529 = arith.constant 0 : index
        %swap3A_1530 = tpu.vector_load %arg8[%swap3A_1527, %swap3A_1528, %swap3A_1529] {strides = array<i32>} : memref<16x50x32xf32, #tpu.memory_space<vmem>>, vector<1x1x16xf32>,
        %swap3A_1531 = vector.shape_cast %swap3A_1530 : vector<1x1x16xf32> to vector<16xf32>
        %swap3A_1532 = vector.shape_cast %mul3A_1525 : vector<16xf32> to vector<1x1x16xf32>
        tpu.vector_store %arg8[%swap3A_1527, %swap3A_1528, %swap3A_1529], %swap3A_1532 {strides = array<i32>} : memref<16x50x32xf32, #tpu.memory_space<vmem>>, vector<1x1x16xf32>,
        %get3A_1533 = arith.constant 28 : i32
        %get3A_1534 = arith.index_cast %scan3A_622 : i32 to index
        %get3A_1535 = arith.index_cast %get3A_1533 : i32 to index
        %get3A_1536 = arith.constant 16 : index
        %get3A_1537 = tpu.vector_load %arg8[%get3A_1534, %get3A_1535, %get3A_1536] {strides = array<i32>} : memref<16x50x32xf32, #tpu.memory_space<vmem>>, vector<1x1x16xf32>,
        %get3A_1538 = vector.shape_cast %get3A_1537 : vector<1x1x16xf32> to vector<16xf32>
        %mul3A_1539 = arith.constant 1.000000e-03 : f32
        %mul3A_1540 = vector.broadcast %mul3A_1539 : f32 to vector<16xf32>
        %mul3A_1541 = arith.mulf %get3A_1538, %mul3A_1540 : vector<16xf32>
        %swap3A_1542 = arith.constant 28 : i32
        %swap3A_1543 = arith.index_cast %scan3A_622 : i32 to index
        %swap3A_1544 = arith.index_cast %swap3A_1542 : i32 to index
        %swap3A_1545 = arith.constant 16 : index
        %swap3A_1546 = tpu.vector_load %arg8[%swap3A_1543, %swap3A_1544, %swap3A_1545] {strides = array<i32>} : memref<16x50x32xf32, #tpu.memory_space<vmem>>, vector<1x1x16xf32>,
        %swap3A_1547 = vector.shape_cast %swap3A_1546 : vector<1x1x16xf32> to vector<16xf32>
        %swap3A_1548 = vector.shape_cast %mul3A_1541 : vector<16xf32> to vector<1x1x16xf32>
        tpu.vector_store %arg8[%swap3A_1543, %swap3A_1544, %swap3A_1545], %swap3A_1548 {strides = array<i32>} : memref<16x50x32xf32, #tpu.memory_space<vmem>>, vector<1x1x16xf32>,
        %get3A_1549 = arith.constant 29 : i32
        %get3A_1550 = arith.index_cast %scan3A_622 : i32 to index
        %get3A_1551 = arith.index_cast %get3A_1549 : i32 to index
        %get3A_1552 = arith.constant 0 : index
        %get3A_1553 = tpu.vector_load %arg8[%get3A_1550, %get3A_1551, %get3A_1552] {strides = array<i32>} : memref<16x50x32xf32, #tpu.memory_space<vmem>>, vector<1x1x16xf32>,
        %get3A_1554 = vector.shape_cast %get3A_1553 : vector<1x1x16xf32> to vector<16xf32>
        %mul3A_1555 = arith.constant 1.000000e-03 : f32
        %mul3A_1556 = vector.broadcast %mul3A_1555 : f32 to vector<16xf32>
        %mul3A_1557 = arith.mulf %get3A_1554, %mul3A_1556 : vector<16xf32>
        %swap3A_1558 = arith.constant 29 : i32
        %swap3A_1559 = arith.index_cast %scan3A_622 : i32 to index
        %swap3A_1560 = arith.index_cast %swap3A_1558 : i32 to index
        %swap3A_1561 = arith.constant 0 : index
        %swap3A_1562 = tpu.vector_load %arg8[%swap3A_1559, %swap3A_1560, %swap3A_1561] {strides = array<i32>} : memref<16x50x32xf32, #tpu.memory_space<vmem>>, vector<1x1x16xf32>,
        %swap3A_1563 = vector.shape_cast %swap3A_1562 : vector<1x1x16xf32> to vector<16xf32>
        %swap3A_1564 = vector.shape_cast %mul3A_1557 : vector<16xf32> to vector<1x1x16xf32>
        tpu.vector_store %arg8[%swap3A_1559, %swap3A_1560, %swap3A_1561], %swap3A_1564 {strides = array<i32>} : memref<16x50x32xf32, #tpu.memory_space<vmem>>, vector<1x1x16xf32>,
        %get3A_1565 = arith.constant 29 : i32
        %get3A_1566 = arith.index_cast %scan3A_622 : i32 to index
        %get3A_1567 = arith.index_cast %get3A_1565 : i32 to index
        %get3A_1568 = arith.constant 16 : index
        %get3A_1569 = tpu.vector_load %arg8[%get3A_1566, %get3A_1567, %get3A_1568] {strides = array<i32>} : memref<16x50x32xf32, #tpu.memory_space<vmem>>, vector<1x1x16xf32>,
        %get3A_1570 = vector.shape_cast %get3A_1569 : vector<1x1x16xf32> to vector<16xf32>
        %mul3A_1571 = arith.constant 1.000000e-03 : f32
        %mul3A_1572 = vector.broadcast %mul3A_1571 : f32 to vector<16xf32>
        %mul3A_1573 = arith.mulf %get3A_1570, %mul3A_1572 : vector<16xf32>
        %swap3A_1574 = arith.constant 29 : i32
        %swap3A_1575 = arith.index_cast %scan3A_622 : i32 to index
        %swap3A_1576 = arith.index_cast %swap3A_1574 : i32 to index
        %swap3A_1577 = arith.constant 16 : index
        %swap3A_1578 = tpu.vector_load %arg8[%swap3A_1575, %swap3A_1576, %swap3A_1577] {strides = array<i32>} : memref<16x50x32xf32, #tpu.memory_space<vmem>>, vector<1x1x16xf32>,
        %swap3A_1579 = vector.shape_cast %swap3A_1578 : vector<1x1x16xf32> to vector<16xf32>
        %swap3A_1580 = vector.shape_cast %mul3A_1573 : vector<16xf32> to vector<1x1x16xf32>
        tpu.vector_store %arg8[%swap3A_1575, %swap3A_1576, %swap3A_1577], %swap3A_1580 {strides = array<i32>} : memref<16x50x32xf32, #tpu.memory_space<vmem>>, vector<1x1x16xf32>,
        %get3A_1581 = arith.constant 30 : i32
        %get3A_1582 = arith.index_cast %scan3A_622 : i32 to index
        %get3A_1583 = arith.index_cast %get3A_1581 : i32 to index
        %get3A_1584 = arith.constant 0 : index
        %get3A_1585 = tpu.vector_load %arg8[%get3A_1582, %get3A_1583, %get3A_1584] {strides = array<i32>} : memref<16x50x32xf32, #tpu.memory_space<vmem>>, vector<1x1x16xf32>,
        %get3A_1586 = vector.shape_cast %get3A_1585 : vector<1x1x16xf32> to vector<16xf32>
        %mul3A_1587 = arith.constant 1.000000e-03 : f32
        %mul3A_1588 = vector.broadcast %mul3A_1587 : f32 to vector<16xf32>
        %mul3A_1589 = arith.mulf %get3A_1586, %mul3A_1588 : vector<16xf32>
        %swap3A_1590 = arith.constant 30 : i32
        %swap3A_1591 = arith.index_cast %scan3A_622 : i32 to index
        %swap3A_1592 = arith.index_cast %swap3A_1590 : i32 to index
        %swap3A_1593 = arith.constant 0 : index
        %swap3A_1594 = tpu.vector_load %arg8[%swap3A_1591, %swap3A_1592, %swap3A_1593] {strides = array<i32>} : memref<16x50x32xf32, #tpu.memory_space<vmem>>, vector<1x1x16xf32>,
        %swap3A_1595 = vector.shape_cast %swap3A_1594 : vector<1x1x16xf32> to vector<16xf32>
        %swap3A_1596 = vector.shape_cast %mul3A_1589 : vector<16xf32> to vector<1x1x16xf32>
        tpu.vector_store %arg8[%swap3A_1591, %swap3A_1592, %swap3A_1593], %swap3A_1596 {strides = array<i32>} : memref<16x50x32xf32, #tpu.memory_space<vmem>>, vector<1x1x16xf32>,
        %get3A_1597 = arith.constant 30 : i32
        %get3A_1598 = arith.index_cast %scan3A_622 : i32 to index
        %get3A_1599 = arith.index_cast %get3A_1597 : i32 to index
        %get3A_1600 = arith.constant 16 : index
        %get3A_1601 = tpu.vector_load %arg8[%get3A_1598, %get3A_1599, %get3A_1600] {strides = array<i32>} : memref<16x50x32xf32, #tpu.memory_space<vmem>>, vector<1x1x16xf32>,
        %get3A_1602 = vector.shape_cast %get3A_1601 : vector<1x1x16xf32> to vector<16xf32>
        %mul3A_1603 = arith.constant 1.000000e-03 : f32
        %mul3A_1604 = vector.broadcast %mul3A_1603 : f32 to vector<16xf32>
        %mul3A_1605 = arith.mulf %get3A_1602, %mul3A_1604 : vector<16xf32>
        %swap3A_1606 = arith.constant 30 : i32
        %swap3A_1607 = arith.index_cast %scan3A_622 : i32 to index
        %swap3A_1608 = arith.index_cast %swap3A_1606 : i32 to index
        %swap3A_1609 = arith.constant 16 : index
        %swap3A_1610 = tpu.vector_load %arg8[%swap3A_1607, %swap3A_1608, %swap3A_1609] {strides = array<i32>} : memref<16x50x32xf32, #tpu.memory_space<vmem>>, vector<1x1x16xf32>,
        %swap3A_1611 = vector.shape_cast %swap3A_1610 : vector<1x1x16xf32> to vector<16xf32>
        %swap3A_1612 = vector.shape_cast %mul3A_1605 : vector<16xf32> to vector<1x1x16xf32>
        tpu.vector_store %arg8[%swap3A_1607, %swap3A_1608, %swap3A_1609], %swap3A_1612 {strides = array<i32>} : memref<16x50x32xf32, #tpu.memory_space<vmem>>, vector<1x1x16xf32>,
        %get3A_1613 = arith.constant 31 : i32
        %get3A_1614 = arith.index_cast %scan3A_622 : i32 to index
        %get3A_1615 = arith.index_cast %get3A_1613 : i32 to index
        %get3A_1616 = arith.constant 0 : index
        %get3A_1617 = tpu.vector_load %arg8[%get3A_1614, %get3A_1615, %get3A_1616] {strides = array<i32>} : memref<16x50x32xf32, #tpu.memory_space<vmem>>, vector<1x1x16xf32>,
        %get3A_1618 = vector.shape_cast %get3A_1617 : vector<1x1x16xf32> to vector<16xf32>
        %mul3A_1619 = arith.constant 1.000000e-03 : f32
        %mul3A_1620 = vector.broadcast %mul3A_1619 : f32 to vector<16xf32>
        %mul3A_1621 = arith.mulf %get3A_1618, %mul3A_1620 : vector<16xf32>
        %swap3A_1622 = arith.constant 31 : i32
        %swap3A_1623 = arith.index_cast %scan3A_622 : i32 to index
        %swap3A_1624 = arith.index_cast %swap3A_1622 : i32 to index
        %swap3A_1625 = arith.constant 0 : index
        %swap3A_1626 = tpu.vector_load %arg8[%swap3A_1623, %swap3A_1624, %swap3A_1625] {strides = array<i32>} : memref<16x50x32xf32, #tpu.memory_space<vmem>>, vector<1x1x16xf32>,
        %swap3A_1627 = vector.shape_cast %swap3A_1626 : vector<1x1x16xf32> to vector<16xf32>
        %swap3A_1628 = vector.shape_cast %mul3A_1621 : vector<16xf32> to vector<1x1x16xf32>
        tpu.vector_store %arg8[%swap3A_1623, %swap3A_1624, %swap3A_1625], %swap3A_1628 {strides = array<i32>} : memref<16x50x32xf32, #tpu.memory_space<vmem>>, vector<1x1x16xf32>,
        %get3A_1629 = arith.constant 31 : i32
        %get3A_1630 = arith.index_cast %scan3A_622 : i32 to index
        %get3A_1631 = arith.index_cast %get3A_1629 : i32 to index
        %get3A_1632 = arith.constant 16 : index
        %get3A_1633 = tpu.vector_load %arg8[%get3A_1630, %get3A_1631, %get3A_1632] {strides = array<i32>} : memref<16x50x32xf32, #tpu.memory_space<vmem>>, vector<1x1x16xf32>,
        %get3A_1634 = vector.shape_cast %get3A_1633 : vector<1x1x16xf32> to vector<16xf32>
        %mul3A_1635 = arith.constant 1.000000e-03 : f32
        %mul3A_1636 = vector.broadcast %mul3A_1635 : f32 to vector<16xf32>
        %mul3A_1637 = arith.mulf %get3A_1634, %mul3A_1636 : vector<16xf32>
        %swap3A_1638 = arith.constant 31 : i32
        %swap3A_1639 = arith.index_cast %scan3A_622 : i32 to index
        %swap3A_1640 = arith.index_cast %swap3A_1638 : i32 to index
        %swap3A_1641 = arith.constant 16 : index
        %swap3A_1642 = tpu.vector_load %arg8[%swap3A_1639, %swap3A_1640, %swap3A_1641] {strides = array<i32>} : memref<16x50x32xf32, #tpu.memory_space<vmem>>, vector<1x1x16xf32>,
        %swap3A_1643 = vector.shape_cast %swap3A_1642 : vector<1x1x16xf32> to vector<16xf32>
        %swap3A_1644 = vector.shape_cast %mul3A_1637 : vector<16xf32> to vector<1x1x16xf32>
        tpu.vector_store %arg8[%swap3A_1639, %swap3A_1640, %swap3A_1641], %swap3A_1644 {strides = array<i32>} : memref<16x50x32xf32, #tpu.memory_space<vmem>>, vector<1x1x16xf32>,
        %get3A_1645 = arith.constant 32 : i32
        %get3A_1646 = arith.index_cast %scan3A_622 : i32 to index
        %get3A_1647 = arith.index_cast %get3A_1645 : i32 to index
        %get3A_1648 = arith.constant 0 : index
        %get3A_1649 = tpu.vector_load %arg8[%get3A_1646, %get3A_1647, %get3A_1648] {strides = array<i32>} : memref<16x50x32xf32, #tpu.memory_space<vmem>>, vector<1x1x16xf32>,
        %get3A_1650 = vector.shape_cast %get3A_1649 : vector<1x1x16xf32> to vector<16xf32>
        %mul3A_1651 = arith.constant 1.000000e-03 : f32
        %mul3A_1652 = vector.broadcast %mul3A_1651 : f32 to vector<16xf32>
        %mul3A_1653 = arith.mulf %get3A_1650, %mul3A_1652 : vector<16xf32>
        %swap3A_1654 = arith.constant 32 : i32
        %swap3A_1655 = arith.index_cast %scan3A_622 : i32 to index
        %swap3A_1656 = arith.index_cast %swap3A_1654 : i32 to index
        %swap3A_1657 = arith.constant 0 : index
        %swap3A_1658 = tpu.vector_load %arg8[%swap3A_1655, %swap3A_1656, %swap3A_1657] {strides = array<i32>} : memref<16x50x32xf32, #tpu.memory_space<vmem>>, vector<1x1x16xf32>,
        %swap3A_1659 = vector.shape_cast %swap3A_1658 : vector<1x1x16xf32> to vector<16xf32>
        %swap3A_1660 = vector.shape_cast %mul3A_1653 : vector<16xf32> to vector<1x1x16xf32>
        tpu.vector_store %arg8[%swap3A_1655, %swap3A_1656, %swap3A_1657], %swap3A_1660 {strides = array<i32>} : memref<16x50x32xf32, #tpu.memory_space<vmem>>, vector<1x1x16xf32>,
        %get3A_1661 = arith.constant 32 : i32
        %get3A_1662 = arith.index_cast %scan3A_622 : i32 to index
        %get3A_1663 = arith.index_cast %get3A_1661 : i32 to index
        %get3A_1664 = arith.constant 16 : index
        %get3A_1665 = tpu.vector_load %arg8[%get3A_1662, %get3A_1663, %get3A_1664] {strides = array<i32>} : memref<16x50x32xf32, #tpu.memory_space<vmem>>, vector<1x1x16xf32>,
        %get3A_1666 = vector.shape_cast %get3A_1665 : vector<1x1x16xf32> to vector<16xf32>
        %mul3A_1667 = arith.constant 1.000000e-03 : f32
        %mul3A_1668 = vector.broadcast %mul3A_1667 : f32 to vector<16xf32>
        %mul3A_1669 = arith.mulf %get3A_1666, %mul3A_1668 : vector<16xf32>
        %swap3A_1670 = arith.constant 32 : i32
        %swap3A_1671 = arith.index_cast %scan3A_622 : i32 to index
        %swap3A_1672 = arith.index_cast %swap3A_1670 : i32 to index
        %swap3A_1673 = arith.constant 16 : index
        %swap3A_1674 = tpu.vector_load %arg8[%swap3A_1671, %swap3A_1672, %swap3A_1673] {strides = array<i32>} : memref<16x50x32xf32, #tpu.memory_space<vmem>>, vector<1x1x16xf32>,
        %swap3A_1675 = vector.shape_cast %swap3A_1674 : vector<1x1x16xf32> to vector<16xf32>
        %swap3A_1676 = vector.shape_cast %mul3A_1669 : vector<16xf32> to vector<1x1x16xf32>
        tpu.vector_store %arg8[%swap3A_1671, %swap3A_1672, %swap3A_1673], %swap3A_1676 {strides = array<i32>} : memref<16x50x32xf32, #tpu.memory_space<vmem>>, vector<1x1x16xf32>,
        %get3A_1677 = arith.constant 33 : i32
        %get3A_1678 = arith.index_cast %scan3A_622 : i32 to index
        %get3A_1679 = arith.index_cast %get3A_1677 : i32 to index
        %get3A_1680 = arith.constant 0 : index
        %get3A_1681 = tpu.vector_load %arg8[%get3A_1678, %get3A_1679, %get3A_1680] {strides = array<i32>} : memref<16x50x32xf32, #tpu.memory_space<vmem>>, vector<1x1x16xf32>,
        %get3A_1682 = vector.shape_cast %get3A_1681 : vector<1x1x16xf32> to vector<16xf32>
        %mul3A_1683 = arith.constant 1.000000e-03 : f32
        %mul3A_1684 = vector.broadcast %mul3A_1683 : f32 to vector<16xf32>
        %mul3A_1685 = arith.mulf %get3A_1682, %mul3A_1684 : vector<16xf32>
        %swap3A_1686 = arith.constant 33 : i32
        %swap3A_1687 = arith.index_cast %scan3A_622 : i32 to index
        %swap3A_1688 = arith.index_cast %swap3A_1686 : i32 to index
        %swap3A_1689 = arith.constant 0 : index
        %swap3A_1690 = tpu.vector_load %arg8[%swap3A_1687, %swap3A_1688, %swap3A_1689] {strides = array<i32>} : memref<16x50x32xf32, #tpu.memory_space<vmem>>, vector<1x1x16xf32>,
        %swap3A_1691 = vector.shape_cast %swap3A_1690 : vector<1x1x16xf32> to vector<16xf32>
        %swap3A_1692 = vector.shape_cast %mul3A_1685 : vector<16xf32> to vector<1x1x16xf32>
        tpu.vector_store %arg8[%swap3A_1687, %swap3A_1688, %swap3A_1689], %swap3A_1692 {strides = array<i32>} : memref<16x50x32xf32, #tpu.memory_space<vmem>>, vector<1x1x16xf32>,
        %get3A_1693 = arith.constant 33 : i32
        %get3A_1694 = arith.index_cast %scan3A_622 : i32 to index
        %get3A_1695 = arith.index_cast %get3A_1693 : i32 to index
        %get3A_1696 = arith.constant 16 : index
        %get3A_1697 = tpu.vector_load %arg8[%get3A_1694, %get3A_1695, %get3A_1696] {strides = array<i32>} : memref<16x50x32xf32, #tpu.memory_space<vmem>>, vector<1x1x16xf32>,
        %get3A_1698 = vector.shape_cast %get3A_1697 : vector<1x1x16xf32> to vector<16xf32>
        %mul3A_1699 = arith.constant 1.000000e-03 : f32
        %mul3A_1700 = vector.broadcast %mul3A_1699 : f32 to vector<16xf32>
        %mul3A_1701 = arith.mulf %get3A_1698, %mul3A_1700 : vector<16xf32>
        %swap3A_1702 = arith.constant 33 : i32
        %swap3A_1703 = arith.index_cast %scan3A_622 : i32 to index
        %swap3A_1704 = arith.index_cast %swap3A_1702 : i32 to index
        %swap3A_1705 = arith.constant 16 : index
        %swap3A_1706 = tpu.vector_load %arg8[%swap3A_1703, %swap3A_1704, %swap3A_1705] {strides = array<i32>} : memref<16x50x32xf32, #tpu.memory_space<vmem>>, vector<1x1x16xf32>,
        %swap3A_1707 = vector.shape_cast %swap3A_1706 : vector<1x1x16xf32> to vector<16xf32>
        %swap3A_1708 = vector.shape_cast %mul3A_1701 : vector<16xf32> to vector<1x1x16xf32>
        tpu.vector_store %arg8[%swap3A_1703, %swap3A_1704, %swap3A_1705], %swap3A_1708 {strides = array<i32>} : memref<16x50x32xf32, #tpu.memory_space<vmem>>, vector<1x1x16xf32>,
        %get3A_1709 = arith.constant 34 : i32
        %get3A_1710 = arith.index_cast %scan3A_622 : i32 to index
        %get3A_1711 = arith.index_cast %get3A_1709 : i32 to index
        %get3A_1712 = arith.constant 0 : index
        %get3A_1713 = tpu.vector_load %arg8[%get3A_1710, %get3A_1711, %get3A_1712] {strides = array<i32>} : memref<16x50x32xf32, #tpu.memory_space<vmem>>, vector<1x1x16xf32>,
        %get3A_1714 = vector.shape_cast %get3A_1713 : vector<1x1x16xf32> to vector<16xf32>
        %mul3A_1715 = arith.constant 1.000000e-03 : f32
        %mul3A_1716 = vector.broadcast %mul3A_1715 : f32 to vector<16xf32>
        %mul3A_1717 = arith.mulf %get3A_1714, %mul3A_1716 : vector<16xf32>
        %swap3A_1718 = arith.constant 34 : i32
        %swap3A_1719 = arith.index_cast %scan3A_622 : i32 to index
        %swap3A_1720 = arith.index_cast %swap3A_1718 : i32 to index
        %swap3A_1721 = arith.constant 0 : index
        %swap3A_1722 = tpu.vector_load %arg8[%swap3A_1719, %swap3A_1720, %swap3A_1721] {strides = array<i32>} : memref<16x50x32xf32, #tpu.memory_space<vmem>>, vector<1x1x16xf32>,
        %swap3A_1723 = vector.shape_cast %swap3A_1722 : vector<1x1x16xf32> to vector<16xf32>
        %swap3A_1724 = vector.shape_cast %mul3A_1717 : vector<16xf32> to vector<1x1x16xf32>
        tpu.vector_store %arg8[%swap3A_1719, %swap3A_1720, %swap3A_1721], %swap3A_1724 {strides = array<i32>} : memref<16x50x32xf32, #tpu.memory_space<vmem>>, vector<1x1x16xf32>,
        %get3A_1725 = arith.constant 34 : i32
        %get3A_1726 = arith.index_cast %scan3A_622 : i32 to index
        %get3A_1727 = arith.index_cast %get3A_1725 : i32 to index
        %get3A_1728 = arith.constant 16 : index
        %get3A_1729 = tpu.vector_load %arg8[%get3A_1726, %get3A_1727, %get3A_1728] {strides = array<i32>} : memref<16x50x32xf32, #tpu.memory_space<vmem>>, vector<1x1x16xf32>,
        %get3A_1730 = vector.shape_cast %get3A_1729 : vector<1x1x16xf32> to vector<16xf32>
        %mul3A_1731 = arith.constant 1.000000e-03 : f32
        %mul3A_1732 = vector.broadcast %mul3A_1731 : f32 to vector<16xf32>
        %mul3A_1733 = arith.mulf %get3A_1730, %mul3A_1732 : vector<16xf32>
        %swap3A_1734 = arith.constant 34 : i32
        %swap3A_1735 = arith.index_cast %scan3A_622 : i32 to index
        %swap3A_1736 = arith.index_cast %swap3A_1734 : i32 to index
        %swap3A_1737 = arith.constant 16 : index
        %swap3A_1738 = tpu.vector_load %arg8[%swap3A_1735, %swap3A_1736, %swap3A_1737] {strides = array<i32>} : memref<16x50x32xf32, #tpu.memory_space<vmem>>, vector<1x1x16xf32>,
        %swap3A_1739 = vector.shape_cast %swap3A_1738 : vector<1x1x16xf32> to vector<16xf32>
        %swap3A_1740 = vector.shape_cast %mul3A_1733 : vector<16xf32> to vector<1x1x16xf32>
        tpu.vector_store %arg8[%swap3A_1735, %swap3A_1736, %swap3A_1737], %swap3A_1740 {strides = array<i32>} : memref<16x50x32xf32, #tpu.memory_space<vmem>>, vector<1x1x16xf32>,
        %get3A_1741 = arith.constant 35 : i32
        %get3A_1742 = arith.index_cast %scan3A_622 : i32 to index
        %get3A_1743 = arith.index_cast %get3A_1741 : i32 to index
        %get3A_1744 = arith.constant 0 : index
        %get3A_1745 = tpu.vector_load %arg8[%get3A_1742, %get3A_1743, %get3A_1744] {strides = array<i32>} : memref<16x50x32xf32, #tpu.memory_space<vmem>>, vector<1x1x16xf32>,
        %get3A_1746 = vector.shape_cast %get3A_1745 : vector<1x1x16xf32> to vector<16xf32>
        %mul3A_1747 = arith.constant 1.000000e-03 : f32
        %mul3A_1748 = vector.broadcast %mul3A_1747 : f32 to vector<16xf32>
        %mul3A_1749 = arith.mulf %get3A_1746, %mul3A_1748 : vector<16xf32>
        %swap3A_1750 = arith.constant 35 : i32
        %swap3A_1751 = arith.index_cast %scan3A_622 : i32 to index
        %swap3A_1752 = arith.index_cast %swap3A_1750 : i32 to index
        %swap3A_1753 = arith.constant 0 : index
        %swap3A_1754 = tpu.vector_load %arg8[%swap3A_1751, %swap3A_1752, %swap3A_1753] {strides = array<i32>} : memref<16x50x32xf32, #tpu.memory_space<vmem>>, vector<1x1x16xf32>,
        %swap3A_1755 = vector.shape_cast %swap3A_1754 : vector<1x1x16xf32> to vector<16xf32>
        %swap3A_1756 = vector.shape_cast %mul3A_1749 : vector<16xf32> to vector<1x1x16xf32>
        tpu.vector_store %arg8[%swap3A_1751, %swap3A_1752, %swap3A_1753], %swap3A_1756 {strides = array<i32>} : memref<16x50x32xf32, #tpu.memory_space<vmem>>, vector<1x1x16xf32>,
        %get3A_1757 = arith.constant 35 : i32
        %get3A_1758 = arith.index_cast %scan3A_622 : i32 to index
        %get3A_1759 = arith.index_cast %get3A_1757 : i32 to index
        %get3A_1760 = arith.constant 16 : index
        %get3A_1761 = tpu.vector_load %arg8[%get3A_1758, %get3A_1759, %get3A_1760] {strides = array<i32>} : memref<16x50x32xf32, #tpu.memory_space<vmem>>, vector<1x1x16xf32>,
        %get3A_1762 = vector.shape_cast %get3A_1761 : vector<1x1x16xf32> to vector<16xf32>
        %mul3A_1763 = arith.constant 1.000000e-03 : f32
        %mul3A_1764 = vector.broadcast %mul3A_1763 : f32 to vector<16xf32>
        %mul3A_1765 = arith.mulf %get3A_1762, %mul3A_1764 : vector<16xf32>
        %swap3A_1766 = arith.constant 35 : i32
        %swap3A_1767 = arith.index_cast %scan3A_622 : i32 to index
        %swap3A_1768 = arith.index_cast %swap3A_1766 : i32 to index
        %swap3A_1769 = arith.constant 16 : index
        %swap3A_1770 = tpu.vector_load %arg8[%swap3A_1767, %swap3A_1768, %swap3A_1769] {strides = array<i32>} : memref<16x50x32xf32, #tpu.memory_space<vmem>>, vector<1x1x16xf32>,
        %swap3A_1771 = vector.shape_cast %swap3A_1770 : vector<1x1x16xf32> to vector<16xf32>
        %swap3A_1772 = vector.shape_cast %mul3A_1765 : vector<16xf32> to vector<1x1x16xf32>
        tpu.vector_store %arg8[%swap3A_1767, %swap3A_1768, %swap3A_1769], %swap3A_1772 {strides = array<i32>} : memref<16x50x32xf32, #tpu.memory_space<vmem>>, vector<1x1x16xf32>,
        %get3A_1773 = arith.constant 36 : i32
        %get3A_1774 = arith.index_cast %scan3A_622 : i32 to index
        %get3A_1775 = arith.index_cast %get3A_1773 : i32 to index
        %get3A_1776 = arith.constant 0 : index
        %get3A_1777 = tpu.vector_load %arg8[%get3A_1774, %get3A_1775, %get3A_1776] {strides = array<i32>} : memref<16x50x32xf32, #tpu.memory_space<vmem>>, vector<1x1x16xf32>,
        %get3A_1778 = vector.shape_cast %get3A_1777 : vector<1x1x16xf32> to vector<16xf32>
        %mul3A_1779 = arith.constant 1.000000e-03 : f32
        %mul3A_1780 = vector.broadcast %mul3A_1779 : f32 to vector<16xf32>
        %mul3A_1781 = arith.mulf %get3A_1778, %mul3A_1780 : vector<16xf32>
        %swap3A_1782 = arith.constant 36 : i32
        %swap3A_1783 = arith.index_cast %scan3A_622 : i32 to index
        %swap3A_1784 = arith.index_cast %swap3A_1782 : i32 to index
        %swap3A_1785 = arith.constant 0 : index
        %swap3A_1786 = tpu.vector_load %arg8[%swap3A_1783, %swap3A_1784, %swap3A_1785] {strides = array<i32>} : memref<16x50x32xf32, #tpu.memory_space<vmem>>, vector<1x1x16xf32>,
        %swap3A_1787 = vector.shape_cast %swap3A_1786 : vector<1x1x16xf32> to vector<16xf32>
        %swap3A_1788 = vector.shape_cast %mul3A_1781 : vector<16xf32> to vector<1x1x16xf32>
        tpu.vector_store %arg8[%swap3A_1783, %swap3A_1784, %swap3A_1785], %swap3A_1788 {strides = array<i32>} : memref<16x50x32xf32, #tpu.memory_space<vmem>>, vector<1x1x16xf32>,
        %get3A_1789 = arith.constant 36 : i32
        %get3A_1790 = arith.index_cast %scan3A_622 : i32 to index
        %get3A_1791 = arith.index_cast %get3A_1789 : i32 to index
        %get3A_1792 = arith.constant 16 : index
        %get3A_1793 = tpu.vector_load %arg8[%get3A_1790, %get3A_1791, %get3A_1792] {strides = array<i32>} : memref<16x50x32xf32, #tpu.memory_space<vmem>>, vector<1x1x16xf32>,
        %get3A_1794 = vector.shape_cast %get3A_1793 : vector<1x1x16xf32> to vector<16xf32>
        %mul3A_1795 = arith.constant 1.000000e-03 : f32
        %mul3A_1796 = vector.broadcast %mul3A_1795 : f32 to vector<16xf32>
        %mul3A_1797 = arith.mulf %get3A_1794, %mul3A_1796 : vector<16xf32>
        %swap3A_1798 = arith.constant 36 : i32
        %swap3A_1799 = arith.index_cast %scan3A_622 : i32 to index
        %swap3A_1800 = arith.index_cast %swap3A_1798 : i32 to index
        %swap3A_1801 = arith.constant 16 : index
        %swap3A_1802 = tpu.vector_load %arg8[%swap3A_1799, %swap3A_1800, %swap3A_1801] {strides = array<i32>} : memref<16x50x32xf32, #tpu.memory_space<vmem>>, vector<1x1x16xf32>,
        %swap3A_1803 = vector.shape_cast %swap3A_1802 : vector<1x1x16xf32> to vector<16xf32>
        %swap3A_1804 = vector.shape_cast %mul3A_1797 : vector<16xf32> to vector<1x1x16xf32>
        tpu.vector_store %arg8[%swap3A_1799, %swap3A_1800, %swap3A_1801], %swap3A_1804 {strides = array<i32>} : memref<16x50x32xf32, #tpu.memory_space<vmem>>, vector<1x1x16xf32>,
        %get3A_1805 = arith.constant 37 : i32
        %get3A_1806 = arith.index_cast %scan3A_622 : i32 to index
        %get3A_1807 = arith.index_cast %get3A_1805 : i32 to index
        %get3A_1808 = arith.constant 0 : index
        %get3A_1809 = tpu.vector_load %arg8[%get3A_1806, %get3A_1807, %get3A_1808] {strides = array<i32>} : memref<16x50x32xf32, #tpu.memory_space<vmem>>, vector<1x1x16xf32>,
        %get3A_1810 = vector.shape_cast %get3A_1809 : vector<1x1x16xf32> to vector<16xf32>
        %mul3A_1811 = arith.constant 1.000000e-03 : f32
        %mul3A_1812 = vector.broadcast %mul3A_1811 : f32 to vector<16xf32>
        %mul3A_1813 = arith.mulf %get3A_1810, %mul3A_1812 : vector<16xf32>
        %swap3A_1814 = arith.constant 37 : i32
        %swap3A_1815 = arith.index_cast %scan3A_622 : i32 to index
        %swap3A_1816 = arith.index_cast %swap3A_1814 : i32 to index
        %swap3A_1817 = arith.constant 0 : index
        %swap3A_1818 = tpu.vector_load %arg8[%swap3A_1815, %swap3A_1816, %swap3A_1817] {strides = array<i32>} : memref<16x50x32xf32, #tpu.memory_space<vmem>>, vector<1x1x16xf32>,
        %swap3A_1819 = vector.shape_cast %swap3A_1818 : vector<1x1x16xf32> to vector<16xf32>
        %swap3A_1820 = vector.shape_cast %mul3A_1813 : vector<16xf32> to vector<1x1x16xf32>
        tpu.vector_store %arg8[%swap3A_1815, %swap3A_1816, %swap3A_1817], %swap3A_1820 {strides = array<i32>} : memref<16x50x32xf32, #tpu.memory_space<vmem>>, vector<1x1x16xf32>,
        %get3A_1821 = arith.constant 37 : i32
        %get3A_1822 = arith.index_cast %scan3A_622 : i32 to index
        %get3A_1823 = arith.index_cast %get3A_1821 : i32 to index
        %get3A_1824 = arith.constant 16 : index
        %get3A_1825 = tpu.vector_load %arg8[%get3A_1822, %get3A_1823, %get3A_1824] {strides = array<i32>} : memref<16x50x32xf32, #tpu.memory_space<vmem>>, vector<1x1x16xf32>,
        %get3A_1826 = vector.shape_cast %get3A_1825 : vector<1x1x16xf32> to vector<16xf32>
        %mul3A_1827 = arith.constant 1.000000e-03 : f32
        %mul3A_1828 = vector.broadcast %mul3A_1827 : f32 to vector<16xf32>
        %mul3A_1829 = arith.mulf %get3A_1826, %mul3A_1828 : vector<16xf32>
        %swap3A_1830 = arith.constant 37 : i32
        %swap3A_1831 = arith.index_cast %scan3A_622 : i32 to index
        %swap3A_1832 = arith.index_cast %swap3A_1830 : i32 to index
        %swap3A_1833 = arith.constant 16 : index
        %swap3A_1834 = tpu.vector_load %arg8[%swap3A_1831, %swap3A_1832, %swap3A_1833] {strides = array<i32>} : memref<16x50x32xf32, #tpu.memory_space<vmem>>, vector<1x1x16xf32>,
        %swap3A_1835 = vector.shape_cast %swap3A_1834 : vector<1x1x16xf32> to vector<16xf32>
        %swap3A_1836 = vector.shape_cast %mul3A_1829 : vector<16xf32> to vector<1x1x16xf32>
        tpu.vector_store %arg8[%swap3A_1831, %swap3A_1832, %swap3A_1833], %swap3A_1836 {strides = array<i32>} : memref<16x50x32xf32, #tpu.memory_space<vmem>>, vector<1x1x16xf32>,
        %get3A_1837 = arith.constant 38 : i32
        %get3A_1838 = arith.index_cast %scan3A_622 : i32 to index
        %get3A_1839 = arith.index_cast %get3A_1837 : i32 to index
        %get3A_1840 = arith.constant 0 : index
        %get3A_1841 = tpu.vector_load %arg8[%get3A_1838, %get3A_1839, %get3A_1840] {strides = array<i32>} : memref<16x50x32xf32, #tpu.memory_space<vmem>>, vector<1x1x16xf32>,
        %get3A_1842 = vector.shape_cast %get3A_1841 : vector<1x1x16xf32> to vector<16xf32>
        %mul3A_1843 = arith.constant 1.000000e-03 : f32
        %mul3A_1844 = vector.broadcast %mul3A_1843 : f32 to vector<16xf32>
        %mul3A_1845 = arith.mulf %get3A_1842, %mul3A_1844 : vector<16xf32>
        %swap3A_1846 = arith.constant 38 : i32
        %swap3A_1847 = arith.index_cast %scan3A_622 : i32 to index
        %swap3A_1848 = arith.index_cast %swap3A_1846 : i32 to index
        %swap3A_1849 = arith.constant 0 : index
        %swap3A_1850 = tpu.vector_load %arg8[%swap3A_1847, %swap3A_1848, %swap3A_1849] {strides = array<i32>} : memref<16x50x32xf32, #tpu.memory_space<vmem>>, vector<1x1x16xf32>,
        %swap3A_1851 = vector.shape_cast %swap3A_1850 : vector<1x1x16xf32> to vector<16xf32>
        %swap3A_1852 = vector.shape_cast %mul3A_1845 : vector<16xf32> to vector<1x1x16xf32>
        tpu.vector_store %arg8[%swap3A_1847, %swap3A_1848, %swap3A_1849], %swap3A_1852 {strides = array<i32>} : memref<16x50x32xf32, #tpu.memory_space<vmem>>, vector<1x1x16xf32>,
        %get3A_1853 = arith.constant 38 : i32
        %get3A_1854 = arith.index_cast %scan3A_622 : i32 to index
        %get3A_1855 = arith.index_cast %get3A_1853 : i32 to index
        %get3A_1856 = arith.constant 16 : index
        %get3A_1857 = tpu.vector_load %arg8[%get3A_1854, %get3A_1855, %get3A_1856] {strides = array<i32>} : memref<16x50x32xf32, #tpu.memory_space<vmem>>, vector<1x1x16xf32>,
        %get3A_1858 = vector.shape_cast %get3A_1857 : vector<1x1x16xf32> to vector<16xf32>
        %mul3A_1859 = arith.constant 1.000000e-03 : f32
        %mul3A_1860 = vector.broadcast %mul3A_1859 : f32 to vector<16xf32>
        %mul3A_1861 = arith.mulf %get3A_1858, %mul3A_1860 : vector<16xf32>
        %swap3A_1862 = arith.constant 38 : i32
        %swap3A_1863 = arith.index_cast %scan3A_622 : i32 to index
        %swap3A_1864 = arith.index_cast %swap3A_1862 : i32 to index
        %swap3A_1865 = arith.constant 16 : index
        %swap3A_1866 = tpu.vector_load %arg8[%swap3A_1863, %swap3A_1864, %swap3A_1865] {strides = array<i32>} : memref<16x50x32xf32, #tpu.memory_space<vmem>>, vector<1x1x16xf32>,
        %swap3A_1867 = vector.shape_cast %swap3A_1866 : vector<1x1x16xf32> to vector<16xf32>
        %swap3A_1868 = vector.shape_cast %mul3A_1861 : vector<16xf32> to vector<1x1x16xf32>
        tpu.vector_store %arg8[%swap3A_1863, %swap3A_1864, %swap3A_1865], %swap3A_1868 {strides = array<i32>} : memref<16x50x32xf32, #tpu.memory_space<vmem>>, vector<1x1x16xf32>,
        %get3A_1869 = arith.constant 39 : i32
        %get3A_1870 = arith.index_cast %scan3A_622 : i32 to index
        %get3A_1871 = arith.index_cast %get3A_1869 : i32 to index
        %get3A_1872 = arith.constant 0 : index
        %get3A_1873 = tpu.vector_load %arg8[%get3A_1870, %get3A_1871, %get3A_1872] {strides = array<i32>} : memref<16x50x32xf32, #tpu.memory_space<vmem>>, vector<1x1x16xf32>,
        %get3A_1874 = vector.shape_cast %get3A_1873 : vector<1x1x16xf32> to vector<16xf32>
        %mul3A_1875 = arith.constant 1.000000e-03 : f32
        %mul3A_1876 = vector.broadcast %mul3A_1875 : f32 to vector<16xf32>
        %mul3A_1877 = arith.mulf %get3A_1874, %mul3A_1876 : vector<16xf32>
        %swap3A_1878 = arith.constant 39 : i32
        %swap3A_1879 = arith.index_cast %scan3A_622 : i32 to index
        %swap3A_1880 = arith.index_cast %swap3A_1878 : i32 to index
        %swap3A_1881 = arith.constant 0 : index
        %swap3A_1882 = tpu.vector_load %arg8[%swap3A_1879, %swap3A_1880, %swap3A_1881] {strides = array<i32>} : memref<16x50x32xf32, #tpu.memory_space<vmem>>, vector<1x1x16xf32>,
        %swap3A_1883 = vector.shape_cast %swap3A_1882 : vector<1x1x16xf32> to vector<16xf32>
        %swap3A_1884 = vector.shape_cast %mul3A_1877 : vector<16xf32> to vector<1x1x16xf32>
        tpu.vector_store %arg8[%swap3A_1879, %swap3A_1880, %swap3A_1881], %swap3A_1884 {strides = array<i32>} : memref<16x50x32xf32, #tpu.memory_space<vmem>>, vector<1x1x16xf32>,
        %get3A_1885 = arith.constant 39 : i32
        %get3A_1886 = arith.index_cast %scan3A_622 : i32 to index
        %get3A_1887 = arith.index_cast %get3A_1885 : i32 to index
        %get3A_1888 = arith.constant 16 : index
        %get3A_1889 = tpu.vector_load %arg8[%get3A_1886, %get3A_1887, %get3A_1888] {strides = array<i32>} : memref<16x50x32xf32, #tpu.memory_space<vmem>>, vector<1x1x16xf32>,
        %get3A_1890 = vector.shape_cast %get3A_1889 : vector<1x1x16xf32> to vector<16xf32>
        %mul3A_1891 = arith.constant 1.000000e-03 : f32
        %mul3A_1892 = vector.broadcast %mul3A_1891 : f32 to vector<16xf32>
        %mul3A_1893 = arith.mulf %get3A_1890, %mul3A_1892 : vector<16xf32>
        %swap3A_1894 = arith.constant 39 : i32
        %swap3A_1895 = arith.index_cast %scan3A_622 : i32 to index
        %swap3A_1896 = arith.index_cast %swap3A_1894 : i32 to index
        %swap3A_1897 = arith.constant 16 : index
        %swap3A_1898 = tpu.vector_load %arg8[%swap3A_1895, %swap3A_1896, %swap3A_1897] {strides = array<i32>} : memref<16x50x32xf32, #tpu.memory_space<vmem>>, vector<1x1x16xf32>,
        %swap3A_1899 = vector.shape_cast %swap3A_1898 : vector<1x1x16xf32> to vector<16xf32>
        %swap3A_1900 = vector.shape_cast %mul3A_1893 : vector<16xf32> to vector<1x1x16xf32>
        tpu.vector_store %arg8[%swap3A_1895, %swap3A_1896, %swap3A_1897], %swap3A_1900 {strides = array<i32>} : memref<16x50x32xf32, #tpu.memory_space<vmem>>, vector<1x1x16xf32>,
        %get3A_1901 = arith.constant 40 : i32
        %get3A_1902 = arith.index_cast %scan3A_622 : i32 to index
        %get3A_1903 = arith.index_cast %get3A_1901 : i32 to index
        %get3A_1904 = arith.constant 0 : index
        %get3A_1905 = tpu.vector_load %arg8[%get3A_1902, %get3A_1903, %get3A_1904] {strides = array<i32>} : memref<16x50x32xf32, #tpu.memory_space<vmem>>, vector<1x1x16xf32>,
        %get3A_1906 = vector.shape_cast %get3A_1905 : vector<1x1x16xf32> to vector<16xf32>
        %mul3A_1907 = arith.constant 1.000000e-03 : f32
        %mul3A_1908 = vector.broadcast %mul3A_1907 : f32 to vector<16xf32>
        %mul3A_1909 = arith.mulf %get3A_1906, %mul3A_1908 : vector<16xf32>
        %swap3A_1910 = arith.constant 40 : i32
        %swap3A_1911 = arith.index_cast %scan3A_622 : i32 to index
        %swap3A_1912 = arith.index_cast %swap3A_1910 : i32 to index
        %swap3A_1913 = arith.constant 0 : index
        %swap3A_1914 = tpu.vector_load %arg8[%swap3A_1911, %swap3A_1912, %swap3A_1913] {strides = array<i32>} : memref<16x50x32xf32, #tpu.memory_space<vmem>>, vector<1x1x16xf32>,
        %swap3A_1915 = vector.shape_cast %swap3A_1914 : vector<1x1x16xf32> to vector<16xf32>
        %swap3A_1916 = vector.shape_cast %mul3A_1909 : vector<16xf32> to vector<1x1x16xf32>
        tpu.vector_store %arg8[%swap3A_1911, %swap3A_1912, %swap3A_1913], %swap3A_1916 {strides = array<i32>} : memref<16x50x32xf32, #tpu.memory_space<vmem>>, vector<1x1x16xf32>,
        %get3A_1917 = arith.constant 40 : i32
        %get3A_1918 = arith.index_cast %scan3A_622 : i32 to index
        %get3A_1919 = arith.index_cast %get3A_1917 : i32 to index
        %get3A_1920 = arith.constant 16 : index
        %get3A_1921 = tpu.vector_load %arg8[%get3A_1918, %get3A_1919, %get3A_1920] {strides = array<i32>} : memref<16x50x32xf32, #tpu.memory_space<vmem>>, vector<1x1x16xf32>,
        %get3A_1922 = vector.shape_cast %get3A_1921 : vector<1x1x16xf32> to vector<16xf32>
        %mul3A_1923 = arith.constant 1.000000e-03 : f32
        %mul3A_1924 = vector.broadcast %mul3A_1923 : f32 to vector<16xf32>
        %mul3A_1925 = arith.mulf %get3A_1922, %mul3A_1924 : vector<16xf32>
        %swap3A_1926 = arith.constant 40 : i32
        %swap3A_1927 = arith.index_cast %scan3A_622 : i32 to index
        %swap3A_1928 = arith.index_cast %swap3A_1926 : i32 to index
        %swap3A_1929 = arith.constant 16 : index
        %swap3A_1930 = tpu.vector_load %arg8[%swap3A_1927, %swap3A_1928, %swap3A_1929] {strides = array<i32>} : memref<16x50x32xf32, #tpu.memory_space<vmem>>, vector<1x1x16xf32>,
        %swap3A_1931 = vector.shape_cast %swap3A_1930 : vector<1x1x16xf32> to vector<16xf32>
        %swap3A_1932 = vector.shape_cast %mul3A_1925 : vector<16xf32> to vector<1x1x16xf32>
        tpu.vector_store %arg8[%swap3A_1927, %swap3A_1928, %swap3A_1929], %swap3A_1932 {strides = array<i32>} : memref<16x50x32xf32, #tpu.memory_space<vmem>>, vector<1x1x16xf32>,
        %get3A_1933 = arith.constant 41 : i32
        %get3A_1934 = arith.index_cast %scan3A_622 : i32 to index
        %get3A_1935 = arith.index_cast %get3A_1933 : i32 to index
        %get3A_1936 = arith.constant 0 : index
        %get3A_1937 = tpu.vector_load %arg8[%get3A_1934, %get3A_1935, %get3A_1936] {strides = array<i32>} : memref<16x50x32xf32, #tpu.memory_space<vmem>>, vector<1x1x16xf32>,
        %get3A_1938 = vector.shape_cast %get3A_1937 : vector<1x1x16xf32> to vector<16xf32>
        %mul3A_1939 = arith.constant 1.000000e-03 : f32
        %mul3A_1940 = vector.broadcast %mul3A_1939 : f32 to vector<16xf32>
        %mul3A_1941 = arith.mulf %get3A_1938, %mul3A_1940 : vector<16xf32>
        %swap3A_1942 = arith.constant 41 : i32
        %swap3A_1943 = arith.index_cast %scan3A_622 : i32 to index
        %swap3A_1944 = arith.index_cast %swap3A_1942 : i32 to index
        %swap3A_1945 = arith.constant 0 : index
        %swap3A_1946 = tpu.vector_load %arg8[%swap3A_1943, %swap3A_1944, %swap3A_1945] {strides = array<i32>} : memref<16x50x32xf32, #tpu.memory_space<vmem>>, vector<1x1x16xf32>,
        %swap3A_1947 = vector.shape_cast %swap3A_1946 : vector<1x1x16xf32> to vector<16xf32>
        %swap3A_1948 = vector.shape_cast %mul3A_1941 : vector<16xf32> to vector<1x1x16xf32>
        tpu.vector_store %arg8[%swap3A_1943, %swap3A_1944, %swap3A_1945], %swap3A_1948 {strides = array<i32>} : memref<16x50x32xf32, #tpu.memory_space<vmem>>, vector<1x1x16xf32>,
        %get3A_1949 = arith.constant 41 : i32
        %get3A_1950 = arith.index_cast %scan3A_622 : i32 to index
        %get3A_1951 = arith.index_cast %get3A_1949 : i32 to index
        %get3A_1952 = arith.constant 16 : index
        %get3A_1953 = tpu.vector_load %arg8[%get3A_1950, %get3A_1951, %get3A_1952] {strides = array<i32>} : memref<16x50x32xf32, #tpu.memory_space<vmem>>, vector<1x1x16xf32>,
        %get3A_1954 = vector.shape_cast %get3A_1953 : vector<1x1x16xf32> to vector<16xf32>
        %mul3A_1955 = arith.constant 1.000000e-03 : f32
        %mul3A_1956 = vector.broadcast %mul3A_1955 : f32 to vector<16xf32>
        %mul3A_1957 = arith.mulf %get3A_1954, %mul3A_1956 : vector<16xf32>
        %swap3A_1958 = arith.constant 41 : i32
        %swap3A_1959 = arith.index_cast %scan3A_622 : i32 to index
        %swap3A_1960 = arith.index_cast %swap3A_1958 : i32 to index
        %swap3A_1961 = arith.constant 16 : index
        %swap3A_1962 = tpu.vector_load %arg8[%swap3A_1959, %swap3A_1960, %swap3A_1961] {strides = array<i32>} : memref<16x50x32xf32, #tpu.memory_space<vmem>>, vector<1x1x16xf32>,
        %swap3A_1963 = vector.shape_cast %swap3A_1962 : vector<1x1x16xf32> to vector<16xf32>
        %swap3A_1964 = vector.shape_cast %mul3A_1957 : vector<16xf32> to vector<1x1x16xf32>
        tpu.vector_store %arg8[%swap3A_1959, %swap3A_1960, %swap3A_1961], %swap3A_1964 {strides = array<i32>} : memref<16x50x32xf32, #tpu.memory_space<vmem>>, vector<1x1x16xf32>,
        %get3A_1965 = arith.constant 42 : i32
        %get3A_1966 = arith.index_cast %scan3A_622 : i32 to index
        %get3A_1967 = arith.index_cast %get3A_1965 : i32 to index
        %get3A_1968 = arith.constant 0 : index
        %get3A_1969 = tpu.vector_load %arg8[%get3A_1966, %get3A_1967, %get3A_1968] {strides = array<i32>} : memref<16x50x32xf32, #tpu.memory_space<vmem>>, vector<1x1x16xf32>,
        %get3A_1970 = vector.shape_cast %get3A_1969 : vector<1x1x16xf32> to vector<16xf32>
        %mul3A_1971 = arith.constant 1.000000e-03 : f32
        %mul3A_1972 = vector.broadcast %mul3A_1971 : f32 to vector<16xf32>
        %mul3A_1973 = arith.mulf %get3A_1970, %mul3A_1972 : vector<16xf32>
        %swap3A_1974 = arith.constant 42 : i32
        %swap3A_1975 = arith.index_cast %scan3A_622 : i32 to index
        %swap3A_1976 = arith.index_cast %swap3A_1974 : i32 to index
        %swap3A_1977 = arith.constant 0 : index
        %swap3A_1978 = tpu.vector_load %arg8[%swap3A_1975, %swap3A_1976, %swap3A_1977] {strides = array<i32>} : memref<16x50x32xf32, #tpu.memory_space<vmem>>, vector<1x1x16xf32>,
        %swap3A_1979 = vector.shape_cast %swap3A_1978 : vector<1x1x16xf32> to vector<16xf32>
        %swap3A_1980 = vector.shape_cast %mul3A_1973 : vector<16xf32> to vector<1x1x16xf32>
        tpu.vector_store %arg8[%swap3A_1975, %swap3A_1976, %swap3A_1977], %swap3A_1980 {strides = array<i32>} : memref<16x50x32xf32, #tpu.memory_space<vmem>>, vector<1x1x16xf32>,
        %get3A_1981 = arith.constant 42 : i32
        %get3A_1982 = arith.index_cast %scan3A_622 : i32 to index
        %get3A_1983 = arith.index_cast %get3A_1981 : i32 to index
        %get3A_1984 = arith.constant 16 : index
        %get3A_1985 = tpu.vector_load %arg8[%get3A_1982, %get3A_1983, %get3A_1984] {strides = array<i32>} : memref<16x50x32xf32, #tpu.memory_space<vmem>>, vector<1x1x16xf32>,
        %get3A_1986 = vector.shape_cast %get3A_1985 : vector<1x1x16xf32> to vector<16xf32>
        %mul3A_1987 = arith.constant 1.000000e-03 : f32
        %mul3A_1988 = vector.broadcast %mul3A_1987 : f32 to vector<16xf32>
        %mul3A_1989 = arith.mulf %get3A_1986, %mul3A_1988 : vector<16xf32>
        %swap3A_1990 = arith.constant 42 : i32
        %swap3A_1991 = arith.index_cast %scan3A_622 : i32 to index
        %swap3A_1992 = arith.index_cast %swap3A_1990 : i32 to index
        %swap3A_1993 = arith.constant 16 : index
        %swap3A_1994 = tpu.vector_load %arg8[%swap3A_1991, %swap3A_1992, %swap3A_1993] {strides = array<i32>} : memref<16x50x32xf32, #tpu.memory_space<vmem>>, vector<1x1x16xf32>,
        %swap3A_1995 = vector.shape_cast %swap3A_1994 : vector<1x1x16xf32> to vector<16xf32>
        %swap3A_1996 = vector.shape_cast %mul3A_1989 : vector<16xf32> to vector<1x1x16xf32>
        tpu.vector_store %arg8[%swap3A_1991, %swap3A_1992, %swap3A_1993], %swap3A_1996 {strides = array<i32>} : memref<16x50x32xf32, #tpu.memory_space<vmem>>, vector<1x1x16xf32>,
        %get3A_1997 = arith.constant 43 : i32
        %get3A_1998 = arith.index_cast %scan3A_622 : i32 to index
        %get3A_1999 = arith.index_cast %get3A_1997 : i32 to index
        %get3A_2000 = arith.constant 0 : index
        %get3A_2001 = tpu.vector_load %arg8[%get3A_1998, %get3A_1999, %get3A_2000] {strides = array<i32>} : memref<16x50x32xf32, #tpu.memory_space<vmem>>, vector<1x1x16xf32>,
        %get3A_2002 = vector.shape_cast %get3A_2001 : vector<1x1x16xf32> to vector<16xf32>
        %mul3A_2003 = arith.constant 1.000000e-03 : f32
        %mul3A_2004 = vector.broadcast %mul3A_2003 : f32 to vector<16xf32>
        %mul3A_2005 = arith.mulf %get3A_2002, %mul3A_2004 : vector<16xf32>
        %swap3A_2006 = arith.constant 43 : i32
        %swap3A_2007 = arith.index_cast %scan3A_622 : i32 to index
        %swap3A_2008 = arith.index_cast %swap3A_2006 : i32 to index
        %swap3A_2009 = arith.constant 0 : index
        %swap3A_2010 = tpu.vector_load %arg8[%swap3A_2007, %swap3A_2008, %swap3A_2009] {strides = array<i32>} : memref<16x50x32xf32, #tpu.memory_space<vmem>>, vector<1x1x16xf32>,
        %swap3A_2011 = vector.shape_cast %swap3A_2010 : vector<1x1x16xf32> to vector<16xf32>
        %swap3A_2012 = vector.shape_cast %mul3A_2005 : vector<16xf32> to vector<1x1x16xf32>
        tpu.vector_store %arg8[%swap3A_2007, %swap3A_2008, %swap3A_2009], %swap3A_2012 {strides = array<i32>} : memref<16x50x32xf32, #tpu.memory_space<vmem>>, vector<1x1x16xf32>,
        %get3A_2013 = arith.constant 43 : i32
        %get3A_2014 = arith.index_cast %scan3A_622 : i32 to index
        %get3A_2015 = arith.index_cast %get3A_2013 : i32 to index
        %get3A_2016 = arith.constant 16 : index
        %get3A_2017 = tpu.vector_load %arg8[%get3A_2014, %get3A_2015, %get3A_2016] {strides = array<i32>} : memref<16x50x32xf32, #tpu.memory_space<vmem>>, vector<1x1x16xf32>,
        %get3A_2018 = vector.shape_cast %get3A_2017 : vector<1x1x16xf32> to vector<16xf32>
        %mul3A_2019 = arith.constant 1.000000e-03 : f32
        %mul3A_2020 = vector.broadcast %mul3A_2019 : f32 to vector<16xf32>
        %mul3A_2021 = arith.mulf %get3A_2018, %mul3A_2020 : vector<16xf32>
        %swap3A_2022 = arith.constant 43 : i32
        %swap3A_2023 = arith.index_cast %scan3A_622 : i32 to index
        %swap3A_2024 = arith.index_cast %swap3A_2022 : i32 to index
        %swap3A_2025 = arith.constant 16 : index
        %swap3A_2026 = tpu.vector_load %arg8[%swap3A_2023, %swap3A_2024, %swap3A_2025] {strides = array<i32>} : memref<16x50x32xf32, #tpu.memory_space<vmem>>, vector<1x1x16xf32>,
        %swap3A_2027 = vector.shape_cast %swap3A_2026 : vector<1x1x16xf32> to vector<16xf32>
        %swap3A_2028 = vector.shape_cast %mul3A_2021 : vector<16xf32> to vector<1x1x16xf32>
        tpu.vector_store %arg8[%swap3A_2023, %swap3A_2024, %swap3A_2025], %swap3A_2028 {strides = array<i32>} : memref<16x50x32xf32, #tpu.memory_space<vmem>>, vector<1x1x16xf32>,
        %get3A_2029 = arith.constant 44 : i32
        %get3A_2030 = arith.index_cast %scan3A_622 : i32 to index
        %get3A_2031 = arith.index_cast %get3A_2029 : i32 to index
        %get3A_2032 = arith.constant 0 : index
        %get3A_2033 = tpu.vector_load %arg8[%get3A_2030, %get3A_2031, %get3A_2032] {strides = array<i32>} : memref<16x50x32xf32, #tpu.memory_space<vmem>>, vector<1x1x16xf32>,
        %get3A_2034 = vector.shape_cast %get3A_2033 : vector<1x1x16xf32> to vector<16xf32>
        %mul3A_2035 = arith.constant 1.000000e-03 : f32
        %mul3A_2036 = vector.broadcast %mul3A_2035 : f32 to vector<16xf32>
        %mul3A_2037 = arith.mulf %get3A_2034, %mul3A_2036 : vector<16xf32>
        %swap3A_2038 = arith.constant 44 : i32
        %swap3A_2039 = arith.index_cast %scan3A_622 : i32 to index
        %swap3A_2040 = arith.index_cast %swap3A_2038 : i32 to index
        %swap3A_2041 = arith.constant 0 : index
        %swap3A_2042 = tpu.vector_load %arg8[%swap3A_2039, %swap3A_2040, %swap3A_2041] {strides = array<i32>} : memref<16x50x32xf32, #tpu.memory_space<vmem>>, vector<1x1x16xf32>,
        %swap3A_2043 = vector.shape_cast %swap3A_2042 : vector<1x1x16xf32> to vector<16xf32>
        %swap3A_2044 = vector.shape_cast %mul3A_2037 : vector<16xf32> to vector<1x1x16xf32>
        tpu.vector_store %arg8[%swap3A_2039, %swap3A_2040, %swap3A_2041], %swap3A_2044 {strides = array<i32>} : memref<16x50x32xf32, #tpu.memory_space<vmem>>, vector<1x1x16xf32>,
        %get3A_2045 = arith.constant 44 : i32
        %get3A_2046 = arith.index_cast %scan3A_622 : i32 to index
        %get3A_2047 = arith.index_cast %get3A_2045 : i32 to index
        %get3A_2048 = arith.constant 16 : index
        %get3A_2049 = tpu.vector_load %arg8[%get3A_2046, %get3A_2047, %get3A_2048] {strides = array<i32>} : memref<16x50x32xf32, #tpu.memory_space<vmem>>, vector<1x1x16xf32>,
        %get3A_2050 = vector.shape_cast %get3A_2049 : vector<1x1x16xf32> to vector<16xf32>
        %mul3A_2051 = arith.constant 1.000000e-03 : f32
        %mul3A_2052 = vector.broadcast %mul3A_2051 : f32 to vector<16xf32>
        %mul3A_2053 = arith.mulf %get3A_2050, %mul3A_2052 : vector<16xf32>
        %swap3A_2054 = arith.constant 44 : i32
        %swap3A_2055 = arith.index_cast %scan3A_622 : i32 to index
        %swap3A_2056 = arith.index_cast %swap3A_2054 : i32 to index
        %swap3A_2057 = arith.constant 16 : index
        %swap3A_2058 = tpu.vector_load %arg8[%swap3A_2055, %swap3A_2056, %swap3A_2057] {strides = array<i32>} : memref<16x50x32xf32, #tpu.memory_space<vmem>>, vector<1x1x16xf32>,
        %swap3A_2059 = vector.shape_cast %swap3A_2058 : vector<1x1x16xf32> to vector<16xf32>
        %swap3A_2060 = vector.shape_cast %mul3A_2053 : vector<16xf32> to vector<1x1x16xf32>
        tpu.vector_store %arg8[%swap3A_2055, %swap3A_2056, %swap3A_2057], %swap3A_2060 {strides = array<i32>} : memref<16x50x32xf32, #tpu.memory_space<vmem>>, vector<1x1x16xf32>,
        %get3A_2061 = arith.constant 45 : i32
        %get3A_2062 = arith.index_cast %scan3A_622 : i32 to index
        %get3A_2063 = arith.index_cast %get3A_2061 : i32 to index
        %get3A_2064 = arith.constant 0 : index
        %get3A_2065 = tpu.vector_load %arg8[%get3A_2062, %get3A_2063, %get3A_2064] {strides = array<i32>} : memref<16x50x32xf32, #tpu.memory_space<vmem>>, vector<1x1x16xf32>,
        %get3A_2066 = vector.shape_cast %get3A_2065 : vector<1x1x16xf32> to vector<16xf32>
        %mul3A_2067 = arith.constant 1.000000e-03 : f32
        %mul3A_2068 = vector.broadcast %mul3A_2067 : f32 to vector<16xf32>
        %mul3A_2069 = arith.mulf %get3A_2066, %mul3A_2068 : vector<16xf32>
        %swap3A_2070 = arith.constant 45 : i32
        %swap3A_2071 = arith.index_cast %scan3A_622 : i32 to index
        %swap3A_2072 = arith.index_cast %swap3A_2070 : i32 to index
        %swap3A_2073 = arith.constant 0 : index
        %swap3A_2074 = tpu.vector_load %arg8[%swap3A_2071, %swap3A_2072, %swap3A_2073] {strides = array<i32>} : memref<16x50x32xf32, #tpu.memory_space<vmem>>, vector<1x1x16xf32>,
        %swap3A_2075 = vector.shape_cast %swap3A_2074 : vector<1x1x16xf32> to vector<16xf32>
        %swap3A_2076 = vector.shape_cast %mul3A_2069 : vector<16xf32> to vector<1x1x16xf32>
        tpu.vector_store %arg8[%swap3A_2071, %swap3A_2072, %swap3A_2073], %swap3A_2076 {strides = array<i32>} : memref<16x50x32xf32, #tpu.memory_space<vmem>>, vector<1x1x16xf32>,
        %get3A_2077 = arith.constant 45 : i32
        %get3A_2078 = arith.index_cast %scan3A_622 : i32 to index
        %get3A_2079 = arith.index_cast %get3A_2077 : i32 to index
        %get3A_2080 = arith.constant 16 : index
        %get3A_2081 = tpu.vector_load %arg8[%get3A_2078, %get3A_2079, %get3A_2080] {strides = array<i32>} : memref<16x50x32xf32, #tpu.memory_space<vmem>>, vector<1x1x16xf32>,
        %get3A_2082 = vector.shape_cast %get3A_2081 : vector<1x1x16xf32> to vector<16xf32>
        %mul3A_2083 = arith.constant 1.000000e-03 : f32
        %mul3A_2084 = vector.broadcast %mul3A_2083 : f32 to vector<16xf32>
        %mul3A_2085 = arith.mulf %get3A_2082, %mul3A_2084 : vector<16xf32>
        %swap3A_2086 = arith.constant 45 : i32
        %swap3A_2087 = arith.index_cast %scan3A_622 : i32 to index
        %swap3A_2088 = arith.index_cast %swap3A_2086 : i32 to index
        %swap3A_2089 = arith.constant 16 : index
        %swap3A_2090 = tpu.vector_load %arg8[%swap3A_2087, %swap3A_2088, %swap3A_2089] {strides = array<i32>} : memref<16x50x32xf32, #tpu.memory_space<vmem>>, vector<1x1x16xf32>,
        %swap3A_2091 = vector.shape_cast %swap3A_2090 : vector<1x1x16xf32> to vector<16xf32>
        %swap3A_2092 = vector.shape_cast %mul3A_2085 : vector<16xf32> to vector<1x1x16xf32>
        tpu.vector_store %arg8[%swap3A_2087, %swap3A_2088, %swap3A_2089], %swap3A_2092 {strides = array<i32>} : memref<16x50x32xf32, #tpu.memory_space<vmem>>, vector<1x1x16xf32>,
        %get3A_2093 = arith.constant 46 : i32
        %get3A_2094 = arith.index_cast %scan3A_622 : i32 to index
        %get3A_2095 = arith.index_cast %get3A_2093 : i32 to index
        %get3A_2096 = arith.constant 0 : index
        %get3A_2097 = tpu.vector_load %arg8[%get3A_2094, %get3A_2095, %get3A_2096] {strides = array<i32>} : memref<16x50x32xf32, #tpu.memory_space<vmem>>, vector<1x1x16xf32>,
        %get3A_2098 = vector.shape_cast %get3A_2097 : vector<1x1x16xf32> to vector<16xf32>
        %mul3A_2099 = arith.constant 1.000000e-03 : f32
        %mul3A_2100 = vector.broadcast %mul3A_2099 : f32 to vector<16xf32>
        %mul3A_2101 = arith.mulf %get3A_2098, %mul3A_2100 : vector<16xf32>
        %swap3A_2102 = arith.constant 46 : i32
        %swap3A_2103 = arith.index_cast %scan3A_622 : i32 to index
        %swap3A_2104 = arith.index_cast %swap3A_2102 : i32 to index
        %swap3A_2105 = arith.constant 0 : index
        %swap3A_2106 = tpu.vector_load %arg8[%swap3A_2103, %swap3A_2104, %swap3A_2105] {strides = array<i32>} : memref<16x50x32xf32, #tpu.memory_space<vmem>>, vector<1x1x16xf32>,
        %swap3A_2107 = vector.shape_cast %swap3A_2106 : vector<1x1x16xf32> to vector<16xf32>
        %swap3A_2108 = vector.shape_cast %mul3A_2101 : vector<16xf32> to vector<1x1x16xf32>
        tpu.vector_store %arg8[%swap3A_2103, %swap3A_2104, %swap3A_2105], %swap3A_2108 {strides = array<i32>} : memref<16x50x32xf32, #tpu.memory_space<vmem>>, vector<1x1x16xf32>,
        %get3A_2109 = arith.constant 46 : i32
        %get3A_2110 = arith.index_cast %scan3A_622 : i32 to index
        %get3A_2111 = arith.index_cast %get3A_2109 : i32 to index
        %get3A_2112 = arith.constant 16 : index
        %get3A_2113 = tpu.vector_load %arg8[%get3A_2110, %get3A_2111, %get3A_2112] {strides = array<i32>} : memref<16x50x32xf32, #tpu.memory_space<vmem>>, vector<1x1x16xf32>,
        %get3A_2114 = vector.shape_cast %get3A_2113 : vector<1x1x16xf32> to vector<16xf32>
        %mul3A_2115 = arith.constant 1.000000e-03 : f32
        %mul3A_2116 = vector.broadcast %mul3A_2115 : f32 to vector<16xf32>
        %mul3A_2117 = arith.mulf %get3A_2114, %mul3A_2116 : vector<16xf32>
        %swap3A_2118 = arith.constant 46 : i32
        %swap3A_2119 = arith.index_cast %scan3A_622 : i32 to index
        %swap3A_2120 = arith.index_cast %swap3A_2118 : i32 to index
        %swap3A_2121 = arith.constant 16 : index
        %swap3A_2122 = tpu.vector_load %arg8[%swap3A_2119, %swap3A_2120, %swap3A_2121] {strides = array<i32>} : memref<16x50x32xf32, #tpu.memory_space<vmem>>, vector<1x1x16xf32>,
        %swap3A_2123 = vector.shape_cast %swap3A_2122 : vector<1x1x16xf32> to vector<16xf32>
        %swap3A_2124 = vector.shape_cast %mul3A_2117 : vector<16xf32> to vector<1x1x16xf32>
        tpu.vector_store %arg8[%swap3A_2119, %swap3A_2120, %swap3A_2121], %swap3A_2124 {strides = array<i32>} : memref<16x50x32xf32, #tpu.memory_space<vmem>>, vector<1x1x16xf32>,
        %get3A_2125 = arith.constant 47 : i32
        %get3A_2126 = arith.index_cast %scan3A_622 : i32 to index
        %get3A_2127 = arith.index_cast %get3A_2125 : i32 to index
        %get3A_2128 = arith.constant 0 : index
        %get3A_2129 = tpu.vector_load %arg8[%get3A_2126, %get3A_2127, %get3A_2128] {strides = array<i32>} : memref<16x50x32xf32, #tpu.memory_space<vmem>>, vector<1x1x16xf32>,
        %get3A_2130 = vector.shape_cast %get3A_2129 : vector<1x1x16xf32> to vector<16xf32>
        %mul3A_2131 = arith.constant 1.000000e-03 : f32
        %mul3A_2132 = vector.broadcast %mul3A_2131 : f32 to vector<16xf32>
        %mul3A_2133 = arith.mulf %get3A_2130, %mul3A_2132 : vector<16xf32>
        %swap3A_2134 = arith.constant 47 : i32
        %swap3A_2135 = arith.index_cast %scan3A_622 : i32 to index
        %swap3A_2136 = arith.index_cast %swap3A_2134 : i32 to index
        %swap3A_2137 = arith.constant 0 : index
        %swap3A_2138 = tpu.vector_load %arg8[%swap3A_2135, %swap3A_2136, %swap3A_2137] {strides = array<i32>} : memref<16x50x32xf32, #tpu.memory_space<vmem>>, vector<1x1x16xf32>,
        %swap3A_2139 = vector.shape_cast %swap3A_2138 : vector<1x1x16xf32> to vector<16xf32>
        %swap3A_2140 = vector.shape_cast %mul3A_2133 : vector<16xf32> to vector<1x1x16xf32>
        tpu.vector_store %arg8[%swap3A_2135, %swap3A_2136, %swap3A_2137], %swap3A_2140 {strides = array<i32>} : memref<16x50x32xf32, #tpu.memory_space<vmem>>, vector<1x1x16xf32>,
        %get3A_2141 = arith.constant 47 : i32
        %get3A_2142 = arith.index_cast %scan3A_622 : i32 to index
        %get3A_2143 = arith.index_cast %get3A_2141 : i32 to index
        %get3A_2144 = arith.constant 16 : index
        %get3A_2145 = tpu.vector_load %arg8[%get3A_2142, %get3A_2143, %get3A_2144] {strides = array<i32>} : memref<16x50x32xf32, #tpu.memory_space<vmem>>, vector<1x1x16xf32>,
        %get3A_2146 = vector.shape_cast %get3A_2145 : vector<1x1x16xf32> to vector<16xf32>
        %mul3A_2147 = arith.constant 1.000000e-03 : f32
        %mul3A_2148 = vector.broadcast %mul3A_2147 : f32 to vector<16xf32>
        %mul3A_2149 = arith.mulf %get3A_2146, %mul3A_2148 : vector<16xf32>
        %swap3A_2150 = arith.constant 47 : i32
        %swap3A_2151 = arith.index_cast %scan3A_622 : i32 to index
        %swap3A_2152 = arith.index_cast %swap3A_2150 : i32 to index
        %swap3A_2153 = arith.constant 16 : index
        %swap3A_2154 = tpu.vector_load %arg8[%swap3A_2151, %swap3A_2152, %swap3A_2153] {strides = array<i32>} : memref<16x50x32xf32, #tpu.memory_space<vmem>>, vector<1x1x16xf32>,
        %swap3A_2155 = vector.shape_cast %swap3A_2154 : vector<1x1x16xf32> to vector<16xf32>
        %swap3A_2156 = vector.shape_cast %mul3A_2149 : vector<16xf32> to vector<1x1x16xf32>
        tpu.vector_store %arg8[%swap3A_2151, %swap3A_2152, %swap3A_2153], %swap3A_2156 {strides = array<i32>} : memref<16x50x32xf32, #tpu.memory_space<vmem>>, vector<1x1x16xf32>,
        %get3A_2157 = arith.constant 48 : i32
        %get3A_2158 = arith.index_cast %scan3A_622 : i32 to index
        %get3A_2159 = arith.index_cast %get3A_2157 : i32 to index
        %get3A_2160 = arith.constant 0 : index
        %get3A_2161 = tpu.vector_load %arg8[%get3A_2158, %get3A_2159, %get3A_2160] {strides = array<i32>} : memref<16x50x32xf32, #tpu.memory_space<vmem>>, vector<1x1x16xf32>,
        %get3A_2162 = vector.shape_cast %get3A_2161 : vector<1x1x16xf32> to vector<16xf32>
        %mul3A_2163 = arith.constant 1.000000e-03 : f32
        %mul3A_2164 = vector.broadcast %mul3A_2163 : f32 to vector<16xf32>
        %mul3A_2165 = arith.mulf %get3A_2162, %mul3A_2164 : vector<16xf32>
        %swap3A_2166 = arith.constant 48 : i32
        %swap3A_2167 = arith.index_cast %scan3A_622 : i32 to index
        %swap3A_2168 = arith.index_cast %swap3A_2166 : i32 to index
        %swap3A_2169 = arith.constant 0 : index
        %swap3A_2170 = tpu.vector_load %arg8[%swap3A_2167, %swap3A_2168, %swap3A_2169] {strides = array<i32>} : memref<16x50x32xf32, #tpu.memory_space<vmem>>, vector<1x1x16xf32>,
        %swap3A_2171 = vector.shape_cast %swap3A_2170 : vector<1x1x16xf32> to vector<16xf32>
        %swap3A_2172 = vector.shape_cast %mul3A_2165 : vector<16xf32> to vector<1x1x16xf32>
        tpu.vector_store %arg8[%swap3A_2167, %swap3A_2168, %swap3A_2169], %swap3A_2172 {strides = array<i32>} : memref<16x50x32xf32, #tpu.memory_space<vmem>>, vector<1x1x16xf32>,
        %get3A_2173 = arith.constant 48 : i32
        %get3A_2174 = arith.index_cast %scan3A_622 : i32 to index
        %get3A_2175 = arith.index_cast %get3A_2173 : i32 to index
        %get3A_2176 = arith.constant 16 : index
        %get3A_2177 = tpu.vector_load %arg8[%get3A_2174, %get3A_2175, %get3A_2176] {strides = array<i32>} : memref<16x50x32xf32, #tpu.memory_space<vmem>>, vector<1x1x16xf32>,
        %get3A_2178 = vector.shape_cast %get3A_2177 : vector<1x1x16xf32> to vector<16xf32>
        %mul3A_2179 = arith.constant 1.000000e-03 : f32
        %mul3A_2180 = vector.broadcast %mul3A_2179 : f32 to vector<16xf32>
        %mul3A_2181 = arith.mulf %get3A_2178, %mul3A_2180 : vector<16xf32>
        %swap3A_2182 = arith.constant 48 : i32
        %swap3A_2183 = arith.index_cast %scan3A_622 : i32 to index
        %swap3A_2184 = arith.index_cast %swap3A_2182 : i32 to index
        %swap3A_2185 = arith.constant 16 : index
        %swap3A_2186 = tpu.vector_load %arg8[%swap3A_2183, %swap3A_2184, %swap3A_2185] {strides = array<i32>} : memref<16x50x32xf32, #tpu.memory_space<vmem>>, vector<1x1x16xf32>,
        %swap3A_2187 = vector.shape_cast %swap3A_2186 : vector<1x1x16xf32> to vector<16xf32>
        %swap3A_2188 = vector.shape_cast %mul3A_2181 : vector<16xf32> to vector<1x1x16xf32>
        tpu.vector_store %arg8[%swap3A_2183, %swap3A_2184, %swap3A_2185], %swap3A_2188 {strides = array<i32>} : memref<16x50x32xf32, #tpu.memory_space<vmem>>, vector<1x1x16xf32>,
        %get3A_2189 = arith.constant 49 : i32
        %get3A_2190 = arith.index_cast %scan3A_622 : i32 to index
        %get3A_2191 = arith.index_cast %get3A_2189 : i32 to index
        %get3A_2192 = arith.constant 0 : index
        %get3A_2193 = tpu.vector_load %arg8[%get3A_2190, %get3A_2191, %get3A_2192] {strides = array<i32>} : memref<16x50x32xf32, #tpu.memory_space<vmem>>, vector<1x1x16xf32>,
        %get3A_2194 = vector.shape_cast %get3A_2193 : vector<1x1x16xf32> to vector<16xf32>
        %mul3A_2195 = arith.constant 1.000000e-03 : f32
        %mul3A_2196 = vector.broadcast %mul3A_2195 : f32 to vector<16xf32>
        %mul3A_2197 = arith.mulf %get3A_2194, %mul3A_2196 : vector<16xf32>
        %swap3A_2198 = arith.constant 49 : i32
        %swap3A_2199 = arith.index_cast %scan3A_622 : i32 to index
        %swap3A_2200 = arith.index_cast %swap3A_2198 : i32 to index
        %swap3A_2201 = arith.constant 0 : index
        %swap3A_2202 = tpu.vector_load %arg8[%swap3A_2199, %swap3A_2200, %swap3A_2201] {strides = array<i32>} : memref<16x50x32xf32, #tpu.memory_space<vmem>>, vector<1x1x16xf32>,
        %swap3A_2203 = vector.shape_cast %swap3A_2202 : vector<1x1x16xf32> to vector<16xf32>
        %swap3A_2204 = vector.shape_cast %mul3A_2197 : vector<16xf32> to vector<1x1x16xf32>
        tpu.vector_store %arg8[%swap3A_2199, %swap3A_2200, %swap3A_2201], %swap3A_2204 {strides = array<i32>} : memref<16x50x32xf32, #tpu.memory_space<vmem>>, vector<1x1x16xf32>,
        %get3A_2205 = arith.constant 49 : i32
        %get3A_2206 = arith.index_cast %scan3A_622 : i32 to index
        %get3A_2207 = arith.index_cast %get3A_2205 : i32 to index
        %get3A_2208 = arith.constant 16 : index
        %get3A_2209 = tpu.vector_load %arg8[%get3A_2206, %get3A_2207, %get3A_2208] {strides = array<i32>} : memref<16x50x32xf32, #tpu.memory_space<vmem>>, vector<1x1x16xf32>,
        %get3A_2210 = vector.shape_cast %get3A_2209 : vector<1x1x16xf32> to vector<16xf32>
        %mul3A_2211 = arith.constant 1.000000e-03 : f32
        %mul3A_2212 = vector.broadcast %mul3A_2211 : f32 to vector<16xf32>
        %mul3A_2213 = arith.mulf %get3A_2210, %mul3A_2212 : vector<16xf32>
        %swap3A_2214 = arith.constant 49 : i32
        %swap3A_2215 = arith.index_cast %scan3A_622 : i32 to index
        %swap3A_2216 = arith.index_cast %swap3A_2214 : i32 to index
        %swap3A_2217 = arith.constant 16 : index
        %swap3A_2218 = tpu.vector_load %arg8[%swap3A_2215, %swap3A_2216, %swap3A_2217] {strides = array<i32>} : memref<16x50x32xf32, #tpu.memory_space<vmem>>, vector<1x1x16xf32>,
        %swap3A_2219 = vector.shape_cast %swap3A_2218 : vector<1x1x16xf32> to vector<16xf32>
        %swap3A_2220 = vector.shape_cast %mul3A_2213 : vector<16xf32> to vector<1x1x16xf32>
        tpu.vector_store %arg8[%swap3A_2215, %swap3A_2216, %swap3A_2217], %swap3A_2220 {strides = array<i32>} : memref<16x50x32xf32, #tpu.memory_space<vmem>>, vector<1x1x16xf32>,
      }
      %scan3A_617 = arith.constant 16 : i32
      %mul3A_618 = arith.constant 16 : i32
      %mul3A_619 = arith.muli %add3A_412, %mul3A_618 : i32
      %add3A_620 = arith.addi %mul3A_2, %mul3A_619 : i32
      %multiple_of3A_621 = tpu.assume_multiple %add3A_620, 16 : i32
      "tpu.region"() ({
        %run_scoped3A = tpu.sem_alloc : memref<!tpu.dma_semaphore, #tpu.memory_space<semaphore_mem>>
        %dma_start3A_622 = arith.constant 0 : i32
        %dma_start3A_623 = arith.constant 0 : i32
        %dma_start3A_624 = tpu.memref_slice %arg4[%multiple_of3A_621, %dma_start3A_622, %dma_start3A_623] : memref<16384x50x32xf32, #tpu.memory_space<hbm>> -> memref<16x50x32xf32, #tpu.memory_space<hbm>>
        %dma_start3A_625 = arith.constant 0 : i32
        %dma_start3A_626 = arith.constant 0 : i32
        %dma_start3A_627 = tpu.memref_slice %arg4[%multiple_of3A_621, %dma_start3A_625, %dma_start3A_626] : memref<16384x50x32xf32, #tpu.memory_space<hbm>> -> memref<16x50x32xf32, #tpu.memory_space<hbm>>
        tpu.enqueue_dma source(%arg8 : memref<16x50x32xf32, #tpu.memory_space<vmem>>) target(%dma_start3A_627 : memref<16x50x32xf32, #tpu.memory_space<hbm>>) target_semaphore(%run_scoped3A : memref<!tpu.dma_semaphore, #tpu.memory_space<semaphore_mem>>)
        %dma_wait3A_628 = arith.constant 0 : i32
        %dma_wait3A_629 = arith.constant 0 : i32
        %dma_wait3A_630 = tpu.memref_slice %arg4[%multiple_of3A_621, %dma_wait3A_628, %dma_wait3A_629] : memref<16384x50x32xf32, #tpu.memory_space<hbm>> -> memref<16x50x32xf32, #tpu.memory_space<hbm>>
        %dma_wait3A_631 = arith.constant 0 : i32
        %dma_wait3A_632 = arith.constant 0 : i32
        %dma_wait3A_633 = tpu.memref_slice %arg4[%multiple_of3A_621, %dma_wait3A_631, %dma_wait3A_632] : memref<16384x50x32xf32, #tpu.memory_space<hbm>> -> memref<16x50x32xf32, #tpu.memory_space<hbm>>
        tpu.wait_dma2 semaphore(%run_scoped3A : memref<!tpu.dma_semaphore, #tpu.memory_space<semaphore_mem>>) src(%arg8 : memref<16x50x32xf32, #tpu.memory_space<vmem>>) dst(%dma_wait3A_633 : memref<16x50x32xf32, #tpu.memory_space<hbm>>)
        tpu.yield
      }) : () -> ()
    }
    %scan3A_200 = arith.constant 16 : i32
    return
  }
}

</mosaic_0001>

<sc_bundles>
// kernel: _sc_embed.3.cloned.1.call-start
scs
__scs_entry_jumppad:
0x0: {  	(pc) =	sbr.rel $0x88, $3  }
0x1: {  	(tag) =	ssettag $0x0;
	lr =	simm.s32 $0x1  }
0x2: {  	[smem:$0x3F9F] =	sst lr;
	_ =	strace $0xD0000000  }
0x3: {  	_ = 	snop  }
0x4: {  	_ = 	snop  }
0x5: {  	_ = 	snop  }
0x6: {  	_ = 	snop  }
0x7: {  	_ = 	snop  }
__scs_overlays_trampoline_lowered:
0x8: {  	[smem:$0x3FAE] =	sst s0  }
0x9: {  	[smem:$0x3FAF] =	sst s1  }
0xa: {  	[smem:$0x3FB0] =	sst s2  }
0xb: {  	[smem:$0x3FB1] =	sst s3  }
0xc: {  	[smem:$0x3FB2] =	sst s4  }
0xd: {  	[smem:$0x3FB3] =	sst s5  }
0xe: {  	[smem:$0x3FB4] =	sst s6  }
0xf: {  	[smem:$0x3FB5] =	sst s7  }
0x10: {  	[smem:$0x3FB6] =	sst s8  }
0x11: {  	[smem:$0x3FB7] =	sst s9;
	s0 =	simm.s32 @!p0 $0x0  }
0x12: {  	s1 =	sld [smem:$0x3F9D];
	s0 =	simm.s32 @p0 $0x1  }
0x13: {  	[smem:$0x3FB8] =	sst s0;
	s0 =	simm.s32 @!p1 $0x0  }
0x14: {  	s2 =	sld [smem:$0x3F9C];
	s0 =	simm.s32 @p1 $0x1  }
0x15: {  	[smem:$0x3FB9] =	sst s0;
	s0 =	simm.s32 @!p2 $0x0  }
0x16: {  	s3 =	sld [smem:$0x3FDB];
	s0 =	simm.s32 @p2 $0x1  }
0x17: {  	s4 =	simm.s32 $0x1BF5;
	[smem:$0x3FBB] =	sst s0  }
0x18: {  	s0 =	sld [smem:$0x3F9E];
	_ =	swait.ge [sflag:s4], $0x0  }
0x19: {  	s7 =	sld [smem:$0x3F9F]  }
0x1a: {  	s8 =	sadd.s32 $0xFFFFE003, lr  }
0x1b: {  	s9 =	sadd.s32 $0xFFFFFEF7, lr;
	s5 =	simm.s32 $0xFFFFFFFF;
	p2 =	slt.u32 s8, $0xFFFFF086  }
0x1c: {  	p1 =	slt.u32 s9, $0xF7A;
	s5 =	simm.s32 @!p2 $0x0  }
0x1d: {  	s5 =	simm.s32 @p1 $0x1;
	p0 =	seq.s32 s7, s2  }
0x1e: {  	s7 =	smul.u32 @!p0 $0xF7A, s2;
	p2 =	seq.s32 @!p0 s5, $0x0  }
0x1f: {  	s9 =	smul.u32 $0xF7A, s1;
	s8 =	simm.s32 @!p0 $0x1BF5;
	p2 =	por !p2, p0  }
0x20: {  	[sflag:s8] =	ssyncset.s32 @!p0 $0xFFFFF086;
	s6 =	sadd.s32 @!p0 s3, s7;
	s7 =	simm.s32 @!p0 $0x108  }
0x21: {  	s3 =	sadd.s32 s3, s9;
	s6 =	sadd.s32 @!p0 $0x88, s6;
	s7 =	simm.s32 @p2 $0x1082  }
0x22: {  	[simem:s7], [sflag:s8] =	dma.local @!p0 [hbm:s6], $0xF7A  }
0x23: {  	s9 =	sor.u32 $0xD0000000, s2;
	s6 =	simm.s32 $0x108;
	_ =	swait.ge @!p0 [sflag:s8], $0x0  }
0x24: {  	s3 =	sadd.s32 $0x88, s3;
	s6 =	simm.s32 @!p1 $0x1082;
	[sflag:s4] =	ssyncset.s32 $0xFFFFF086  }
0x25: {  	[simem:s6], [sflag:s4] =	dma.local [hbm:s3], $0xF7A  }
0x26: {  	[smem:$0x3F9F] =	sst s1;
	(tag) =	ssettag s2;
	_ =	strace s9  }
0x27: {  	s1 =	sld [smem:$0x3FAF]  }
0x28: {  	s2 =	sld [smem:$0x3FB0]  }
0x29: {  	s4 =	sld [smem:$0x3FB2]  }
0x2a: {  	p0 =	seq.s32 s5, $0x0;
	s5 =	sld [smem:$0x3FB3]  }
0x2b: {  	s6 =	sld [smem:$0x3FB4]  }
0x2c: {  	s7 =	sld [smem:$0x3FB5]  }
0x2d: {  	s3 =	simm.s32 $0x108;
	s8 =	sld [smem:$0x3FB6]  }
0x2e: {  	s3 =	simm.s32 @!p0 $0x1082;
	s9 =	sld [smem:$0x3FB7]  }
0x2f: {  	lr =	sadd.s32 s0, s3;
	s0 =	sld [smem:$0x3FAE]  }
0x30: {  	s3 =	sld [smem:$0x3FB1]  }
0x31: {  	[smem:$0x3FBA] =	sst s10  }
0x32: {  	s10 =	sld [smem:$0x3FB8];
	_ =	sdelay $0x3  }
0x33: {  	p0 =	seq.s32 s10, $0x1;
	s10 =	sld [smem:$0x3FBA];
	_ =	sdelay $0x3  }
0x34: {  	[smem:$0x3FBA] =	sst s10  }
0x35: {  	s10 =	sld [smem:$0x3FB9];
	_ =	sdelay $0x3  }
0x36: {  	p1 =	seq.s32 s10, $0x1;
	s10 =	sld [smem:$0x3FBA];
	_ =	sdelay $0x3  }
0x37: {  	[smem:$0x3FBA] =	sst s10  }
0x38: {  	s10 =	sld [smem:$0x3FBB]  }
0x39: {  	_ = 	snop;
	(pc) =	sbr.ind lr, $3  }
0x3a: {  	_ = 	snop  }
0x3b: {  	_ = 	snop  }
0x3c: {  	p2 =	seq.s32 s10, $0x1;
	s10 =	sld [smem:$0x3FBA]  }
0x3d: {  	_ =	shalt  }
0x3e: {  	_ =	shalt  }
0x3f: {  	_ =	shalt  }
0x40: {  	_ =	shalt  }
0x41: {  	_ =	shalt  }
0x42: {  	_ =	shalt  }
0x43: {  	_ =	shalt  }
0x44: {  	_ =	shalt  }
0x45: {  	_ =	shalt  }
0x46: {  	_ =	shalt  }
0x47: {  	_ =	shalt  }
0x48: {  	_ =	shalt  }
0x49: {  	_ =	shalt  }
0x4a: {  	_ =	shalt  }
0x4b: {  	_ =	shalt  }
0x4c: {  	_ =	shalt  }
0x4d: {  	_ =	shalt  }
0x4e: {  	_ =	shalt  }
0x4f: {  	_ =	shalt  }
0x50: {  	_ =	shalt  }
0x51: {  	_ =	shalt  }
0x52: {  	_ =	shalt  }
0x53: {  	_ =	shalt  }
0x54: {  	_ =	shalt  }
0x55: {  	_ =	shalt  }
0x56: {  	_ =	shalt  }
0x57: {  	_ =	shalt  }
0x58: {  	_ =	shalt  }
0x59: {  	_ =	shalt  }
0x5a: {  	_ =	shalt  }
0x5b: {  	_ =	shalt  }
0x5c: {  	_ =	shalt  }
0x5d: {  	_ =	shalt  }
0x5e: {  	_ =	shalt  }
0x5f: {  	_ =	shalt  }
0x60: {  	_ =	shalt  }
0x61: {  	_ =	shalt  }
0x62: {  	_ =	shalt  }
0x63: {  	_ =	shalt  }
0x64: {  	_ =	shalt  }
0x65: {  	_ =	shalt  }
0x66: {  	_ =	shalt  }
0x67: {  	_ =	shalt  }
0x68: {  	_ =	shalt  }
0x69: {  	_ =	shalt  }
0x6a: {  	_ =	shalt  }
0x6b: {  	_ =	shalt  }
0x6c: {  	_ =	shalt  }
0x6d: {  	_ =	shalt  }
0x6e: {  	_ =	shalt  }
0x6f: {  	_ =	shalt  }
0x70: {  	_ =	shalt  }
0x71: {  	_ =	shalt  }
0x72: {  	_ =	shalt  }
0x73: {  	_ =	shalt  }
0x74: {  	_ =	shalt  }
0x75: {  	_ =	shalt  }
0x76: {  	_ =	shalt  }
0x77: {  	_ =	shalt  }
0x78: {  	_ =	shalt  }
0x79: {  	_ =	shalt  }
0x7a: {  	_ =	shalt  }
0x7b: {  	_ =	shalt  }
0x7c: {  	_ =	shalt  }
0x7d: {  	_ =	shalt  }
0x7e: {  	_ =	shalt  }
0x7f: {  	_ =	shalt  }
0x80: {  	_ =	shalt  }
0x81: {  	_ =	shalt  }
0x82: {  	_ =	shalt  }
0x83: {  	_ =	shalt  }
0x84: {  	_ =	shalt  }
0x85: {  	_ =	shalt  }
0x86: {  	_ =	shalt  }
0x87: {  	_ =	shalt  }
.Lfunc_end0:
.L_simem_size_0:
called_computation.1_lowered:
.L_overlay_start_0:
0x88: {  	s2 =	sld [smem:$0x3FD9]  }
0x89: {  	s3 =	sld [smem:$0x3FFE];
	_ =	sdelay $0x1  }
0x8a: {  	s1 =	srdreg.scid  }
0x8b: {  	s0 =	sand.u32 $0x1, s1  }
0x8c: {  	s17 =	sshll.u32 s0, $0xA;
	s2 =	sadd.s32 s3, s2  }
0x8d: {  	s2 =	sadd.s32 s2, s17  }
0x8e: {  	[smem:$0x3FC6] =	sst s2  }
0x8f: {  	_ = 	snop  }
0x90: {  	s2 =	sld [smem:$0x3FD0];
	(tm) =	ssettm $0x1  }
0x91: {  	s18 =	sld [smem:$0x3FFB];
	_ =	sdelay $0x3  }
0x92: {  	_ =	strace s18  }
0x93: {  	s3 =	sld [smem:$0x3FFC];
	_ =	sdelay $0x3  }
0x94: {  	_ =	strace s3  }
0x95: {  	s3 =	sld [smem:$0x3FFD];
	_ =	sdelay $0x3  }
0x96: {  	_ =	strace s3  }
0x97: {  	_ =	strace $0x8FFFFFFF  }
0x98: {  	s19 =	sld [smem:$0x3FDB];
	_ =	sdelay $0x1  }
0x99: {  	s4 =	simm.s32 $_scs_section_size  }
0x9a: {  	s5 =	simm.s32 $_size__tile_overlayer_lowered;
	s6 =	simm.s32 $_tile_overlayer_lowered  }
0x9b: {  	s22 =	simm.s32 $0x1BFF;
	s21 =	sshll.u32 s6, $0x1;
	s3 =	sadd.s32 s4, s19  }
0x9c: {  	s7 =	simm.s32 $0x0;
	s20 =	sshll.u32 s5, $0x1;
	s5 =	sadd.s32 s21, s3  }
0x9d: {  	[timem:s7], [sflag:s22] =	dma.local [hbm:s5], s20  }
0x9e: {  	_ =	swait.ge [sflag:s22], s20  }
0x9f: {  	s4 =	ssub.s32 $0x0, s20;
	[sflag:s22] =	ssyncset.done $0x0  }
0xa0: {  	[sflag:s22] =	ssyncadd.s32 s4;
	_ =	sdelay $0x1  }
0xa1: {  	s23 =	simm.s32 $0x1B8B  }
0xa2: {  	_ =	swait.ge [sflag:s23], $0x1  }
0xa3: {  	[sflag:s23] =	ssyncset.done $0x0  }
0xa4: {  	s25 =	simm.s32 $0x1B8E;
	s24 =	sld [smem:$0x3FFE];
	[sflag:s23] =	ssyncadd.s32 $0xFFFFFFFF  }
0xa5: {  	s26 =	simm.s32 $execute0_lowered;
	[smem:$0x3FD2] =	sst s25  }
0xa6: {  	s5 =	sshll.u32 s26, $0x1;
	_ =	strace $0x80000046;
	[dreg:$0x1] =	wrdreg $0xFFFFFFFF  }
0xa7: {  	s28 =	simm.s32 $_size_execute0_lowered;
	s3 =	sadd.s32 s3, s5;
	[dreg:$0x0] =	wrdreg $0x0  }
0xa8: {  	s5 =	sshll.u32 s28, $0x1;
	[dreg:$0x2] =	wrdreg s3  }
0xa9: {  	[dreg:$0x3] =	wrdreg s5  }
0xaa: {  	[dreg:$0x4] =	wrdreg $0xC0  }
0xab: {  	_ =	task [dreg:s7], $0x5FFFF  }
0xac: {  	[dreg:$0x1] =	wrdreg $0xFFFFFFFF  }
0xad: {  	[dreg:$0x0] =	wrdreg $0x60  }
0xae: {  	[dreg:$0x2] =	wrdreg s24  }
0xaf: {  	[dreg:$0x3] =	wrdreg s2  }
0xb0: {  	[dreg:$0x4] =	wrdreg $0x9  }
0xb1: {  	_ =	task.clear_ibuf [dreg:s7], $0x5FFFF;
	_ =	strace $0x90000046  }
0xb2: {  	s29 =	simm.s32 $0x9;
	_ =	strace $0x80000048  }
0xb3: {  	_ =	swait.ge [sflag:s29], $0x1  }
0xb4: {  	[sflag:s29] =	ssyncadd.s32 $0xFFFFFFFF  }
0xb5: {  	_ =	strace $0x90000048  }
0xb6: {  	_ =	sfence  }
0xb7: {  	s30 =	sld [smem:$0x0];
	_ =	sdelay $0x2  }
0xb8: {  	s31 =	sshll.u32 s1, $0xD;
	s1 =	sshrl.u32 s1, $0x2  }
0xb9: {  	s3 =	sand.u32 $0x4000, s31;
	s1 =	sadd.s32 s1, s30  }
0xba: {  	s0 =	sor.u32 s3, s0;
	s1 =	sshll.u32 s1, $0x11  }
0xbb: {  	s0 =	sor.u32 s1, s0  }
0xbc: {  	s0 =	sadd.s32 $0x8F2B, s0  }
0xbd: {  	[sflag:s0] =	ssyncadd.remote.s32 $0x1  }
0xbe: {  	_ =	sfence.sel $0xFFFF  }
0xbf: {  	[dreg:$0x0] =	wrdreg $0xFFFFFFFF;
	(pc) =	sbr.abs _section_cstart, $3  }
0xc0: {  	[dreg:$0x1] =	wrdreg $0xFFFFFFFF  }
0xc1: {  	_ =	task.clear_ibuf [dreg:s7], $0x2FFFF;
	_ =	strace $0x9FFFFFFF  }
0xc2: {  	(tm) =	ssettm $0x7FFFFFFF  }
0xc3: {  	_ =	shalt  }
tec
execute0_lowered:
.L_overlay_start_1:
0x0: {  	(tag) =	ssettag $0x1  }
0x1: {  	s0 =	rddreg [dreg:$0x0]  }
0x2: {  	s2 =	rddreg [dreg:$0x1];
	s1 =	srdreg.scid  }
0x3: {  	s4 =	stileid.u32;
	s3 =	simm.s32 $0x0;
	s11 =	simm.s32 $0x3  }
0x4: {  	s12 =	simm.s32 $0x32;
	s13 =	simm.s32 $0x700;
	s28 =	simm.s32 $0xA980  }
0x5: {  	s29 =	simm.s32 $0x5E8;
	s30 =	simm.s32 $0xAFC0;
	s31 =	simm.s32 $0x620  }
0x6: {  	s14 =	simm.s32 $0xBC40;
	s15 =	simm.s32 $0x690;
	s16 =	simm.s32 $0xC280  }
0x7: {  	s17 =	simm.s32 $0x6C8;
	s18 =	simm.s32 $0xC8C0;
	s19 =	simm.s32 $0x1  }
0x8: {  	s20 =	simm.s32 $0x2;
	s10 =	simm.s32 $0x0;
	s1 =	sand.u32 $0x1, s1  }
0x9: {  	s4 =	sshll.u32 s4, $0xA;
	[smem:$0x7FF] =	sst s3;
	s6 =	sadd.s32 $0xF42E00, s0  }
0xa: {  	s5 =	sshll.u32 s1, $0x9;
	s1 =	ssub.s32 $0x2, s1;
	_ =	strace $0x80000047  }
0xb: {  	s4 =	sor.u32 s5, s4;
	s7 =	sshrl.u32 s1, $0x1;
	s5 =	sadd.s32 $0xA00, s0  }
0xc: {  	s8 =	smul.u32 $0x7, s4;
	s25 =	ssub.s32 s1, s7;
	s9 =	sor.u32 $0x20, s4  }
0xd: {  	s1 =	simm.s32 $0x658;
	s0 =	smax.u32 s25, $0x1;
	s25 =	simm.s32 $0x380  }
0xe: {  	s26 =	sadd.s32 s5, s8;
	s8 =	sor.u32 $0x10, s4;
	[dreg:$0x4] =	wrdreg s0  }
0xf: {  	s0 =	simm.s32 $0xB600;
	[dreg:$0x3] =	wrdreg s26;
	s26 =	simm.s32 $0x6B00  }
.LBB2_1:
0x10: {  	[dreg:$0x5] =	wrdreg s10  }
0x11: {  	s7 =	rddreg [dreg:$0x3]  }
0x12: {  	[tilespmem:s3], [sflag:$0x3] =	stream.linear.gather [hbm4b:s7+s3], $0x380, $0x38;
	[tilespmem:$0xCF00] =	vst v63  }
0x13: {  	_ =	swait.ge [sflag:s11], $0x380  }
0x14: {  	[sflag:s11] =	ssyncset.done $0x0  }
0x15: {  	[sflag:s11] =	ssyncadd.s32 $0xFFFFFC80  }
0x16: {  	[tilespmem:s13], [sflag:$0x1] =	stream.indirect.gather [hbm4b:s6+s12], $0x20, s3, s12, $0xb8;
	[tilespmem:$0xCF00] =	vst v63  }
0x17: {  	s23 =	simm.s32 $0x38;
	s24 =	simm.s32 $0xD40  }
0x18: {  	[tilespmem:s24], [sflag:$0x1] =	stream.indirect.gather [hbm4b:s6+s12], $0x20, s23, s12, $0xb8;
	[tilespmem:$0xCF00] =	vst v63  }
0x19: {  	s21 =	simm.s32 $0x70;
	s22 =	simm.s32 $0x1380  }
0x1a: {  	[tilespmem:s22], [sflag:$0x1] =	stream.indirect.gather [hbm4b:s6+s12], $0x20, s21, s12, $0xb8;
	[tilespmem:$0xCF00] =	vst v63  }
0x1b: {  	s23 =	simm.s32 $0xA8;
	s24 =	simm.s32 $0x19C0  }
0x1c: {  	[tilespmem:s24], [sflag:$0x1] =	stream.indirect.gather [hbm4b:s6+s12], $0x20, s23, s12, $0xb8;
	[tilespmem:$0xCF00] =	vst v63  }
0x1d: {  	s21 =	simm.s32 $0xE0;
	s22 =	simm.s32 $0x2000  }
0x1e: {  	[tilespmem:s22], [sflag:$0x1] =	stream.indirect.gather [hbm4b:s6+s12], $0x20, s21, s12, $0xb8;
	[tilespmem:$0xCF00] =	vst v63  }
0x1f: {  	s23 =	simm.s32 $0x118;
	s24 =	simm.s32 $0x2640  }
0x20: {  	[tilespmem:s24], [sflag:$0x1] =	stream.indirect.gather [hbm4b:s6+s12], $0x20, s23, s12, $0xb8;
	[tilespmem:$0xCF00] =	vst v63  }
0x21: {  	s21 =	simm.s32 $0x150;
	s22 =	simm.s32 $0x2C80  }
0x22: {  	[tilespmem:s22], [sflag:$0x1] =	stream.indirect.gather [hbm4b:s6+s12], $0x20, s21, s12, $0xb8;
	[tilespmem:$0xCF00] =	vst v63  }
0x23: {  	s23 =	simm.s32 $0x188;
	s24 =	simm.s32 $0x32C0  }
0x24: {  	[tilespmem:s24], [sflag:$0x1] =	stream.indirect.gather [hbm4b:s6+s12], $0x20, s23, s12, $0xb8;
	[tilespmem:$0xCF00] =	vst v63  }
0x25: {  	s21 =	simm.s32 $0x1C0;
	s22 =	simm.s32 $0x3900  }
0x26: {  	[tilespmem:s22], [sflag:$0x1] =	stream.indirect.gather [hbm4b:s6+s12], $0x20, s21, s12, $0xb8;
	[tilespmem:$0xCF00] =	vst v63  }
0x27: {  	s23 =	simm.s32 $0x1F8;
	s24 =	simm.s32 $0x3F40  }
0x28: {  	[tilespmem:s24], [sflag:$0x1] =	stream.indirect.gather [hbm4b:s6+s12], $0x20, s23, s12, $0xb8;
	[tilespmem:$0xCF00] =	vst v63  }
0x29: {  	s21 =	simm.s32 $0x230;
	s22 =	simm.s32 $0x4580  }
0x2a: {  	[tilespmem:s22], [sflag:$0x1] =	stream.indirect.gather [hbm4b:s6+s12], $0x20, s21, s12, $0xb8;
	[tilespmem:$0xCF00] =	vst v63  }
0x2b: {  	s23 =	simm.s32 $0x268;
	s24 =	simm.s32 $0x4BC0  }
0x2c: {  	[tilespmem:s24], [sflag:$0x1] =	stream.indirect.gather [hbm4b:s6+s12], $0x20, s23, s12, $0xb8;
	[tilespmem:$0xCF00] =	vst v63  }
0x2d: {  	s21 =	simm.s32 $0x2A0;
	s22 =	simm.s32 $0x5200  }
0x2e: {  	[tilespmem:s22], [sflag:$0x1] =	stream.indirect.gather [hbm4b:s6+s12], $0x20, s21, s12, $0xb8;
	[tilespmem:$0xCF00] =	vst v63  }
0x2f: {  	s23 =	simm.s32 $0x2D8;
	s24 =	simm.s32 $0x5840  }
0x30: {  	[tilespmem:s24], [sflag:$0x1] =	stream.indirect.gather [hbm4b:s6+s12], $0x20, s23, s12, $0xb8;
	[tilespmem:$0xCF00] =	vst v63  }
0x31: {  	s21 =	simm.s32 $0x310;
	s22 =	simm.s32 $0x5E80  }
0x32: {  	[tilespmem:s22], [sflag:$0x1] =	stream.indirect.gather [hbm4b:s6+s12], $0x20, s21, s12, $0xb8;
	[tilespmem:$0xCF00] =	vst v63  }
0x33: {  	s23 =	simm.s32 $0x348;
	s24 =	simm.s32 $0x64C0;
	s21 =	simm.s32 $0x0  }
0x34: {  	[tilespmem:s24], [sflag:$0x1] =	stream.indirect.gather [hbm4b:s6+s12], $0x20, s23, s12, $0xb8;
	[tilespmem:$0xCF00] =	vst v63  }
.LBB2_2:
0x35: {  	s23 =	sshll.u32 s21, $0x5  }
0x36: {  	s22 =	sadd.s32 s8, s23  }
0x37: {  	s7 =	smul.u32 $0x7, s22;
	_ =	sdelay $0x1  }
0x38: {  	s24 =	sadd.s32 s5, s7;
	s7 =	simm.s32 $0x0  }
0x39: {  	[tilespmem:s25], [sflag:$0x3] =	stream.linear.gather [hbm4b:s24+s7], $0x380, $0x38;
	[tilespmem:$0xCF00] =	vst v63  }
0x3a: {  	_ =	swait.ge [sflag:s11], $0x380  }
0x3b: {  	[sflag:s11] =	ssyncset.done $0x0  }
0x3c: {  	[sflag:s11] =	ssyncadd.s32 $0xFFFFFC80  }
0x3d: {  	[tilespmem:s26], [sflag:$0x2] =	stream.indirect.gather [hbm4b:s6+s12], $0x20, s25, s12, $0xb8;
	[tilespmem:$0xCF00] =	vst v63  }
0x3e: {  	s10 =	simm.s32 $0x3B8;
	s24 =	simm.s32 $0x7140  }
0x3f: {  	[tilespmem:s24], [sflag:$0x2] =	stream.indirect.gather [hbm4b:s6+s12], $0x20, s10, s12, $0xb8;
	[tilespmem:$0xCF00] =	vst v63  }
0x40: {  	s10 =	simm.s32 $0x3F0;
	s24 =	simm.s32 $0x7780  }
0x41: {  	[tilespmem:s24], [sflag:$0x2] =	stream.indirect.gather [hbm4b:s6+s12], $0x20, s10, s12, $0xb8;
	[tilespmem:$0xCF00] =	vst v63  }
0x42: {  	s10 =	simm.s32 $0x428;
	s24 =	simm.s32 $0x7DC0  }
0x43: {  	[tilespmem:s24], [sflag:$0x2] =	stream.indirect.gather [hbm4b:s6+s12], $0x20, s10, s12, $0xb8;
	[tilespmem:$0xCF00] =	vst v63  }
0x44: {  	s10 =	simm.s32 $0x460;
	s24 =	simm.s32 $0x8400  }
0x45: {  	[tilespmem:s24], [sflag:$0x2] =	stream.indirect.gather [hbm4b:s6+s12], $0x20, s10, s12, $0xb8;
	[tilespmem:$0xCF00] =	vst v63  }
0x46: {  	s10 =	simm.s32 $0x498;
	s24 =	simm.s32 $0x8A40  }
0x47: {  	[tilespmem:s24], [sflag:$0x2] =	stream.indirect.gather [hbm4b:s6+s12], $0x20, s10, s12, $0xb8;
	[tilespmem:$0xCF00] =	vst v63  }
0x48: {  	s10 =	simm.s32 $0x4D0;
	s24 =	simm.s32 $0x9080  }
0x49: {  	[tilespmem:s24], [sflag:$0x2] =	stream.indirect.gather [hbm4b:s6+s12], $0x20, s10, s12, $0xb8;
	[tilespmem:$0xCF00] =	vst v63  }
0x4a: {  	s10 =	simm.s32 $0x508;
	s24 =	simm.s32 $0x96C0  }
0x4b: {  	[tilespmem:s24], [sflag:$0x2] =	stream.indirect.gather [hbm4b:s6+s12], $0x20, s10, s12, $0xb8;
	[tilespmem:$0xCF00] =	vst v63  }
0x4c: {  	s10 =	simm.s32 $0x540;
	s24 =	simm.s32 $0x9D00  }
0x4d: {  	[tilespmem:s24], [sflag:$0x2] =	stream.indirect.gather [hbm4b:s6+s12], $0x20, s10, s12, $0xb8;
	[tilespmem:$0xCF00] =	vst v63  }
0x4e: {  	s10 =	simm.s32 $0x578;
	s24 =	simm.s32 $0xA340  }
0x4f: {  	[tilespmem:s24], [sflag:$0x2] =	stream.indirect.gather [hbm4b:s6+s12], $0x20, s10, s12, $0xb8;
	[tilespmem:$0xCF00] =	vst v63  }
0x50: {  	s24 =	simm.s32 $0x5B0  }
0x51: {  	[tilespmem:s28], [sflag:$0x2] =	stream.indirect.gather [hbm4b:s6+s12], $0x20, s24, s12, $0xb8;
	[tilespmem:$0xCF00] =	vst v63  }
0x52: {  	_ = 	snop  }
0x53: {  	[tilespmem:s30], [sflag:$0x2] =	stream.indirect.gather [hbm4b:s6+s12], $0x20, s29, s12, $0xb8;
	[tilespmem:$0xCF00] =	vst v63  }
0x54: {  	_ = 	snop  }
0x55: {  	[tilespmem:s0], [sflag:$0x2] =	stream.indirect.gather [hbm4b:s6+s12], $0x20, s31, s12, $0xb8;
	[tilespmem:$0xCF00] =	vst v63  }
0x56: {  	_ = 	snop  }
0x57: {  	[tilespmem:s14], [sflag:$0x2] =	stream.indirect.gather [hbm4b:s6+s12], $0x20, s1, s12, $0xb8;
	[tilespmem:$0xCF00] =	vst v63  }
0x58: {  	_ = 	snop  }
0x59: {  	[tilespmem:s16], [sflag:$0x2] =	stream.indirect.gather [hbm4b:s6+s12], $0x20, s15, s12, $0xb8;
	[tilespmem:$0xCF00] =	vst v63  }
0x5a: {  	_ = 	snop  }
0x5b: {  	[tilespmem:s18], [sflag:$0x2] =	stream.indirect.gather [hbm4b:s6+s12], $0x20, s17, s12, $0xb8;
	[tilespmem:$0xCF00] =	vst v63  }
0x5c: {  	_ =	swait.ge [sflag:s19], $0x640  }
0x5d: {  	[sflag:s19] =	ssyncset.done $0x0  }
0x5e: {  	[sflag:s19] =	ssyncadd.s32 $0xFFFFF9C0  }
0x5f: {  	_ =	swait.ge [sflag:s19], $0x640  }
0x60: {  	[sflag:s19] =	ssyncset.done $0x0  }
0x61: {  	[sflag:s19] =	ssyncadd.s32 $0xFFFFF9C0  }
0x62: {  	_ =	swait.ge [sflag:s19], $0x640  }
0x63: {  	[sflag:s19] =	ssyncset.done $0x0  }
0x64: {  	[sflag:s19] =	ssyncadd.s32 $0xFFFFF9C0  }
0x65: {  	_ =	swait.ge [sflag:s19], $0x640  }
0x66: {  	[sflag:s19] =	ssyncset.done $0x0  }
0x67: {  	[sflag:s19] =	ssyncadd.s32 $0xFFFFF9C0  }
0x68: {  	_ =	swait.ge [sflag:s19], $0x640  }
0x69: {  	[sflag:s19] =	ssyncset.done $0x0  }
0x6a: {  	[sflag:s19] =	ssyncadd.s32 $0xFFFFF9C0  }
0x6b: {  	_ =	swait.ge [sflag:s19], $0x640  }
0x6c: {  	[sflag:s19] =	ssyncset.done $0x0  }
0x6d: {  	[sflag:s19] =	ssyncadd.s32 $0xFFFFF9C0  }
0x6e: {  	_ =	swait.ge [sflag:s19], $0x640  }
0x6f: {  	[sflag:s19] =	ssyncset.done $0x0  }
0x70: {  	[sflag:s19] =	ssyncadd.s32 $0xFFFFF9C0  }
0x71: {  	_ =	swait.ge [sflag:s19], $0x640  }
0x72: {  	[sflag:s19] =	ssyncset.done $0x0  }
0x73: {  	[sflag:s19] =	ssyncadd.s32 $0xFFFFF9C0  }
0x74: {  	_ =	swait.ge [sflag:s19], $0x640  }
0x75: {  	[sflag:s19] =	ssyncset.done $0x0  }
0x76: {  	[sflag:s19] =	ssyncadd.s32 $0xFFFFF9C0  }
0x77: {  	_ =	swait.ge [sflag:s19], $0x640  }
0x78: {  	[sflag:s19] =	ssyncset.done $0x0  }
0x79: {  	[sflag:s19] =	ssyncadd.s32 $0xFFFFF9C0  }
0x7a: {  	_ =	swait.ge [sflag:s19], $0x640  }
0x7b: {  	[sflag:s19] =	ssyncset.done $0x0  }
0x7c: {  	[sflag:s19] =	ssyncadd.s32 $0xFFFFF9C0  }
0x7d: {  	_ =	swait.ge [sflag:s19], $0x640  }
0x7e: {  	[sflag:s19] =	ssyncset.done $0x0  }
0x7f: {  	[sflag:s19] =	ssyncadd.s32 $0xFFFFF9C0  }
0x80: {  	_ =	swait.ge [sflag:s19], $0x640  }
0x81: {  	[sflag:s19] =	ssyncset.done $0x0  }
0x82: {  	[sflag:s19] =	ssyncadd.s32 $0xFFFFF9C0  }
0x83: {  	_ =	swait.ge [sflag:s19], $0x640  }
0x84: {  	[sflag:s19] =	ssyncset.done $0x0  }
0x85: {  	[sflag:s19] =	ssyncadd.s32 $0xFFFFF9C0  }
0x86: {  	_ =	swait.ge [sflag:s19], $0x640  }
0x87: {  	[sflag:s19] =	ssyncset.done $0x0  }
0x88: {  	[sflag:s19] =	ssyncadd.s32 $0xFFFFF9C0  }
0x89: {  	s7 =	smul.u32 $0x1900, s7;
	_ =	swait.ge [sflag:s19], $0x640  }
0x8a: {  	[sflag:s19] =	ssyncset.done $0x0  }
0x8b: {  	s24 =	sshra.s32 s7, $0x2;
	[sflag:s19] =	ssyncadd.s32 $0xFFFFF9C0  }
0x8c: {  	v0 =	vld [tilespmem:s24+$0x700]  }
0x8d: {  	v1 =	vld [tilespmem:s24+$0x710]  }
0x8e: {  	v2 =	vld [tilespmem:s24+$0x720]  }
0x8f: {  	v3 =	vld [tilespmem:s24+$0x730]  }
0x90: {  	v4 =	vld [tilespmem:s24+$0x740]  }
0x91: {  	v5 =	vld [tilespmem:s24+$0x750];
	v0 =	vmul.f32 $1.000000050e-03, v0  }
0x92: {  	v6 =	vld [tilespmem:s24+$0x760];
	v1 =	vmul.f32 $1.000000050e-03, v1  }
0x93: {  	v2 =	vmul.f32 $1.000000050e-03, v2;
	[tilespmem:s24+$0x700] =	vst v0;
	v0 =	vld [tilespmem:s24+$0x770]  }
0x94: {  	v3 =	vmul.f32 $1.000000050e-03, v3;
	[tilespmem:s24+$0x710] =	vst v1;
	v1 =	vld [tilespmem:s24+$0x780]  }
0x95: {  	v4 =	vmul.f32 $1.000000050e-03, v4;
	[tilespmem:s24+$0x720] =	vst v2;
	v2 =	vld [tilespmem:s24+$0x790]  }
0x96: {  	v5 =	vmul.f32 $1.000000050e-03, v5;
	[tilespmem:s24+$0x730] =	vst v3;
	v3 =	vld [tilespmem:s24+$0x7A0]  }
0x97: {  	v6 =	vmul.f32 $1.000000050e-03, v6;
	[tilespmem:s24+$0x740] =	vst v4;
	v4 =	vld [tilespmem:s24+$0x7B0]  }
0x98: {  	[tilespmem:s24+$0x750] =	vst v5;
	v5 =	vld [tilespmem:s24+$0x7C0];
	v0 =	vmul.f32 $1.000000050e-03, v0  }
0x99: {  	[tilespmem:s24+$0x760] =	vst v6;
	v6 =	vld [tilespmem:s24+$0x7D0];
	v1 =	vmul.f32 $1.000000050e-03, v1  }
0x9a: {  	v2 =	vmul.f32 $1.000000050e-03, v2;
	[tilespmem:s24+$0x770] =	vst v0;
	v0 =	vld [tilespmem:s24+$0x7E0]  }
0x9b: {  	v3 =	vmul.f32 $1.000000050e-03, v3;
	[tilespmem:s24+$0x780] =	vst v1;
	v1 =	vld [tilespmem:s24+$0x7F0]  }
0x9c: {  	v4 =	vmul.f32 $1.000000050e-03, v4;
	[tilespmem:s24+$0x790] =	vst v2;
	v2 =	vld [tilespmem:s24+$0x800]  }
0x9d: {  	v5 =	vmul.f32 $1.000000050e-03, v5;
	[tilespmem:s24+$0x7A0] =	vst v3;
	v3 =	vld [tilespmem:s24+$0x810]  }
0x9e: {  	v6 =	vmul.f32 $1.000000050e-03, v6;
	[tilespmem:s24+$0x7B0] =	vst v4;
	v4 =	vld [tilespmem:s24+$0x820]  }
0x9f: {  	[tilespmem:s24+$0x7C0] =	vst v5;
	v5 =	vld [tilespmem:s24+$0x830];
	v0 =	vmul.f32 $1.000000050e-03, v0  }
0xa0: {  	[tilespmem:s24+$0x7D0] =	vst v6;
	v6 =	vld [tilespmem:s24+$0x840];
	v1 =	vmul.f32 $1.000000050e-03, v1  }
0xa1: {  	v2 =	vmul.f32 $1.000000050e-03, v2;
	[tilespmem:s24+$0x7E0] =	vst v0;
	v0 =	vld [tilespmem:s24+$0x850]  }
0xa2: {  	v3 =	vmul.f32 $1.000000050e-03, v3;
	[tilespmem:s24+$0x7F0] =	vst v1;
	v1 =	vld [tilespmem:s24+$0x860]  }
0xa3: {  	v4 =	vmul.f32 $1.000000050e-03, v4;
	[tilespmem:s24+$0x800] =	vst v2;
	v2 =	vld [tilespmem:s24+$0x870]  }
0xa4: {  	v5 =	vmul.f32 $1.000000050e-03, v5;
	[tilespmem:s24+$0x810] =	vst v3;
	v3 =	vld [tilespmem:s24+$0x880]  }
0xa5: {  	v6 =	vmul.f32 $1.000000050e-03, v6;
	[tilespmem:s24+$0x820] =	vst v4;
	v4 =	vld [tilespmem:s24+$0x890]  }
0xa6: {  	[tilespmem:s24+$0x830] =	vst v5;
	v5 =	vld [tilespmem:s24+$0x8A0];
	v0 =	vmul.f32 $1.000000050e-03, v0  }
0xa7: {  	[tilespmem:s24+$0x840] =	vst v6;
	v6 =	vld [tilespmem:s24+$0x8B0];
	v1 =	vmul.f32 $1.000000050e-03, v1  }
0xa8: {  	v2 =	vmul.f32 $1.000000050e-03, v2;
	[tilespmem:s24+$0x850] =	vst v0;
	v0 =	vld [tilespmem:s24+$0x8C0]  }
0xa9: {  	v3 =	vmul.f32 $1.000000050e-03, v3;
	[tilespmem:s24+$0x860] =	vst v1;
	v1 =	vld [tilespmem:s24+$0x8D0]  }
0xaa: {  	v4 =	vmul.f32 $1.000000050e-03, v4;
	[tilespmem:s24+$0x870] =	vst v2;
	v2 =	vld [tilespmem:s24+$0x8E0]  }
0xab: {  	v5 =	vmul.f32 $1.000000050e-03, v5;
	[tilespmem:s24+$0x880] =	vst v3;
	v3 =	vld [tilespmem:s24+$0x8F0]  }
0xac: {  	v6 =	vmul.f32 $1.000000050e-03, v6;
	[tilespmem:s24+$0x890] =	vst v4;
	v4 =	vld [tilespmem:s24+$0x900]  }
0xad: {  	[tilespmem:s24+$0x8A0] =	vst v5;
	v5 =	vld [tilespmem:s24+$0x910];
	v0 =	vmul.f32 $1.000000050e-03, v0  }
0xae: {  	[tilespmem:s24+$0x8B0] =	vst v6;
	v6 =	vld [tilespmem:s24+$0x920];
	v1 =	vmul.f32 $1.000000050e-03, v1  }
0xaf: {  	v2 =	vmul.f32 $1.000000050e-03, v2;
	[tilespmem:s24+$0x8C0] =	vst v0;
	v0 =	vld [tilespmem:s24+$0x930]  }
0xb0: {  	v3 =	vmul.f32 $1.000000050e-03, v3;
	[tilespmem:s24+$0x8D0] =	vst v1;
	v1 =	vld [tilespmem:s24+$0x940]  }
0xb1: {  	v4 =	vmul.f32 $1.000000050e-03, v4;
	[tilespmem:s24+$0x8E0] =	vst v2;
	v2 =	vld [tilespmem:s24+$0x950]  }
0xb2: {  	v5 =	vmul.f32 $1.000000050e-03, v5;
	[tilespmem:s24+$0x8F0] =	vst v3;
	v3 =	vld [tilespmem:s24+$0x960]  }
0xb3: {  	v6 =	vmul.f32 $1.000000050e-03, v6;
	[tilespmem:s24+$0x900] =	vst v4;
	v4 =	vld [tilespmem:s24+$0x970]  }
0xb4: {  	[tilespmem:s24+$0x910] =	vst v5;
	v5 =	vld [tilespmem:s24+$0x980];
	v0 =	vmul.f32 $1.000000050e-03, v0  }
0xb5: {  	[tilespmem:s24+$0x920] =	vst v6;
	v6 =	vld [tilespmem:s24+$0x990];
	v1 =	vmul.f32 $1.000000050e-03, v1  }
0xb6: {  	v2 =	vmul.f32 $1.000000050e-03, v2;
	[tilespmem:s24+$0x930] =	vst v0;
	v0 =	vld [tilespmem:s24+$0x9A0]  }
0xb7: {  	v3 =	vmul.f32 $1.000000050e-03, v3;
	[tilespmem:s24+$0x940] =	vst v1;
	v1 =	vld [tilespmem:s24+$0x9B0]  }
0xb8: {  	v4 =	vmul.f32 $1.000000050e-03, v4;
	[tilespmem:s24+$0x950] =	vst v2;
	v2 =	vld [tilespmem:s24+$0x9C0]  }
0xb9: {  	v5 =	vmul.f32 $1.000000050e-03, v5;
	[tilespmem:s24+$0x960] =	vst v3;
	v3 =	vld [tilespmem:s24+$0x9D0]  }
0xba: {  	v6 =	vmul.f32 $1.000000050e-03, v6;
	[tilespmem:s24+$0x970] =	vst v4;
	v4 =	vld [tilespmem:s24+$0x9E0]  }
0xbb: {  	[tilespmem:s24+$0x980] =	vst v5;
	v5 =	vld [tilespmem:s24+$0x9F0];
	v0 =	vmul.f32 $1.000000050e-03, v0  }
0xbc: {  	[tilespmem:s24+$0x990] =	vst v6;
	v6 =	vld [tilespmem:s24+$0xA00];
	v1 =	vmul.f32 $1.000000050e-03, v1  }
0xbd: {  	v2 =	vmul.f32 $1.000000050e-03, v2;
	[tilespmem:s24+$0x9A0] =	vst v0;
	v0 =	vld [tilespmem:s24+$0xA10]  }
0xbe: {  	v3 =	vmul.f32 $1.000000050e-03, v3;
	[tilespmem:s24+$0x9B0] =	vst v1;
	v1 =	vld [tilespmem:s24+$0xA20]  }
0xbf: {  	v4 =	vmul.f32 $1.000000050e-03, v4;
	[tilespmem:s24+$0x9C0] =	vst v2;
	v2 =	vld [tilespmem:s24+$0xA30]  }
0xc0: {  	v5 =	vmul.f32 $1.000000050e-03, v5;
	[tilespmem:s24+$0x9D0] =	vst v3;
	v3 =	vld [tilespmem:s24+$0xA40]  }
0xc1: {  	v6 =	vmul.f32 $1.000000050e-03, v6;
	[tilespmem:s24+$0x9E0] =	vst v4;
	v4 =	vld [tilespmem:s24+$0xA50]  }
0xc2: {  	[tilespmem:s24+$0x9F0] =	vst v5;
	v5 =	vld [tilespmem:s24+$0xA60];
	v0 =	vmul.f32 $1.000000050e-03, v0  }
0xc3: {  	[tilespmem:s24+$0xA00] =	vst v6;
	v6 =	vld [tilespmem:s24+$0xA70];
	v1 =	vmul.f32 $1.000000050e-03, v1  }
0xc4: {  	v2 =	vmul.f32 $1.000000050e-03, v2;
	[tilespmem:s24+$0xA10] =	vst v0;
	v0 =	vld [tilespmem:s24+$0xA80]  }
0xc5: {  	v3 =	vmul.f32 $1.000000050e-03, v3;
	[tilespmem:s24+$0xA20] =	vst v1;
	v1 =	vld [tilespmem:s24+$0xA90]  }
0xc6: {  	v4 =	vmul.f32 $1.000000050e-03, v4;
	[tilespmem:s24+$0xA30] =	vst v2;
	v2 =	vld [tilespmem:s24+$0xAA0]  }
0xc7: {  	v5 =	vmul.f32 $1.000000050e-03, v5;
	[tilespmem:s24+$0xA40] =	vst v3;
	v3 =	vld [tilespmem:s24+$0xAB0]  }
0xc8: {  	v6 =	vmul.f32 $1.000000050e-03, v6;
	[tilespmem:s24+$0xA50] =	vst v4;
	v4 =	vld [tilespmem:s24+$0xAC0]  }
0xc9: {  	[tilespmem:s24+$0xA60] =	vst v5;
	v5 =	vld [tilespmem:s24+$0xAD0];
	v0 =	vmul.f32 $1.000000050e-03, v0  }
0xca: {  	[tilespmem:s24+$0xA70] =	vst v6;
	v6 =	vld [tilespmem:s24+$0xAE0];
	v1 =	vmul.f32 $1.000000050e-03, v1  }
0xcb: {  	v2 =	vmul.f32 $1.000000050e-03, v2;
	[tilespmem:s24+$0xA80] =	vst v0;
	v0 =	vld [tilespmem:s24+$0xAF0]  }
0xcc: {  	v3 =	vmul.f32 $1.000000050e-03, v3;
	[tilespmem:s24+$0xA90] =	vst v1;
	v1 =	vld [tilespmem:s24+$0xB00]  }
0xcd: {  	v4 =	vmul.f32 $1.000000050e-03, v4;
	[tilespmem:s24+$0xAA0] =	vst v2;
	v2 =	vld [tilespmem:s24+$0xB10]  }
0xce: {  	v5 =	vmul.f32 $1.000000050e-03, v5;
	[tilespmem:s24+$0xAB0] =	vst v3;
	v3 =	vld [tilespmem:s24+$0xB20]  }
0xcf: {  	v6 =	vmul.f32 $1.000000050e-03, v6;
	[tilespmem:s24+$0xAC0] =	vst v4;
	v4 =	vld [tilespmem:s24+$0xB30]  }
0xd0: {  	[tilespmem:s24+$0xAD0] =	vst v5;
	v5 =	vld [tilespmem:s24+$0xB40];
	v0 =	vmul.f32 $1.000000050e-03, v0  }
0xd1: {  	[tilespmem:s24+$0xAE0] =	vst v6;
	v6 =	vld [tilespmem:s24+$0xB50];
	v1 =	vmul.f32 $1.000000050e-03, v1  }
0xd2: {  	v2 =	vmul.f32 $1.000000050e-03, v2;
	[tilespmem:s24+$0xAF0] =	vst v0;
	v0 =	vld [tilespmem:s24+$0xB60]  }
0xd3: {  	v3 =	vmul.f32 $1.000000050e-03, v3;
	[tilespmem:s24+$0xB00] =	vst v1;
	v1 =	vld [tilespmem:s24+$0xB70]  }
0xd4: {  	v4 =	vmul.f32 $1.000000050e-03, v4;
	[tilespmem:s24+$0xB10] =	vst v2;
	v2 =	vld [tilespmem:s24+$0xB80]  }
0xd5: {  	v5 =	vmul.f32 $1.000000050e-03, v5;
	[tilespmem:s24+$0xB20] =	vst v3;
	v3 =	vld [tilespmem:s24+$0xB90]  }
0xd6: {  	v6 =	vmul.f32 $1.000000050e-03, v6;
	[tilespmem:s24+$0xB30] =	vst v4;
	v4 =	vld [tilespmem:s24+$0xBA0]  }
0xd7: {  	[tilespmem:s24+$0xB40] =	vst v5;
	v5 =	vld [tilespmem:s24+$0xBB0];
	v0 =	vmul.f32 $1.000000050e-03, v0  }
0xd8: {  	[tilespmem:s24+$0xB50] =	vst v6;
	v6 =	vld [tilespmem:s24+$0xBC0];
	v1 =	vmul.f32 $1.000000050e-03, v1  }
0xd9: {  	v2 =	vmul.f32 $1.000000050e-03, v2;
	[tilespmem:s24+$0xB60] =	vst v0;
	v0 =	vld [tilespmem:s24+$0xBD0]  }
0xda: {  	v3 =	vmul.f32 $1.000000050e-03, v3;
	[tilespmem:s24+$0xB70] =	vst v1;
	v1 =	vld [tilespmem:s24+$0xBE0]  }
0xdb: {  	v4 =	vmul.f32 $1.000000050e-03, v4;
	[tilespmem:s24+$0xB80] =	vst v2;
	v2 =	vld [tilespmem:s24+$0xBF0]  }
0xdc: {  	v5 =	vmul.f32 $1.000000050e-03, v5;
	[tilespmem:s24+$0xB90] =	vst v3;
	v3 =	vld [tilespmem:s24+$0xC00]  }
0xdd: {  	v6 =	vmul.f32 $1.000000050e-03, v6;
	[tilespmem:s24+$0xBA0] =	vst v4;
	v4 =	vld [tilespmem:s24+$0xC10]  }
0xde: {  	[tilespmem:s24+$0xBB0] =	vst v5;
	v5 =	vld [tilespmem:s24+$0xC20];
	v0 =	vmul.f32 $1.000000050e-03, v0  }
0xdf: {  	[tilespmem:s24+$0xBC0] =	vst v6;
	v6 =	vld [tilespmem:s24+$0xC30];
	v1 =	vmul.f32 $1.000000050e-03, v1  }
0xe0: {  	v2 =	vmul.f32 $1.000000050e-03, v2;
	[tilespmem:s24+$0xBD0] =	vst v0;
	v0 =	vld [tilespmem:s24+$0xC40]  }
0xe1: {  	v3 =	vmul.f32 $1.000000050e-03, v3;
	[tilespmem:s24+$0xBE0] =	vst v1;
	v1 =	vld [tilespmem:s24+$0xC50]  }
0xe2: {  	v4 =	vmul.f32 $1.000000050e-03, v4;
	[tilespmem:s24+$0xBF0] =	vst v2;
	v2 =	vld [tilespmem:s24+$0xC60]  }
0xe3: {  	v5 =	vmul.f32 $1.000000050e-03, v5;
	[tilespmem:s24+$0xC00] =	vst v3;
	v3 =	vld [tilespmem:s24+$0xC70]  }
0xe4: {  	v6 =	vmul.f32 $1.000000050e-03, v6;
	[tilespmem:s24+$0xC10] =	vst v4;
	v4 =	vld [tilespmem:s24+$0xC80]  }
0xe5: {  	[tilespmem:s24+$0xC20] =	vst v5;
	v5 =	vld [tilespmem:s24+$0xC90];
	v0 =	vmul.f32 $1.000000050e-03, v0  }
0xe6: {  	[tilespmem:s24+$0xC30] =	vst v6;
	v6 =	vld [tilespmem:s24+$0xCA0];
	v1 =	vmul.f32 $1.000000050e-03, v1  }
0xe7: {  	v7 =	vld [tilespmem:s24+$0xCB0];
	[tilespmem:s24+$0xC40] =	vst v0;
	v0 =	vmul.f32 $1.000000050e-03, v2  }
0xe8: {  	v3 =	vmul.f32 $1.000000050e-03, v3;
	[tilespmem:s24+$0xC50] =	vst v1;
	v1 =	vld [tilespmem:s24+$0xCC0]  }
0xe9: {  	v2 =	vld [tilespmem:s24+$0xCD0];
	[tilespmem:s24+$0xC60] =	vst v0;
	v0 =	vmul.f32 $1.000000050e-03, v4  }
0xea: {  	[tilespmem:s24+$0xC70] =	vst v3;
	v3 =	vld [tilespmem:s24+$0xCE0];
	v4 =	vmul.f32 $1.000000050e-03, v5  }
0xeb: {  	v6 =	vmul.f32 $1.000000050e-03, v6;
	[tilespmem:s24+$0xC80] =	vst v0;
	v0 =	vld [tilespmem:s24+$0xCF0]  }
0xec: {  	s7 =	simm.s32 $0x1;
	v5 =	vmul.f32 $1.000000050e-03, v7;
	[tilespmem:s24+$0xC90] =	vst v4;
	v4 =	vld [tilespmem:s24+$0xD00]  }
.LBB2_3:
0xed: {  	s10 =	smul.u32 $0x1900, s7;
	p0 =	sne.s32 s7, $0xF;
	[tilespmem:s24+$0xCA0] =	vst v6;
	v1 =	vmul.f32 $1.000000050e-03, v1;
	v6 =	vld [tilespmem:s24+$0xD10]  }
0xee: {  	[tilespmem:s24+$0xCB0] =	vst v5;
	v2 =	vmul.f32 $1.000000050e-03, v2;
	v5 =	vld [tilespmem:s24+$0xD20]  }
0xef: {  	s10 =	sshra.s32 s10, $0x2;
	[tilespmem:s24+$0xCC0] =	vst v1;
	v1 =	vmul.f32 $1.000000050e-03, v3;
	v3 =	vld [tilespmem:s24+$0xD30]  }
0xf0: {  	v7 =	vld [tilespmem:s10+$0x700];
	[tilespmem:s24+$0xCD0] =	vst v2;
	v0 =	vmul.f32 $1.000000050e-03, v0  }
0xf1: {  	v2 =	vld [tilespmem:s10+$0x710];
	[tilespmem:s24+$0xCE0] =	vst v1;
	v1 =	vmul.f32 $1.000000050e-03, v4  }
0xf2: {  	v4 =	vld [tilespmem:s10+$0x720];
	[tilespmem:s24+$0xCF0] =	vst v0;
	v0 =	vmul.f32 $1.000000050e-03, v6  }
0xf3: {  	v6 =	vld [tilespmem:s10+$0x730];
	[tilespmem:s24+$0xD00] =	vst v1;
	v1 =	vmul.f32 $1.000000050e-03, v5  }
0xf4: {  	v5 =	vld [tilespmem:s10+$0x740];
	[tilespmem:s24+$0xD10] =	vst v0;
	v0 =	vmul.f32 $1.000000050e-03, v3  }
0xf5: {  	v3 =	vmul.f32 $1.000000050e-03, v7;
	v7 =	vld [tilespmem:s10+$0x750];
	[tilespmem:s24+$0xD20] =	vst v1  }
0xf6: {  	v1 =	vmul.f32 $1.000000050e-03, v2;
	v2 =	vld [tilespmem:s10+$0x760];
	[tilespmem:s24+$0xD30] =	vst v0;
	s24 =	smov.u32 s10  }
0xf7: {  	[tilespmem:s24+$0x700] =	vst v3;
	v0 =	vmul.f32 $1.000000050e-03, v4;
	v3 =	vld [tilespmem:s24+$0x770]  }
0xf8: {  	[tilespmem:s24+$0x710] =	vst v1;
	v1 =	vmul.f32 $1.000000050e-03, v6;
	v4 =	vld [tilespmem:s24+$0x780]  }
0xf9: {  	[tilespmem:s24+$0x720] =	vst v0;
	v0 =	vmul.f32 $1.000000050e-03, v5;
	v5 =	vld [tilespmem:s24+$0x790]  }
0xfa: {  	[tilespmem:s24+$0x730] =	vst v1;
	v1 =	vmul.f32 $1.000000050e-03, v7;
	v6 =	vld [tilespmem:s24+$0x7A0]  }
0xfb: {  	[tilespmem:s24+$0x740] =	vst v0;
	v0 =	vmul.f32 $1.000000050e-03, v2;
	v2 =	vld [tilespmem:s24+$0x7B0]  }
0xfc: {  	[tilespmem:s24+$0x750] =	vst v1;
	v1 =	vmul.f32 $1.000000050e-03, v3;
	v3 =	vld [tilespmem:s24+$0x7C0]  }
0xfd: {  	[tilespmem:s24+$0x760] =	vst v0;
	v0 =	vmul.f32 $1.000000050e-03, v4;
	v4 =	vld [tilespmem:s24+$0x7D0]  }
0xfe: {  	[tilespmem:s24+$0x770] =	vst v1;
	v1 =	vmul.f32 $1.000000050e-03, v5;
	v5 =	vld [tilespmem:s24+$0x7E0]  }
0xff: {  	[tilespmem:s24+$0x780] =	vst v0;
	v0 =	vmul.f32 $1.000000050e-03, v6;
	v6 =	vld [tilespmem:s24+$0x7F0]  }
0x100: {  	[tilespmem:s24+$0x790] =	vst v1;
	v1 =	vmul.f32 $1.000000050e-03, v2;
	v2 =	vld [tilespmem:s24+$0x800]  }
0x101: {  	[tilespmem:s24+$0x7A0] =	vst v0;
	v0 =	vmul.f32 $1.000000050e-03, v3;
	v3 =	vld [tilespmem:s24+$0x810]  }
0x102: {  	[tilespmem:s24+$0x7B0] =	vst v1;
	v1 =	vmul.f32 $1.000000050e-03, v4;
	v4 =	vld [tilespmem:s24+$0x820]  }
0x103: {  	[tilespmem:s24+$0x7C0] =	vst v0;
	v0 =	vmul.f32 $1.000000050e-03, v5;
	v5 =	vld [tilespmem:s24+$0x830]  }
0x104: {  	[tilespmem:s24+$0x7D0] =	vst v1;
	v1 =	vmul.f32 $1.000000050e-03, v6;
	v6 =	vld [tilespmem:s24+$0x840]  }
0x105: {  	[tilespmem:s24+$0x7E0] =	vst v0;
	v0 =	vmul.f32 $1.000000050e-03, v2;
	v2 =	vld [tilespmem:s24+$0x850]  }
0x106: {  	[tilespmem:s24+$0x7F0] =	vst v1;
	v1 =	vmul.f32 $1.000000050e-03, v3;
	v3 =	vld [tilespmem:s24+$0x860]  }
0x107: {  	[tilespmem:s24+$0x800] =	vst v0;
	v0 =	vmul.f32 $1.000000050e-03, v4;
	v4 =	vld [tilespmem:s24+$0x870]  }
0x108: {  	[tilespmem:s24+$0x810] =	vst v1;
	v1 =	vmul.f32 $1.000000050e-03, v5;
	v5 =	vld [tilespmem:s24+$0x880]  }
0x109: {  	[tilespmem:s24+$0x820] =	vst v0;
	v0 =	vmul.f32 $1.000000050e-03, v6;
	v6 =	vld [tilespmem:s24+$0x890]  }
0x10a: {  	[tilespmem:s24+$0x830] =	vst v1;
	v1 =	vmul.f32 $1.000000050e-03, v2;
	v2 =	vld [tilespmem:s24+$0x8A0]  }
0x10b: {  	[tilespmem:s24+$0x840] =	vst v0;
	v0 =	vmul.f32 $1.000000050e-03, v3;
	v3 =	vld [tilespmem:s24+$0x8B0]  }
0x10c: {  	[tilespmem:s24+$0x850] =	vst v1;
	v1 =	vmul.f32 $1.000000050e-03, v4;
	v4 =	vld [tilespmem:s24+$0x8C0]  }
0x10d: {  	[tilespmem:s24+$0x860] =	vst v0;
	v0 =	vmul.f32 $1.000000050e-03, v5;
	v5 =	vld [tilespmem:s24+$0x8D0]  }
0x10e: {  	[tilespmem:s24+$0x870] =	vst v1;
	v1 =	vmul.f32 $1.000000050e-03, v6;
	v6 =	vld [tilespmem:s24+$0x8E0]  }
0x10f: {  	[tilespmem:s24+$0x880] =	vst v0;
	v0 =	vmul.f32 $1.000000050e-03, v2;
	v2 =	vld [tilespmem:s24+$0x8F0]  }
0x110: {  	[tilespmem:s24+$0x890] =	vst v1;
	v1 =	vmul.f32 $1.000000050e-03, v3;
	v3 =	vld [tilespmem:s24+$0x900]  }
0x111: {  	[tilespmem:s24+$0x8A0] =	vst v0;
	v0 =	vmul.f32 $1.000000050e-03, v4;
	v4 =	vld [tilespmem:s24+$0x910]  }
0x112: {  	[tilespmem:s24+$0x8B0] =	vst v1;
	v1 =	vmul.f32 $1.000000050e-03, v5;
	v5 =	vld [tilespmem:s24+$0x920]  }
0x113: {  	[tilespmem:s24+$0x8C0] =	vst v0;
	v0 =	vmul.f32 $1.000000050e-03, v6;
	v6 =	vld [tilespmem:s24+$0x930]  }
0x114: {  	[tilespmem:s24+$0x8D0] =	vst v1;
	v1 =	vmul.f32 $1.000000050e-03, v2;
	v2 =	vld [tilespmem:s24+$0x940]  }
0x115: {  	[tilespmem:s24+$0x8E0] =	vst v0;
	v0 =	vmul.f32 $1.000000050e-03, v3;
	v3 =	vld [tilespmem:s24+$0x950]  }
0x116: {  	[tilespmem:s24+$0x8F0] =	vst v1;
	v1 =	vmul.f32 $1.000000050e-03, v4;
	v4 =	vld [tilespmem:s24+$0x960]  }
0x117: {  	[tilespmem:s24+$0x900] =	vst v0;
	v0 =	vmul.f32 $1.000000050e-03, v5;
	v5 =	vld [tilespmem:s24+$0x970]  }
0x118: {  	[tilespmem:s24+$0x910] =	vst v1;
	v1 =	vmul.f32 $1.000000050e-03, v6;
	v6 =	vld [tilespmem:s24+$0x980]  }
0x119: {  	[tilespmem:s24+$0x920] =	vst v0;
	v0 =	vmul.f32 $1.000000050e-03, v2;
	v2 =	vld [tilespmem:s24+$0x990]  }
0x11a: {  	[tilespmem:s24+$0x930] =	vst v1;
	v1 =	vmul.f32 $1.000000050e-03, v3;
	v3 =	vld [tilespmem:s24+$0x9A0]  }
0x11b: {  	[tilespmem:s24+$0x940] =	vst v0;
	v0 =	vmul.f32 $1.000000050e-03, v4;
	v4 =	vld [tilespmem:s24+$0x9B0]  }
0x11c: {  	[tilespmem:s24+$0x950] =	vst v1;
	v1 =	vmul.f32 $1.000000050e-03, v5;
	v5 =	vld [tilespmem:s24+$0x9C0]  }
0x11d: {  	[tilespmem:s24+$0x960] =	vst v0;
	v0 =	vmul.f32 $1.000000050e-03, v6;
	v6 =	vld [tilespmem:s24+$0x9D0]  }
0x11e: {  	[tilespmem:s24+$0x970] =	vst v1;
	v1 =	vmul.f32 $1.000000050e-03, v2;
	v2 =	vld [tilespmem:s24+$0x9E0]  }
0x11f: {  	[tilespmem:s24+$0x980] =	vst v0;
	v0 =	vmul.f32 $1.000000050e-03, v3;
	v3 =	vld [tilespmem:s24+$0x9F0]  }
0x120: {  	[tilespmem:s24+$0x990] =	vst v1;
	v1 =	vmul.f32 $1.000000050e-03, v4;
	v4 =	vld [tilespmem:s24+$0xA00]  }
0x121: {  	[tilespmem:s24+$0x9A0] =	vst v0;
	v0 =	vmul.f32 $1.000000050e-03, v5;
	v5 =	vld [tilespmem:s24+$0xA10]  }
0x122: {  	[tilespmem:s24+$0x9B0] =	vst v1;
	v1 =	vmul.f32 $1.000000050e-03, v6;
	v6 =	vld [tilespmem:s24+$0xA20]  }
0x123: {  	[tilespmem:s24+$0x9C0] =	vst v0;
	v0 =	vmul.f32 $1.000000050e-03, v2;
	v2 =	vld [tilespmem:s24+$0xA30]  }
0x124: {  	[tilespmem:s24+$0x9D0] =	vst v1;
	v1 =	vmul.f32 $1.000000050e-03, v3;
	v3 =	vld [tilespmem:s24+$0xA40]  }
0x125: {  	[tilespmem:s24+$0x9E0] =	vst v0;
	v0 =	vmul.f32 $1.000000050e-03, v4;
	v4 =	vld [tilespmem:s24+$0xA50]  }
0x126: {  	[tilespmem:s24+$0x9F0] =	vst v1;
	v1 =	vmul.f32 $1.000000050e-03, v5;
	v5 =	vld [tilespmem:s24+$0xA60]  }
0x127: {  	[tilespmem:s24+$0xA00] =	vst v0;
	v0 =	vmul.f32 $1.000000050e-03, v6;
	v6 =	vld [tilespmem:s24+$0xA70]  }
0x128: {  	[tilespmem:s24+$0xA10] =	vst v1;
	v1 =	vmul.f32 $1.000000050e-03, v2;
	v2 =	vld [tilespmem:s24+$0xA80]  }
0x129: {  	[tilespmem:s24+$0xA20] =	vst v0;
	v0 =	vmul.f32 $1.000000050e-03, v3;
	v3 =	vld [tilespmem:s24+$0xA90]  }
0x12a: {  	[tilespmem:s24+$0xA30] =	vst v1;
	v1 =	vmul.f32 $1.000000050e-03, v4;
	v4 =	vld [tilespmem:s24+$0xAA0]  }
0x12b: {  	[tilespmem:s24+$0xA40] =	vst v0;
	v0 =	vmul.f32 $1.000000050e-03, v5;
	v5 =	vld [tilespmem:s24+$0xAB0]  }
0x12c: {  	[tilespmem:s24+$0xA50] =	vst v1;
	v1 =	vmul.f32 $1.000000050e-03, v6;
	v6 =	vld [tilespmem:s24+$0xAC0]  }
0x12d: {  	[tilespmem:s24+$0xA60] =	vst v0;
	v0 =	vmul.f32 $1.000000050e-03, v2;
	v2 =	vld [tilespmem:s24+$0xAD0]  }
0x12e: {  	[tilespmem:s24+$0xA70] =	vst v1;
	v1 =	vmul.f32 $1.000000050e-03, v3;
	v3 =	vld [tilespmem:s24+$0xAE0]  }
0x12f: {  	[tilespmem:s24+$0xA80] =	vst v0;
	v0 =	vmul.f32 $1.000000050e-03, v4;
	v4 =	vld [tilespmem:s24+$0xAF0]  }
0x130: {  	[tilespmem:s24+$0xA90] =	vst v1;
	v1 =	vmul.f32 $1.000000050e-03, v5;
	v5 =	vld [tilespmem:s24+$0xB00]  }
0x131: {  	[tilespmem:s24+$0xAA0] =	vst v0;
	v0 =	vmul.f32 $1.000000050e-03, v6;
	v6 =	vld [tilespmem:s24+$0xB10]  }
0x132: {  	[tilespmem:s24+$0xAB0] =	vst v1;
	v1 =	vmul.f32 $1.000000050e-03, v2;
	v2 =	vld [tilespmem:s24+$0xB20]  }
0x133: {  	[tilespmem:s24+$0xAC0] =	vst v0;
	v0 =	vmul.f32 $1.000000050e-03, v3;
	v3 =	vld [tilespmem:s24+$0xB30]  }
0x134: {  	[tilespmem:s24+$0xAD0] =	vst v1;
	v1 =	vmul.f32 $1.000000050e-03, v4;
	v4 =	vld [tilespmem:s24+$0xB40]  }
0x135: {  	[tilespmem:s24+$0xAE0] =	vst v0;
	v0 =	vmul.f32 $1.000000050e-03, v5;
	v5 =	vld [tilespmem:s24+$0xB50]  }
0x136: {  	[tilespmem:s24+$0xAF0] =	vst v1;
	v1 =	vmul.f32 $1.000000050e-03, v6;
	v6 =	vld [tilespmem:s24+$0xB60]  }
0x137: {  	[tilespmem:s24+$0xB00] =	vst v0;
	v0 =	vmul.f32 $1.000000050e-03, v2;
	v2 =	vld [tilespmem:s24+$0xB70]  }
0x138: {  	[tilespmem:s24+$0xB10] =	vst v1;
	v1 =	vmul.f32 $1.000000050e-03, v3;
	v3 =	vld [tilespmem:s24+$0xB80]  }
0x139: {  	[tilespmem:s24+$0xB20] =	vst v0;
	v0 =	vmul.f32 $1.000000050e-03, v4;
	v4 =	vld [tilespmem:s24+$0xB90]  }
0x13a: {  	[tilespmem:s24+$0xB30] =	vst v1;
	v1 =	vmul.f32 $1.000000050e-03, v5;
	v5 =	vld [tilespmem:s24+$0xBA0]  }
0x13b: {  	[tilespmem:s24+$0xB40] =	vst v0;
	v0 =	vmul.f32 $1.000000050e-03, v6;
	v6 =	vld [tilespmem:s24+$0xBB0]  }
0x13c: {  	[tilespmem:s24+$0xB50] =	vst v1;
	v1 =	vmul.f32 $1.000000050e-03, v2;
	v2 =	vld [tilespmem:s24+$0xBC0]  }
0x13d: {  	[tilespmem:s24+$0xB60] =	vst v0;
	v0 =	vmul.f32 $1.000000050e-03, v3;
	v3 =	vld [tilespmem:s24+$0xBD0]  }
0x13e: {  	[tilespmem:s24+$0xB70] =	vst v1;
	v1 =	vmul.f32 $1.000000050e-03, v4;
	v4 =	vld [tilespmem:s24+$0xBE0]  }
0x13f: {  	[tilespmem:s24+$0xB80] =	vst v0;
	v0 =	vmul.f32 $1.000000050e-03, v5;
	v5 =	vld [tilespmem:s24+$0xBF0]  }
0x140: {  	[tilespmem:s24+$0xB90] =	vst v1;
	v1 =	vmul.f32 $1.000000050e-03, v6;
	v6 =	vld [tilespmem:s24+$0xC00]  }
0x141: {  	[tilespmem:s24+$0xBA0] =	vst v0;
	v0 =	vmul.f32 $1.000000050e-03, v2;
	v2 =	vld [tilespmem:s24+$0xC10]  }
0x142: {  	[tilespmem:s24+$0xBB0] =	vst v1;
	v1 =	vmul.f32 $1.000000050e-03, v3;
	v3 =	vld [tilespmem:s24+$0xC20]  }
0x143: {  	[tilespmem:s24+$0xBC0] =	vst v0;
	v0 =	vmul.f32 $1.000000050e-03, v4;
	v4 =	vld [tilespmem:s24+$0xC30]  }
0x144: {  	[tilespmem:s24+$0xBD0] =	vst v1;
	v1 =	vmul.f32 $1.000000050e-03, v5;
	v5 =	vld [tilespmem:s24+$0xC40]  }
0x145: {  	[tilespmem:s24+$0xBE0] =	vst v0;
	v0 =	vmul.f32 $1.000000050e-03, v6;
	v6 =	vld [tilespmem:s24+$0xC50]  }
0x146: {  	[tilespmem:s24+$0xBF0] =	vst v1;
	v1 =	vmul.f32 $1.000000050e-03, v2;
	v2 =	vld [tilespmem:s24+$0xC60]  }
0x147: {  	[tilespmem:s24+$0xC00] =	vst v0;
	v0 =	vmul.f32 $1.000000050e-03, v3;
	v3 =	vld [tilespmem:s24+$0xC70]  }
0x148: {  	[tilespmem:s24+$0xC10] =	vst v1;
	v1 =	vmul.f32 $1.000000050e-03, v4;
	v4 =	vld [tilespmem:s24+$0xC80]  }
0x149: {  	[tilespmem:s24+$0xC20] =	vst v0;
	v0 =	vmul.f32 $1.000000050e-03, v5;
	v5 =	vld [tilespmem:s24+$0xC90]  }
0x14a: {  	[tilespmem:s24+$0xC30] =	vst v1;
	v1 =	vmul.f32 $1.000000050e-03, v6;
	v6 =	vld [tilespmem:s24+$0xCA0]  }
0x14b: {  	[tilespmem:s24+$0xC40] =	vst v0;
	v0 =	vmul.f32 $1.000000050e-03, v2;
	v7 =	vld [tilespmem:s24+$0xCB0]  }
.Ltmp0:
0x14c: {  	[tilespmem:s24+$0xC50] =	vst v1;
	v3 =	vmul.f32 $1.000000050e-03, v3;
	v1 =	vld [tilespmem:s24+$0xCC0];
	(pc) =	sbr.rel @p0 .LBB2_3-.Ltmp0, $4  }
0x14d: {  	[tilespmem:s24+$0xC60] =	vst v0;
	v0 =	vmul.f32 $1.000000050e-03, v4;
	v2 =	vld [tilespmem:s24+$0xCD0]  }
0x14e: {  	[tilespmem:s24+$0xC70] =	vst v3;
	v4 =	vmul.f32 $1.000000050e-03, v5;
	v3 =	vld [tilespmem:s24+$0xCE0]  }
0x14f: {  	[tilespmem:s24+$0xC80] =	vst v0;
	v6 =	vmul.f32 $1.000000050e-03, v6;
	v0 =	vld [tilespmem:s24+$0xCF0]  }
0x150: {  	s7 =	sadd.s32 $0x1, s7;
	[tilespmem:s24+$0xC90] =	vst v4;
	v5 =	vmul.f32 $1.000000050e-03, v7;
	v4 =	vld [tilespmem:s24+$0xD00]  }
0x151: {  	[tilespmem:s24+$0xCA0] =	vst v6;
	v6 =	vld [tilespmem:s24+$0xD10];
	v1 =	vmul.f32 $1.000000050e-03, v1  }
0x152: {  	[tilespmem:s24+$0xCB0] =	vst v5;
	v5 =	vld [tilespmem:s24+$0xD20];
	v2 =	vmul.f32 $1.000000050e-03, v2  }
0x153: {  	[tilespmem:s24+$0xCC0] =	vst v1;
	v1 =	vmul.f32 $1.000000050e-03, v3;
	v3 =	vld [tilespmem:s24+$0xD30]  }
0x154: {  	[tilespmem:s24+$0xCD0] =	vst v2;
	v0 =	vmul.f32 $1.000000050e-03, v0  }
0x155: {  	[tilespmem:s24+$0xCE0] =	vst v1;
	v1 =	vmul.f32 $1.000000050e-03, v4  }
0x156: {  	[tilespmem:s24+$0xCF0] =	vst v0;
	v0 =	vmul.f32 $1.000000050e-03, v6  }
0x157: {  	s7 =	sadd.s32 s4, s23;
	[tilespmem:s24+$0xD00] =	vst v1;
	v1 =	vmul.f32 $1.000000050e-03, v5  }
0x158: {  	s7 =	smul.u32 $0xC8, s7;
	[tilespmem:s24+$0xD10] =	vst v0;
	v0 =	vmul.f32 $1.000000050e-03, v3  }
0x159: {  	[tilespmem:s24+$0xD20] =	vst v1  }
0x15a: {  	p0 =	seq.s32 s21, $0xF;
	s7 =	sadd.s32 s2, s7;
	[tilespmem:s24+$0xD30] =	vst v0  }
0x15b: {  	[hbm4b:s7+s3] =	stream.linear.scatter [tilespmem:s13], [sflag:$0x3], $0x6400, $0x38;
	[tilespmem:$0xCF00] =	vst v63  }
0x15c: {  	s7 =	sadd.s32 @!p0 s23, s9  }
0x15d: {  	_ =	swait.ge [sflag:s11], $0x6400;
	s7 =	smul.u32 @!p0 $0x7, s7  }
0x15e: {  	[sflag:s11] =	ssyncset.done $0x0  }
0x15f: {  	s10 =	simm.s32 @!p0 $0x0;
	[sflag:s11] =	ssyncadd.s32 $0xFFFF9C00;
	s7 =	sadd.s32 @!p0 s5, s7  }
0x160: {  	[tilespmem:s10], [sflag:$0x3] =	stream.linear.gather @!p0 [hbm4b:s7+s10], $0x380, $0x38;
	[tilespmem:$0xCF00] =	vst v63  }
0x161: {  	s7 =	simm.s32 @!p0 $0x3  }
0x162: {  	_ =	swait.ge @!p0 [sflag:s7], $0x380  }
0x163: {  	[sflag:s7] =	ssyncset.done @!p0 $0x0  }
0x164: {  	s23 =	simm.s32 @!p0 $0x700;
	[sflag:s7] =	ssyncadd.s32 @!p0 $0xFFFFFC80;
	s7 =	simm.s32 @!p0 $0x32  }
0x165: {  	[tilespmem:s23], [sflag:$0x1] =	stream.indirect.gather @!p0 [hbm4b:s6+s7], $0x20, s10, s7, $0xb8;
	[tilespmem:$0xCF00] =	vst v63  }
0x166: {  	s10 =	simm.s32 @!p0 $0x38;
	s23 =	simm.s32 @!p0 $0xD40  }
0x167: {  	[tilespmem:s23], [sflag:$0x1] =	stream.indirect.gather @!p0 [hbm4b:s6+s7], $0x20, s10, s7, $0xb8;
	[tilespmem:$0xCF00] =	vst v63  }
0x168: {  	s10 =	simm.s32 @!p0 $0x70;
	s23 =	simm.s32 @!p0 $0x1380  }
0x169: {  	[tilespmem:s23], [sflag:$0x1] =	stream.indirect.gather @!p0 [hbm4b:s6+s7], $0x20, s10, s7, $0xb8;
	[tilespmem:$0xCF00] =	vst v63  }
0x16a: {  	s10 =	simm.s32 @!p0 $0xA8;
	s23 =	simm.s32 @!p0 $0x19C0  }
0x16b: {  	[tilespmem:s23], [sflag:$0x1] =	stream.indirect.gather @!p0 [hbm4b:s6+s7], $0x20, s10, s7, $0xb8;
	[tilespmem:$0xCF00] =	vst v63  }
0x16c: {  	s10 =	simm.s32 @!p0 $0xE0;
	s23 =	simm.s32 @!p0 $0x2000  }
0x16d: {  	[tilespmem:s23], [sflag:$0x1] =	stream.indirect.gather @!p0 [hbm4b:s6+s7], $0x20, s10, s7, $0xb8;
	[tilespmem:$0xCF00] =	vst v63  }
0x16e: {  	s10 =	simm.s32 @!p0 $0x118;
	s23 =	simm.s32 @!p0 $0x2640  }
0x16f: {  	[tilespmem:s23], [sflag:$0x1] =	stream.indirect.gather @!p0 [hbm4b:s6+s7], $0x20, s10, s7, $0xb8;
	[tilespmem:$0xCF00] =	vst v63  }
0x170: {  	s10 =	simm.s32 @!p0 $0x150;
	s23 =	simm.s32 @!p0 $0x2C80  }
0x171: {  	[tilespmem:s23], [sflag:$0x1] =	stream.indirect.gather @!p0 [hbm4b:s6+s7], $0x20, s10, s7, $0xb8;
	[tilespmem:$0xCF00] =	vst v63  }
0x172: {  	s10 =	simm.s32 @!p0 $0x188;
	s23 =	simm.s32 @!p0 $0x32C0  }
0x173: {  	[tilespmem:s23], [sflag:$0x1] =	stream.indirect.gather @!p0 [hbm4b:s6+s7], $0x20, s10, s7, $0xb8;
	[tilespmem:$0xCF00] =	vst v63  }
0x174: {  	s10 =	simm.s32 @!p0 $0x1C0;
	s23 =	simm.s32 @!p0 $0x3900  }
0x175: {  	[tilespmem:s23], [sflag:$0x1] =	stream.indirect.gather @!p0 [hbm4b:s6+s7], $0x20, s10, s7, $0xb8;
	[tilespmem:$0xCF00] =	vst v63  }
0x176: {  	s10 =	simm.s32 @!p0 $0x1F8;
	s23 =	simm.s32 @!p0 $0x3F40  }
0x177: {  	[tilespmem:s23], [sflag:$0x1] =	stream.indirect.gather @!p0 [hbm4b:s6+s7], $0x20, s10, s7, $0xb8;
	[tilespmem:$0xCF00] =	vst v63  }
0x178: {  	s10 =	simm.s32 @!p0 $0x230;
	s23 =	simm.s32 @!p0 $0x4580  }
0x179: {  	[tilespmem:s23], [sflag:$0x1] =	stream.indirect.gather @!p0 [hbm4b:s6+s7], $0x20, s10, s7, $0xb8;
	[tilespmem:$0xCF00] =	vst v63  }
0x17a: {  	s10 =	simm.s32 @!p0 $0x268;
	s23 =	simm.s32 @!p0 $0x4BC0  }
0x17b: {  	[tilespmem:s23], [sflag:$0x1] =	stream.indirect.gather @!p0 [hbm4b:s6+s7], $0x20, s10, s7, $0xb8;
	[tilespmem:$0xCF00] =	vst v63  }
0x17c: {  	s10 =	simm.s32 @!p0 $0x2A0;
	s23 =	simm.s32 @!p0 $0x5200  }
0x17d: {  	[tilespmem:s23], [sflag:$0x1] =	stream.indirect.gather @!p0 [hbm4b:s6+s7], $0x20, s10, s7, $0xb8;
	[tilespmem:$0xCF00] =	vst v63  }
0x17e: {  	s10 =	simm.s32 @!p0 $0x2D8;
	s23 =	simm.s32 @!p0 $0x5840  }
0x17f: {  	[tilespmem:s23], [sflag:$0x1] =	stream.indirect.gather @!p0 [hbm4b:s6+s7], $0x20, s10, s7, $0xb8;
	[tilespmem:$0xCF00] =	vst v63  }
0x180: {  	s10 =	simm.s32 @!p0 $0x310;
	s23 =	simm.s32 @!p0 $0x5E80  }
0x181: {  	[tilespmem:s23], [sflag:$0x1] =	stream.indirect.gather @!p0 [hbm4b:s6+s7], $0x20, s10, s7, $0xb8;
	[tilespmem:$0xCF00] =	vst v63  }
0x182: {  	s10 =	simm.s32 @!p0 $0x348;
	s23 =	simm.s32 @!p0 $0x64C0  }
0x183: {  	[tilespmem:s23], [sflag:$0x1] =	stream.indirect.gather @!p0 [hbm4b:s6+s7], $0x20, s10, s7, $0xb8;
	[tilespmem:$0xCF00] =	vst v63  }
0x184: {  	_ =	swait.ge [sflag:s20], $0x640  }
0x185: {  	[sflag:s20] =	ssyncset.done $0x0  }
0x186: {  	[sflag:s20] =	ssyncadd.s32 $0xFFFFF9C0  }
0x187: {  	_ =	swait.ge [sflag:s20], $0x640  }
0x188: {  	[sflag:s20] =	ssyncset.done $0x0  }
0x189: {  	[sflag:s20] =	ssyncadd.s32 $0xFFFFF9C0  }
0x18a: {  	_ =	swait.ge [sflag:s20], $0x640  }
0x18b: {  	[sflag:s20] =	ssyncset.done $0x0  }
0x18c: {  	[sflag:s20] =	ssyncadd.s32 $0xFFFFF9C0  }
0x18d: {  	_ =	swait.ge [sflag:s20], $0x640  }
0x18e: {  	[sflag:s20] =	ssyncset.done $0x0  }
0x18f: {  	[sflag:s20] =	ssyncadd.s32 $0xFFFFF9C0  }
0x190: {  	_ =	swait.ge [sflag:s20], $0x640  }
0x191: {  	[sflag:s20] =	ssyncset.done $0x0  }
0x192: {  	[sflag:s20] =	ssyncadd.s32 $0xFFFFF9C0  }
0x193: {  	_ =	swait.ge [sflag:s20], $0x640  }
0x194: {  	[sflag:s20] =	ssyncset.done $0x0  }
0x195: {  	[sflag:s20] =	ssyncadd.s32 $0xFFFFF9C0  }
0x196: {  	_ =	swait.ge [sflag:s20], $0x640  }
0x197: {  	[sflag:s20] =	ssyncset.done $0x0  }
0x198: {  	[sflag:s20] =	ssyncadd.s32 $0xFFFFF9C0  }
0x199: {  	_ =	swait.ge [sflag:s20], $0x640  }
0x19a: {  	[sflag:s20] =	ssyncset.done $0x0  }
0x19b: {  	[sflag:s20] =	ssyncadd.s32 $0xFFFFF9C0  }
0x19c: {  	_ =	swait.ge [sflag:s20], $0x640  }
0x19d: {  	[sflag:s20] =	ssyncset.done $0x0  }
0x19e: {  	[sflag:s20] =	ssyncadd.s32 $0xFFFFF9C0  }
0x19f: {  	_ =	swait.ge [sflag:s20], $0x640  }
0x1a0: {  	[sflag:s20] =	ssyncset.done $0x0  }
0x1a1: {  	[sflag:s20] =	ssyncadd.s32 $0xFFFFF9C0  }
0x1a2: {  	_ =	swait.ge [sflag:s20], $0x640  }
0x1a3: {  	[sflag:s20] =	ssyncset.done $0x0  }
0x1a4: {  	[sflag:s20] =	ssyncadd.s32 $0xFFFFF9C0  }
0x1a5: {  	_ =	swait.ge [sflag:s20], $0x640  }
0x1a6: {  	[sflag:s20] =	ssyncset.done $0x0  }
0x1a7: {  	[sflag:s20] =	ssyncadd.s32 $0xFFFFF9C0  }
0x1a8: {  	_ =	swait.ge [sflag:s20], $0x640  }
0x1a9: {  	[sflag:s20] =	ssyncset.done $0x0  }
0x1aa: {  	[sflag:s20] =	ssyncadd.s32 $0xFFFFF9C0  }
0x1ab: {  	_ =	swait.ge [sflag:s20], $0x640  }
0x1ac: {  	[sflag:s20] =	ssyncset.done $0x0  }
0x1ad: {  	[sflag:s20] =	ssyncadd.s32 $0xFFFFF9C0  }
0x1ae: {  	_ =	swait.ge [sflag:s20], $0x640  }
0x1af: {  	[sflag:s20] =	ssyncset.done $0x0  }
0x1b0: {  	s24 =	simm.s32 $0x0;
	[sflag:s20] =	ssyncadd.s32 $0xFFFFF9C0  }
0x1b1: {  	s7 =	smul.u32 $0x1900, s24;
	_ =	swait.ge [sflag:s20], $0x640  }
0x1b2: {  	[sflag:s20] =	ssyncset.done $0x0  }
0x1b3: {  	s23 =	sshra.s32 s7, $0x2;
	[sflag:s20] =	ssyncadd.s32 $0xFFFFF9C0  }
0x1b4: {  	v0 =	vld [tilespmem:s23+$0x6B00]  }
0x1b5: {  	v1 =	vld [tilespmem:s23+$0x6B10]  }
0x1b6: {  	v2 =	vld [tilespmem:s23+$0x6B20]  }
0x1b7: {  	v3 =	vld [tilespmem:s23+$0x6B30]  }
0x1b8: {  	v4 =	vld [tilespmem:s23+$0x6B40]  }
0x1b9: {  	v5 =	vld [tilespmem:s23+$0x6B50];
	v0 =	vmul.f32 $1.000000050e-03, v0  }
0x1ba: {  	v6 =	vld [tilespmem:s23+$0x6B60];
	v1 =	vmul.f32 $1.000000050e-03, v1  }
0x1bb: {  	v2 =	vmul.f32 $1.000000050e-03, v2;
	[tilespmem:s23+$0x6B00] =	vst v0;
	v0 =	vld [tilespmem:s23+$0x6B70]  }
0x1bc: {  	v3 =	vmul.f32 $1.000000050e-03, v3;
	[tilespmem:s23+$0x6B10] =	vst v1;
	v1 =	vld [tilespmem:s23+$0x6B80]  }
0x1bd: {  	v4 =	vmul.f32 $1.000000050e-03, v4;
	[tilespmem:s23+$0x6B20] =	vst v2;
	v2 =	vld [tilespmem:s23+$0x6B90]  }
0x1be: {  	v5 =	vmul.f32 $1.000000050e-03, v5;
	[tilespmem:s23+$0x6B30] =	vst v3;
	v3 =	vld [tilespmem:s23+$0x6BA0]  }
0x1bf: {  	v6 =	vmul.f32 $1.000000050e-03, v6;
	[tilespmem:s23+$0x6B40] =	vst v4;
	v4 =	vld [tilespmem:s23+$0x6BB0]  }
0x1c0: {  	[tilespmem:s23+$0x6B50] =	vst v5;
	v5 =	vld [tilespmem:s23+$0x6BC0];
	v0 =	vmul.f32 $1.000000050e-03, v0  }
0x1c1: {  	[tilespmem:s23+$0x6B60] =	vst v6;
	v6 =	vld [tilespmem:s23+$0x6BD0];
	v1 =	vmul.f32 $1.000000050e-03, v1  }
0x1c2: {  	v2 =	vmul.f32 $1.000000050e-03, v2;
	[tilespmem:s23+$0x6B70] =	vst v0;
	v0 =	vld [tilespmem:s23+$0x6BE0]  }
0x1c3: {  	v3 =	vmul.f32 $1.000000050e-03, v3;
	[tilespmem:s23+$0x6B80] =	vst v1;
	v1 =	vld [tilespmem:s23+$0x6BF0]  }
0x1c4: {  	v4 =	vmul.f32 $1.000000050e-03, v4;
	[tilespmem:s23+$0x6B90] =	vst v2;
	v2 =	vld [tilespmem:s23+$0x6C00]  }
0x1c5: {  	v5 =	vmul.f32 $1.000000050e-03, v5;
	[tilespmem:s23+$0x6BA0] =	vst v3;
	v3 =	vld [tilespmem:s23+$0x6C10]  }
0x1c6: {  	v6 =	vmul.f32 $1.000000050e-03, v6;
	[tilespmem:s23+$0x6BB0] =	vst v4;
	v4 =	vld [tilespmem:s23+$0x6C20]  }
0x1c7: {  	[tilespmem:s23+$0x6BC0] =	vst v5;
	v5 =	vld [tilespmem:s23+$0x6C30];
	v0 =	vmul.f32 $1.000000050e-03, v0  }
0x1c8: {  	[tilespmem:s23+$0x6BD0] =	vst v6;
	v6 =	vld [tilespmem:s23+$0x6C40];
	v1 =	vmul.f32 $1.000000050e-03, v1  }
0x1c9: {  	v2 =	vmul.f32 $1.000000050e-03, v2;
	[tilespmem:s23+$0x6BE0] =	vst v0;
	v0 =	vld [tilespmem:s23+$0x6C50]  }
0x1ca: {  	v3 =	vmul.f32 $1.000000050e-03, v3;
	[tilespmem:s23+$0x6BF0] =	vst v1;
	v1 =	vld [tilespmem:s23+$0x6C60]  }
0x1cb: {  	v4 =	vmul.f32 $1.000000050e-03, v4;
	[tilespmem:s23+$0x6C00] =	vst v2;
	v2 =	vld [tilespmem:s23+$0x6C70]  }
0x1cc: {  	v5 =	vmul.f32 $1.000000050e-03, v5;
	[tilespmem:s23+$0x6C10] =	vst v3;
	v3 =	vld [tilespmem:s23+$0x6C80]  }
0x1cd: {  	v6 =	vmul.f32 $1.000000050e-03, v6;
	[tilespmem:s23+$0x6C20] =	vst v4;
	v4 =	vld [tilespmem:s23+$0x6C90]  }
0x1ce: {  	[tilespmem:s23+$0x6C30] =	vst v5;
	v5 =	vld [tilespmem:s23+$0x6CA0];
	v0 =	vmul.f32 $1.000000050e-03, v0  }
0x1cf: {  	[tilespmem:s23+$0x6C40] =	vst v6;
	v6 =	vld [tilespmem:s23+$0x6CB0];
	v1 =	vmul.f32 $1.000000050e-03, v1  }
0x1d0: {  	v2 =	vmul.f32 $1.000000050e-03, v2;
	[tilespmem:s23+$0x6C50] =	vst v0;
	v0 =	vld [tilespmem:s23+$0x6CC0]  }
0x1d1: {  	v3 =	vmul.f32 $1.000000050e-03, v3;
	[tilespmem:s23+$0x6C60] =	vst v1;
	v1 =	vld [tilespmem:s23+$0x6CD0]  }
0x1d2: {  	v4 =	vmul.f32 $1.000000050e-03, v4;
	[tilespmem:s23+$0x6C70] =	vst v2;
	v2 =	vld [tilespmem:s23+$0x6CE0]  }
0x1d3: {  	v5 =	vmul.f32 $1.000000050e-03, v5;
	[tilespmem:s23+$0x6C80] =	vst v3;
	v3 =	vld [tilespmem:s23+$0x6CF0]  }
0x1d4: {  	v6 =	vmul.f32 $1.000000050e-03, v6;
	[tilespmem:s23+$0x6C90] =	vst v4;
	v4 =	vld [tilespmem:s23+$0x6D00]  }
0x1d5: {  	[tilespmem:s23+$0x6CA0] =	vst v5;
	v5 =	vld [tilespmem:s23+$0x6D10];
	v0 =	vmul.f32 $1.000000050e-03, v0  }
0x1d6: {  	[tilespmem:s23+$0x6CB0] =	vst v6;
	v6 =	vld [tilespmem:s23+$0x6D20];
	v1 =	vmul.f32 $1.000000050e-03, v1  }
0x1d7: {  	v2 =	vmul.f32 $1.000000050e-03, v2;
	[tilespmem:s23+$0x6CC0] =	vst v0;
	v0 =	vld [tilespmem:s23+$0x6D30]  }
0x1d8: {  	v3 =	vmul.f32 $1.000000050e-03, v3;
	[tilespmem:s23+$0x6CD0] =	vst v1;
	v1 =	vld [tilespmem:s23+$0x6D40]  }
0x1d9: {  	v4 =	vmul.f32 $1.000000050e-03, v4;
	[tilespmem:s23+$0x6CE0] =	vst v2;
	v2 =	vld [tilespmem:s23+$0x6D50]  }
0x1da: {  	v5 =	vmul.f32 $1.000000050e-03, v5;
	[tilespmem:s23+$0x6CF0] =	vst v3;
	v3 =	vld [tilespmem:s23+$0x6D60]  }
0x1db: {  	v6 =	vmul.f32 $1.000000050e-03, v6;
	[tilespmem:s23+$0x6D00] =	vst v4;
	v4 =	vld [tilespmem:s23+$0x6D70]  }
0x1dc: {  	[tilespmem:s23+$0x6D10] =	vst v5;
	v5 =	vld [tilespmem:s23+$0x6D80];
	v0 =	vmul.f32 $1.000000050e-03, v0  }
0x1dd: {  	[tilespmem:s23+$0x6D20] =	vst v6;
	v6 =	vld [tilespmem:s23+$0x6D90];
	v1 =	vmul.f32 $1.000000050e-03, v1  }
0x1de: {  	v2 =	vmul.f32 $1.000000050e-03, v2;
	[tilespmem:s23+$0x6D30] =	vst v0;
	v0 =	vld [tilespmem:s23+$0x6DA0]  }
0x1df: {  	v3 =	vmul.f32 $1.000000050e-03, v3;
	[tilespmem:s23+$0x6D40] =	vst v1;
	v1 =	vld [tilespmem:s23+$0x6DB0]  }
0x1e0: {  	v4 =	vmul.f32 $1.000000050e-03, v4;
	[tilespmem:s23+$0x6D50] =	vst v2;
	v2 =	vld [tilespmem:s23+$0x6DC0]  }
0x1e1: {  	v5 =	vmul.f32 $1.000000050e-03, v5;
	[tilespmem:s23+$0x6D60] =	vst v3;
	v3 =	vld [tilespmem:s23+$0x6DD0]  }
0x1e2: {  	v6 =	vmul.f32 $1.000000050e-03, v6;
	[tilespmem:s23+$0x6D70] =	vst v4;
	v4 =	vld [tilespmem:s23+$0x6DE0]  }
0x1e3: {  	[tilespmem:s23+$0x6D80] =	vst v5;
	v5 =	vld [tilespmem:s23+$0x6DF0];
	v0 =	vmul.f32 $1.000000050e-03, v0  }
0x1e4: {  	[tilespmem:s23+$0x6D90] =	vst v6;
	v6 =	vld [tilespmem:s23+$0x6E00];
	v1 =	vmul.f32 $1.000000050e-03, v1  }
0x1e5: {  	v2 =	vmul.f32 $1.000000050e-03, v2;
	[tilespmem:s23+$0x6DA0] =	vst v0;
	v0 =	vld [tilespmem:s23+$0x6E10]  }
0x1e6: {  	v3 =	vmul.f32 $1.000000050e-03, v3;
	[tilespmem:s23+$0x6DB0] =	vst v1;
	v1 =	vld [tilespmem:s23+$0x6E20]  }
0x1e7: {  	v4 =	vmul.f32 $1.000000050e-03, v4;
	[tilespmem:s23+$0x6DC0] =	vst v2;
	v2 =	vld [tilespmem:s23+$0x6E30]  }
0x1e8: {  	v5 =	vmul.f32 $1.000000050e-03, v5;
	[tilespmem:s23+$0x6DD0] =	vst v3;
	v3 =	vld [tilespmem:s23+$0x6E40]  }
0x1e9: {  	v6 =	vmul.f32 $1.000000050e-03, v6;
	[tilespmem:s23+$0x6DE0] =	vst v4;
	v4 =	vld [tilespmem:s23+$0x6E50]  }
0x1ea: {  	[tilespmem:s23+$0x6DF0] =	vst v5;
	v5 =	vld [tilespmem:s23+$0x6E60];
	v0 =	vmul.f32 $1.000000050e-03, v0  }
0x1eb: {  	[tilespmem:s23+$0x6E00] =	vst v6;
	v6 =	vld [tilespmem:s23+$0x6E70];
	v1 =	vmul.f32 $1.000000050e-03, v1  }
0x1ec: {  	v2 =	vmul.f32 $1.000000050e-03, v2;
	[tilespmem:s23+$0x6E10] =	vst v0;
	v0 =	vld [tilespmem:s23+$0x6E80]  }
0x1ed: {  	v3 =	vmul.f32 $1.000000050e-03, v3;
	[tilespmem:s23+$0x6E20] =	vst v1;
	v1 =	vld [tilespmem:s23+$0x6E90]  }
0x1ee: {  	v4 =	vmul.f32 $1.000000050e-03, v4;
	[tilespmem:s23+$0x6E30] =	vst v2;
	v2 =	vld [tilespmem:s23+$0x6EA0]  }
0x1ef: {  	v5 =	vmul.f32 $1.000000050e-03, v5;
	[tilespmem:s23+$0x6E40] =	vst v3;
	v3 =	vld [tilespmem:s23+$0x6EB0]  }
0x1f0: {  	v6 =	vmul.f32 $1.000000050e-03, v6;
	[tilespmem:s23+$0x6E50] =	vst v4;
	v4 =	vld [tilespmem:s23+$0x6EC0]  }
0x1f1: {  	[tilespmem:s23+$0x6E60] =	vst v5;
	v5 =	vld [tilespmem:s23+$0x6ED0];
	v0 =	vmul.f32 $1.000000050e-03, v0  }
0x1f2: {  	[tilespmem:s23+$0x6E70] =	vst v6;
	v6 =	vld [tilespmem:s23+$0x6EE0];
	v1 =	vmul.f32 $1.000000050e-03, v1  }
0x1f3: {  	v2 =	vmul.f32 $1.000000050e-03, v2;
	[tilespmem:s23+$0x6E80] =	vst v0;
	v0 =	vld [tilespmem:s23+$0x6EF0]  }
0x1f4: {  	v3 =	vmul.f32 $1.000000050e-03, v3;
	[tilespmem:s23+$0x6E90] =	vst v1;
	v1 =	vld [tilespmem:s23+$0x6F00]  }
0x1f5: {  	v4 =	vmul.f32 $1.000000050e-03, v4;
	[tilespmem:s23+$0x6EA0] =	vst v2;
	v2 =	vld [tilespmem:s23+$0x6F10]  }
0x1f6: {  	v5 =	vmul.f32 $1.000000050e-03, v5;
	[tilespmem:s23+$0x6EB0] =	vst v3;
	v3 =	vld [tilespmem:s23+$0x6F20]  }
0x1f7: {  	v6 =	vmul.f32 $1.000000050e-03, v6;
	[tilespmem:s23+$0x6EC0] =	vst v4;
	v4 =	vld [tilespmem:s23+$0x6F30]  }
0x1f8: {  	[tilespmem:s23+$0x6ED0] =	vst v5;
	v5 =	vld [tilespmem:s23+$0x6F40];
	v0 =	vmul.f32 $1.000000050e-03, v0  }
0x1f9: {  	[tilespmem:s23+$0x6EE0] =	vst v6;
	v6 =	vld [tilespmem:s23+$0x6F50];
	v1 =	vmul.f32 $1.000000050e-03, v1  }
0x1fa: {  	v2 =	vmul.f32 $1.000000050e-03, v2;
	[tilespmem:s23+$0x6EF0] =	vst v0;
	v0 =	vld [tilespmem:s23+$0x6F60]  }
0x1fb: {  	v3 =	vmul.f32 $1.000000050e-03, v3;
	[tilespmem:s23+$0x6F00] =	vst v1;
	v1 =	vld [tilespmem:s23+$0x6F70]  }
0x1fc: {  	v4 =	vmul.f32 $1.000000050e-03, v4;
	[tilespmem:s23+$0x6F10] =	vst v2;
	v2 =	vld [tilespmem:s23+$0x6F80]  }
0x1fd: {  	v5 =	vmul.f32 $1.000000050e-03, v5;
	[tilespmem:s23+$0x6F20] =	vst v3;
	v3 =	vld [tilespmem:s23+$0x6F90]  }
0x1fe: {  	v6 =	vmul.f32 $1.000000050e-03, v6;
	[tilespmem:s23+$0x6F30] =	vst v4;
	v4 =	vld [tilespmem:s23+$0x6FA0]  }
0x1ff: {  	[tilespmem:s23+$0x6F40] =	vst v5;
	v5 =	vld [tilespmem:s23+$0x6FB0];
	v0 =	vmul.f32 $1.000000050e-03, v0  }
0x200: {  	[tilespmem:s23+$0x6F50] =	vst v6;
	v6 =	vld [tilespmem:s23+$0x6FC0];
	v1 =	vmul.f32 $1.000000050e-03, v1  }
0x201: {  	v2 =	vmul.f32 $1.000000050e-03, v2;
	[tilespmem:s23+$0x6F60] =	vst v0;
	v0 =	vld [tilespmem:s23+$0x6FD0]  }
0x202: {  	v3 =	vmul.f32 $1.000000050e-03, v3;
	[tilespmem:s23+$0x6F70] =	vst v1;
	v1 =	vld [tilespmem:s23+$0x6FE0]  }
0x203: {  	v4 =	vmul.f32 $1.000000050e-03, v4;
	[tilespmem:s23+$0x6F80] =	vst v2;
	v2 =	vld [tilespmem:s23+$0x6FF0]  }
0x204: {  	v5 =	vmul.f32 $1.000000050e-03, v5;
	[tilespmem:s23+$0x6F90] =	vst v3;
	v3 =	vld [tilespmem:s23+$0x7000]  }
0x205: {  	v6 =	vmul.f32 $1.000000050e-03, v6;
	[tilespmem:s23+$0x6FA0] =	vst v4;
	v4 =	vld [tilespmem:s23+$0x7010]  }
0x206: {  	[tilespmem:s23+$0x6FB0] =	vst v5;
	v5 =	vld [tilespmem:s23+$0x7020];
	v0 =	vmul.f32 $1.000000050e-03, v0  }
0x207: {  	[tilespmem:s23+$0x6FC0] =	vst v6;
	v6 =	vld [tilespmem:s23+$0x7030];
	v1 =	vmul.f32 $1.000000050e-03, v1  }
0x208: {  	v2 =	vmul.f32 $1.000000050e-03, v2;
	[tilespmem:s23+$0x6FD0] =	vst v0;
	v0 =	vld [tilespmem:s23+$0x7040]  }
0x209: {  	v3 =	vmul.f32 $1.000000050e-03, v3;
	[tilespmem:s23+$0x6FE0] =	vst v1;
	v1 =	vld [tilespmem:s23+$0x7050]  }
0x20a: {  	v4 =	vmul.f32 $1.000000050e-03, v4;
	[tilespmem:s23+$0x6FF0] =	vst v2;
	v2 =	vld [tilespmem:s23+$0x7060]  }
0x20b: {  	v5 =	vmul.f32 $1.000000050e-03, v5;
	[tilespmem:s23+$0x7000] =	vst v3;
	v3 =	vld [tilespmem:s23+$0x7070]  }
0x20c: {  	v6 =	vmul.f32 $1.000000050e-03, v6;
	[tilespmem:s23+$0x7010] =	vst v4;
	v4 =	vld [tilespmem:s23+$0x7080]  }
0x20d: {  	[tilespmem:s23+$0x7020] =	vst v5;
	v5 =	vld [tilespmem:s23+$0x7090];
	v0 =	vmul.f32 $1.000000050e-03, v0  }
0x20e: {  	[tilespmem:s23+$0x7030] =	vst v6;
	v6 =	vld [tilespmem:s23+$0x70A0];
	v1 =	vmul.f32 $1.000000050e-03, v1  }
0x20f: {  	v7 =	vld [tilespmem:s23+$0x70B0];
	[tilespmem:s23+$0x7040] =	vst v0;
	v0 =	vmul.f32 $1.000000050e-03, v2  }
0x210: {  	v3 =	vmul.f32 $1.000000050e-03, v3;
	[tilespmem:s23+$0x7050] =	vst v1;
	v1 =	vld [tilespmem:s23+$0x70C0]  }
0x211: {  	v2 =	vld [tilespmem:s23+$0x70D0];
	[tilespmem:s23+$0x7060] =	vst v0;
	v0 =	vmul.f32 $1.000000050e-03, v4  }
0x212: {  	[tilespmem:s23+$0x7070] =	vst v3;
	v3 =	vld [tilespmem:s23+$0x70E0];
	v4 =	vmul.f32 $1.000000050e-03, v5  }
0x213: {  	v6 =	vmul.f32 $1.000000050e-03, v6;
	[tilespmem:s23+$0x7080] =	vst v0;
	v0 =	vld [tilespmem:s23+$0x70F0]  }
0x214: {  	s7 =	simm.s32 $0x1;
	v5 =	vmul.f32 $1.000000050e-03, v7;
	[tilespmem:s23+$0x7090] =	vst v4;
	v4 =	vld [tilespmem:s23+$0x7100]  }
.LBB2_5:
0x215: {  	s10 =	smul.u32 $0x1900, s7;
	p0 =	sne.s32 s7, $0xF;
	[tilespmem:s23+$0x70A0] =	vst v6;
	v1 =	vmul.f32 $1.000000050e-03, v1;
	v6 =	vld [tilespmem:s23+$0x7110]  }
0x216: {  	[tilespmem:s23+$0x70B0] =	vst v5;
	v2 =	vmul.f32 $1.000000050e-03, v2;
	v5 =	vld [tilespmem:s23+$0x7120]  }
0x217: {  	s10 =	sshra.s32 s10, $0x2;
	[tilespmem:s23+$0x70C0] =	vst v1;
	v1 =	vmul.f32 $1.000000050e-03, v3;
	v3 =	vld [tilespmem:s23+$0x7130]  }
0x218: {  	v7 =	vld [tilespmem:s10+$0x6B00];
	[tilespmem:s23+$0x70D0] =	vst v2;
	v0 =	vmul.f32 $1.000000050e-03, v0  }
0x219: {  	v2 =	vld [tilespmem:s10+$0x6B10];
	[tilespmem:s23+$0x70E0] =	vst v1;
	v1 =	vmul.f32 $1.000000050e-03, v4  }
0x21a: {  	v4 =	vld [tilespmem:s10+$0x6B20];
	[tilespmem:s23+$0x70F0] =	vst v0;
	v0 =	vmul.f32 $1.000000050e-03, v6  }
0x21b: {  	v6 =	vld [tilespmem:s10+$0x6B30];
	[tilespmem:s23+$0x7100] =	vst v1;
	v1 =	vmul.f32 $1.000000050e-03, v5  }
0x21c: {  	v5 =	vld [tilespmem:s10+$0x6B40];
	[tilespmem:s23+$0x7110] =	vst v0;
	v0 =	vmul.f32 $1.000000050e-03, v3  }
0x21d: {  	v3 =	vmul.f32 $1.000000050e-03, v7;
	v7 =	vld [tilespmem:s10+$0x6B50];
	[tilespmem:s23+$0x7120] =	vst v1  }
0x21e: {  	v1 =	vmul.f32 $1.000000050e-03, v2;
	v2 =	vld [tilespmem:s10+$0x6B60];
	[tilespmem:s23+$0x7130] =	vst v0;
	s23 =	smov.u32 s10  }
0x21f: {  	[tilespmem:s23+$0x6B00] =	vst v3;
	v0 =	vmul.f32 $1.000000050e-03, v4;
	v3 =	vld [tilespmem:s23+$0x6B70]  }
0x220: {  	[tilespmem:s23+$0x6B10] =	vst v1;
	v1 =	vmul.f32 $1.000000050e-03, v6;
	v4 =	vld [tilespmem:s23+$0x6B80]  }
0x221: {  	[tilespmem:s23+$0x6B20] =	vst v0;
	v0 =	vmul.f32 $1.000000050e-03, v5;
	v5 =	vld [tilespmem:s23+$0x6B90]  }
0x222: {  	[tilespmem:s23+$0x6B30] =	vst v1;
	v1 =	vmul.f32 $1.000000050e-03, v7;
	v6 =	vld [tilespmem:s23+$0x6BA0]  }
0x223: {  	[tilespmem:s23+$0x6B40] =	vst v0;
	v0 =	vmul.f32 $1.000000050e-03, v2;
	v2 =	vld [tilespmem:s23+$0x6BB0]  }
0x224: {  	[tilespmem:s23+$0x6B50] =	vst v1;
	v1 =	vmul.f32 $1.000000050e-03, v3;
	v3 =	vld [tilespmem:s23+$0x6BC0]  }
0x225: {  	[tilespmem:s23+$0x6B60] =	vst v0;
	v0 =	vmul.f32 $1.000000050e-03, v4;
	v4 =	vld [tilespmem:s23+$0x6BD0]  }
0x226: {  	[tilespmem:s23+$0x6B70] =	vst v1;
	v1 =	vmul.f32 $1.000000050e-03, v5;
	v5 =	vld [tilespmem:s23+$0x6BE0]  }
0x227: {  	[tilespmem:s23+$0x6B80] =	vst v0;
	v0 =	vmul.f32 $1.000000050e-03, v6;
	v6 =	vld [tilespmem:s23+$0x6BF0]  }
0x228: {  	[tilespmem:s23+$0x6B90] =	vst v1;
	v1 =	vmul.f32 $1.000000050e-03, v2;
	v2 =	vld [tilespmem:s23+$0x6C00]  }
0x229: {  	[tilespmem:s23+$0x6BA0] =	vst v0;
	v0 =	vmul.f32 $1.000000050e-03, v3;
	v3 =	vld [tilespmem:s23+$0x6C10]  }
0x22a: {  	[tilespmem:s23+$0x6BB0] =	vst v1;
	v1 =	vmul.f32 $1.000000050e-03, v4;
	v4 =	vld [tilespmem:s23+$0x6C20]  }
0x22b: {  	[tilespmem:s23+$0x6BC0] =	vst v0;
	v0 =	vmul.f32 $1.000000050e-03, v5;
	v5 =	vld [tilespmem:s23+$0x6C30]  }
0x22c: {  	[tilespmem:s23+$0x6BD0] =	vst v1;
	v1 =	vmul.f32 $1.000000050e-03, v6;
	v6 =	vld [tilespmem:s23+$0x6C40]  }
0x22d: {  	[tilespmem:s23+$0x6BE0] =	vst v0;
	v0 =	vmul.f32 $1.000000050e-03, v2;
	v2 =	vld [tilespmem:s23+$0x6C50]  }
0x22e: {  	[tilespmem:s23+$0x6BF0] =	vst v1;
	v1 =	vmul.f32 $1.000000050e-03, v3;
	v3 =	vld [tilespmem:s23+$0x6C60]  }
0x22f: {  	[tilespmem:s23+$0x6C00] =	vst v0;
	v0 =	vmul.f32 $1.000000050e-03, v4;
	v4 =	vld [tilespmem:s23+$0x6C70]  }
0x230: {  	[tilespmem:s23+$0x6C10] =	vst v1;
	v1 =	vmul.f32 $1.000000050e-03, v5;
	v5 =	vld [tilespmem:s23+$0x6C80]  }
0x231: {  	[tilespmem:s23+$0x6C20] =	vst v0;
	v0 =	vmul.f32 $1.000000050e-03, v6;
	v6 =	vld [tilespmem:s23+$0x6C90]  }
0x232: {  	[tilespmem:s23+$0x6C30] =	vst v1;
	v1 =	vmul.f32 $1.000000050e-03, v2;
	v2 =	vld [tilespmem:s23+$0x6CA0]  }
0x233: {  	[tilespmem:s23+$0x6C40] =	vst v0;
	v0 =	vmul.f32 $1.000000050e-03, v3;
	v3 =	vld [tilespmem:s23+$0x6CB0]  }
0x234: {  	[tilespmem:s23+$0x6C50] =	vst v1;
	v1 =	vmul.f32 $1.000000050e-03, v4;
	v4 =	vld [tilespmem:s23+$0x6CC0]  }
0x235: {  	[tilespmem:s23+$0x6C60] =	vst v0;
	v0 =	vmul.f32 $1.000000050e-03, v5;
	v5 =	vld [tilespmem:s23+$0x6CD0]  }
0x236: {  	[tilespmem:s23+$0x6C70] =	vst v1;
	v1 =	vmul.f32 $1.000000050e-03, v6;
	v6 =	vld [tilespmem:s23+$0x6CE0]  }
0x237: {  	[tilespmem:s23+$0x6C80] =	vst v0;
	v0 =	vmul.f32 $1.000000050e-03, v2;
	v2 =	vld [tilespmem:s23+$0x6CF0]  }
0x238: {  	[tilespmem:s23+$0x6C90] =	vst v1;
	v1 =	vmul.f32 $1.000000050e-03, v3;
	v3 =	vld [tilespmem:s23+$0x6D00]  }
0x239: {  	[tilespmem:s23+$0x6CA0] =	vst v0;
	v0 =	vmul.f32 $1.000000050e-03, v4;
	v4 =	vld [tilespmem:s23+$0x6D10]  }
0x23a: {  	[tilespmem:s23+$0x6CB0] =	vst v1;
	v1 =	vmul.f32 $1.000000050e-03, v5;
	v5 =	vld [tilespmem:s23+$0x6D20]  }
0x23b: {  	[tilespmem:s23+$0x6CC0] =	vst v0;
	v0 =	vmul.f32 $1.000000050e-03, v6;
	v6 =	vld [tilespmem:s23+$0x6D30]  }
0x23c: {  	[tilespmem:s23+$0x6CD0] =	vst v1;
	v1 =	vmul.f32 $1.000000050e-03, v2;
	v2 =	vld [tilespmem:s23+$0x6D40]  }
0x23d: {  	[tilespmem:s23+$0x6CE0] =	vst v0;
	v0 =	vmul.f32 $1.000000050e-03, v3;
	v3 =	vld [tilespmem:s23+$0x6D50]  }
0x23e: {  	[tilespmem:s23+$0x6CF0] =	vst v1;
	v1 =	vmul.f32 $1.000000050e-03, v4;
	v4 =	vld [tilespmem:s23+$0x6D60]  }
0x23f: {  	[tilespmem:s23+$0x6D00] =	vst v0;
	v0 =	vmul.f32 $1.000000050e-03, v5;
	v5 =	vld [tilespmem:s23+$0x6D70]  }
0x240: {  	[tilespmem:s23+$0x6D10] =	vst v1;
	v1 =	vmul.f32 $1.000000050e-03, v6;
	v6 =	vld [tilespmem:s23+$0x6D80]  }
0x241: {  	[tilespmem:s23+$0x6D20] =	vst v0;
	v0 =	vmul.f32 $1.000000050e-03, v2;
	v2 =	vld [tilespmem:s23+$0x6D90]  }
0x242: {  	[tilespmem:s23+$0x6D30] =	vst v1;
	v1 =	vmul.f32 $1.000000050e-03, v3;
	v3 =	vld [tilespmem:s23+$0x6DA0]  }
0x243: {  	[tilespmem:s23+$0x6D40] =	vst v0;
	v0 =	vmul.f32 $1.000000050e-03, v4;
	v4 =	vld [tilespmem:s23+$0x6DB0]  }
0x244: {  	[tilespmem:s23+$0x6D50] =	vst v1;
	v1 =	vmul.f32 $1.000000050e-03, v5;
	v5 =	vld [tilespmem:s23+$0x6DC0]  }
0x245: {  	[tilespmem:s23+$0x6D60] =	vst v0;
	v0 =	vmul.f32 $1.000000050e-03, v6;
	v6 =	vld [tilespmem:s23+$0x6DD0]  }
0x246: {  	[tilespmem:s23+$0x6D70] =	vst v1;
	v1 =	vmul.f32 $1.000000050e-03, v2;
	v2 =	vld [tilespmem:s23+$0x6DE0]  }
0x247: {  	[tilespmem:s23+$0x6D80] =	vst v0;
	v0 =	vmul.f32 $1.000000050e-03, v3;
	v3 =	vld [tilespmem:s23+$0x6DF0]  }
0x248: {  	[tilespmem:s23+$0x6D90] =	vst v1;
	v1 =	vmul.f32 $1.000000050e-03, v4;
	v4 =	vld [tilespmem:s23+$0x6E00]  }
0x249: {  	[tilespmem:s23+$0x6DA0] =	vst v0;
	v0 =	vmul.f32 $1.000000050e-03, v5;
	v5 =	vld [tilespmem:s23+$0x6E10]  }
0x24a: {  	[tilespmem:s23+$0x6DB0] =	vst v1;
	v1 =	vmul.f32 $1.000000050e-03, v6;
	v6 =	vld [tilespmem:s23+$0x6E20]  }
0x24b: {  	[tilespmem:s23+$0x6DC0] =	vst v0;
	v0 =	vmul.f32 $1.000000050e-03, v2;
	v2 =	vld [tilespmem:s23+$0x6E30]  }
0x24c: {  	[tilespmem:s23+$0x6DD0] =	vst v1;
	v1 =	vmul.f32 $1.000000050e-03, v3;
	v3 =	vld [tilespmem:s23+$0x6E40]  }
0x24d: {  	[tilespmem:s23+$0x6DE0] =	vst v0;
	v0 =	vmul.f32 $1.000000050e-03, v4;
	v4 =	vld [tilespmem:s23+$0x6E50]  }
0x24e: {  	[tilespmem:s23+$0x6DF0] =	vst v1;
	v1 =	vmul.f32 $1.000000050e-03, v5;
	v5 =	vld [tilespmem:s23+$0x6E60]  }
0x24f: {  	[tilespmem:s23+$0x6E00] =	vst v0;
	v0 =	vmul.f32 $1.000000050e-03, v6;
	v6 =	vld [tilespmem:s23+$0x6E70]  }
0x250: {  	[tilespmem:s23+$0x6E10] =	vst v1;
	v1 =	vmul.f32 $1.000000050e-03, v2;
	v2 =	vld [tilespmem:s23+$0x6E80]  }
0x251: {  	[tilespmem:s23+$0x6E20] =	vst v0;
	v0 =	vmul.f32 $1.000000050e-03, v3;
	v3 =	vld [tilespmem:s23+$0x6E90]  }
0x252: {  	[tilespmem:s23+$0x6E30] =	vst v1;
	v1 =	vmul.f32 $1.000000050e-03, v4;
	v4 =	vld [tilespmem:s23+$0x6EA0]  }
0x253: {  	[tilespmem:s23+$0x6E40] =	vst v0;
	v0 =	vmul.f32 $1.000000050e-03, v5;
	v5 =	vld [tilespmem:s23+$0x6EB0]  }
0x254: {  	[tilespmem:s23+$0x6E50] =	vst v1;
	v1 =	vmul.f32 $1.000000050e-03, v6;
	v6 =	vld [tilespmem:s23+$0x6EC0]  }
0x255: {  	[tilespmem:s23+$0x6E60] =	vst v0;
	v0 =	vmul.f32 $1.000000050e-03, v2;
	v2 =	vld [tilespmem:s23+$0x6ED0]  }
0x256: {  	[tilespmem:s23+$0x6E70] =	vst v1;
	v1 =	vmul.f32 $1.000000050e-03, v3;
	v3 =	vld [tilespmem:s23+$0x6EE0]  }
0x257: {  	[tilespmem:s23+$0x6E80] =	vst v0;
	v0 =	vmul.f32 $1.000000050e-03, v4;
	v4 =	vld [tilespmem:s23+$0x6EF0]  }
0x258: {  	[tilespmem:s23+$0x6E90] =	vst v1;
	v1 =	vmul.f32 $1.000000050e-03, v5;
	v5 =	vld [tilespmem:s23+$0x6F00]  }
0x259: {  	[tilespmem:s23+$0x6EA0] =	vst v0;
	v0 =	vmul.f32 $1.000000050e-03, v6;
	v6 =	vld [tilespmem:s23+$0x6F10]  }
0x25a: {  	[tilespmem:s23+$0x6EB0] =	vst v1;
	v1 =	vmul.f32 $1.000000050e-03, v2;
	v2 =	vld [tilespmem:s23+$0x6F20]  }
0x25b: {  	[tilespmem:s23+$0x6EC0] =	vst v0;
	v0 =	vmul.f32 $1.000000050e-03, v3;
	v3 =	vld [tilespmem:s23+$0x6F30]  }
0x25c: {  	[tilespmem:s23+$0x6ED0] =	vst v1;
	v1 =	vmul.f32 $1.000000050e-03, v4;
	v4 =	vld [tilespmem:s23+$0x6F40]  }
0x25d: {  	[tilespmem:s23+$0x6EE0] =	vst v0;
	v0 =	vmul.f32 $1.000000050e-03, v5;
	v5 =	vld [tilespmem:s23+$0x6F50]  }
0x25e: {  	[tilespmem:s23+$0x6EF0] =	vst v1;
	v1 =	vmul.f32 $1.000000050e-03, v6;
	v6 =	vld [tilespmem:s23+$0x6F60]  }
0x25f: {  	[tilespmem:s23+$0x6F00] =	vst v0;
	v0 =	vmul.f32 $1.000000050e-03, v2;
	v2 =	vld [tilespmem:s23+$0x6F70]  }
0x260: {  	[tilespmem:s23+$0x6F10] =	vst v1;
	v1 =	vmul.f32 $1.000000050e-03, v3;
	v3 =	vld [tilespmem:s23+$0x6F80]  }
0x261: {  	[tilespmem:s23+$0x6F20] =	vst v0;
	v0 =	vmul.f32 $1.000000050e-03, v4;
	v4 =	vld [tilespmem:s23+$0x6F90]  }
0x262: {  	[tilespmem:s23+$0x6F30] =	vst v1;
	v1 =	vmul.f32 $1.000000050e-03, v5;
	v5 =	vld [tilespmem:s23+$0x6FA0]  }
0x263: {  	[tilespmem:s23+$0x6F40] =	vst v0;
	v0 =	vmul.f32 $1.000000050e-03, v6;
	v6 =	vld [tilespmem:s23+$0x6FB0]  }
0x264: {  	[tilespmem:s23+$0x6F50] =	vst v1;
	v1 =	vmul.f32 $1.000000050e-03, v2;
	v2 =	vld [tilespmem:s23+$0x6FC0]  }
0x265: {  	[tilespmem:s23+$0x6F60] =	vst v0;
	v0 =	vmul.f32 $1.000000050e-03, v3;
	v3 =	vld [tilespmem:s23+$0x6FD0]  }
0x266: {  	[tilespmem:s23+$0x6F70] =	vst v1;
	v1 =	vmul.f32 $1.000000050e-03, v4;
	v4 =	vld [tilespmem:s23+$0x6FE0]  }
0x267: {  	[tilespmem:s23+$0x6F80] =	vst v0;
	v0 =	vmul.f32 $1.000000050e-03, v5;
	v5 =	vld [tilespmem:s23+$0x6FF0]  }
0x268: {  	[tilespmem:s23+$0x6F90] =	vst v1;
	v1 =	vmul.f32 $1.000000050e-03, v6;
	v6 =	vld [tilespmem:s23+$0x7000]  }
0x269: {  	[tilespmem:s23+$0x6FA0] =	vst v0;
	v0 =	vmul.f32 $1.000000050e-03, v2;
	v2 =	vld [tilespmem:s23+$0x7010]  }
0x26a: {  	[tilespmem:s23+$0x6FB0] =	vst v1;
	v1 =	vmul.f32 $1.000000050e-03, v3;
	v3 =	vld [tilespmem:s23+$0x7020]  }
0x26b: {  	[tilespmem:s23+$0x6FC0] =	vst v0;
	v0 =	vmul.f32 $1.000000050e-03, v4;
	v4 =	vld [tilespmem:s23+$0x7030]  }
0x26c: {  	[tilespmem:s23+$0x6FD0] =	vst v1;
	v1 =	vmul.f32 $1.000000050e-03, v5;
	v5 =	vld [tilespmem:s23+$0x7040]  }
0x26d: {  	[tilespmem:s23+$0x6FE0] =	vst v0;
	v0 =	vmul.f32 $1.000000050e-03, v6;
	v6 =	vld [tilespmem:s23+$0x7050]  }
0x26e: {  	[tilespmem:s23+$0x6FF0] =	vst v1;
	v1 =	vmul.f32 $1.000000050e-03, v2;
	v2 =	vld [tilespmem:s23+$0x7060]  }
0x26f: {  	[tilespmem:s23+$0x7000] =	vst v0;
	v0 =	vmul.f32 $1.000000050e-03, v3;
	v3 =	vld [tilespmem:s23+$0x7070]  }
0x270: {  	[tilespmem:s23+$0x7010] =	vst v1;
	v1 =	vmul.f32 $1.000000050e-03, v4;
	v4 =	vld [tilespmem:s23+$0x7080]  }
0x271: {  	[tilespmem:s23+$0x7020] =	vst v0;
	v0 =	vmul.f32 $1.000000050e-03, v5;
	v5 =	vld [tilespmem:s23+$0x7090]  }
0x272: {  	[tilespmem:s23+$0x7030] =	vst v1;
	v1 =	vmul.f32 $1.000000050e-03, v6;
	v6 =	vld [tilespmem:s23+$0x70A0]  }
0x273: {  	[tilespmem:s23+$0x7040] =	vst v0;
	v0 =	vmul.f32 $1.000000050e-03, v2;
	v7 =	vld [tilespmem:s23+$0x70B0]  }
.Ltmp1:
0x274: {  	[tilespmem:s23+$0x7050] =	vst v1;
	v3 =	vmul.f32 $1.000000050e-03, v3;
	v1 =	vld [tilespmem:s23+$0x70C0];
	(pc) =	sbr.rel @p0 .LBB2_5-.Ltmp1, $4  }
0x275: {  	[tilespmem:s23+$0x7060] =	vst v0;
	v0 =	vmul.f32 $1.000000050e-03, v4;
	v2 =	vld [tilespmem:s23+$0x70D0]  }
0x276: {  	[tilespmem:s23+$0x7070] =	vst v3;
	v4 =	vmul.f32 $1.000000050e-03, v5;
	v3 =	vld [tilespmem:s23+$0x70E0]  }
0x277: {  	[tilespmem:s23+$0x7080] =	vst v0;
	v6 =	vmul.f32 $1.000000050e-03, v6;
	v0 =	vld [tilespmem:s23+$0x70F0]  }
0x278: {  	s7 =	sadd.s32 $0x1, s7;
	[tilespmem:s23+$0x7090] =	vst v4;
	v5 =	vmul.f32 $1.000000050e-03, v7;
	v4 =	vld [tilespmem:s23+$0x7100]  }
0x279: {  	[tilespmem:s23+$0x70A0] =	vst v6;
	v56 =	vld [tilespmem:s23+$0x7110];
	v1 =	vmul.f32 $1.000000050e-03, v1  }
0x27a: {  	v57 =	vld [tilespmem:s23+$0x7120];
	[tilespmem:s23+$0x70B0] =	vst v5;
	v2 =	vmul.f32 $1.000000050e-03, v2  }
0x27b: {  	v59 =	vld [tilespmem:s23+$0x7130];
	[tilespmem:s23+$0x70C0] =	vst v1;
	v58 =	vmul.f32 $1.000000050e-03, v3  }
0x27c: {  	[tilespmem:s23+$0x70D0] =	vst v2;
	v0 =	vmul.f32 $1.000000050e-03, v0  }
0x27d: {  	[tilespmem:s23+$0x70E0] =	vst v58;
	v60 =	vmul.f32 $1.000000050e-03, v4  }
0x27e: {  	[tilespmem:s23+$0x70F0] =	vst v0;
	v61 =	vmul.f32 $1.000000050e-03, v56  }
0x27f: {  	v62 =	vmul.f32 $1.000000050e-03, v57;
	[tilespmem:s23+$0x7100] =	vst v60  }
0x280: {  	s7 =	smul.u32 $0xC8, s22;
	s21 =	sadd.s32 $0x1, s21;
	v63 =	vmul.f32 $1.000000050e-03, v59;
	[tilespmem:s23+$0x7110] =	vst v61  }
0x281: {  	p0 =	sne.s32 s21, $0x10;
	[tilespmem:s23+$0x7120] =	vst v62  }
.Ltmp2:
0x282: {  	s7 =	sadd.s32 s2, s7;
	[tilespmem:s23+$0x7130] =	vst v63;
	(pc) =	sbr.rel @p0 .LBB2_2-.Ltmp2, $4  }
0x283: {  	[hbm4b:s7+s3] =	stream.linear.scatter [tilespmem:s26], [sflag:$0x3], $0x6400, $0x38;
	[tilespmem:$0xCF00] =	vst v63  }
0x284: {  	_ =	swait.ge [sflag:s11], $0x6400  }
0x285: {  	[sflag:s11] =	ssyncset.done $0x0  }
0x286: {  	[sflag:s11] =	ssyncadd.s32 $0xFFFF9C00  }
0x287: {  	s10 =	rddreg [dreg:$0x5]  }
0x288: {  	s7 =	rddreg [dreg:$0x4];
	s10 =	sadd.s32 $0x1, s10  }
0x289: {  	p0 =	sne.s32 s10, s7  }
.Ltmp3:
0x28a: {  	_ = 	snop;
	(pc) =	sbr.rel @p0 .LBB2_1-.Ltmp3, $1  }
0x28b: {  	_ =	sdelay $0x3  }
0x28c: {  	_ =	sfence.sel $0x180000  }
0x28d: {  	[bflag:$0x0] =	sbarrier.arrive $0xFFFF  }
0x28e: {  	_ =	strace $0x90000047  }
0x28f: {  	s0 =	stileid.u32;
	[bflag:$0x2] =	sbarrier.arrive $0xFFFF  }
0x290: {  	p0 =	sne.s32 s0, $0x0;
	s0 =	rddreg [dreg:$0x2]  }
0x291: {  	s0 =	sadd.s32 @!p0 $0x100000, s0  }
0x292: {  	[sflag:s0] =	ssyncadd.tile.s32 @!p0 $0x1;
	_ =	shalt  }
.Lfunc_end2:
_tile_overlayer_lowered:
.L_overlay_start_2:
0x293: {  	(tag) =	ssettag $0x2  }
0x294: {  	s0 =	rddreg [dreg:$0x0];
	s2 =	stileid.u32  }
0x295: {  	s1 =	rddreg [dreg:$0x1];
	p0 =	sne.s32 s2, $0x0  }
0x296: {  	s3 =	rddreg [dreg:$0x2];
	[bflag:$0x3] =	sbarrier.arrive $0xFFFF;
	s2 =	simm.s32 @!p0 $0x1C03  }
0x297: {  	[timem:s3], [sflag:s2] =	dma.local @!p0 [hbm:s0], s1  }
0x298: {  	s0 =	simm.s32 @!p0 $0x3  }
0x299: {  	_ =	swait.ge @!p0 [sflag:s0], s1  }
0x29a: {  	s1 =	ssub.s32 @!p0 $0x0, s1;
	[sflag:s0] =	ssyncset.done @!p0 $0x0  }
0x29b: {  	[sflag:s0] =	ssyncadd.s32 @!p0 s1  }
0x29c: {  	[bflag:$0x3] =	sbarrier.arrive $0xFFFF  }
0x29d: {  	_ =	shalt  }

// kernel: sparse-core-data-format-call.cloned.1.call-start
scs
called_computation_lowered:
.L_overlay_start_0:
0x0: {  	s2 =	sld [smem:$0x3FD9]  }
0x1: {  	s3 =	sld [smem:$0x3FFE];
	_ =	sdelay $0x1  }
0x2: {  	s1 =	srdreg.scid  }
0x3: {  	s0 =	sand.u32 $0x1, s1  }
0x4: {  	s18 =	sshll.u32 s0, $0xA;
	s2 =	sadd.s32 s3, s2  }
0x5: {  	s2 =	sadd.s32 s2, s18  }
0x6: {  	[smem:$0x3FC6] =	sst s2  }
0x7: {  	_ = 	snop  }
0x8: {  	s2 =	sld [smem:$0x3FD0];
	(tm) =	ssettm $0x1  }
0x9: {  	s19 =	sld [smem:$0x3FFB];
	_ =	sdelay $0x3  }
0xa: {  	_ =	strace s19  }
0xb: {  	s3 =	sld [smem:$0x3FFC];
	_ =	sdelay $0x3  }
0xc: {  	_ =	strace s3  }
0xd: {  	s3 =	sld [smem:$0x3FFD];
	_ =	sdelay $0x3  }
0xe: {  	_ =	strace s3  }
0xf: {  	_ =	strace $0x8FFFFFFF  }
0x10: {  	s20 =	sld [smem:$0x3FDB];
	_ =	sdelay $0x1  }
0x11: {  	s4 =	simm.s32 $_scs_section_size  }
0x12: {  	s5 =	simm.s32 $_size__tile_overlayer_lowered;
	s6 =	simm.s32 $_tile_overlayer_lowered  }
0x13: {  	s23 =	simm.s32 $0x1BFF;
	s22 =	sshll.u32 s6, $0x1;
	s3 =	sadd.s32 s4, s20  }
0x14: {  	s7 =	simm.s32 $0x0;
	s21 =	sshll.u32 s5, $0x1;
	s5 =	sadd.s32 s22, s3  }
0x15: {  	[timem:s7], [sflag:s23] =	dma.local [hbm:s5], s21  }
0x16: {  	_ =	swait.ge [sflag:s23], s21  }
0x17: {  	s4 =	ssub.s32 $0x0, s21;
	[sflag:s23] =	ssyncset.done $0x0  }
0x18: {  	[sflag:s23] =	ssyncadd.s32 s4;
	_ =	sdelay $0x1  }
0x19: {  	s24 =	simm.s32 $0x1B8B  }
0x1a: {  	_ =	swait.ge [sflag:s24], $0x1  }
0x1b: {  	[sflag:s24] =	ssyncset.done $0x0  }
0x1c: {  	s26 =	simm.s32 $0x1B8E;
	s25 =	sld [smem:$0x3FFE];
	[sflag:s24] =	ssyncadd.s32 $0xFFFFFFFF  }
0x1d: {  	s27 =	simm.s32 $execute0_lowered;
	[smem:$0x3FD2] =	sst s26  }
0x1e: {  	s5 =	sshll.u32 s27, $0x1;
	_ =	strace $0x80000049;
	[dreg:$0x1] =	wrdreg $0xFFFFFFFF  }
0x1f: {  	s28 =	simm.s32 $_size_execute0_lowered;
	s3 =	sadd.s32 s3, s5;
	[dreg:$0x0] =	wrdreg $0x0  }
0x20: {  	s5 =	sshll.u32 s28, $0x1;
	[dreg:$0x2] =	wrdreg s3  }
0x21: {  	[dreg:$0x3] =	wrdreg s5  }
0x22: {  	[dreg:$0x4] =	wrdreg $0xC0  }
0x23: {  	_ =	task [dreg:s7], $0x5FFFF  }
0x24: {  	[dreg:$0x1] =	wrdreg $0xFFFFFFFF  }
0x25: {  	[dreg:$0x0] =	wrdreg $0x60  }
0x26: {  	[dreg:$0x2] =	wrdreg s25  }
0x27: {  	[dreg:$0x3] =	wrdreg s2  }
0x28: {  	[dreg:$0x4] =	wrdreg $0x9  }
0x29: {  	_ =	task.clear_ibuf [dreg:s7], $0x5FFFF;
	_ =	strace $0x90000049  }
0x2a: {  	s29 =	simm.s32 $0x9;
	_ =	strace $0x8000004B  }
0x2b: {  	_ =	swait.ge [sflag:s29], $0x1  }
0x2c: {  	[sflag:s29] =	ssyncadd.s32 $0xFFFFFFFF  }
0x2d: {  	_ =	strace $0x9000004B  }
0x2e: {  	_ =	sfence  }
0x2f: {  	s30 =	sld [smem:$0x0];
	_ =	sdelay $0x2  }
0x30: {  	s31 =	sshll.u32 s1, $0xD;
	s1 =	sshrl.u32 s1, $0x2  }
0x31: {  	s3 =	sand.u32 $0x4000, s31;
	s1 =	sadd.s32 s1, s30  }
0x32: {  	s0 =	sor.u32 s3, s0;
	s1 =	sshll.u32 s1, $0x11  }
0x33: {  	s0 =	sor.u32 s1, s0  }
0x34: {  	s0 =	sadd.s32 $0x8F2B, s0  }
0x35: {  	[sflag:s0] =	ssyncadd.remote.s32 $0x1  }
0x36: {  	_ =	sfence.sel $0xFFFF  }
0x37: {  	[dreg:$0x0] =	wrdreg $0xFFFFFFFF;
	(pc) =	sbr.abs _section_cstart, $3  }
0x38: {  	[dreg:$0x1] =	wrdreg $0xFFFFFFFF  }
0x39: {  	_ =	task.clear_ibuf [dreg:s7], $0x2FFFF;
	_ =	strace $0x9FFFFFFF  }
0x3a: {  	(tm) =	ssettm $0x7FFFFFFF  }
0x3b: {  	_ =	shalt  }
tec
execute0_lowered:
.L_overlay_start_1:
0x0: {  	(tag) =	ssettag $0x1  }
0x1: {  	s0 =	srdreg.scid  }
0x2: {  	s1 =	sshll.u32 s0, $0x4  }
0x3: {  	s0 =	stileid.u32;
	s1 =	sand.u32 $0x10, s1  }
0x4: {  	s1 =	sor.u32 s0, s1  }
0x5: {  	s6 =	rddreg [dreg:$0x0];
	s4 =	simm.s32 $0x1;
	s2 =	sshll.u32 s1, $0x7  }
0x6: {  	s7 =	simm.s32 $0x2;
	s12 =	simm.s32 $0x0;
	s1 =	ssub.s32 $0x4000, s2  }
0x7: {  	s8 =	simm.s32 $0x20000;
	s13 =	simm.s32 $0x0;
	s3 =	sand.u32 $0xF80, s1  }
0x8: {  	s9 =	simm.s32 $0x0;
	s5 =	sshrl.u32 s1, $0xC;
	p0 =	sne.s32 s3, $0x0  }
.Ltmp0:
0x9: {  	s1 =	rddreg [dreg:$0x2];
	s4 =	simm.s32 @!p0 $0x0;
	(pc) =	sbr.rel .LBB1_1-.Ltmp0, $4  }
0xa: {  	s11 =	simm.s32 $0x0;
	s3 =	rddreg [dreg:$0x1];
	s5 =	sadd.s32 s4, s5  }
0xb: {  	_ =	strace $0x8000004A;
	s4 =	simm.s32 $0x1;
	s5 =	smul.u32 $0x32, s5  }
0xc: {  	s6 =	sadd.s32 $0xA00, s6;
	s10 =	smov.u32 s2;
	[sflag:s4] =	ssyncpa.u1 $0x0  }
0xd: {  	p0 =	por $0x0, $0x0;
	[sflag:s7] =	ssyncpa.u1 $0x0;
	s7 =	sor.u32 $0x1, s5  }
.LBB1_4:
0xe: {  	s16 =	sshll.u32 s13, $0x3;
	s17 =	sand.u32 $0x78, s13  }
0xf: {  	s30 =	sand.u32 $0xF800, s13;
	s12 =	sshll.u32 s12, $0x10;
	s16 =	sand.u32 $0x3C00, s16  }
0x10: {  	s31 =	sand.u32 $0x7, s13;
	s16 =	sor.u32 s17, s16;
	s17 =	sadd.s32 s3, s30  }
0x11: {  	s13 =	sshll.u32 s31, $0x12;
	s16 =	sshrl.u32 s16, $0x3;
	s12 =	sadd.s32 s12, s17  }
0x12: {  	[tilespmem:s15+$0x0 ss:$0x81] =	vst.msk $0xffff, v0;
	s13 =	sor.u32 $0x400, s13;
	s12 =	sadd.s32 s16, s12  }
0x13: {  	[hbm4b:s12+s13] =	stream.strided.scatter [tilespmem:s14], [sflag:$0x2], $0x1000, s8, s13, $0x20;
	[tilespmem:$0x4040] =	vst v63  }
.LBB1_5:
0x14: {  	s14 =	sadd.s32 $0x1, s9  }
0x15: {  	s12 =	sadd.s32 $0x1000, s10;
	s16 =	smov.u32 s10;
	p2 =	sgt.s32 s14, $0x31  }
0x16: {  	s16 =	smov.u32 @p2 s12  }
0x17: {  	s14 =	simm.s32 @p2 $0x0;
	p2 =	sgt.s32 s16, $0x3FFF  }
0x18: {  	s16 =	smov.u32 @p2 s2;
	p2 =	sne.s32 s11, s7  }
.Ltmp1:
0x19: {  	p1 =	slt.u32 s11, $0x2;
	(pc) =	sbr.rel @!p2 .LBB1_6-.Ltmp1, $4  }
0x1a: {  	s15 =	simm.s32 @!p1 $0x2  }
0x1b: {  	s13 =	smov.u32 s10;
	p0 =	por !p0, !p0;
	_ =	swait.ge @!p1 [sflag:s15], $0x1000  }
0x1c: {  	s12 =	smov.u32 s9;
	[sflag:s15] =	ssyncset.done @!p1 $0x0;
	s9 =	smov.u32 s14  }
0x1d: {  	s11 =	sadd.s32 $0x1, s11;
	[sflag:s15] =	ssyncadd.s32 @!p1 $0xFFFFF000;
	s10 =	smov.u32 s16  }
.LBB1_1:
0x1e: {  	p1 =	sge.u32 s11, s5  }
0x1f: {  	s14 =	sand.u32 @!p1 $0x1FFFFFF, s9  }
0x20: {  	s15 =	smulhi.u32 @!p1 $0x4924925, s14;
	_ =	sdelay $0x1  }
0x21: {  	s15 =	smul.u32 @!p1 $0x38, s15  }
0x22: {  	s16 =	sxor.u32 @!p1 $0xFFFFFFFF, s11;
	s17 =	smul.u32 @!p1 $0x380, s10  }
0x23: {  	s31 =	sadd.s32 $0xFFFFFFFF, s11;
	s16 =	sshll.u32 @!p1 s16, $0xC;
	s14 =	ssub.s32 @!p1 s14, s15  }
0x24: {  	s15 =	sand.u32 @!p1 $0x1000, s16;
	s16 =	sadd.s32 @!p1 s6, s17;
	s14 =	sshll.u32 @!p1 s14, $0x4  }
0x25: {  	s17 =	simm.s32 @!p1 $0x1C00;
	s14 =	sadd.s32 @!p1 s14, s16;
	s16 =	simm.s32 @!p1 $0x20  }
0x26: {  	[tilespmem:s15], [sflag:$0x1] =	stream.strided.gather @!p1 [hbm4b:s14+s16], $0x1000, s17, s16, $0x38;
	[tilespmem:$0x4040] =	vst v63  }
0x27: {  	p1 =	sge.u32 s31, s5  }
.Ltmp2:
0x28: {  	_ = 	snop;
	(pc) =	sbr.rel @p1 .LBB1_5-.Ltmp2, $1  }
0x29: {  	_ =	sdelay $0x3  }
0x2a: {  	s14 =	simm.s32 $0x1  }
0x2b: {  	_ =	swait.ge [sflag:s4], $0x1000;
	s14 =	simm.s32 @!p0 $0x0  }
0x2c: {  	[sflag:s4] =	ssyncset.done $0x0;
	s15 =	sshll.u32 s14, $0xC  }
0x2d: {  	[sflag:s4] =	ssyncadd.s32 $0xFFFFF000;
	s18 =	sor.u32 $0x10, s15  }
0x2e: {  	s14 =	smul.u32 $0x4080, s14;
	v1 =	vld [tilespmem:s18+$0x0]  }
0x2f: {  	s30 =	sand.u32 $0x1, s11;
	v0 =	vld [tilespmem:s18+$0xFFFFFFF0]  }
0x30: {  	s15 =	smul.u32 $0x4080, s30;
	s14 =	sshrl.u32 s14, $0x2  }
0x31: {  	s16 =	sor.u32 $0x2000, s14  }
0x32: {  	s31 =	sshrl.u32 s15, $0x2;
	s15 =	sadd.s32 $0x0, s16  }
0x33: {  	s17 =	simm.s32 $0x4;
	s18 =	sadd.s32 $0x20, s18;
	s14 =	sor.u32 $0x2000, s31;
	[tilespmem:s15+$0x810 ss:$0x81] =	vst.msk $0xffff, v1  }
.LBB1_3:
0x34: {  	v1 =	vld [tilespmem:s18+$0x0];
	p1 =	sne.s32 s17, $0x1FC;
	[tilespmem:s15+$0x0 ss:$0x81] =	vst.msk $0xffff, v0;
	s15 =	smov.u32 s17;
	s17 =	sadd.s32 $0x4, s17  }
.Ltmp3:
0x35: {  	v0 =	vld [tilespmem:s18+$0xFFFFFFF0];
	(pc) =	sbr.rel @p1 .LBB1_3-.Ltmp3, $4  }
0x36: {  	_ = 	snop  }
0x37: {  	s15 =	sshra.s32 s15, $0x2  }
0x38: {  	s15 =	sadd.s32 s15, s16  }
0x39: {  	s18 =	sadd.s32 $0x20, s18;
	[tilespmem:s15+$0x810 ss:$0x81] =	vst.msk $0xffff, v1  }
.Ltmp4:
0x3a: {  	_ = 	snop;
	(pc) =	sbr.rel .LBB1_4-.Ltmp4, $1  }
0x3b: {  	_ =	sdelay $0x3  }
.LBB1_6:
0x3c: {  	_ =	sfence.sel $0x180000  }
0x3d: {  	s2 =	simm.s32 $0x1;
	[bflag:$0x0] =	sbarrier.arrive $0xFFFF  }
0x3e: {  	s31 =	simm.s32 $0x2;
	[sflag:s2] =	ssyncpa.u1 $0x1  }
0x3f: {  	[sflag:s31] =	ssyncpa.u1 $0x1  }
0x40: {  	p0 =	sne.s32 s0, $0x0;
	_ =	strace $0x9000004A  }
0x41: {  	s0 =	sadd.s32 @!p0 $0x100000, s1;
	[bflag:$0x2] =	sbarrier.arrive $0xFFFF  }
0x42: {  	[sflag:s0] =	ssyncadd.tile.s32 @!p0 $0x1;
	_ =	shalt  }
.Lfunc_end1:
_tile_overlayer_lowered:
.L_overlay_start_2:
0x43: {  	(tag) =	ssettag $0x2  }
0x44: {  	s0 =	rddreg [dreg:$0x0];
	s2 =	stileid.u32  }
0x45: {  	s1 =	rddreg [dreg:$0x1];
	p0 =	sne.s32 s2, $0x0  }
0x46: {  	s3 =	rddreg [dreg:$0x2];
	[bflag:$0x3] =	sbarrier.arrive $0xFFFF;
	s2 =	simm.s32 @!p0 $0x1C01  }
0x47: {  	[timem:s3], [sflag:s2] =	dma.local @!p0 [hbm:s0], s1  }
0x48: {  	s0 =	simm.s32 @!p0 $0x1  }
0x49: {  	_ =	swait.ge @!p0 [sflag:s0], s1  }
0x4a: {  	s1 =	ssub.s32 @!p0 $0x0, s1;
	[sflag:s0] =	ssyncset.done @!p0 $0x0  }
0x4b: {  	[sflag:s0] =	ssyncadd.s32 @!p0 s1  }
0x4c: {  	[bflag:$0x3] =	sbarrier.arrive $0xFFFF  }
0x4d: {  	_ =	shalt  }

</sc_bundles>
